<compile_context>
chip_gen: v7x
topology: tpu7x:2x2x1
jax: 0.10.2.dev20260603
libtpu: 0.0.44.dev20260713+nightly
codegen_flags: <defaults>
</compile_context>

<pallas_src>
import functools

import jax
import jax.numpy as jnp
from jax import lax
from jax.experimental import pallas as pl
from jax.experimental.pallas import tpu as pltpu
from jax.experimental.pallas import tpu_sc as plsc

B, N, D = 4, 10000, 128
E = 500000
SLW = 32
NSLICE = D // SLW
NC, NS, L = 2, 16, 16
BL = 256
NB = 124
NCH = BL // 128
EPAD = NB * NS * BL
ROWS = B * N
ACC_ROWS = 40960
DUMMY = ROWS


def _sc_body(x2, bi_h, src_h, dst_h, out_h, *refs):
    (bva0, sva0, dva0, bvb0, svb0, dvb0,
     gi0a, gi1a, si0a, si1a, gi0b, gi1b, si0b, si1b,
     gb0a, gb1a, gb0b, gb1b, xv, acc,
     isem0, isem1, gsem0, gsem1, ssem0, ssem1) = refs
    idx_v = ((bva0, sva0, dva0), (bvb0, svb0, dvb0))
    gi = ((gi0a, gi1a), (gi0b, gi1b))
    si = ((si0a, si1a), (si0b, si1b))
    gb = ((gb0a, gb1a), (gb0b, gb1b))
    isem = (isem0, isem1)
    gsem = (gsem0, gsem1)
    ssem = (ssem0, ssem1)

    c = lax.axis_index("c")
    sub = lax.axis_index("s")
    lanes = lax.iota(jnp.int32, L)
    zero16 = jnp.zeros((L,), jnp.float32)

    def issue_idx(blk, p):
        base = jnp.minimum((blk * NS + sub) * BL, E - BL)
        for h, v in zip((bi_h, src_h, dst_h), idx_v[p]):
            pltpu.async_copy(h.at[pl.ds(base, BL)], v, isem[p])

    def wait_idx(p):
        for h, v in zip((bi_h, src_h, dst_h), idx_v[p]):
            pltpu.make_async_copy(h.at[pl.ds(0, BL)], v, isem[p]).wait()

    def compute_idx(blk, p, s):
        base = (blk * NS + sub) * BL
        base_c = jnp.minimum(base, E - BL)
        bi_v, src_v, dst_v = idx_v[p]

        @pl.loop(0, BL // L, unroll=4)
        def _idx(j):
            off = j * L
            b16 = bi_v[pl.ds(off, L)]
            s16 = src_v[pl.ds(off, L)]
            d16 = dst_v[pl.ds(off, L)]
            ls = b16 * N + s16
            ld = b16 * N + d16
            valid = (base_c + off + lanes) >= base
            row = j // 8
            col = (j % 8) * L
            gi[p][0][pl.ds(off, L)] = ls * NSLICE + s
            gi[p][1][pl.ds(off, L)] = ld * NSLICE + s
            si[p][0][row, pl.ds(col, L)] = jnp.where(valid, ld, DUMMY)
            si[p][1][row, pl.ds(col, L)] = jnp.where(valid, ls, DUMMY)

    def issue_gathers(p):
        for d in range(2):
            pltpu.async_copy(x2.at[gi[p][d]], gb[p][d], gsem[p])

    def wait_gathers(p):
        for d in range(2):
            pltpu.make_async_copy(x2.at[gi[p][d]], gb[p][d], gsem[p]).wait()

    def issue_scatters(p):
        for d in range(2):
            for j in range(NCH):
                pltpu.async_copy(gb[p][d].at[pl.ds(j * 128, 128)],
                                 acc.at[si[p][d].at[j]], ssem[p], add=True)

    def drain_scatters(p):
        for d in range(2):
            for j in range(NCH):
                pltpu.make_async_copy(gb[p][d].at[pl.ds(j * 128, 128)],
                                      acc.at[si[p][d].at[j]],
                                      ssem[p]).wait()

    for s_local in range(2):
        s = c * 2 + s_local

        @pl.loop(0, BL)
        def _fill(i):
            gb0a[i, pl.ds(0, 16)] = zero16
            gb0a[i, pl.ds(16, 16)] = zero16
            gb0b[i, pl.ds(0, 16)] = zero16
            gb0b[i, pl.ds(16, 16)] = zero16

        @pl.loop(0, 5)
        def _zero(k):
            pltpu.sync_copy(gb0a, acc.at[pl.ds(sub * 2560 + k * 512, 256)])
            pltpu.sync_copy(gb0b,
                            acc.at[pl.ds(sub * 2560 + k * 512 + 256, 256)])

        plsc.subcore_barrier()

        issue_idx(0, 0)

        @pl.loop(0, NB // 2)
        def _blk2(half):
            for par in range(2):
                blk = half * 2 + par
                p, q = par, 1 - par

                @pl.when(blk + 1 < NB)
                def _prefetch():
                    issue_idx(blk + 1, q)

                @pl.when(blk >= 2)
                def _drain():
                    drain_scatters(p)

                wait_idx(p)
                compute_idx(blk, p, s)
                issue_gathers(p)

                if par == 1:
                    wait_gathers(q)
                    issue_scatters(q)
                else:
                    @pl.when(half >= 1)
                    def _sc_prev():
                        wait_gathers(q)
                        issue_scatters(q)

        drain_scatters(0)
        wait_gathers(1)
        issue_scatters(1)
        drain_scatters(1)
        plsc.subcore_barrier()

        @pl.loop(0, 20)
        def _wb(k):
            r0 = sub * 2500 + jnp.minimum(k * 128, 2500 - 128)
            rr = pl.ds(r0, 128)
            b128 = pl.ds(0, 128)

            @pl.loop(0, 8)
            def _xidx(j):
                xv[pl.ds(j * 16, 16)] = (r0 + j * 16 + lanes) * NSLICE + s

            pltpu.sync_copy(acc.at[rr], gb0a.at[b128])
            pltpu.sync_copy(gb0a.at[b128], out_h.at[rr, s])
            pltpu.sync_copy(x2.at[xv], gb0b.at[b128])
            pltpu.sync_copy(gb0b.at[b128], out_h.at[rr, NSLICE + s])

        plsc.subcore_barrier()


_sc_call = functools.partial(
    pl.kernel,
    out_type=jax.ShapeDtypeStruct((ROWS, 2 * NSLICE, SLW), jnp.float32),
    mesh=plsc.VectorSubcoreMesh(core_axis_name="c", subcore_axis_name="s"),
    compiler_params=pltpu.CompilerParams(use_tc_tiling_on_sc=False),
    scratch_types=(
        [pltpu.VMEM((BL,), jnp.int32)] * 3
        + [pltpu.VMEM((BL,), jnp.int32)] * 3
        + [pltpu.VMEM((BL,), jnp.int32),
           pltpu.VMEM((BL,), jnp.int32),
           pltpu.VMEM((NCH, 128), jnp.int32),
           pltpu.VMEM((NCH, 128), jnp.int32),
           pltpu.VMEM((BL,), jnp.int32),
           pltpu.VMEM((BL,), jnp.int32),
           pltpu.VMEM((NCH, 128), jnp.int32),
           pltpu.VMEM((NCH, 128), jnp.int32)]
        + [pltpu.VMEM((BL, SLW), jnp.float32)] * 4
        + [pltpu.VMEM((128,), jnp.int32)]
        + [pltpu.VMEM_SHARED((ACC_ROWS, SLW), jnp.float32)]
        + [pltpu.SemaphoreType.DMA] * 6
    ),
)(_sc_body)


def kernel(x, batch_idx, src, dst):
    x2 = x.reshape(B * N * NSLICE, SLW)
    out_k = _sc_call(x2, batch_idx.astype(jnp.int32),
                     src.astype(jnp.int32), dst.astype(jnp.int32))
    return out_k.reshape(B, N, 2 * D)

# --- scband reference (transcript-rebuilt; emitter-appended) ---
"""Pipeline reference for scband-bond-attention-fixed-17798344475006 (READ-ONLY COPY).

The authoritative reference and input builder live on the scoring server;
editing this copy changes nothing except your own understanding.
"""

import jax, jax.numpy as jnp
import numpy as np

B, N, D = 4, 10000, 128
E = 500000

def setup_inputs(seed: int = 0) -> dict:
    key = jax.random.key(seed)
    k1, k2, k3, k4 = jax.random.split(key, 4)
    x = jax.random.normal(k1, (B, N, D), dtype=jnp.float32)
    batch_idx = jax.random.randint(k2, (E,), 0, B, dtype=jnp.int64) if jax.config.jax_enable_x64 else jax.random.randint(k2, (E,), 0, B, dtype=jnp.int32)
    src = jax.random.randint(k3, (E,), 0, N, dtype=batch_idx.dtype)
    dst = jax.random.randint(k4, (E,), 0, N, dtype=batch_idx.dtype)
    return {"x": x, "batch_idx": batch_idx, "src": src, "dst": dst}

def reference(x, batch_idx, src, dst):
    # BondAttentionFixed with one_way=False:
    #   out[batch, end] += x[batch, start]
    #   out[batch, start] += x[batch, end]
    #   return concat([out, x], axis=2)
    Bn, Nn, Dn = x.shape
    flat = x.reshape(Bn * Nn, Dn)
    lin_src = batch_idx * Nn + src
    lin_dst = batch_idx * Nn + dst
    out = jnp.zeros_like(flat)
    out = out.at[lin_dst].add(flat[lin_src])
    out = out.at[lin_src].add(flat[lin_dst])  # not one_way -> reverse direction too
    out = out.reshape(Bn, Nn, Dn)
    return jnp.concatenate([out, x], axis=2)

if __name__ == "__main__":
    import jax
    _d = setup_inputs()
    print(jax.jit(kernel)(*tuple(_d.values())))

</pallas_src>

<mosaic_0001>
#map = affine_map<(d0, d1) -> (0, 0)>
#map1 = affine_map<(d0, d1) -> (0)>
#map2 = affine_map<(d0, d1) -> (0, 0, 0)>
module attributes {stable_mosaic.version = 14 : i64} {
  func.func @_sc_body(%arg0: i32, %arg1: i32, %arg2: memref<160000x32xf32, #tpu.memory_space<hbm>>, %arg3: memref<500000xi32, #tpu.memory_space<hbm>>, %arg4: memref<500000xi32, #tpu.memory_space<hbm>>, %arg5: memref<500000xi32, #tpu.memory_space<hbm>>, %arg6: memref<40000x8x32xf32, #tpu.memory_space<hbm>>, %arg7: memref<256xi32, #tpu.memory_space<vmem>>, %arg8: memref<256xi32, #tpu.memory_space<vmem>>, %arg9: memref<256xi32, #tpu.memory_space<vmem>>, %arg10: memref<256xi32, #tpu.memory_space<vmem>>, %arg11: memref<256xi32, #tpu.memory_space<vmem>>, %arg12: memref<256xi32, #tpu.memory_space<vmem>>, %arg13: memref<256xi32, #tpu.memory_space<vmem>>, %arg14: memref<256xi32, #tpu.memory_space<vmem>>, %arg15: memref<2x128xi32, #tpu.memory_space<vmem>>, %arg16: memref<2x128xi32, #tpu.memory_space<vmem>>, %arg17: memref<256xi32, #tpu.memory_space<vmem>>, %arg18: memref<256xi32, #tpu.memory_space<vmem>>, %arg19: memref<2x128xi32, #tpu.memory_space<vmem>>, %arg20: memref<2x128xi32, #tpu.memory_space<vmem>>, %arg21: memref<256x32xf32, #tpu.memory_space<vmem>>, %arg22: memref<256x32xf32, #tpu.memory_space<vmem>>, %arg23: memref<256x32xf32, #tpu.memory_space<vmem>>, %arg24: memref<256x32xf32, #tpu.memory_space<vmem>>, %arg25: memref<128xi32, #tpu.memory_space<vmem>>, %arg26: memref<40960x32xf32, #tpu.memory_space<vmem_shared>>, %arg27: memref<!tpu.dma_semaphore, #tpu.memory_space<semaphore_mem>>, %arg28: memref<!tpu.dma_semaphore, #tpu.memory_space<semaphore_mem>>, %arg29: memref<!tpu.dma_semaphore, #tpu.memory_space<semaphore_mem>>, %arg30: memref<!tpu.dma_semaphore, #tpu.memory_space<semaphore_mem>>, %arg31: memref<!tpu.dma_semaphore, #tpu.memory_space<semaphore_mem>>, %arg32: memref<!tpu.dma_semaphore, #tpu.memory_space<semaphore_mem>>) attributes {dimension_semantics = [#tpu.dimension_semantics<core_parallel>, #tpu.dimension_semantics<subcore_parallel>], iteration_bounds = array<i64: 2, 16>, scalar_prefetch = 0 : i64, scratch_operands = 26 : i64, tpu.core_type = #tpu.core_type<sc_vector_subcore>, window_params = [{transform_indices = #map}, {transform_indices = #map1}, {transform_indices = #map1}, {transform_indices = #map1}, {transform_indices = #map2}]} {
    %iota3A = tpu.iota {dimensions = array<i32: 0>} : vector<16xi32>
    %broadcast_in_dim3A = arith.constant 0.000000e+00 : f32
    %broadcast_in_dim3A_0 = vector.broadcast %broadcast_in_dim3A : f32 to vector<16xf32>
    %mul3A = arith.constant 2 : i32
    %mul3A_1 = arith.muli %arg0, %mul3A : i32
    %add3A = arith.constant 0 : i32
    %add3A_2 = arith.addi %mul3A_1, %add3A : i32
    %scan3A = arith.constant 0 : i32
    %scan3A_3 = arith.constant 256 : i32
    %scan3A_4 = arith.addi %scan3A, %scan3A_3 : i32
    %scan3A_5 = arith.constant 1 : i32
    scf.for %scan3A_324 = %scan3A to %scan3A_4 step %scan3A_5  : i32 {
      %mul3A_325 = arith.constant 1 : i32
      %mul3A_326 = arith.muli %scan3A_324, %mul3A_325 : i32
      %add3A_327 = arith.constant 0 : i32
      %add3A_328 = arith.addi %add3A_327, %mul3A_326 : i32
      %swap3A = arith.index_cast %add3A_328 : i32 to index
      %swap3A_329 = arith.constant 0 : index
      %swap3A_330 = tpu.vector_load %arg21[%swap3A, %swap3A_329] {strides = array<i32>} : memref<256x32xf32, #tpu.memory_space<vmem>>, vector<1x16xf32>,
      %swap3A_331 = vector.shape_cast %swap3A_330 : vector<1x16xf32> to vector<16xf32>
      %swap3A_332 = vector.shape_cast %broadcast_in_dim3A_0 : vector<16xf32> to vector<1x16xf32>
      tpu.vector_store %arg21[%swap3A, %swap3A_329], %swap3A_332 {strides = array<i32>} : memref<256x32xf32, #tpu.memory_space<vmem>>, vector<1x16xf32>,
      %swap3A_333 = arith.index_cast %add3A_328 : i32 to index
      %swap3A_334 = arith.constant 16 : index
      %swap3A_335 = tpu.vector_load %arg21[%swap3A_333, %swap3A_334] {strides = array<i32>} : memref<256x32xf32, #tpu.memory_space<vmem>>, vector<1x16xf32>,
      %swap3A_336 = vector.shape_cast %swap3A_335 : vector<1x16xf32> to vector<16xf32>
      %swap3A_337 = vector.shape_cast %broadcast_in_dim3A_0 : vector<16xf32> to vector<1x16xf32>
      tpu.vector_store %arg21[%swap3A_333, %swap3A_334], %swap3A_337 {strides = array<i32>} : memref<256x32xf32, #tpu.memory_space<vmem>>, vector<1x16xf32>,
      %swap3A_338 = arith.index_cast %add3A_328 : i32 to index
      %swap3A_339 = arith.constant 0 : index
      %swap3A_340 = tpu.vector_load %arg23[%swap3A_338, %swap3A_339] {strides = array<i32>} : memref<256x32xf32, #tpu.memory_space<vmem>>, vector<1x16xf32>,
      %swap3A_341 = vector.shape_cast %swap3A_340 : vector<1x16xf32> to vector<16xf32>
      %swap3A_342 = vector.shape_cast %broadcast_in_dim3A_0 : vector<16xf32> to vector<1x16xf32>
      tpu.vector_store %arg23[%swap3A_338, %swap3A_339], %swap3A_342 {strides = array<i32>} : memref<256x32xf32, #tpu.memory_space<vmem>>, vector<1x16xf32>,
      %swap3A_343 = arith.index_cast %add3A_328 : i32 to index
      %swap3A_344 = arith.constant 16 : index
      %swap3A_345 = tpu.vector_load %arg23[%swap3A_343, %swap3A_344] {strides = array<i32>} : memref<256x32xf32, #tpu.memory_space<vmem>>, vector<1x16xf32>,
      %swap3A_346 = vector.shape_cast %swap3A_345 : vector<1x16xf32> to vector<16xf32>
      %swap3A_347 = vector.shape_cast %broadcast_in_dim3A_0 : vector<16xf32> to vector<1x16xf32>
      tpu.vector_store %arg23[%swap3A_343, %swap3A_344], %swap3A_347 {strides = array<i32>} : memref<256x32xf32, #tpu.memory_space<vmem>>, vector<1x16xf32>,
    }
    %scan3A_6 = arith.constant 256 : i32
    %scan3A_7 = arith.constant 0 : i32
    %scan3A_8 = arith.constant 5 : i32
    %scan3A_9 = arith.addi %scan3A_7, %scan3A_8 : i32
    %scan3A_10 = arith.constant 1 : i32
    scf.for %scan3A_324 = %scan3A_7 to %scan3A_9 step %scan3A_10  : i32 {
      %mul3A_325 = arith.constant 1 : i32
      %mul3A_326 = arith.muli %scan3A_324, %mul3A_325 : i32
      %add3A_327 = arith.constant 0 : i32
      %add3A_328 = arith.addi %add3A_327, %mul3A_326 : i32
      %mul3A_329 = arith.constant 2560 : i32
      %mul3A_330 = arith.muli %arg1, %mul3A_329 : i32
      %mul3A_331 = arith.constant 512 : i32
      %mul3A_332 = arith.muli %add3A_328, %mul3A_331 : i32
      %add3A_333 = arith.addi %mul3A_330, %mul3A_332 : i32
      "tpu.region"() ({
        %run_scoped3A = tpu.sem_alloc : memref<!tpu.dma_semaphore, #tpu.memory_space<semaphore_mem>>
        %dma_start3A_341 = arith.constant 0 : i32
        %dma_start3A_342 = tpu.memref_slice %arg26[%add3A_333, %dma_start3A_341] : memref<40960x32xf32, #tpu.memory_space<vmem_shared>> -> memref<256x32xf32, #tpu.memory_space<vmem_shared>>
        %dma_start3A_343 = arith.constant 0 : i32
        %dma_start3A_344 = tpu.memref_slice %arg26[%add3A_333, %dma_start3A_343] : memref<40960x32xf32, #tpu.memory_space<vmem_shared>> -> memref<256x32xf32, #tpu.memory_space<vmem_shared>>
        tpu.enqueue_dma source(%arg21 : memref<256x32xf32, #tpu.memory_space<vmem>>) target(%dma_start3A_344 : memref<256x32xf32, #tpu.memory_space<vmem_shared>>) target_semaphore(%run_scoped3A : memref<!tpu.dma_semaphore, #tpu.memory_space<semaphore_mem>>)
        %dma_wait3A_345 = arith.constant 0 : i32
        %dma_wait3A_346 = tpu.memref_slice %arg26[%add3A_333, %dma_wait3A_345] : memref<40960x32xf32, #tpu.memory_space<vmem_shared>> -> memref<256x32xf32, #tpu.memory_space<vmem_shared>>
        %dma_wait3A_347 = arith.constant 0 : i32
        %dma_wait3A_348 = tpu.memref_slice %arg26[%add3A_333, %dma_wait3A_347] : memref<40960x32xf32, #tpu.memory_space<vmem_shared>> -> memref<256x32xf32, #tpu.memory_space<vmem_shared>>
        tpu.wait_dma2 semaphore(%run_scoped3A : memref<!tpu.dma_semaphore, #tpu.memory_space<semaphore_mem>>) src(%arg21 : memref<256x32xf32, #tpu.memory_space<vmem>>) dst(%dma_wait3A_348 : memref<256x32xf32, #tpu.memory_space<vmem_shared>>)
        tpu.yield
      }) : () -> ()
      %mul3A_334 = arith.constant 2560 : i32
      %mul3A_335 = arith.muli %arg1, %mul3A_334 : i32
      %mul3A_336 = arith.constant 512 : i32
      %mul3A_337 = arith.muli %add3A_328, %mul3A_336 : i32
      %add3A_338 = arith.addi %mul3A_335, %mul3A_337 : i32
      %add3A_339 = arith.constant 256 : i32
      %add3A_340 = arith.addi %add3A_338, %add3A_339 : i32
      "tpu.region"() ({
        %run_scoped3A = tpu.sem_alloc : memref<!tpu.dma_semaphore, #tpu.memory_space<semaphore_mem>>
        %dma_start3A_341 = arith.constant 0 : i32
        %dma_start3A_342 = tpu.memref_slice %arg26[%add3A_340, %dma_start3A_341] : memref<40960x32xf32, #tpu.memory_space<vmem_shared>> -> memref<256x32xf32, #tpu.memory_space<vmem_shared>>
        %dma_start3A_343 = arith.constant 0 : i32
        %dma_start3A_344 = tpu.memref_slice %arg26[%add3A_340, %dma_start3A_343] : memref<40960x32xf32, #tpu.memory_space<vmem_shared>> -> memref<256x32xf32, #tpu.memory_space<vmem_shared>>
        tpu.enqueue_dma source(%arg23 : memref<256x32xf32, #tpu.memory_space<vmem>>) target(%dma_start3A_344 : memref<256x32xf32, #tpu.memory_space<vmem_shared>>) target_semaphore(%run_scoped3A : memref<!tpu.dma_semaphore, #tpu.memory_space<semaphore_mem>>)
        %dma_wait3A_345 = arith.constant 0 : i32
        %dma_wait3A_346 = tpu.memref_slice %arg26[%add3A_340, %dma_wait3A_345] : memref<40960x32xf32, #tpu.memory_space<vmem_shared>> -> memref<256x32xf32, #tpu.memory_space<vmem_shared>>
        %dma_wait3A_347 = arith.constant 0 : i32
        %dma_wait3A_348 = tpu.memref_slice %arg26[%add3A_340, %dma_wait3A_347] : memref<40960x32xf32, #tpu.memory_space<vmem_shared>> -> memref<256x32xf32, #tpu.memory_space<vmem_shared>>
        tpu.wait_dma2 semaphore(%run_scoped3A : memref<!tpu.dma_semaphore, #tpu.memory_space<semaphore_mem>>) src(%arg23 : memref<256x32xf32, #tpu.memory_space<vmem>>) dst(%dma_wait3A_348 : memref<256x32xf32, #tpu.memory_space<vmem_shared>>)
        tpu.yield
      }) : () -> ()
    }
    %scan3A_11 = arith.constant 5 : i32
    %barrier3A = arith.constant 0 : index
    tpu.barrier barrier_id(%barrier3A)
    %add3A_12 = arith.constant 0 : i32
    %add3A_13 = arith.addi %add3A_12, %arg1 : i32
    %mul3A_14 = arith.constant 256 : i32
    %mul3A_15 = arith.muli %add3A_13, %mul3A_14 : i32
    %min3A = arith.constant 499744 : i32
    %min3A_16 = arith.minsi %mul3A_15, %min3A : i32
    %dma_start3A = tpu.memref_slice %arg3[%min3A_16] : memref<500000xi32, #tpu.memory_space<hbm>> -> memref<256xi32, #tpu.memory_space<hbm>>
    %dma_start3A_17 = tpu.memref_slice %arg3[%min3A_16] : memref<500000xi32, #tpu.memory_space<hbm>> -> memref<256xi32, #tpu.memory_space<hbm>>
    tpu.enqueue_dma source(%dma_start3A_17 : memref<256xi32, #tpu.memory_space<hbm>>) target(%arg7 : memref<256xi32, #tpu.memory_space<vmem>>) target_semaphore(%arg27 : memref<!tpu.dma_semaphore, #tpu.memory_space<semaphore_mem>>)
    %dma_start3A_18 = tpu.memref_slice %arg4[%min3A_16] : memref<500000xi32, #tpu.memory_space<hbm>> -> memref<256xi32, #tpu.memory_space<hbm>>
    %dma_start3A_19 = tpu.memref_slice %arg4[%min3A_16] : memref<500000xi32, #tpu.memory_space<hbm>> -> memref<256xi32, #tpu.memory_space<hbm>>
    tpu.enqueue_dma source(%dma_start3A_19 : memref<256xi32, #tpu.memory_space<hbm>>) target(%arg8 : memref<256xi32, #tpu.memory_space<vmem>>) target_semaphore(%arg27 : memref<!tpu.dma_semaphore, #tpu.memory_space<semaphore_mem>>)
    %dma_start3A_20 = tpu.memref_slice %arg5[%min3A_16] : memref<500000xi32, #tpu.memory_space<hbm>> -> memref<256xi32, #tpu.memory_space<hbm>>
    %dma_start3A_21 = tpu.memref_slice %arg5[%min3A_16] : memref<500000xi32, #tpu.memory_space<hbm>> -> memref<256xi32, #tpu.memory_space<hbm>>
    tpu.enqueue_dma source(%dma_start3A_21 : memref<256xi32, #tpu.memory_space<hbm>>) target(%arg9 : memref<256xi32, #tpu.memory_space<vmem>>) target_semaphore(%arg27 : memref<!tpu.dma_semaphore, #tpu.memory_space<semaphore_mem>>)
    %scan3A_22 = arith.constant 0 : i32
    %scan3A_23 = arith.constant 62 : i32
    %scan3A_24 = arith.addi %scan3A_22, %scan3A_23 : i32
    %scan3A_25 = arith.constant 1 : i32
    scf.for %scan3A_324 = %scan3A_22 to %scan3A_24 step %scan3A_25  : i32 {
      %mul3A_325 = arith.constant 1 : i32
      %mul3A_326 = arith.muli %scan3A_324, %mul3A_325 : i32
      %add3A_327 = arith.constant 0 : i32
      %add3A_328 = arith.addi %add3A_327, %mul3A_326 : i32
      %mul3A_329 = arith.constant 2 : i32
      %mul3A_330 = arith.muli %add3A_328, %mul3A_329 : i32
      %add3A_331 = arith.constant 0 : i32
      %add3A_332 = arith.addi %mul3A_330, %add3A_331 : i32
      %add3A_333 = arith.constant 1 : i32
      %add3A_334 = arith.addi %add3A_332, %add3A_333 : i32
      %lt3A = arith.constant 124 : i32
      %lt3A_335 = arith.cmpi slt, %add3A_334, %lt3A : i32
      %convert_element_type3A = arith.extui %lt3A_335 : i1 to i32
      %cond3A = arith.constant 0 : i32
      %cond3A_336 = arith.cmpi ne, %convert_element_type3A, %cond3A : i32
      scf.if %cond3A_336 {
        %add3A_468 = arith.constant 1 : i32
        %add3A_469 = arith.addi %add3A_332, %add3A_468 : i32
        %mul3A_470 = arith.constant 16 : i32
        %mul3A_471 = arith.muli %add3A_469, %mul3A_470 : i32
        %add3A_472 = arith.addi %mul3A_471, %arg1 : i32
        %mul3A_473 = arith.constant 256 : i32
        %mul3A_474 = arith.muli %add3A_472, %mul3A_473 : i32
        %min3A_475 = arith.constant 499744 : i32
        %min3A_476 = arith.minsi %mul3A_474, %min3A_475 : i32
        %dma_start3A_477 = tpu.memref_slice %arg3[%min3A_476] : memref<500000xi32, #tpu.memory_space<hbm>> -> memref<256xi32, #tpu.memory_space<hbm>>
        %dma_start3A_478 = tpu.memref_slice %arg3[%min3A_476] : memref<500000xi32, #tpu.memory_space<hbm>> -> memref<256xi32, #tpu.memory_space<hbm>>
        tpu.enqueue_dma source(%dma_start3A_478 : memref<256xi32, #tpu.memory_space<hbm>>) target(%arg10 : memref<256xi32, #tpu.memory_space<vmem>>) target_semaphore(%arg28 : memref<!tpu.dma_semaphore, #tpu.memory_space<semaphore_mem>>)
        %dma_start3A_479 = tpu.memref_slice %arg4[%min3A_476] : memref<500000xi32, #tpu.memory_space<hbm>> -> memref<256xi32, #tpu.memory_space<hbm>>
        %dma_start3A_480 = tpu.memref_slice %arg4[%min3A_476] : memref<500000xi32, #tpu.memory_space<hbm>> -> memref<256xi32, #tpu.memory_space<hbm>>
        tpu.enqueue_dma source(%dma_start3A_480 : memref<256xi32, #tpu.memory_space<hbm>>) target(%arg11 : memref<256xi32, #tpu.memory_space<vmem>>) target_semaphore(%arg28 : memref<!tpu.dma_semaphore, #tpu.memory_space<semaphore_mem>>)
        %dma_start3A_481 = tpu.memref_slice %arg5[%min3A_476] : memref<500000xi32, #tpu.memory_space<hbm>> -> memref<256xi32, #tpu.memory_space<hbm>>
        %dma_start3A_482 = tpu.memref_slice %arg5[%min3A_476] : memref<500000xi32, #tpu.memory_space<hbm>> -> memref<256xi32, #tpu.memory_space<hbm>>
        tpu.enqueue_dma source(%dma_start3A_482 : memref<256xi32, #tpu.memory_space<hbm>>) target(%arg12 : memref<256xi32, #tpu.memory_space<vmem>>) target_semaphore(%arg28 : memref<!tpu.dma_semaphore, #tpu.memory_space<semaphore_mem>>)
      } else {
      }
      %ge3A = arith.constant 2 : i32
      %ge3A_337 = arith.cmpi sge, %add3A_332, %ge3A : i32
      %convert_element_type3A_338 = arith.extui %ge3A_337 : i1 to i32
      %cond3A_339 = arith.constant 0 : i32
      %cond3A_340 = arith.cmpi ne, %convert_element_type3A_338, %cond3A_339 : i32
      scf.if %cond3A_340 {
        %dma_wait3A_468 = arith.constant 0 : i32
        %dma_wait3A_469 = arith.constant 0 : i32
        %dma_wait3A_470 = arith.constant 0 : i32
        %dma_wait3A_471 = tpu.memref_slice %arg21[%dma_wait3A_469, %dma_wait3A_470] : memref<256x32xf32, #tpu.memory_space<vmem>> -> memref<128x32xf32, #tpu.memory_space<vmem>>
        %dma_wait3A_472 = arith.constant 0 : i32
        %dma_wait3A_473 = tpu.memref_slice %arg15[%dma_wait3A_468, %dma_wait3A_472] : memref<2x128xi32, #tpu.memory_space<vmem>> -> memref<1x128xi32, #tpu.memory_space<vmem>>
        %dma_wait3A_474 = tpu.memref_squeeze %dma_wait3A_473 : memref<1x128xi32, #tpu.memory_space<vmem>> -> memref<128xi32, #tpu.memory_space<vmem>>
        %dma_wait3A_475 = arith.constant 0 : i32
        %dma_wait3A_476 = arith.constant 0 : i32
        %dma_wait3A_477 = tpu.memref_slice %arg26[%dma_wait3A_475, %dma_wait3A_476] : memref<40960x32xf32, #tpu.memory_space<vmem_shared>> -> memref<40960x32xf32, #tpu.memory_space<vmem_shared>>
        tpu.wait_indirect_dma semaphore(%arg31 : memref<!tpu.dma_semaphore, #tpu.memory_space<semaphore_mem>>) src(%dma_wait3A_471 : memref<128x32xf32, #tpu.memory_space<vmem>>) dst(%dma_wait3A_477 : memref<40960x32xf32, #tpu.memory_space<vmem_shared>>)
        %dma_wait3A_478 = arith.constant 1 : i32
        %dma_wait3A_479 = arith.constant 128 : i32
        %dma_wait3A_480 = arith.constant 0 : i32
        %dma_wait3A_481 = tpu.memref_slice %arg21[%dma_wait3A_479, %dma_wait3A_480] : memref<256x32xf32, #tpu.memory_space<vmem>> -> memref<128x32xf32, #tpu.memory_space<vmem>>
        %dma_wait3A_482 = arith.constant 0 : i32
        %dma_wait3A_483 = tpu.memref_slice %arg15[%dma_wait3A_478, %dma_wait3A_482] : memref<2x128xi32, #tpu.memory_space<vmem>> -> memref<1x128xi32, #tpu.memory_space<vmem>>
        %dma_wait3A_484 = tpu.memref_squeeze %dma_wait3A_483 : memref<1x128xi32, #tpu.memory_space<vmem>> -> memref<128xi32, #tpu.memory_space<vmem>>
        %dma_wait3A_485 = arith.constant 0 : i32
        %dma_wait3A_486 = arith.constant 0 : i32
        %dma_wait3A_487 = tpu.memref_slice %arg26[%dma_wait3A_485, %dma_wait3A_486] : memref<40960x32xf32, #tpu.memory_space<vmem_shared>> -> memref<40960x32xf32, #tpu.memory_space<vmem_shared>>
        tpu.wait_indirect_dma semaphore(%arg31 : memref<!tpu.dma_semaphore, #tpu.memory_space<semaphore_mem>>) src(%dma_wait3A_481 : memref<128x32xf32, #tpu.memory_space<vmem>>) dst(%dma_wait3A_487 : memref<40960x32xf32, #tpu.memory_space<vmem_shared>>)
        %dma_wait3A_488 = arith.constant 0 : i32
        %dma_wait3A_489 = arith.constant 0 : i32
        %dma_wait3A_490 = arith.constant 0 : i32
        %dma_wait3A_491 = tpu.memref_slice %arg22[%dma_wait3A_489, %dma_wait3A_490] : memref<256x32xf32, #tpu.memory_space<vmem>> -> memref<128x32xf32, #tpu.memory_space<vmem>>
        %dma_wait3A_492 = arith.constant 0 : i32
        %dma_wait3A_493 = tpu.memref_slice %arg16[%dma_wait3A_488, %dma_wait3A_492] : memref<2x128xi32, #tpu.memory_space<vmem>> -> memref<1x128xi32, #tpu.memory_space<vmem>>
        %dma_wait3A_494 = tpu.memref_squeeze %dma_wait3A_493 : memref<1x128xi32, #tpu.memory_space<vmem>> -> memref<128xi32, #tpu.memory_space<vmem>>
        %dma_wait3A_495 = arith.constant 0 : i32
        %dma_wait3A_496 = arith.constant 0 : i32
        %dma_wait3A_497 = tpu.memref_slice %arg26[%dma_wait3A_495, %dma_wait3A_496] : memref<40960x32xf32, #tpu.memory_space<vmem_shared>> -> memref<40960x32xf32, #tpu.memory_space<vmem_shared>>
        tpu.wait_indirect_dma semaphore(%arg31 : memref<!tpu.dma_semaphore, #tpu.memory_space<semaphore_mem>>) src(%dma_wait3A_491 : memref<128x32xf32, #tpu.memory_space<vmem>>) dst(%dma_wait3A_497 : memref<40960x32xf32, #tpu.memory_space<vmem_shared>>)
        %dma_wait3A_498 = arith.constant 1 : i32
        %dma_wait3A_499 = arith.constant 128 : i32
        %dma_wait3A_500 = arith.constant 0 : i32
        %dma_wait3A_501 = tpu.memref_slice %arg22[%dma_wait3A_499, %dma_wait3A_500] : memref<256x32xf32, #tpu.memory_space<vmem>> -> memref<128x32xf32, #tpu.memory_space<vmem>>
        %dma_wait3A_502 = arith.constant 0 : i32
        %dma_wait3A_503 = tpu.memref_slice %arg16[%dma_wait3A_498, %dma_wait3A_502] : memref<2x128xi32, #tpu.memory_space<vmem>> -> memref<1x128xi32, #tpu.memory_space<vmem>>
        %dma_wait3A_504 = tpu.memref_squeeze %dma_wait3A_503 : memref<1x128xi32, #tpu.memory_space<vmem>> -> memref<128xi32, #tpu.memory_space<vmem>>
        %dma_wait3A_505 = arith.constant 0 : i32
        %dma_wait3A_506 = arith.constant 0 : i32
        %dma_wait3A_507 = tpu.memref_slice %arg26[%dma_wait3A_505, %dma_wait3A_506] : memref<40960x32xf32, #tpu.memory_space<vmem_shared>> -> memref<40960x32xf32, #tpu.memory_space<vmem_shared>>
        tpu.wait_indirect_dma semaphore(%arg31 : memref<!tpu.dma_semaphore, #tpu.memory_space<semaphore_mem>>) src(%dma_wait3A_501 : memref<128x32xf32, #tpu.memory_space<vmem>>) dst(%dma_wait3A_507 : memref<40960x32xf32, #tpu.memory_space<vmem_shared>>)
      } else {
      }
      %dma_wait3A_341 = arith.constant 0 : i32
      %dma_wait3A_342 = tpu.memref_slice %arg3[%dma_wait3A_341] : memref<500000xi32, #tpu.memory_space<hbm>> -> memref<256xi32, #tpu.memory_space<hbm>>
      %dma_wait3A_343 = arith.constant 0 : i32
      %dma_wait3A_344 = tpu.memref_slice %arg3[%dma_wait3A_343] : memref<500000xi32, #tpu.memory_space<hbm>> -> memref<256xi32, #tpu.memory_space<hbm>>
      tpu.wait_dma2 semaphore(%arg27 : memref<!tpu.dma_semaphore, #tpu.memory_space<semaphore_mem>>) src(%dma_wait3A_344 : memref<256xi32, #tpu.memory_space<hbm>>) dst(%arg7 : memref<256xi32, #tpu.memory_space<vmem>>)
      %dma_wait3A_345 = arith.constant 0 : i32
      %dma_wait3A_346 = tpu.memref_slice %arg4[%dma_wait3A_345] : memref<500000xi32, #tpu.memory_space<hbm>> -> memref<256xi32, #tpu.memory_space<hbm>>
      %dma_wait3A_347 = arith.constant 0 : i32
      %dma_wait3A_348 = tpu.memref_slice %arg4[%dma_wait3A_347] : memref<500000xi32, #tpu.memory_space<hbm>> -> memref<256xi32, #tpu.memory_space<hbm>>
      tpu.wait_dma2 semaphore(%arg27 : memref<!tpu.dma_semaphore, #tpu.memory_space<semaphore_mem>>) src(%dma_wait3A_348 : memref<256xi32, #tpu.memory_space<hbm>>) dst(%arg8 : memref<256xi32, #tpu.memory_space<vmem>>)
      %dma_wait3A_349 = arith.constant 0 : i32
      %dma_wait3A_350 = tpu.memref_slice %arg5[%dma_wait3A_349] : memref<500000xi32, #tpu.memory_space<hbm>> -> memref<256xi32, #tpu.memory_space<hbm>>
      %dma_wait3A_351 = arith.constant 0 : i32
      %dma_wait3A_352 = tpu.memref_slice %arg5[%dma_wait3A_351] : memref<500000xi32, #tpu.memory_space<hbm>> -> memref<256xi32, #tpu.memory_space<hbm>>
      tpu.wait_dma2 semaphore(%arg27 : memref<!tpu.dma_semaphore, #tpu.memory_space<semaphore_mem>>) src(%dma_wait3A_352 : memref<256xi32, #tpu.memory_space<hbm>>) dst(%arg9 : memref<256xi32, #tpu.memory_space<vmem>>)
      %mul3A_353 = arith.constant 16 : i32
      %mul3A_354 = arith.muli %add3A_332, %mul3A_353 : i32
      %add3A_355 = arith.addi %mul3A_354, %arg1 : i32
      %mul3A_356 = arith.constant 256 : i32
      %mul3A_357 = arith.muli %add3A_355, %mul3A_356 : i32
      %min3A_358 = arith.constant 499744 : i32
      %min3A_359 = arith.minsi %mul3A_357, %min3A_358 : i32
      %scan3A_360 = arith.constant 0 : i32
      %scan3A_361 = arith.constant 16 : i32
      %scan3A_362 = arith.addi %scan3A_360, %scan3A_361 : i32
      %scan3A_363 = arith.constant 4 : i32
      scf.for %scan3A_468 = %scan3A_360 to %scan3A_362 step %scan3A_363  : i32 {
        %mul3A_469 = arith.constant 1 : i32
        %mul3A_470 = arith.muli %scan3A_468, %mul3A_469 : i32
        %add3A_471 = arith.constant 0 : i32
        %add3A_472 = arith.addi %add3A_471, %mul3A_470 : i32
        %mul3A_473 = arith.constant 16 : i32
        %mul3A_474 = arith.muli %add3A_472, %mul3A_473 : i32
        %get3A = arith.index_cast %mul3A_474 : i32 to index
        %get3A_475 = tpu.vector_load %arg7[%get3A] {strides = array<i32>} : memref<256xi32, #tpu.memory_space<vmem>>, vector<16xi32>,
        %get3A_476 = vector.shape_cast %get3A_475 : vector<16xi32> to vector<16xi32>
        %get3A_477 = arith.index_cast %mul3A_474 : i32 to index
        %get3A_478 = tpu.vector_load %arg8[%get3A_477] {strides = array<i32>} : memref<256xi32, #tpu.memory_space<vmem>>, vector<16xi32>,
        %get3A_479 = vector.shape_cast %get3A_478 : vector<16xi32> to vector<16xi32>
        %get3A_480 = arith.index_cast %mul3A_474 : i32 to index
        %get3A_481 = tpu.vector_load %arg9[%get3A_480] {strides = array<i32>} : memref<256xi32, #tpu.memory_space<vmem>>, vector<16xi32>,
        %get3A_482 = vector.shape_cast %get3A_481 : vector<16xi32> to vector<16xi32>
        %mul3A_483 = arith.constant 10000 : i32
        %mul3A_484 = vector.broadcast %mul3A_483 : i32 to vector<16xi32>
        %mul3A_485 = arith.muli %get3A_476, %mul3A_484 : vector<16xi32>
        %add3A_486 = arith.addi %mul3A_485, %get3A_479 : vector<16xi32>
        %mul3A_487 = arith.constant 10000 : i32
        %mul3A_488 = vector.broadcast %mul3A_487 : i32 to vector<16xi32>
        %mul3A_489 = arith.muli %get3A_476, %mul3A_488 : vector<16xi32>
        %add3A_490 = arith.addi %mul3A_489, %get3A_482 : vector<16xi32>
        %add3A_491 = arith.addi %min3A_359, %mul3A_474 : i32
        %add3A_492 = vector.broadcast %add3A_491 : i32 to vector<16xi32>
        %add3A_493 = arith.addi %add3A_492, %iota3A : vector<16xi32>
        %ge3A_494 = vector.broadcast %mul3A_357 : i32 to vector<16xi32>
        %ge3A_495 = arith.cmpi sge, %add3A_493, %ge3A_494 : vector<16xi32>
        %jit3A = arith.constant 8 : i32
        %div3A = arith.divsi %add3A_472, %jit3A : i32
        %sign3A = arith.constant 0 : i32
        %sign3A_496 = arith.cmpi sgt, %add3A_472, %sign3A : i32
        %sign3A_497 = arith.extui %sign3A_496 : i1 to i32
        %sign3A_498 = arith.constant 0 : i32
        %sign3A_499 = arith.cmpi slt, %add3A_472, %sign3A_498 : i32
        %sign3A_500 = arith.extui %sign3A_499 : i1 to i32
        %sign3A_501 = arith.subi %sign3A_497, %sign3A_500 : i32
        %sign3A_502 = arith.constant 0 : i32
        %sign3A_503 = arith.cmpi sgt, %jit3A, %sign3A_502 : i32
        %sign3A_504 = arith.extui %sign3A_503 : i1 to i32
        %sign3A_505 = arith.constant 0 : i32
        %sign3A_506 = arith.cmpi slt, %jit3A, %sign3A_505 : i32
        %sign3A_507 = arith.extui %sign3A_506 : i1 to i32
        %sign3A_508 = arith.subi %sign3A_504, %sign3A_507 : i32
        %ne3A = arith.cmpi ne, %sign3A_501, %sign3A_508 : i32
        %rem3A = arith.remsi %add3A_472, %jit3A : i32
        %ne3A_509 = arith.constant 0 : i32
        %ne3A_510 = arith.cmpi ne, %rem3A, %ne3A_509 : i32
        %and3A = arith.andi %ne3A, %ne3A_510 : i1
        %sub3A = arith.constant 1 : i32
        %sub3A_511 = arith.subi %div3A, %sub3A : i32
        %select_n3A = arith.select %and3A, %sub3A_511, %div3A : i32
        %jit3A_512 = arith.constant 8 : i32
        %eq3A = arith.constant 0 : i32
        %eq3A_513 = arith.cmpi eq, %jit3A_512, %eq3A : i32
        %jit3A_514 = arith.constant 1 : i32
        %select_n3A_515 = arith.select %eq3A_513, %jit3A_514, %jit3A_512 : i32
        %rem3A_516 = arith.remsi %add3A_472, %select_n3A_515 : i32
        %ne3A_517 = arith.constant 0 : i32
        %ne3A_518 = arith.cmpi ne, %rem3A_516, %ne3A_517 : i32
        %lt3A_519 = arith.constant 0 : i32
        %lt3A_520 = arith.cmpi slt, %rem3A_516, %lt3A_519 : i32
        %lt3A_521 = arith.constant 0 : i32
        %lt3A_522 = arith.cmpi slt, %select_n3A_515, %lt3A_521 : i32
        %ne3A_523 = arith.xori %lt3A_520, %lt3A_522 : i1
        %and3A_524 = arith.andi %ne3A_523, %ne3A_518 : i1
        %add3A_525 = arith.addi %rem3A_516, %select_n3A_515 : i32
        %select_n3A_526 = arith.select %and3A_524, %add3A_525, %rem3A_516 : i32
        %mul3A_527 = arith.constant 16 : i32
        %mul3A_528 = arith.muli %select_n3A_526, %mul3A_527 : i32
        %mul3A_529 = arith.constant 4 : i32
        %mul3A_530 = vector.broadcast %mul3A_529 : i32 to vector<16xi32>
        %mul3A_531 = arith.muli %add3A_486, %mul3A_530 : vector<16xi32>
        %add3A_532 = vector.broadcast %add3A_2 : i32 to vector<16xi32>
        %add3A_533 = arith.addi %mul3A_531, %add3A_532 : vector<16xi32>
        %swap3A = arith.index_cast %mul3A_474 : i32 to index
        %swap3A_534 = tpu.vector_load %arg13[%swap3A] {strides = array<i32>} : memref<256xi32, #tpu.memory_space<vmem>>, vector<16xi32>,
        %swap3A_535 = vector.shape_cast %swap3A_534 : vector<16xi32> to vector<16xi32>
        %swap3A_536 = vector.shape_cast %add3A_533 : vector<16xi32> to vector<16xi32>
        tpu.vector_store %arg13[%swap3A], %swap3A_536 {strides = array<i32>} : memref<256xi32, #tpu.memory_space<vmem>>, vector<16xi32>,
        %mul3A_537 = arith.constant 4 : i32
        %mul3A_538 = vector.broadcast %mul3A_537 : i32 to vector<16xi32>
        %mul3A_539 = arith.muli %add3A_490, %mul3A_538 : vector<16xi32>
        %add3A_540 = vector.broadcast %add3A_2 : i32 to vector<16xi32>
        %add3A_541 = arith.addi %mul3A_539, %add3A_540 : vector<16xi32>
        %swap3A_542 = arith.index_cast %mul3A_474 : i32 to index
        %swap3A_543 = tpu.vector_load %arg14[%swap3A_542] {strides = array<i32>} : memref<256xi32, #tpu.memory_space<vmem>>, vector<16xi32>,
        %swap3A_544 = vector.shape_cast %swap3A_543 : vector<16xi32> to vector<16xi32>
        %swap3A_545 = vector.shape_cast %add3A_541 : vector<16xi32> to vector<16xi32>
        tpu.vector_store %arg14[%swap3A_542], %swap3A_545 {strides = array<i32>} : memref<256xi32, #tpu.memory_space<vmem>>, vector<16xi32>,
        %jit3A_546 = arith.constant 40000 : i32
        %broadcast_in_dim3A_547 = vector.broadcast %jit3A_546 : i32 to vector<16xi32>
        %select_n3A_548 = arith.select %ge3A_495, %add3A_490, %broadcast_in_dim3A_547 : vector<16xi1>, vector<16xi32>
        %swap3A_549 = arith.index_cast %select_n3A : i32 to index
        %swap3A_550 = arith.index_cast %mul3A_528 : i32 to index
        %swap3A_551 = tpu.vector_load %arg15[%swap3A_549, %swap3A_550] {strides = array<i32>} : memref<2x128xi32, #tpu.memory_space<vmem>>, vector<1x16xi32>,
        %swap3A_552 = vector.shape_cast %swap3A_551 : vector<1x16xi32> to vector<16xi32>
        %swap3A_553 = vector.shape_cast %select_n3A_548 : vector<16xi32> to vector<1x16xi32>
        tpu.vector_store %arg15[%swap3A_549, %swap3A_550], %swap3A_553 {strides = array<i32>} : memref<2x128xi32, #tpu.memory_space<vmem>>, vector<1x16xi32>,
        %jit3A_554 = arith.constant 40000 : i32
        %broadcast_in_dim3A_555 = vector.broadcast %jit3A_554 : i32 to vector<16xi32>
        %select_n3A_556 = arith.select %ge3A_495, %add3A_486, %broadcast_in_dim3A_555 : vector<16xi1>, vector<16xi32>
        %swap3A_557 = arith.index_cast %select_n3A : i32 to index
        %swap3A_558 = arith.index_cast %mul3A_528 : i32 to index
        %swap3A_559 = tpu.vector_load %arg16[%swap3A_557, %swap3A_558] {strides = array<i32>} : memref<2x128xi32, #tpu.memory_space<vmem>>, vector<1x16xi32>,
        %swap3A_560 = vector.shape_cast %swap3A_559 : vector<1x16xi32> to vector<16xi32>
        %swap3A_561 = vector.shape_cast %select_n3A_556 : vector<16xi32> to vector<1x16xi32>
        tpu.vector_store %arg16[%swap3A_557, %swap3A_558], %swap3A_561 {strides = array<i32>} : memref<2x128xi32, #tpu.memory_space<vmem>>, vector<1x16xi32>,
        %scan3A_562 = arith.constant 1 : i32
        %scan3A_563 = arith.addi %scan3A_468, %scan3A_562 : i32
        %mul3A_564 = arith.constant 1 : i32
        %mul3A_565 = arith.muli %scan3A_563, %mul3A_564 : i32
        %add3A_566 = arith.constant 0 : i32
        %add3A_567 = arith.addi %add3A_566, %mul3A_565 : i32
        %mul3A_568 = arith.constant 16 : i32
        %mul3A_569 = arith.muli %add3A_567, %mul3A_568 : i32
        %get3A_570 = arith.index_cast %mul3A_569 : i32 to index
        %get3A_571 = tpu.vector_load %arg7[%get3A_570] {strides = array<i32>} : memref<256xi32, #tpu.memory_space<vmem>>, vector<16xi32>,
        %get3A_572 = vector.shape_cast %get3A_571 : vector<16xi32> to vector<16xi32>
        %get3A_573 = arith.index_cast %mul3A_569 : i32 to index
        %get3A_574 = tpu.vector_load %arg8[%get3A_573] {strides = array<i32>} : memref<256xi32, #tpu.memory_space<vmem>>, vector<16xi32>,
        %get3A_575 = vector.shape_cast %get3A_574 : vector<16xi32> to vector<16xi32>
        %get3A_576 = arith.index_cast %mul3A_569 : i32 to index
        %get3A_577 = tpu.vector_load %arg9[%get3A_576] {strides = array<i32>} : memref<256xi32, #tpu.memory_space<vmem>>, vector<16xi32>,
        %get3A_578 = vector.shape_cast %get3A_577 : vector<16xi32> to vector<16xi32>
        %mul3A_579 = arith.constant 10000 : i32
        %mul3A_580 = vector.broadcast %mul3A_579 : i32 to vector<16xi32>
        %mul3A_581 = arith.muli %get3A_572, %mul3A_580 : vector<16xi32>
        %add3A_582 = arith.addi %mul3A_581, %get3A_575 : vector<16xi32>
        %mul3A_583 = arith.constant 10000 : i32
        %mul3A_584 = vector.broadcast %mul3A_583 : i32 to vector<16xi32>
        %mul3A_585 = arith.muli %get3A_572, %mul3A_584 : vector<16xi32>
        %add3A_586 = arith.addi %mul3A_585, %get3A_578 : vector<16xi32>
        %add3A_587 = arith.addi %min3A_359, %mul3A_569 : i32
        %add3A_588 = vector.broadcast %add3A_587 : i32 to vector<16xi32>
        %add3A_589 = arith.addi %add3A_588, %iota3A : vector<16xi32>
        %ge3A_590 = vector.broadcast %mul3A_357 : i32 to vector<16xi32>
        %ge3A_591 = arith.cmpi sge, %add3A_589, %ge3A_590 : vector<16xi32>
        %jit3A_592 = arith.constant 8 : i32
        %div3A_593 = arith.divsi %add3A_567, %jit3A_592 : i32
        %sign3A_594 = arith.constant 0 : i32
        %sign3A_595 = arith.cmpi sgt, %add3A_567, %sign3A_594 : i32
        %sign3A_596 = arith.extui %sign3A_595 : i1 to i32
        %sign3A_597 = arith.constant 0 : i32
        %sign3A_598 = arith.cmpi slt, %add3A_567, %sign3A_597 : i32
        %sign3A_599 = arith.extui %sign3A_598 : i1 to i32
        %sign3A_600 = arith.subi %sign3A_596, %sign3A_599 : i32
        %sign3A_601 = arith.constant 0 : i32
        %sign3A_602 = arith.cmpi sgt, %jit3A_592, %sign3A_601 : i32
        %sign3A_603 = arith.extui %sign3A_602 : i1 to i32
        %sign3A_604 = arith.constant 0 : i32
        %sign3A_605 = arith.cmpi slt, %jit3A_592, %sign3A_604 : i32
        %sign3A_606 = arith.extui %sign3A_605 : i1 to i32
        %sign3A_607 = arith.subi %sign3A_603, %sign3A_606 : i32
        %ne3A_608 = arith.cmpi ne, %sign3A_600, %sign3A_607 : i32
        %rem3A_609 = arith.remsi %add3A_567, %jit3A_592 : i32
        %ne3A_610 = arith.constant 0 : i32
        %ne3A_611 = arith.cmpi ne, %rem3A_609, %ne3A_610 : i32
        %and3A_612 = arith.andi %ne3A_608, %ne3A_611 : i1
        %sub3A_613 = arith.constant 1 : i32
        %sub3A_614 = arith.subi %div3A_593, %sub3A_613 : i32
        %select_n3A_615 = arith.select %and3A_612, %sub3A_614, %div3A_593 : i32
        %jit3A_616 = arith.constant 8 : i32
        %eq3A_617 = arith.constant 0 : i32
        %eq3A_618 = arith.cmpi eq, %jit3A_616, %eq3A_617 : i32
        %jit3A_619 = arith.constant 1 : i32
        %select_n3A_620 = arith.select %eq3A_618, %jit3A_619, %jit3A_616 : i32
        %rem3A_621 = arith.remsi %add3A_567, %select_n3A_620 : i32
        %ne3A_622 = arith.constant 0 : i32
        %ne3A_623 = arith.cmpi ne, %rem3A_621, %ne3A_622 : i32
        %lt3A_624 = arith.constant 0 : i32
        %lt3A_625 = arith.cmpi slt, %rem3A_621, %lt3A_624 : i32
        %lt3A_626 = arith.constant 0 : i32
        %lt3A_627 = arith.cmpi slt, %select_n3A_620, %lt3A_626 : i32
        %ne3A_628 = arith.xori %lt3A_625, %lt3A_627 : i1
        %and3A_629 = arith.andi %ne3A_628, %ne3A_623 : i1
        %add3A_630 = arith.addi %rem3A_621, %select_n3A_620 : i32
        %select_n3A_631 = arith.select %and3A_629, %add3A_630, %rem3A_621 : i32
        %mul3A_632 = arith.constant 16 : i32
        %mul3A_633 = arith.muli %select_n3A_631, %mul3A_632 : i32
        %mul3A_634 = arith.constant 4 : i32
        %mul3A_635 = vector.broadcast %mul3A_634 : i32 to vector<16xi32>
        %mul3A_636 = arith.muli %add3A_582, %mul3A_635 : vector<16xi32>
        %add3A_637 = vector.broadcast %add3A_2 : i32 to vector<16xi32>
        %add3A_638 = arith.addi %mul3A_636, %add3A_637 : vector<16xi32>
        %swap3A_639 = arith.index_cast %mul3A_569 : i32 to index
        %swap3A_640 = tpu.vector_load %arg13[%swap3A_639] {strides = array<i32>} : memref<256xi32, #tpu.memory_space<vmem>>, vector<16xi32>,
        %swap3A_641 = vector.shape_cast %swap3A_640 : vector<16xi32> to vector<16xi32>
        %swap3A_642 = vector.shape_cast %add3A_638 : vector<16xi32> to vector<16xi32>
        tpu.vector_store %arg13[%swap3A_639], %swap3A_642 {strides = array<i32>} : memref<256xi32, #tpu.memory_space<vmem>>, vector<16xi32>,
        %mul3A_643 = arith.constant 4 : i32
        %mul3A_644 = vector.broadcast %mul3A_643 : i32 to vector<16xi32>
        %mul3A_645 = arith.muli %add3A_586, %mul3A_644 : vector<16xi32>
        %add3A_646 = vector.broadcast %add3A_2 : i32 to vector<16xi32>
        %add3A_647 = arith.addi %mul3A_645, %add3A_646 : vector<16xi32>
        %swap3A_648 = arith.index_cast %mul3A_569 : i32 to index
        %swap3A_649 = tpu.vector_load %arg14[%swap3A_648] {strides = array<i32>} : memref<256xi32, #tpu.memory_space<vmem>>, vector<16xi32>,
        %swap3A_650 = vector.shape_cast %swap3A_649 : vector<16xi32> to vector<16xi32>
        %swap3A_651 = vector.shape_cast %add3A_647 : vector<16xi32> to vector<16xi32>
        tpu.vector_store %arg14[%swap3A_648], %swap3A_651 {strides = array<i32>} : memref<256xi32, #tpu.memory_space<vmem>>, vector<16xi32>,
        %jit3A_652 = arith.constant 40000 : i32
        %broadcast_in_dim3A_653 = vector.broadcast %jit3A_652 : i32 to vector<16xi32>
        %select_n3A_654 = arith.select %ge3A_591, %add3A_586, %broadcast_in_dim3A_653 : vector<16xi1>, vector<16xi32>
        %swap3A_655 = arith.index_cast %select_n3A_615 : i32 to index
        %swap3A_656 = arith.index_cast %mul3A_633 : i32 to index
        %swap3A_657 = tpu.vector_load %arg15[%swap3A_655, %swap3A_656] {strides = array<i32>} : memref<2x128xi32, #tpu.memory_space<vmem>>, vector<1x16xi32>,
        %swap3A_658 = vector.shape_cast %swap3A_657 : vector<1x16xi32> to vector<16xi32>
        %swap3A_659 = vector.shape_cast %select_n3A_654 : vector<16xi32> to vector<1x16xi32>
        tpu.vector_store %arg15[%swap3A_655, %swap3A_656], %swap3A_659 {strides = array<i32>} : memref<2x128xi32, #tpu.memory_space<vmem>>, vector<1x16xi32>,
        %jit3A_660 = arith.constant 40000 : i32
        %broadcast_in_dim3A_661 = vector.broadcast %jit3A_660 : i32 to vector<16xi32>
        %select_n3A_662 = arith.select %ge3A_591, %add3A_582, %broadcast_in_dim3A_661 : vector<16xi1>, vector<16xi32>
        %swap3A_663 = arith.index_cast %select_n3A_615 : i32 to index
        %swap3A_664 = arith.index_cast %mul3A_633 : i32 to index
        %swap3A_665 = tpu.vector_load %arg16[%swap3A_663, %swap3A_664] {strides = array<i32>} : memref<2x128xi32, #tpu.memory_space<vmem>>, vector<1x16xi32>,
        %swap3A_666 = vector.shape_cast %swap3A_665 : vector<1x16xi32> to vector<16xi32>
        %swap3A_667 = vector.shape_cast %select_n3A_662 : vector<16xi32> to vector<1x16xi32>
        tpu.vector_store %arg16[%swap3A_663, %swap3A_664], %swap3A_667 {strides = array<i32>} : memref<2x128xi32, #tpu.memory_space<vmem>>, vector<1x16xi32>,
        %scan3A_668 = arith.constant 2 : i32
        %scan3A_669 = arith.addi %scan3A_468, %scan3A_668 : i32
        %mul3A_670 = arith.constant 1 : i32
        %mul3A_671 = arith.muli %scan3A_669, %mul3A_670 : i32
        %add3A_672 = arith.constant 0 : i32
        %add3A_673 = arith.addi %add3A_672, %mul3A_671 : i32
        %mul3A_674 = arith.constant 16 : i32
        %mul3A_675 = arith.muli %add3A_673, %mul3A_674 : i32
        %get3A_676 = arith.index_cast %mul3A_675 : i32 to index
        %get3A_677 = tpu.vector_load %arg7[%get3A_676] {strides = array<i32>} : memref<256xi32, #tpu.memory_space<vmem>>, vector<16xi32>,
        %get3A_678 = vector.shape_cast %get3A_677 : vector<16xi32> to vector<16xi32>
        %get3A_679 = arith.index_cast %mul3A_675 : i32 to index
        %get3A_680 = tpu.vector_load %arg8[%get3A_679] {strides = array<i32>} : memref<256xi32, #tpu.memory_space<vmem>>, vector<16xi32>,
        %get3A_681 = vector.shape_cast %get3A_680 : vector<16xi32> to vector<16xi32>
        %get3A_682 = arith.index_cast %mul3A_675 : i32 to index
        %get3A_683 = tpu.vector_load %arg9[%get3A_682] {strides = array<i32>} : memref<256xi32, #tpu.memory_space<vmem>>, vector<16xi32>,
        %get3A_684 = vector.shape_cast %get3A_683 : vector<16xi32> to vector<16xi32>
        %mul3A_685 = arith.constant 10000 : i32
        %mul3A_686 = vector.broadcast %mul3A_685 : i32 to vector<16xi32>
        %mul3A_687 = arith.muli %get3A_678, %mul3A_686 : vector<16xi32>
        %add3A_688 = arith.addi %mul3A_687, %get3A_681 : vector<16xi32>
        %mul3A_689 = arith.constant 10000 : i32
        %mul3A_690 = vector.broadcast %mul3A_689 : i32 to vector<16xi32>
        %mul3A_691 = arith.muli %get3A_678, %mul3A_690 : vector<16xi32>
        %add3A_692 = arith.addi %mul3A_691, %get3A_684 : vector<16xi32>
        %add3A_693 = arith.addi %min3A_359, %mul3A_675 : i32
        %add3A_694 = vector.broadcast %add3A_693 : i32 to vector<16xi32>
        %add3A_695 = arith.addi %add3A_694, %iota3A : vector<16xi32>
        %ge3A_696 = vector.broadcast %mul3A_357 : i32 to vector<16xi32>
        %ge3A_697 = arith.cmpi sge, %add3A_695, %ge3A_696 : vector<16xi32>
        %jit3A_698 = arith.constant 8 : i32
        %div3A_699 = arith.divsi %add3A_673, %jit3A_698 : i32
        %sign3A_700 = arith.constant 0 : i32
        %sign3A_701 = arith.cmpi sgt, %add3A_673, %sign3A_700 : i32
        %sign3A_702 = arith.extui %sign3A_701 : i1 to i32
        %sign3A_703 = arith.constant 0 : i32
        %sign3A_704 = arith.cmpi slt, %add3A_673, %sign3A_703 : i32
        %sign3A_705 = arith.extui %sign3A_704 : i1 to i32
        %sign3A_706 = arith.subi %sign3A_702, %sign3A_705 : i32
        %sign3A_707 = arith.constant 0 : i32
        %sign3A_708 = arith.cmpi sgt, %jit3A_698, %sign3A_707 : i32
        %sign3A_709 = arith.extui %sign3A_708 : i1 to i32
        %sign3A_710 = arith.constant 0 : i32
        %sign3A_711 = arith.cmpi slt, %jit3A_698, %sign3A_710 : i32
        %sign3A_712 = arith.extui %sign3A_711 : i1 to i32
        %sign3A_713 = arith.subi %sign3A_709, %sign3A_712 : i32
        %ne3A_714 = arith.cmpi ne, %sign3A_706, %sign3A_713 : i32
        %rem3A_715 = arith.remsi %add3A_673, %jit3A_698 : i32
        %ne3A_716 = arith.constant 0 : i32
        %ne3A_717 = arith.cmpi ne, %rem3A_715, %ne3A_716 : i32
        %and3A_718 = arith.andi %ne3A_714, %ne3A_717 : i1
        %sub3A_719 = arith.constant 1 : i32
        %sub3A_720 = arith.subi %div3A_699, %sub3A_719 : i32
        %select_n3A_721 = arith.select %and3A_718, %sub3A_720, %div3A_699 : i32
        %jit3A_722 = arith.constant 8 : i32
        %eq3A_723 = arith.constant 0 : i32
        %eq3A_724 = arith.cmpi eq, %jit3A_722, %eq3A_723 : i32
        %jit3A_725 = arith.constant 1 : i32
        %select_n3A_726 = arith.select %eq3A_724, %jit3A_725, %jit3A_722 : i32
        %rem3A_727 = arith.remsi %add3A_673, %select_n3A_726 : i32
        %ne3A_728 = arith.constant 0 : i32
        %ne3A_729 = arith.cmpi ne, %rem3A_727, %ne3A_728 : i32
        %lt3A_730 = arith.constant 0 : i32
        %lt3A_731 = arith.cmpi slt, %rem3A_727, %lt3A_730 : i32
        %lt3A_732 = arith.constant 0 : i32
        %lt3A_733 = arith.cmpi slt, %select_n3A_726, %lt3A_732 : i32
        %ne3A_734 = arith.xori %lt3A_731, %lt3A_733 : i1
        %and3A_735 = arith.andi %ne3A_734, %ne3A_729 : i1
        %add3A_736 = arith.addi %rem3A_727, %select_n3A_726 : i32
        %select_n3A_737 = arith.select %and3A_735, %add3A_736, %rem3A_727 : i32
        %mul3A_738 = arith.constant 16 : i32
        %mul3A_739 = arith.muli %select_n3A_737, %mul3A_738 : i32
        %mul3A_740 = arith.constant 4 : i32
        %mul3A_741 = vector.broadcast %mul3A_740 : i32 to vector<16xi32>
        %mul3A_742 = arith.muli %add3A_688, %mul3A_741 : vector<16xi32>
        %add3A_743 = vector.broadcast %add3A_2 : i32 to vector<16xi32>
        %add3A_744 = arith.addi %mul3A_742, %add3A_743 : vector<16xi32>
        %swap3A_745 = arith.index_cast %mul3A_675 : i32 to index
        %swap3A_746 = tpu.vector_load %arg13[%swap3A_745] {strides = array<i32>} : memref<256xi32, #tpu.memory_space<vmem>>, vector<16xi32>,
        %swap3A_747 = vector.shape_cast %swap3A_746 : vector<16xi32> to vector<16xi32>
        %swap3A_748 = vector.shape_cast %add3A_744 : vector<16xi32> to vector<16xi32>
        tpu.vector_store %arg13[%swap3A_745], %swap3A_748 {strides = array<i32>} : memref<256xi32, #tpu.memory_space<vmem>>, vector<16xi32>,
        %mul3A_749 = arith.constant 4 : i32
        %mul3A_750 = vector.broadcast %mul3A_749 : i32 to vector<16xi32>
        %mul3A_751 = arith.muli %add3A_692, %mul3A_750 : vector<16xi32>
        %add3A_752 = vector.broadcast %add3A_2 : i32 to vector<16xi32>
        %add3A_753 = arith.addi %mul3A_751, %add3A_752 : vector<16xi32>
        %swap3A_754 = arith.index_cast %mul3A_675 : i32 to index
        %swap3A_755 = tpu.vector_load %arg14[%swap3A_754] {strides = array<i32>} : memref<256xi32, #tpu.memory_space<vmem>>, vector<16xi32>,
        %swap3A_756 = vector.shape_cast %swap3A_755 : vector<16xi32> to vector<16xi32>
        %swap3A_757 = vector.shape_cast %add3A_753 : vector<16xi32> to vector<16xi32>
        tpu.vector_store %arg14[%swap3A_754], %swap3A_757 {strides = array<i32>} : memref<256xi32, #tpu.memory_space<vmem>>, vector<16xi32>,
        %jit3A_758 = arith.constant 40000 : i32
        %broadcast_in_dim3A_759 = vector.broadcast %jit3A_758 : i32 to vector<16xi32>
        %select_n3A_760 = arith.select %ge3A_697, %add3A_692, %broadcast_in_dim3A_759 : vector<16xi1>, vector<16xi32>
        %swap3A_761 = arith.index_cast %select_n3A_721 : i32 to index
        %swap3A_762 = arith.index_cast %mul3A_739 : i32 to index
        %swap3A_763 = tpu.vector_load %arg15[%swap3A_761, %swap3A_762] {strides = array<i32>} : memref<2x128xi32, #tpu.memory_space<vmem>>, vector<1x16xi32>,
        %swap3A_764 = vector.shape_cast %swap3A_763 : vector<1x16xi32> to vector<16xi32>
        %swap3A_765 = vector.shape_cast %select_n3A_760 : vector<16xi32> to vector<1x16xi32>
        tpu.vector_store %arg15[%swap3A_761, %swap3A_762], %swap3A_765 {strides = array<i32>} : memref<2x128xi32, #tpu.memory_space<vmem>>, vector<1x16xi32>,
        %jit3A_766 = arith.constant 40000 : i32
        %broadcast_in_dim3A_767 = vector.broadcast %jit3A_766 : i32 to vector<16xi32>
        %select_n3A_768 = arith.select %ge3A_697, %add3A_688, %broadcast_in_dim3A_767 : vector<16xi1>, vector<16xi32>
        %swap3A_769 = arith.index_cast %select_n3A_721 : i32 to index
        %swap3A_770 = arith.index_cast %mul3A_739 : i32 to index
        %swap3A_771 = tpu.vector_load %arg16[%swap3A_769, %swap3A_770] {strides = array<i32>} : memref<2x128xi32, #tpu.memory_space<vmem>>, vector<1x16xi32>,
        %swap3A_772 = vector.shape_cast %swap3A_771 : vector<1x16xi32> to vector<16xi32>
        %swap3A_773 = vector.shape_cast %select_n3A_768 : vector<16xi32> to vector<1x16xi32>
        tpu.vector_store %arg16[%swap3A_769, %swap3A_770], %swap3A_773 {strides = array<i32>} : memref<2x128xi32, #tpu.memory_space<vmem>>, vector<1x16xi32>,
        %scan3A_774 = arith.constant 3 : i32
        %scan3A_775 = arith.addi %scan3A_468, %scan3A_774 : i32
        %mul3A_776 = arith.constant 1 : i32
        %mul3A_777 = arith.muli %scan3A_775, %mul3A_776 : i32
        %add3A_778 = arith.constant 0 : i32
        %add3A_779 = arith.addi %add3A_778, %mul3A_777 : i32
        %mul3A_780 = arith.constant 16 : i32
        %mul3A_781 = arith.muli %add3A_779, %mul3A_780 : i32
        %get3A_782 = arith.index_cast %mul3A_781 : i32 to index
        %get3A_783 = tpu.vector_load %arg7[%get3A_782] {strides = array<i32>} : memref<256xi32, #tpu.memory_space<vmem>>, vector<16xi32>,
        %get3A_784 = vector.shape_cast %get3A_783 : vector<16xi32> to vector<16xi32>
        %get3A_785 = arith.index_cast %mul3A_781 : i32 to index
        %get3A_786 = tpu.vector_load %arg8[%get3A_785] {strides = array<i32>} : memref<256xi32, #tpu.memory_space<vmem>>, vector<16xi32>,
        %get3A_787 = vector.shape_cast %get3A_786 : vector<16xi32> to vector<16xi32>
        %get3A_788 = arith.index_cast %mul3A_781 : i32 to index
        %get3A_789 = tpu.vector_load %arg9[%get3A_788] {strides = array<i32>} : memref<256xi32, #tpu.memory_space<vmem>>, vector<16xi32>,
        %get3A_790 = vector.shape_cast %get3A_789 : vector<16xi32> to vector<16xi32>
        %mul3A_791 = arith.constant 10000 : i32
        %mul3A_792 = vector.broadcast %mul3A_791 : i32 to vector<16xi32>
        %mul3A_793 = arith.muli %get3A_784, %mul3A_792 : vector<16xi32>
        %add3A_794 = arith.addi %mul3A_793, %get3A_787 : vector<16xi32>
        %mul3A_795 = arith.constant 10000 : i32
        %mul3A_796 = vector.broadcast %mul3A_795 : i32 to vector<16xi32>
        %mul3A_797 = arith.muli %get3A_784, %mul3A_796 : vector<16xi32>
        %add3A_798 = arith.addi %mul3A_797, %get3A_790 : vector<16xi32>
        %add3A_799 = arith.addi %min3A_359, %mul3A_781 : i32
        %add3A_800 = vector.broadcast %add3A_799 : i32 to vector<16xi32>
        %add3A_801 = arith.addi %add3A_800, %iota3A : vector<16xi32>
        %ge3A_802 = vector.broadcast %mul3A_357 : i32 to vector<16xi32>
        %ge3A_803 = arith.cmpi sge, %add3A_801, %ge3A_802 : vector<16xi32>
        %jit3A_804 = arith.constant 8 : i32
        %div3A_805 = arith.divsi %add3A_779, %jit3A_804 : i32
        %sign3A_806 = arith.constant 0 : i32
        %sign3A_807 = arith.cmpi sgt, %add3A_779, %sign3A_806 : i32
        %sign3A_808 = arith.extui %sign3A_807 : i1 to i32
        %sign3A_809 = arith.constant 0 : i32
        %sign3A_810 = arith.cmpi slt, %add3A_779, %sign3A_809 : i32
        %sign3A_811 = arith.extui %sign3A_810 : i1 to i32
        %sign3A_812 = arith.subi %sign3A_808, %sign3A_811 : i32
        %sign3A_813 = arith.constant 0 : i32
        %sign3A_814 = arith.cmpi sgt, %jit3A_804, %sign3A_813 : i32
        %sign3A_815 = arith.extui %sign3A_814 : i1 to i32
        %sign3A_816 = arith.constant 0 : i32
        %sign3A_817 = arith.cmpi slt, %jit3A_804, %sign3A_816 : i32
        %sign3A_818 = arith.extui %sign3A_817 : i1 to i32
        %sign3A_819 = arith.subi %sign3A_815, %sign3A_818 : i32
        %ne3A_820 = arith.cmpi ne, %sign3A_812, %sign3A_819 : i32
        %rem3A_821 = arith.remsi %add3A_779, %jit3A_804 : i32
        %ne3A_822 = arith.constant 0 : i32
        %ne3A_823 = arith.cmpi ne, %rem3A_821, %ne3A_822 : i32
        %and3A_824 = arith.andi %ne3A_820, %ne3A_823 : i1
        %sub3A_825 = arith.constant 1 : i32
        %sub3A_826 = arith.subi %div3A_805, %sub3A_825 : i32
        %select_n3A_827 = arith.select %and3A_824, %sub3A_826, %div3A_805 : i32
        %jit3A_828 = arith.constant 8 : i32
        %eq3A_829 = arith.constant 0 : i32
        %eq3A_830 = arith.cmpi eq, %jit3A_828, %eq3A_829 : i32
        %jit3A_831 = arith.constant 1 : i32
        %select_n3A_832 = arith.select %eq3A_830, %jit3A_831, %jit3A_828 : i32
        %rem3A_833 = arith.remsi %add3A_779, %select_n3A_832 : i32
        %ne3A_834 = arith.constant 0 : i32
        %ne3A_835 = arith.cmpi ne, %rem3A_833, %ne3A_834 : i32
        %lt3A_836 = arith.constant 0 : i32
        %lt3A_837 = arith.cmpi slt, %rem3A_833, %lt3A_836 : i32
        %lt3A_838 = arith.constant 0 : i32
        %lt3A_839 = arith.cmpi slt, %select_n3A_832, %lt3A_838 : i32
        %ne3A_840 = arith.xori %lt3A_837, %lt3A_839 : i1
        %and3A_841 = arith.andi %ne3A_840, %ne3A_835 : i1
        %add3A_842 = arith.addi %rem3A_833, %select_n3A_832 : i32
        %select_n3A_843 = arith.select %and3A_841, %add3A_842, %rem3A_833 : i32
        %mul3A_844 = arith.constant 16 : i32
        %mul3A_845 = arith.muli %select_n3A_843, %mul3A_844 : i32
        %mul3A_846 = arith.constant 4 : i32
        %mul3A_847 = vector.broadcast %mul3A_846 : i32 to vector<16xi32>
        %mul3A_848 = arith.muli %add3A_794, %mul3A_847 : vector<16xi32>
        %add3A_849 = vector.broadcast %add3A_2 : i32 to vector<16xi32>
        %add3A_850 = arith.addi %mul3A_848, %add3A_849 : vector<16xi32>
        %swap3A_851 = arith.index_cast %mul3A_781 : i32 to index
        %swap3A_852 = tpu.vector_load %arg13[%swap3A_851] {strides = array<i32>} : memref<256xi32, #tpu.memory_space<vmem>>, vector<16xi32>,
        %swap3A_853 = vector.shape_cast %swap3A_852 : vector<16xi32> to vector<16xi32>
        %swap3A_854 = vector.shape_cast %add3A_850 : vector<16xi32> to vector<16xi32>
        tpu.vector_store %arg13[%swap3A_851], %swap3A_854 {strides = array<i32>} : memref<256xi32, #tpu.memory_space<vmem>>, vector<16xi32>,
        %mul3A_855 = arith.constant 4 : i32
        %mul3A_856 = vector.broadcast %mul3A_855 : i32 to vector<16xi32>
        %mul3A_857 = arith.muli %add3A_798, %mul3A_856 : vector<16xi32>
        %add3A_858 = vector.broadcast %add3A_2 : i32 to vector<16xi32>
        %add3A_859 = arith.addi %mul3A_857, %add3A_858 : vector<16xi32>
        %swap3A_860 = arith.index_cast %mul3A_781 : i32 to index
        %swap3A_861 = tpu.vector_load %arg14[%swap3A_860] {strides = array<i32>} : memref<256xi32, #tpu.memory_space<vmem>>, vector<16xi32>,
        %swap3A_862 = vector.shape_cast %swap3A_861 : vector<16xi32> to vector<16xi32>
        %swap3A_863 = vector.shape_cast %add3A_859 : vector<16xi32> to vector<16xi32>
        tpu.vector_store %arg14[%swap3A_860], %swap3A_863 {strides = array<i32>} : memref<256xi32, #tpu.memory_space<vmem>>, vector<16xi32>,
        %jit3A_864 = arith.constant 40000 : i32
        %broadcast_in_dim3A_865 = vector.broadcast %jit3A_864 : i32 to vector<16xi32>
        %select_n3A_866 = arith.select %ge3A_803, %add3A_798, %broadcast_in_dim3A_865 : vector<16xi1>, vector<16xi32>
        %swap3A_867 = arith.index_cast %select_n3A_827 : i32 to index
        %swap3A_868 = arith.index_cast %mul3A_845 : i32 to index
        %swap3A_869 = tpu.vector_load %arg15[%swap3A_867, %swap3A_868] {strides = array<i32>} : memref<2x128xi32, #tpu.memory_space<vmem>>, vector<1x16xi32>,
        %swap3A_870 = vector.shape_cast %swap3A_869 : vector<1x16xi32> to vector<16xi32>
        %swap3A_871 = vector.shape_cast %select_n3A_866 : vector<16xi32> to vector<1x16xi32>
        tpu.vector_store %arg15[%swap3A_867, %swap3A_868], %swap3A_871 {strides = array<i32>} : memref<2x128xi32, #tpu.memory_space<vmem>>, vector<1x16xi32>,
        %jit3A_872 = arith.constant 40000 : i32
        %broadcast_in_dim3A_873 = vector.broadcast %jit3A_872 : i32 to vector<16xi32>
        %select_n3A_874 = arith.select %ge3A_803, %add3A_794, %broadcast_in_dim3A_873 : vector<16xi1>, vector<16xi32>
        %swap3A_875 = arith.index_cast %select_n3A_827 : i32 to index
        %swap3A_876 = arith.index_cast %mul3A_845 : i32 to index
        %swap3A_877 = tpu.vector_load %arg16[%swap3A_875, %swap3A_876] {strides = array<i32>} : memref<2x128xi32, #tpu.memory_space<vmem>>, vector<1x16xi32>,
        %swap3A_878 = vector.shape_cast %swap3A_877 : vector<1x16xi32> to vector<16xi32>
        %swap3A_879 = vector.shape_cast %select_n3A_874 : vector<16xi32> to vector<1x16xi32>
        tpu.vector_store %arg16[%swap3A_875, %swap3A_876], %swap3A_879 {strides = array<i32>} : memref<2x128xi32, #tpu.memory_space<vmem>>, vector<1x16xi32>,
      }
      %scan3A_364 = arith.constant 16 : i32
      %dma_start3A_365 = arith.constant 0 : i32
      %dma_start3A_366 = arith.constant 0 : i32
      %dma_start3A_367 = tpu.memref_slice %arg2[%dma_start3A_365, %dma_start3A_366] : memref<160000x32xf32, #tpu.memory_space<hbm>> -> memref<160000x32xf32, #tpu.memory_space<hbm>>
      tpu.enqueue_indirect_dma source(%dma_start3A_367 : memref<160000x32xf32, #tpu.memory_space<hbm>>) target(%arg21 : memref<256x32xf32, #tpu.memory_space<vmem>>) offsets(%arg13 : memref<256xi32, #tpu.memory_space<vmem>>) semaphore(%arg29 : memref<!tpu.dma_semaphore, #tpu.memory_space<semaphore_mem>>)
      %dma_start3A_368 = arith.constant 0 : i32
      %dma_start3A_369 = arith.constant 0 : i32
      %dma_start3A_370 = tpu.memref_slice %arg2[%dma_start3A_368, %dma_start3A_369] : memref<160000x32xf32, #tpu.memory_space<hbm>> -> memref<160000x32xf32, #tpu.memory_space<hbm>>
      tpu.enqueue_indirect_dma source(%dma_start3A_370 : memref<160000x32xf32, #tpu.memory_space<hbm>>) target(%arg22 : memref<256x32xf32, #tpu.memory_space<vmem>>) offsets(%arg14 : memref<256xi32, #tpu.memory_space<vmem>>) semaphore(%arg29 : memref<!tpu.dma_semaphore, #tpu.memory_space<semaphore_mem>>)
      %ge3A_371 = arith.constant 1 : i32
      %ge3A_372 = arith.cmpi sge, %add3A_328, %ge3A_371 : i32
      %convert_element_type3A_373 = arith.extui %ge3A_372 : i1 to i32
      %cond3A_374 = arith.constant 0 : i32
      %cond3A_375 = arith.cmpi ne, %convert_element_type3A_373, %cond3A_374 : i32
      scf.if %cond3A_375 {
        %dma_wait3A_468 = arith.constant 0 : i32
        %dma_wait3A_469 = arith.constant 0 : i32
        %dma_wait3A_470 = tpu.memref_slice %arg2[%dma_wait3A_468, %dma_wait3A_469] : memref<160000x32xf32, #tpu.memory_space<hbm>> -> memref<160000x32xf32, #tpu.memory_space<hbm>>
        tpu.wait_indirect_dma semaphore(%arg30 : memref<!tpu.dma_semaphore, #tpu.memory_space<semaphore_mem>>) src(%dma_wait3A_470 : memref<160000x32xf32, #tpu.memory_space<hbm>>) dst(%arg23 : memref<256x32xf32, #tpu.memory_space<vmem>>)
        %dma_wait3A_471 = arith.constant 0 : i32
        %dma_wait3A_472 = arith.constant 0 : i32
        %dma_wait3A_473 = tpu.memref_slice %arg2[%dma_wait3A_471, %dma_wait3A_472] : memref<160000x32xf32, #tpu.memory_space<hbm>> -> memref<160000x32xf32, #tpu.memory_space<hbm>>
        tpu.wait_indirect_dma semaphore(%arg30 : memref<!tpu.dma_semaphore, #tpu.memory_space<semaphore_mem>>) src(%dma_wait3A_473 : memref<160000x32xf32, #tpu.memory_space<hbm>>) dst(%arg24 : memref<256x32xf32, #tpu.memory_space<vmem>>)
        %dma_start3A_474 = arith.constant 0 : i32
        %dma_start3A_475 = arith.constant 0 : i32
        %dma_start3A_476 = arith.constant 0 : i32
        %dma_start3A_477 = tpu.memref_slice %arg23[%dma_start3A_475, %dma_start3A_476] : memref<256x32xf32, #tpu.memory_space<vmem>> -> memref<128x32xf32, #tpu.memory_space<vmem>>
        %dma_start3A_478 = arith.constant 0 : i32
        %dma_start3A_479 = tpu.memref_slice %arg19[%dma_start3A_474, %dma_start3A_478] : memref<2x128xi32, #tpu.memory_space<vmem>> -> memref<1x128xi32, #tpu.memory_space<vmem>>
        %dma_start3A_480 = tpu.memref_squeeze %dma_start3A_479 : memref<1x128xi32, #tpu.memory_space<vmem>> -> memref<128xi32, #tpu.memory_space<vmem>>
        %dma_start3A_481 = arith.constant 0 : i32
        %dma_start3A_482 = arith.constant 0 : i32
        %dma_start3A_483 = tpu.memref_slice %arg26[%dma_start3A_481, %dma_start3A_482] : memref<40960x32xf32, #tpu.memory_space<vmem_shared>> -> memref<40960x32xf32, #tpu.memory_space<vmem_shared>>
        tpu.enqueue_indirect_dma source(%dma_start3A_477 : memref<128x32xf32, #tpu.memory_space<vmem>>) target(%dma_start3A_483 : memref<40960x32xf32, #tpu.memory_space<vmem_shared>>) offsets(%dma_start3A_480 : memref<128xi32, #tpu.memory_space<vmem>>) semaphore(%arg32 : memref<!tpu.dma_semaphore, #tpu.memory_space<semaphore_mem>>) {add = true}
        %dma_start3A_484 = arith.constant 1 : i32
        %dma_start3A_485 = arith.constant 128 : i32
        %dma_start3A_486 = arith.constant 0 : i32
        %dma_start3A_487 = tpu.memref_slice %arg23[%dma_start3A_485, %dma_start3A_486] : memref<256x32xf32, #tpu.memory_space<vmem>> -> memref<128x32xf32, #tpu.memory_space<vmem>>
        %dma_start3A_488 = arith.constant 0 : i32
        %dma_start3A_489 = tpu.memref_slice %arg19[%dma_start3A_484, %dma_start3A_488] : memref<2x128xi32, #tpu.memory_space<vmem>> -> memref<1x128xi32, #tpu.memory_space<vmem>>
        %dma_start3A_490 = tpu.memref_squeeze %dma_start3A_489 : memref<1x128xi32, #tpu.memory_space<vmem>> -> memref<128xi32, #tpu.memory_space<vmem>>
        %dma_start3A_491 = arith.constant 0 : i32
        %dma_start3A_492 = arith.constant 0 : i32
        %dma_start3A_493 = tpu.memref_slice %arg26[%dma_start3A_491, %dma_start3A_492] : memref<40960x32xf32, #tpu.memory_space<vmem_shared>> -> memref<40960x32xf32, #tpu.memory_space<vmem_shared>>
        tpu.enqueue_indirect_dma source(%dma_start3A_487 : memref<128x32xf32, #tpu.memory_space<vmem>>) target(%dma_start3A_493 : memref<40960x32xf32, #tpu.memory_space<vmem_shared>>) offsets(%dma_start3A_490 : memref<128xi32, #tpu.memory_space<vmem>>) semaphore(%arg32 : memref<!tpu.dma_semaphore, #tpu.memory_space<semaphore_mem>>) {add = true}
        %dma_start3A_494 = arith.constant 0 : i32
        %dma_start3A_495 = arith.constant 0 : i32
        %dma_start3A_496 = arith.constant 0 : i32
        %dma_start3A_497 = tpu.memref_slice %arg24[%dma_start3A_495, %dma_start3A_496] : memref<256x32xf32, #tpu.memory_space<vmem>> -> memref<128x32xf32, #tpu.memory_space<vmem>>
        %dma_start3A_498 = arith.constant 0 : i32
        %dma_start3A_499 = tpu.memref_slice %arg20[%dma_start3A_494, %dma_start3A_498] : memref<2x128xi32, #tpu.memory_space<vmem>> -> memref<1x128xi32, #tpu.memory_space<vmem>>
        %dma_start3A_500 = tpu.memref_squeeze %dma_start3A_499 : memref<1x128xi32, #tpu.memory_space<vmem>> -> memref<128xi32, #tpu.memory_space<vmem>>
        %dma_start3A_501 = arith.constant 0 : i32
        %dma_start3A_502 = arith.constant 0 : i32
        %dma_start3A_503 = tpu.memref_slice %arg26[%dma_start3A_501, %dma_start3A_502] : memref<40960x32xf32, #tpu.memory_space<vmem_shared>> -> memref<40960x32xf32, #tpu.memory_space<vmem_shared>>
        tpu.enqueue_indirect_dma source(%dma_start3A_497 : memref<128x32xf32, #tpu.memory_space<vmem>>) target(%dma_start3A_503 : memref<40960x32xf32, #tpu.memory_space<vmem_shared>>) offsets(%dma_start3A_500 : memref<128xi32, #tpu.memory_space<vmem>>) semaphore(%arg32 : memref<!tpu.dma_semaphore, #tpu.memory_space<semaphore_mem>>) {add = true}
        %dma_start3A_504 = arith.constant 1 : i32
        %dma_start3A_505 = arith.constant 128 : i32
        %dma_start3A_506 = arith.constant 0 : i32
        %dma_start3A_507 = tpu.memref_slice %arg24[%dma_start3A_505, %dma_start3A_506] : memref<256x32xf32, #tpu.memory_space<vmem>> -> memref<128x32xf32, #tpu.memory_space<vmem>>
        %dma_start3A_508 = arith.constant 0 : i32
        %dma_start3A_509 = tpu.memref_slice %arg20[%dma_start3A_504, %dma_start3A_508] : memref<2x128xi32, #tpu.memory_space<vmem>> -> memref<1x128xi32, #tpu.memory_space<vmem>>
        %dma_start3A_510 = tpu.memref_squeeze %dma_start3A_509 : memref<1x128xi32, #tpu.memory_space<vmem>> -> memref<128xi32, #tpu.memory_space<vmem>>
        %dma_start3A_511 = arith.constant 0 : i32
        %dma_start3A_512 = arith.constant 0 : i32
        %dma_start3A_513 = tpu.memref_slice %arg26[%dma_start3A_511, %dma_start3A_512] : memref<40960x32xf32, #tpu.memory_space<vmem_shared>> -> memref<40960x32xf32, #tpu.memory_space<vmem_shared>>
        tpu.enqueue_indirect_dma source(%dma_start3A_507 : memref<128x32xf32, #tpu.memory_space<vmem>>) target(%dma_start3A_513 : memref<40960x32xf32, #tpu.memory_space<vmem_shared>>) offsets(%dma_start3A_510 : memref<128xi32, #tpu.memory_space<vmem>>) semaphore(%arg32 : memref<!tpu.dma_semaphore, #tpu.memory_space<semaphore_mem>>) {add = true}
      } else {
      }
      %mul3A_376 = arith.constant 2 : i32
      %mul3A_377 = arith.muli %add3A_328, %mul3A_376 : i32
      %add3A_378 = arith.constant 1 : i32
      %add3A_379 = arith.addi %mul3A_377, %add3A_378 : i32
      %add3A_380 = arith.constant 1 : i32
      %add3A_381 = arith.addi %add3A_379, %add3A_380 : i32
      %lt3A_382 = arith.constant 124 : i32
      %lt3A_383 = arith.cmpi slt, %add3A_381, %lt3A_382 : i32
      %convert_element_type3A_384 = arith.extui %lt3A_383 : i1 to i32
      %cond3A_385 = arith.constant 0 : i32
      %cond3A_386 = arith.cmpi ne, %convert_element_type3A_384, %cond3A_385 : i32
      scf.if %cond3A_386 {
        %add3A_468 = arith.constant 1 : i32
        %add3A_469 = arith.addi %add3A_379, %add3A_468 : i32
        %mul3A_470 = arith.constant 16 : i32
        %mul3A_471 = arith.muli %add3A_469, %mul3A_470 : i32
        %add3A_472 = arith.addi %mul3A_471, %arg1 : i32
        %mul3A_473 = arith.constant 256 : i32
        %mul3A_474 = arith.muli %add3A_472, %mul3A_473 : i32
        %min3A_475 = arith.constant 499744 : i32
        %min3A_476 = arith.minsi %mul3A_474, %min3A_475 : i32
        %dma_start3A_477 = tpu.memref_slice %arg3[%min3A_476] : memref<500000xi32, #tpu.memory_space<hbm>> -> memref<256xi32, #tpu.memory_space<hbm>>
        %dma_start3A_478 = tpu.memref_slice %arg3[%min3A_476] : memref<500000xi32, #tpu.memory_space<hbm>> -> memref<256xi32, #tpu.memory_space<hbm>>
        tpu.enqueue_dma source(%dma_start3A_478 : memref<256xi32, #tpu.memory_space<hbm>>) target(%arg7 : memref<256xi32, #tpu.memory_space<vmem>>) target_semaphore(%arg27 : memref<!tpu.dma_semaphore, #tpu.memory_space<semaphore_mem>>)
        %dma_start3A_479 = tpu.memref_slice %arg4[%min3A_476] : memref<500000xi32, #tpu.memory_space<hbm>> -> memref<256xi32, #tpu.memory_space<hbm>>
        %dma_start3A_480 = tpu.memref_slice %arg4[%min3A_476] : memref<500000xi32, #tpu.memory_space<hbm>> -> memref<256xi32, #tpu.memory_space<hbm>>
        tpu.enqueue_dma source(%dma_start3A_480 : memref<256xi32, #tpu.memory_space<hbm>>) target(%arg8 : memref<256xi32, #tpu.memory_space<vmem>>) target_semaphore(%arg27 : memref<!tpu.dma_semaphore, #tpu.memory_space<semaphore_mem>>)
        %dma_start3A_481 = tpu.memref_slice %arg5[%min3A_476] : memref<500000xi32, #tpu.memory_space<hbm>> -> memref<256xi32, #tpu.memory_space<hbm>>
        %dma_start3A_482 = tpu.memref_slice %arg5[%min3A_476] : memref<500000xi32, #tpu.memory_space<hbm>> -> memref<256xi32, #tpu.memory_space<hbm>>
        tpu.enqueue_dma source(%dma_start3A_482 : memref<256xi32, #tpu.memory_space<hbm>>) target(%arg9 : memref<256xi32, #tpu.memory_space<vmem>>) target_semaphore(%arg27 : memref<!tpu.dma_semaphore, #tpu.memory_space<semaphore_mem>>)
      } else {
      }
      %ge3A_387 = arith.constant 2 : i32
      %ge3A_388 = arith.cmpi sge, %add3A_379, %ge3A_387 : i32
      %convert_element_type3A_389 = arith.extui %ge3A_388 : i1 to i32
      %cond3A_390 = arith.constant 0 : i32
      %cond3A_391 = arith.cmpi ne, %convert_element_type3A_389, %cond3A_390 : i32
      scf.if %cond3A_391 {
        %dma_wait3A_468 = arith.constant 0 : i32
        %dma_wait3A_469 = arith.constant 0 : i32
        %dma_wait3A_470 = arith.constant 0 : i32
        %dma_wait3A_471 = tpu.memref_slice %arg23[%dma_wait3A_469, %dma_wait3A_470] : memref<256x32xf32, #tpu.memory_space<vmem>> -> memref<128x32xf32, #tpu.memory_space<vmem>>
        %dma_wait3A_472 = arith.constant 0 : i32
        %dma_wait3A_473 = tpu.memref_slice %arg19[%dma_wait3A_468, %dma_wait3A_472] : memref<2x128xi32, #tpu.memory_space<vmem>> -> memref<1x128xi32, #tpu.memory_space<vmem>>
        %dma_wait3A_474 = tpu.memref_squeeze %dma_wait3A_473 : memref<1x128xi32, #tpu.memory_space<vmem>> -> memref<128xi32, #tpu.memory_space<vmem>>
        %dma_wait3A_475 = arith.constant 0 : i32
        %dma_wait3A_476 = arith.constant 0 : i32
        %dma_wait3A_477 = tpu.memref_slice %arg26[%dma_wait3A_475, %dma_wait3A_476] : memref<40960x32xf32, #tpu.memory_space<vmem_shared>> -> memref<40960x32xf32, #tpu.memory_space<vmem_shared>>
        tpu.wait_indirect_dma semaphore(%arg32 : memref<!tpu.dma_semaphore, #tpu.memory_space<semaphore_mem>>) src(%dma_wait3A_471 : memref<128x32xf32, #tpu.memory_space<vmem>>) dst(%dma_wait3A_477 : memref<40960x32xf32, #tpu.memory_space<vmem_shared>>)
        %dma_wait3A_478 = arith.constant 1 : i32
        %dma_wait3A_479 = arith.constant 128 : i32
        %dma_wait3A_480 = arith.constant 0 : i32
        %dma_wait3A_481 = tpu.memref_slice %arg23[%dma_wait3A_479, %dma_wait3A_480] : memref<256x32xf32, #tpu.memory_space<vmem>> -> memref<128x32xf32, #tpu.memory_space<vmem>>
        %dma_wait3A_482 = arith.constant 0 : i32
        %dma_wait3A_483 = tpu.memref_slice %arg19[%dma_wait3A_478, %dma_wait3A_482] : memref<2x128xi32, #tpu.memory_space<vmem>> -> memref<1x128xi32, #tpu.memory_space<vmem>>
        %dma_wait3A_484 = tpu.memref_squeeze %dma_wait3A_483 : memref<1x128xi32, #tpu.memory_space<vmem>> -> memref<128xi32, #tpu.memory_space<vmem>>
        %dma_wait3A_485 = arith.constant 0 : i32
        %dma_wait3A_486 = arith.constant 0 : i32
        %dma_wait3A_487 = tpu.memref_slice %arg26[%dma_wait3A_485, %dma_wait3A_486] : memref<40960x32xf32, #tpu.memory_space<vmem_shared>> -> memref<40960x32xf32, #tpu.memory_space<vmem_shared>>
        tpu.wait_indirect_dma semaphore(%arg32 : memref<!tpu.dma_semaphore, #tpu.memory_space<semaphore_mem>>) src(%dma_wait3A_481 : memref<128x32xf32, #tpu.memory_space<vmem>>) dst(%dma_wait3A_487 : memref<40960x32xf32, #tpu.memory_space<vmem_shared>>)
        %dma_wait3A_488 = arith.constant 0 : i32
        %dma_wait3A_489 = arith.constant 0 : i32
        %dma_wait3A_490 = arith.constant 0 : i32
        %dma_wait3A_491 = tpu.memref_slice %arg24[%dma_wait3A_489, %dma_wait3A_490] : memref<256x32xf32, #tpu.memory_space<vmem>> -> memref<128x32xf32, #tpu.memory_space<vmem>>
        %dma_wait3A_492 = arith.constant 0 : i32
        %dma_wait3A_493 = tpu.memref_slice %arg20[%dma_wait3A_488, %dma_wait3A_492] : memref<2x128xi32, #tpu.memory_space<vmem>> -> memref<1x128xi32, #tpu.memory_space<vmem>>
        %dma_wait3A_494 = tpu.memref_squeeze %dma_wait3A_493 : memref<1x128xi32, #tpu.memory_space<vmem>> -> memref<128xi32, #tpu.memory_space<vmem>>
        %dma_wait3A_495 = arith.constant 0 : i32
        %dma_wait3A_496 = arith.constant 0 : i32
        %dma_wait3A_497 = tpu.memref_slice %arg26[%dma_wait3A_495, %dma_wait3A_496] : memref<40960x32xf32, #tpu.memory_space<vmem_shared>> -> memref<40960x32xf32, #tpu.memory_space<vmem_shared>>
        tpu.wait_indirect_dma semaphore(%arg32 : memref<!tpu.dma_semaphore, #tpu.memory_space<semaphore_mem>>) src(%dma_wait3A_491 : memref<128x32xf32, #tpu.memory_space<vmem>>) dst(%dma_wait3A_497 : memref<40960x32xf32, #tpu.memory_space<vmem_shared>>)
        %dma_wait3A_498 = arith.constant 1 : i32
        %dma_wait3A_499 = arith.constant 128 : i32
        %dma_wait3A_500 = arith.constant 0 : i32
        %dma_wait3A_501 = tpu.memref_slice %arg24[%dma_wait3A_499, %dma_wait3A_500] : memref<256x32xf32, #tpu.memory_space<vmem>> -> memref<128x32xf32, #tpu.memory_space<vmem>>
        %dma_wait3A_502 = arith.constant 0 : i32
        %dma_wait3A_503 = tpu.memref_slice %arg20[%dma_wait3A_498, %dma_wait3A_502] : memref<2x128xi32, #tpu.memory_space<vmem>> -> memref<1x128xi32, #tpu.memory_space<vmem>>
        %dma_wait3A_504 = tpu.memref_squeeze %dma_wait3A_503 : memref<1x128xi32, #tpu.memory_space<vmem>> -> memref<128xi32, #tpu.memory_space<vmem>>
        %dma_wait3A_505 = arith.constant 0 : i32
        %dma_wait3A_506 = arith.constant 0 : i32
        %dma_wait3A_507 = tpu.memref_slice %arg26[%dma_wait3A_505, %dma_wait3A_506] : memref<40960x32xf32, #tpu.memory_space<vmem_shared>> -> memref<40960x32xf32, #tpu.memory_space<vmem_shared>>
        tpu.wait_indirect_dma semaphore(%arg32 : memref<!tpu.dma_semaphore, #tpu.memory_space<semaphore_mem>>) src(%dma_wait3A_501 : memref<128x32xf32, #tpu.memory_space<vmem>>) dst(%dma_wait3A_507 : memref<40960x32xf32, #tpu.memory_space<vmem_shared>>)
      } else {
      }
      %dma_wait3A_392 = arith.constant 0 : i32
      %dma_wait3A_393 = tpu.memref_slice %arg3[%dma_wait3A_392] : memref<500000xi32, #tpu.memory_space<hbm>> -> memref<256xi32, #tpu.memory_space<hbm>>
      %dma_wait3A_394 = arith.constant 0 : i32
      %dma_wait3A_395 = tpu.memref_slice %arg3[%dma_wait3A_394] : memref<500000xi32, #tpu.memory_space<hbm>> -> memref<256xi32, #tpu.memory_space<hbm>>
      tpu.wait_dma2 semaphore(%arg28 : memref<!tpu.dma_semaphore, #tpu.memory_space<semaphore_mem>>) src(%dma_wait3A_395 : memref<256xi32, #tpu.memory_space<hbm>>) dst(%arg10 : memref<256xi32, #tpu.memory_space<vmem>>)
      %dma_wait3A_396 = arith.constant 0 : i32
      %dma_wait3A_397 = tpu.memref_slice %arg4[%dma_wait3A_396] : memref<500000xi32, #tpu.memory_space<hbm>> -> memref<256xi32, #tpu.memory_space<hbm>>
      %dma_wait3A_398 = arith.constant 0 : i32
      %dma_wait3A_399 = tpu.memref_slice %arg4[%dma_wait3A_398] : memref<500000xi32, #tpu.memory_space<hbm>> -> memref<256xi32, #tpu.memory_space<hbm>>
      tpu.wait_dma2 semaphore(%arg28 : memref<!tpu.dma_semaphore, #tpu.memory_space<semaphore_mem>>) src(%dma_wait3A_399 : memref<256xi32, #tpu.memory_space<hbm>>) dst(%arg11 : memref<256xi32, #tpu.memory_space<vmem>>)
      %dma_wait3A_400 = arith.constant 0 : i32
      %dma_wait3A_401 = tpu.memref_slice %arg5[%dma_wait3A_400] : memref<500000xi32, #tpu.memory_space<hbm>> -> memref<256xi32, #tpu.memory_space<hbm>>
      %dma_wait3A_402 = arith.constant 0 : i32
      %dma_wait3A_403 = tpu.memref_slice %arg5[%dma_wait3A_402] : memref<500000xi32, #tpu.memory_space<hbm>> -> memref<256xi32, #tpu.memory_space<hbm>>
      tpu.wait_dma2 semaphore(%arg28 : memref<!tpu.dma_semaphore, #tpu.memory_space<semaphore_mem>>) src(%dma_wait3A_403 : memref<256xi32, #tpu.memory_space<hbm>>) dst(%arg12 : memref<256xi32, #tpu.memory_space<vmem>>)
      %mul3A_404 = arith.constant 16 : i32
      %mul3A_405 = arith.muli %add3A_379, %mul3A_404 : i32
      %add3A_406 = arith.addi %mul3A_405, %arg1 : i32
      %mul3A_407 = arith.constant 256 : i32
      %mul3A_408 = arith.muli %add3A_406, %mul3A_407 : i32
      %min3A_409 = arith.constant 499744 : i32
      %min3A_410 = arith.minsi %mul3A_408, %min3A_409 : i32
      %scan3A_411 = arith.constant 0 : i32
      %scan3A_412 = arith.constant 16 : i32
      %scan3A_413 = arith.addi %scan3A_411, %scan3A_412 : i32
      %scan3A_414 = arith.constant 4 : i32
      scf.for %scan3A_468 = %scan3A_411 to %scan3A_413 step %scan3A_414  : i32 {
        %mul3A_469 = arith.constant 1 : i32
        %mul3A_470 = arith.muli %scan3A_468, %mul3A_469 : i32
        %add3A_471 = arith.constant 0 : i32
        %add3A_472 = arith.addi %add3A_471, %mul3A_470 : i32
        %mul3A_473 = arith.constant 16 : i32
        %mul3A_474 = arith.muli %add3A_472, %mul3A_473 : i32
        %get3A = arith.index_cast %mul3A_474 : i32 to index
        %get3A_475 = tpu.vector_load %arg10[%get3A] {strides = array<i32>} : memref<256xi32, #tpu.memory_space<vmem>>, vector<16xi32>,
        %get3A_476 = vector.shape_cast %get3A_475 : vector<16xi32> to vector<16xi32>
        %get3A_477 = arith.index_cast %mul3A_474 : i32 to index
        %get3A_478 = tpu.vector_load %arg11[%get3A_477] {strides = array<i32>} : memref<256xi32, #tpu.memory_space<vmem>>, vector<16xi32>,
        %get3A_479 = vector.shape_cast %get3A_478 : vector<16xi32> to vector<16xi32>
        %get3A_480 = arith.index_cast %mul3A_474 : i32 to index
        %get3A_481 = tpu.vector_load %arg12[%get3A_480] {strides = array<i32>} : memref<256xi32, #tpu.memory_space<vmem>>, vector<16xi32>,
        %get3A_482 = vector.shape_cast %get3A_481 : vector<16xi32> to vector<16xi32>
        %mul3A_483 = arith.constant 10000 : i32
        %mul3A_484 = vector.broadcast %mul3A_483 : i32 to vector<16xi32>
        %mul3A_485 = arith.muli %get3A_476, %mul3A_484 : vector<16xi32>
        %add3A_486 = arith.addi %mul3A_485, %get3A_479 : vector<16xi32>
        %mul3A_487 = arith.constant 10000 : i32
        %mul3A_488 = vector.broadcast %mul3A_487 : i32 to vector<16xi32>
        %mul3A_489 = arith.muli %get3A_476, %mul3A_488 : vector<16xi32>
        %add3A_490 = arith.addi %mul3A_489, %get3A_482 : vector<16xi32>
        %add3A_491 = arith.addi %min3A_410, %mul3A_474 : i32
        %add3A_492 = vector.broadcast %add3A_491 : i32 to vector<16xi32>
        %add3A_493 = arith.addi %add3A_492, %iota3A : vector<16xi32>
        %ge3A_494 = vector.broadcast %mul3A_408 : i32 to vector<16xi32>
        %ge3A_495 = arith.cmpi sge, %add3A_493, %ge3A_494 : vector<16xi32>
        %jit3A = arith.constant 8 : i32
        %div3A = arith.divsi %add3A_472, %jit3A : i32
        %sign3A = arith.constant 0 : i32
        %sign3A_496 = arith.cmpi sgt, %add3A_472, %sign3A : i32
        %sign3A_497 = arith.extui %sign3A_496 : i1 to i32
        %sign3A_498 = arith.constant 0 : i32
        %sign3A_499 = arith.cmpi slt, %add3A_472, %sign3A_498 : i32
        %sign3A_500 = arith.extui %sign3A_499 : i1 to i32
        %sign3A_501 = arith.subi %sign3A_497, %sign3A_500 : i32
        %sign3A_502 = arith.constant 0 : i32
        %sign3A_503 = arith.cmpi sgt, %jit3A, %sign3A_502 : i32
        %sign3A_504 = arith.extui %sign3A_503 : i1 to i32
        %sign3A_505 = arith.constant 0 : i32
        %sign3A_506 = arith.cmpi slt, %jit3A, %sign3A_505 : i32
        %sign3A_507 = arith.extui %sign3A_506 : i1 to i32
        %sign3A_508 = arith.subi %sign3A_504, %sign3A_507 : i32
        %ne3A = arith.cmpi ne, %sign3A_501, %sign3A_508 : i32
        %rem3A = arith.remsi %add3A_472, %jit3A : i32
        %ne3A_509 = arith.constant 0 : i32
        %ne3A_510 = arith.cmpi ne, %rem3A, %ne3A_509 : i32
        %and3A = arith.andi %ne3A, %ne3A_510 : i1
        %sub3A = arith.constant 1 : i32
        %sub3A_511 = arith.subi %div3A, %sub3A : i32
        %select_n3A = arith.select %and3A, %sub3A_511, %div3A : i32
        %jit3A_512 = arith.constant 8 : i32
        %eq3A = arith.constant 0 : i32
        %eq3A_513 = arith.cmpi eq, %jit3A_512, %eq3A : i32
        %jit3A_514 = arith.constant 1 : i32
        %select_n3A_515 = arith.select %eq3A_513, %jit3A_514, %jit3A_512 : i32
        %rem3A_516 = arith.remsi %add3A_472, %select_n3A_515 : i32
        %ne3A_517 = arith.constant 0 : i32
        %ne3A_518 = arith.cmpi ne, %rem3A_516, %ne3A_517 : i32
        %lt3A_519 = arith.constant 0 : i32
        %lt3A_520 = arith.cmpi slt, %rem3A_516, %lt3A_519 : i32
        %lt3A_521 = arith.constant 0 : i32
        %lt3A_522 = arith.cmpi slt, %select_n3A_515, %lt3A_521 : i32
        %ne3A_523 = arith.xori %lt3A_520, %lt3A_522 : i1
        %and3A_524 = arith.andi %ne3A_523, %ne3A_518 : i1
        %add3A_525 = arith.addi %rem3A_516, %select_n3A_515 : i32
        %select_n3A_526 = arith.select %and3A_524, %add3A_525, %rem3A_516 : i32
        %mul3A_527 = arith.constant 16 : i32
        %mul3A_528 = arith.muli %select_n3A_526, %mul3A_527 : i32
        %mul3A_529 = arith.constant 4 : i32
        %mul3A_530 = vector.broadcast %mul3A_529 : i32 to vector<16xi32>
        %mul3A_531 = arith.muli %add3A_486, %mul3A_530 : vector<16xi32>
        %add3A_532 = vector.broadcast %add3A_2 : i32 to vector<16xi32>
        %add3A_533 = arith.addi %mul3A_531, %add3A_532 : vector<16xi32>
        %swap3A = arith.index_cast %mul3A_474 : i32 to index
        %swap3A_534 = tpu.vector_load %arg17[%swap3A] {strides = array<i32>} : memref<256xi32, #tpu.memory_space<vmem>>, vector<16xi32>,
        %swap3A_535 = vector.shape_cast %swap3A_534 : vector<16xi32> to vector<16xi32>
        %swap3A_536 = vector.shape_cast %add3A_533 : vector<16xi32> to vector<16xi32>
        tpu.vector_store %arg17[%swap3A], %swap3A_536 {strides = array<i32>} : memref<256xi32, #tpu.memory_space<vmem>>, vector<16xi32>,
        %mul3A_537 = arith.constant 4 : i32
        %mul3A_538 = vector.broadcast %mul3A_537 : i32 to vector<16xi32>
        %mul3A_539 = arith.muli %add3A_490, %mul3A_538 : vector<16xi32>
        %add3A_540 = vector.broadcast %add3A_2 : i32 to vector<16xi32>
        %add3A_541 = arith.addi %mul3A_539, %add3A_540 : vector<16xi32>
        %swap3A_542 = arith.index_cast %mul3A_474 : i32 to index
        %swap3A_543 = tpu.vector_load %arg18[%swap3A_542] {strides = array<i32>} : memref<256xi32, #tpu.memory_space<vmem>>, vector<16xi32>,
        %swap3A_544 = vector.shape_cast %swap3A_543 : vector<16xi32> to vector<16xi32>
        %swap3A_545 = vector.shape_cast %add3A_541 : vector<16xi32> to vector<16xi32>
        tpu.vector_store %arg18[%swap3A_542], %swap3A_545 {strides = array<i32>} : memref<256xi32, #tpu.memory_space<vmem>>, vector<16xi32>,
        %jit3A_546 = arith.constant 40000 : i32
        %broadcast_in_dim3A_547 = vector.broadcast %jit3A_546 : i32 to vector<16xi32>
        %select_n3A_548 = arith.select %ge3A_495, %add3A_490, %broadcast_in_dim3A_547 : vector<16xi1>, vector<16xi32>
        %swap3A_549 = arith.index_cast %select_n3A : i32 to index
        %swap3A_550 = arith.index_cast %mul3A_528 : i32 to index
        %swap3A_551 = tpu.vector_load %arg19[%swap3A_549, %swap3A_550] {strides = array<i32>} : memref<2x128xi32, #tpu.memory_space<vmem>>, vector<1x16xi32>,
        %swap3A_552 = vector.shape_cast %swap3A_551 : vector<1x16xi32> to vector<16xi32>
        %swap3A_553 = vector.shape_cast %select_n3A_548 : vector<16xi32> to vector<1x16xi32>
        tpu.vector_store %arg19[%swap3A_549, %swap3A_550], %swap3A_553 {strides = array<i32>} : memref<2x128xi32, #tpu.memory_space<vmem>>, vector<1x16xi32>,
        %jit3A_554 = arith.constant 40000 : i32
        %broadcast_in_dim3A_555 = vector.broadcast %jit3A_554 : i32 to vector<16xi32>
        %select_n3A_556 = arith.select %ge3A_495, %add3A_486, %broadcast_in_dim3A_555 : vector<16xi1>, vector<16xi32>
        %swap3A_557 = arith.index_cast %select_n3A : i32 to index
        %swap3A_558 = arith.index_cast %mul3A_528 : i32 to index
        %swap3A_559 = tpu.vector_load %arg20[%swap3A_557, %swap3A_558] {strides = array<i32>} : memref<2x128xi32, #tpu.memory_space<vmem>>, vector<1x16xi32>,
        %swap3A_560 = vector.shape_cast %swap3A_559 : vector<1x16xi32> to vector<16xi32>
        %swap3A_561 = vector.shape_cast %select_n3A_556 : vector<16xi32> to vector<1x16xi32>
        tpu.vector_store %arg20[%swap3A_557, %swap3A_558], %swap3A_561 {strides = array<i32>} : memref<2x128xi32, #tpu.memory_space<vmem>>, vector<1x16xi32>,
        %scan3A_562 = arith.constant 1 : i32
        %scan3A_563 = arith.addi %scan3A_468, %scan3A_562 : i32
        %mul3A_564 = arith.constant 1 : i32
        %mul3A_565 = arith.muli %scan3A_563, %mul3A_564 : i32
        %add3A_566 = arith.constant 0 : i32
        %add3A_567 = arith.addi %add3A_566, %mul3A_565 : i32
        %mul3A_568 = arith.constant 16 : i32
        %mul3A_569 = arith.muli %add3A_567, %mul3A_568 : i32
        %get3A_570 = arith.index_cast %mul3A_569 : i32 to index
        %get3A_571 = tpu.vector_load %arg10[%get3A_570] {strides = array<i32>} : memref<256xi32, #tpu.memory_space<vmem>>, vector<16xi32>,
        %get3A_572 = vector.shape_cast %get3A_571 : vector<16xi32> to vector<16xi32>
        %get3A_573 = arith.index_cast %mul3A_569 : i32 to index
        %get3A_574 = tpu.vector_load %arg11[%get3A_573] {strides = array<i32>} : memref<256xi32, #tpu.memory_space<vmem>>, vector<16xi32>,
        %get3A_575 = vector.shape_cast %get3A_574 : vector<16xi32> to vector<16xi32>
        %get3A_576 = arith.index_cast %mul3A_569 : i32 to index
        %get3A_577 = tpu.vector_load %arg12[%get3A_576] {strides = array<i32>} : memref<256xi32, #tpu.memory_space<vmem>>, vector<16xi32>,
        %get3A_578 = vector.shape_cast %get3A_577 : vector<16xi32> to vector<16xi32>
        %mul3A_579 = arith.constant 10000 : i32
        %mul3A_580 = vector.broadcast %mul3A_579 : i32 to vector<16xi32>
        %mul3A_581 = arith.muli %get3A_572, %mul3A_580 : vector<16xi32>
        %add3A_582 = arith.addi %mul3A_581, %get3A_575 : vector<16xi32>
        %mul3A_583 = arith.constant 10000 : i32
        %mul3A_584 = vector.broadcast %mul3A_583 : i32 to vector<16xi32>
        %mul3A_585 = arith.muli %get3A_572, %mul3A_584 : vector<16xi32>
        %add3A_586 = arith.addi %mul3A_585, %get3A_578 : vector<16xi32>
        %add3A_587 = arith.addi %min3A_410, %mul3A_569 : i32
        %add3A_588 = vector.broadcast %add3A_587 : i32 to vector<16xi32>
        %add3A_589 = arith.addi %add3A_588, %iota3A : vector<16xi32>
        %ge3A_590 = vector.broadcast %mul3A_408 : i32 to vector<16xi32>
        %ge3A_591 = arith.cmpi sge, %add3A_589, %ge3A_590 : vector<16xi32>
        %jit3A_592 = arith.constant 8 : i32
        %div3A_593 = arith.divsi %add3A_567, %jit3A_592 : i32
        %sign3A_594 = arith.constant 0 : i32
        %sign3A_595 = arith.cmpi sgt, %add3A_567, %sign3A_594 : i32
        %sign3A_596 = arith.extui %sign3A_595 : i1 to i32
        %sign3A_597 = arith.constant 0 : i32
        %sign3A_598 = arith.cmpi slt, %add3A_567, %sign3A_597 : i32
        %sign3A_599 = arith.extui %sign3A_598 : i1 to i32
        %sign3A_600 = arith.subi %sign3A_596, %sign3A_599 : i32
        %sign3A_601 = arith.constant 0 : i32
        %sign3A_602 = arith.cmpi sgt, %jit3A_592, %sign3A_601 : i32
        %sign3A_603 = arith.extui %sign3A_602 : i1 to i32
        %sign3A_604 = arith.constant 0 : i32
        %sign3A_605 = arith.cmpi slt, %jit3A_592, %sign3A_604 : i32
        %sign3A_606 = arith.extui %sign3A_605 : i1 to i32
        %sign3A_607 = arith.subi %sign3A_603, %sign3A_606 : i32
        %ne3A_608 = arith.cmpi ne, %sign3A_600, %sign3A_607 : i32
        %rem3A_609 = arith.remsi %add3A_567, %jit3A_592 : i32
        %ne3A_610 = arith.constant 0 : i32
        %ne3A_611 = arith.cmpi ne, %rem3A_609, %ne3A_610 : i32
        %and3A_612 = arith.andi %ne3A_608, %ne3A_611 : i1
        %sub3A_613 = arith.constant 1 : i32
        %sub3A_614 = arith.subi %div3A_593, %sub3A_613 : i32
        %select_n3A_615 = arith.select %and3A_612, %sub3A_614, %div3A_593 : i32
        %jit3A_616 = arith.constant 8 : i32
        %eq3A_617 = arith.constant 0 : i32
        %eq3A_618 = arith.cmpi eq, %jit3A_616, %eq3A_617 : i32
        %jit3A_619 = arith.constant 1 : i32
        %select_n3A_620 = arith.select %eq3A_618, %jit3A_619, %jit3A_616 : i32
        %rem3A_621 = arith.remsi %add3A_567, %select_n3A_620 : i32
        %ne3A_622 = arith.constant 0 : i32
        %ne3A_623 = arith.cmpi ne, %rem3A_621, %ne3A_622 : i32
        %lt3A_624 = arith.constant 0 : i32
        %lt3A_625 = arith.cmpi slt, %rem3A_621, %lt3A_624 : i32
        %lt3A_626 = arith.constant 0 : i32
        %lt3A_627 = arith.cmpi slt, %select_n3A_620, %lt3A_626 : i32
        %ne3A_628 = arith.xori %lt3A_625, %lt3A_627 : i1
        %and3A_629 = arith.andi %ne3A_628, %ne3A_623 : i1
        %add3A_630 = arith.addi %rem3A_621, %select_n3A_620 : i32
        %select_n3A_631 = arith.select %and3A_629, %add3A_630, %rem3A_621 : i32
        %mul3A_632 = arith.constant 16 : i32
        %mul3A_633 = arith.muli %select_n3A_631, %mul3A_632 : i32
        %mul3A_634 = arith.constant 4 : i32
        %mul3A_635 = vector.broadcast %mul3A_634 : i32 to vector<16xi32>
        %mul3A_636 = arith.muli %add3A_582, %mul3A_635 : vector<16xi32>
        %add3A_637 = vector.broadcast %add3A_2 : i32 to vector<16xi32>
        %add3A_638 = arith.addi %mul3A_636, %add3A_637 : vector<16xi32>
        %swap3A_639 = arith.index_cast %mul3A_569 : i32 to index
        %swap3A_640 = tpu.vector_load %arg17[%swap3A_639] {strides = array<i32>} : memref<256xi32, #tpu.memory_space<vmem>>, vector<16xi32>,
        %swap3A_641 = vector.shape_cast %swap3A_640 : vector<16xi32> to vector<16xi32>
        %swap3A_642 = vector.shape_cast %add3A_638 : vector<16xi32> to vector<16xi32>
        tpu.vector_store %arg17[%swap3A_639], %swap3A_642 {strides = array<i32>} : memref<256xi32, #tpu.memory_space<vmem>>, vector<16xi32>,
        %mul3A_643 = arith.constant 4 : i32
        %mul3A_644 = vector.broadcast %mul3A_643 : i32 to vector<16xi32>
        %mul3A_645 = arith.muli %add3A_586, %mul3A_644 : vector<16xi32>
        %add3A_646 = vector.broadcast %add3A_2 : i32 to vector<16xi32>
        %add3A_647 = arith.addi %mul3A_645, %add3A_646 : vector<16xi32>
        %swap3A_648 = arith.index_cast %mul3A_569 : i32 to index
        %swap3A_649 = tpu.vector_load %arg18[%swap3A_648] {strides = array<i32>} : memref<256xi32, #tpu.memory_space<vmem>>, vector<16xi32>,
        %swap3A_650 = vector.shape_cast %swap3A_649 : vector<16xi32> to vector<16xi32>
        %swap3A_651 = vector.shape_cast %add3A_647 : vector<16xi32> to vector<16xi32>
        tpu.vector_store %arg18[%swap3A_648], %swap3A_651 {strides = array<i32>} : memref<256xi32, #tpu.memory_space<vmem>>, vector<16xi32>,
        %jit3A_652 = arith.constant 40000 : i32
        %broadcast_in_dim3A_653 = vector.broadcast %jit3A_652 : i32 to vector<16xi32>
        %select_n3A_654 = arith.select %ge3A_591, %add3A_586, %broadcast_in_dim3A_653 : vector<16xi1>, vector<16xi32>
        %swap3A_655 = arith.index_cast %select_n3A_615 : i32 to index
        %swap3A_656 = arith.index_cast %mul3A_633 : i32 to index
        %swap3A_657 = tpu.vector_load %arg19[%swap3A_655, %swap3A_656] {strides = array<i32>} : memref<2x128xi32, #tpu.memory_space<vmem>>, vector<1x16xi32>,
        %swap3A_658 = vector.shape_cast %swap3A_657 : vector<1x16xi32> to vector<16xi32>
        %swap3A_659 = vector.shape_cast %select_n3A_654 : vector<16xi32> to vector<1x16xi32>
        tpu.vector_store %arg19[%swap3A_655, %swap3A_656], %swap3A_659 {strides = array<i32>} : memref<2x128xi32, #tpu.memory_space<vmem>>, vector<1x16xi32>,
        %jit3A_660 = arith.constant 40000 : i32
        %broadcast_in_dim3A_661 = vector.broadcast %jit3A_660 : i32 to vector<16xi32>
        %select_n3A_662 = arith.select %ge3A_591, %add3A_582, %broadcast_in_dim3A_661 : vector<16xi1>, vector<16xi32>
        %swap3A_663 = arith.index_cast %select_n3A_615 : i32 to index
        %swap3A_664 = arith.index_cast %mul3A_633 : i32 to index
        %swap3A_665 = tpu.vector_load %arg20[%swap3A_663, %swap3A_664] {strides = array<i32>} : memref<2x128xi32, #tpu.memory_space<vmem>>, vector<1x16xi32>,
        %swap3A_666 = vector.shape_cast %swap3A_665 : vector<1x16xi32> to vector<16xi32>
        %swap3A_667 = vector.shape_cast %select_n3A_662 : vector<16xi32> to vector<1x16xi32>
        tpu.vector_store %arg20[%swap3A_663, %swap3A_664], %swap3A_667 {strides = array<i32>} : memref<2x128xi32, #tpu.memory_space<vmem>>, vector<1x16xi32>,
        %scan3A_668 = arith.constant 2 : i32
        %scan3A_669 = arith.addi %scan3A_468, %scan3A_668 : i32
        %mul3A_670 = arith.constant 1 : i32
        %mul3A_671 = arith.muli %scan3A_669, %mul3A_670 : i32
        %add3A_672 = arith.constant 0 : i32
        %add3A_673 = arith.addi %add3A_672, %mul3A_671 : i32
        %mul3A_674 = arith.constant 16 : i32
        %mul3A_675 = arith.muli %add3A_673, %mul3A_674 : i32
        %get3A_676 = arith.index_cast %mul3A_675 : i32 to index
        %get3A_677 = tpu.vector_load %arg10[%get3A_676] {strides = array<i32>} : memref<256xi32, #tpu.memory_space<vmem>>, vector<16xi32>,
        %get3A_678 = vector.shape_cast %get3A_677 : vector<16xi32> to vector<16xi32>
        %get3A_679 = arith.index_cast %mul3A_675 : i32 to index
        %get3A_680 = tpu.vector_load %arg11[%get3A_679] {strides = array<i32>} : memref<256xi32, #tpu.memory_space<vmem>>, vector<16xi32>,
        %get3A_681 = vector.shape_cast %get3A_680 : vector<16xi32> to vector<16xi32>
        %get3A_682 = arith.index_cast %mul3A_675 : i32 to index
        %get3A_683 = tpu.vector_load %arg12[%get3A_682] {strides = array<i32>} : memref<256xi32, #tpu.memory_space<vmem>>, vector<16xi32>,
        %get3A_684 = vector.shape_cast %get3A_683 : vector<16xi32> to vector<16xi32>
        %mul3A_685 = arith.constant 10000 : i32
        %mul3A_686 = vector.broadcast %mul3A_685 : i32 to vector<16xi32>
        %mul3A_687 = arith.muli %get3A_678, %mul3A_686 : vector<16xi32>
        %add3A_688 = arith.addi %mul3A_687, %get3A_681 : vector<16xi32>
        %mul3A_689 = arith.constant 10000 : i32
        %mul3A_690 = vector.broadcast %mul3A_689 : i32 to vector<16xi32>
        %mul3A_691 = arith.muli %get3A_678, %mul3A_690 : vector<16xi32>
        %add3A_692 = arith.addi %mul3A_691, %get3A_684 : vector<16xi32>
        %add3A_693 = arith.addi %min3A_410, %mul3A_675 : i32
        %add3A_694 = vector.broadcast %add3A_693 : i32 to vector<16xi32>
        %add3A_695 = arith.addi %add3A_694, %iota3A : vector<16xi32>
        %ge3A_696 = vector.broadcast %mul3A_408 : i32 to vector<16xi32>
        %ge3A_697 = arith.cmpi sge, %add3A_695, %ge3A_696 : vector<16xi32>
        %jit3A_698 = arith.constant 8 : i32
        %div3A_699 = arith.divsi %add3A_673, %jit3A_698 : i32
        %sign3A_700 = arith.constant 0 : i32
        %sign3A_701 = arith.cmpi sgt, %add3A_673, %sign3A_700 : i32
        %sign3A_702 = arith.extui %sign3A_701 : i1 to i32
        %sign3A_703 = arith.constant 0 : i32
        %sign3A_704 = arith.cmpi slt, %add3A_673, %sign3A_703 : i32
        %sign3A_705 = arith.extui %sign3A_704 : i1 to i32
        %sign3A_706 = arith.subi %sign3A_702, %sign3A_705 : i32
        %sign3A_707 = arith.constant 0 : i32
        %sign3A_708 = arith.cmpi sgt, %jit3A_698, %sign3A_707 : i32
        %sign3A_709 = arith.extui %sign3A_708 : i1 to i32
        %sign3A_710 = arith.constant 0 : i32
        %sign3A_711 = arith.cmpi slt, %jit3A_698, %sign3A_710 : i32
        %sign3A_712 = arith.extui %sign3A_711 : i1 to i32
        %sign3A_713 = arith.subi %sign3A_709, %sign3A_712 : i32
        %ne3A_714 = arith.cmpi ne, %sign3A_706, %sign3A_713 : i32
        %rem3A_715 = arith.remsi %add3A_673, %jit3A_698 : i32
        %ne3A_716 = arith.constant 0 : i32
        %ne3A_717 = arith.cmpi ne, %rem3A_715, %ne3A_716 : i32
        %and3A_718 = arith.andi %ne3A_714, %ne3A_717 : i1
        %sub3A_719 = arith.constant 1 : i32
        %sub3A_720 = arith.subi %div3A_699, %sub3A_719 : i32
        %select_n3A_721 = arith.select %and3A_718, %sub3A_720, %div3A_699 : i32
        %jit3A_722 = arith.constant 8 : i32
        %eq3A_723 = arith.constant 0 : i32
        %eq3A_724 = arith.cmpi eq, %jit3A_722, %eq3A_723 : i32
        %jit3A_725 = arith.constant 1 : i32
        %select_n3A_726 = arith.select %eq3A_724, %jit3A_725, %jit3A_722 : i32
        %rem3A_727 = arith.remsi %add3A_673, %select_n3A_726 : i32
        %ne3A_728 = arith.constant 0 : i32
        %ne3A_729 = arith.cmpi ne, %rem3A_727, %ne3A_728 : i32
        %lt3A_730 = arith.constant 0 : i32
        %lt3A_731 = arith.cmpi slt, %rem3A_727, %lt3A_730 : i32
        %lt3A_732 = arith.constant 0 : i32
        %lt3A_733 = arith.cmpi slt, %select_n3A_726, %lt3A_732 : i32
        %ne3A_734 = arith.xori %lt3A_731, %lt3A_733 : i1
        %and3A_735 = arith.andi %ne3A_734, %ne3A_729 : i1
        %add3A_736 = arith.addi %rem3A_727, %select_n3A_726 : i32
        %select_n3A_737 = arith.select %and3A_735, %add3A_736, %rem3A_727 : i32
        %mul3A_738 = arith.constant 16 : i32
        %mul3A_739 = arith.muli %select_n3A_737, %mul3A_738 : i32
        %mul3A_740 = arith.constant 4 : i32
        %mul3A_741 = vector.broadcast %mul3A_740 : i32 to vector<16xi32>
        %mul3A_742 = arith.muli %add3A_688, %mul3A_741 : vector<16xi32>
        %add3A_743 = vector.broadcast %add3A_2 : i32 to vector<16xi32>
        %add3A_744 = arith.addi %mul3A_742, %add3A_743 : vector<16xi32>
        %swap3A_745 = arith.index_cast %mul3A_675 : i32 to index
        %swap3A_746 = tpu.vector_load %arg17[%swap3A_745] {strides = array<i32>} : memref<256xi32, #tpu.memory_space<vmem>>, vector<16xi32>,
        %swap3A_747 = vector.shape_cast %swap3A_746 : vector<16xi32> to vector<16xi32>
        %swap3A_748 = vector.shape_cast %add3A_744 : vector<16xi32> to vector<16xi32>
        tpu.vector_store %arg17[%swap3A_745], %swap3A_748 {strides = array<i32>} : memref<256xi32, #tpu.memory_space<vmem>>, vector<16xi32>,
        %mul3A_749 = arith.constant 4 : i32
        %mul3A_750 = vector.broadcast %mul3A_749 : i32 to vector<16xi32>
        %mul3A_751 = arith.muli %add3A_692, %mul3A_750 : vector<16xi32>
        %add3A_752 = vector.broadcast %add3A_2 : i32 to vector<16xi32>
        %add3A_753 = arith.addi %mul3A_751, %add3A_752 : vector<16xi32>
        %swap3A_754 = arith.index_cast %mul3A_675 : i32 to index
        %swap3A_755 = tpu.vector_load %arg18[%swap3A_754] {strides = array<i32>} : memref<256xi32, #tpu.memory_space<vmem>>, vector<16xi32>,
        %swap3A_756 = vector.shape_cast %swap3A_755 : vector<16xi32> to vector<16xi32>
        %swap3A_757 = vector.shape_cast %add3A_753 : vector<16xi32> to vector<16xi32>
        tpu.vector_store %arg18[%swap3A_754], %swap3A_757 {strides = array<i32>} : memref<256xi32, #tpu.memory_space<vmem>>, vector<16xi32>,
        %jit3A_758 = arith.constant 40000 : i32
        %broadcast_in_dim3A_759 = vector.broadcast %jit3A_758 : i32 to vector<16xi32>
        %select_n3A_760 = arith.select %ge3A_697, %add3A_692, %broadcast_in_dim3A_759 : vector<16xi1>, vector<16xi32>
        %swap3A_761 = arith.index_cast %select_n3A_721 : i32 to index
        %swap3A_762 = arith.index_cast %mul3A_739 : i32 to index
        %swap3A_763 = tpu.vector_load %arg19[%swap3A_761, %swap3A_762] {strides = array<i32>} : memref<2x128xi32, #tpu.memory_space<vmem>>, vector<1x16xi32>,
        %swap3A_764 = vector.shape_cast %swap3A_763 : vector<1x16xi32> to vector<16xi32>
        %swap3A_765 = vector.shape_cast %select_n3A_760 : vector<16xi32> to vector<1x16xi32>
        tpu.vector_store %arg19[%swap3A_761, %swap3A_762], %swap3A_765 {strides = array<i32>} : memref<2x128xi32, #tpu.memory_space<vmem>>, vector<1x16xi32>,
        %jit3A_766 = arith.constant 40000 : i32
        %broadcast_in_dim3A_767 = vector.broadcast %jit3A_766 : i32 to vector<16xi32>
        %select_n3A_768 = arith.select %ge3A_697, %add3A_688, %broadcast_in_dim3A_767 : vector<16xi1>, vector<16xi32>
        %swap3A_769 = arith.index_cast %select_n3A_721 : i32 to index
        %swap3A_770 = arith.index_cast %mul3A_739 : i32 to index
        %swap3A_771 = tpu.vector_load %arg20[%swap3A_769, %swap3A_770] {strides = array<i32>} : memref<2x128xi32, #tpu.memory_space<vmem>>, vector<1x16xi32>,
        %swap3A_772 = vector.shape_cast %swap3A_771 : vector<1x16xi32> to vector<16xi32>
        %swap3A_773 = vector.shape_cast %select_n3A_768 : vector<16xi32> to vector<1x16xi32>
        tpu.vector_store %arg20[%swap3A_769, %swap3A_770], %swap3A_773 {strides = array<i32>} : memref<2x128xi32, #tpu.memory_space<vmem>>, vector<1x16xi32>,
        %scan3A_774 = arith.constant 3 : i32
        %scan3A_775 = arith.addi %scan3A_468, %scan3A_774 : i32
        %mul3A_776 = arith.constant 1 : i32
        %mul3A_777 = arith.muli %scan3A_775, %mul3A_776 : i32
        %add3A_778 = arith.constant 0 : i32
        %add3A_779 = arith.addi %add3A_778, %mul3A_777 : i32
        %mul3A_780 = arith.constant 16 : i32
        %mul3A_781 = arith.muli %add3A_779, %mul3A_780 : i32
        %get3A_782 = arith.index_cast %mul3A_781 : i32 to index
        %get3A_783 = tpu.vector_load %arg10[%get3A_782] {strides = array<i32>} : memref<256xi32, #tpu.memory_space<vmem>>, vector<16xi32>,
        %get3A_784 = vector.shape_cast %get3A_783 : vector<16xi32> to vector<16xi32>
        %get3A_785 = arith.index_cast %mul3A_781 : i32 to index
        %get3A_786 = tpu.vector_load %arg11[%get3A_785] {strides = array<i32>} : memref<256xi32, #tpu.memory_space<vmem>>, vector<16xi32>,
        %get3A_787 = vector.shape_cast %get3A_786 : vector<16xi32> to vector<16xi32>
        %get3A_788 = arith.index_cast %mul3A_781 : i32 to index
        %get3A_789 = tpu.vector_load %arg12[%get3A_788] {strides = array<i32>} : memref<256xi32, #tpu.memory_space<vmem>>, vector<16xi32>,
        %get3A_790 = vector.shape_cast %get3A_789 : vector<16xi32> to vector<16xi32>
        %mul3A_791 = arith.constant 10000 : i32
        %mul3A_792 = vector.broadcast %mul3A_791 : i32 to vector<16xi32>
        %mul3A_793 = arith.muli %get3A_784, %mul3A_792 : vector<16xi32>
        %add3A_794 = arith.addi %mul3A_793, %get3A_787 : vector<16xi32>
        %mul3A_795 = arith.constant 10000 : i32
        %mul3A_796 = vector.broadcast %mul3A_795 : i32 to vector<16xi32>
        %mul3A_797 = arith.muli %get3A_784, %mul3A_796 : vector<16xi32>
        %add3A_798 = arith.addi %mul3A_797, %get3A_790 : vector<16xi32>
        %add3A_799 = arith.addi %min3A_410, %mul3A_781 : i32
        %add3A_800 = vector.broadcast %add3A_799 : i32 to vector<16xi32>
        %add3A_801 = arith.addi %add3A_800, %iota3A : vector<16xi32>
        %ge3A_802 = vector.broadcast %mul3A_408 : i32 to vector<16xi32>
        %ge3A_803 = arith.cmpi sge, %add3A_801, %ge3A_802 : vector<16xi32>
        %jit3A_804 = arith.constant 8 : i32
        %div3A_805 = arith.divsi %add3A_779, %jit3A_804 : i32
        %sign3A_806 = arith.constant 0 : i32
        %sign3A_807 = arith.cmpi sgt, %add3A_779, %sign3A_806 : i32
        %sign3A_808 = arith.extui %sign3A_807 : i1 to i32
        %sign3A_809 = arith.constant 0 : i32
        %sign3A_810 = arith.cmpi slt, %add3A_779, %sign3A_809 : i32
        %sign3A_811 = arith.extui %sign3A_810 : i1 to i32
        %sign3A_812 = arith.subi %sign3A_808, %sign3A_811 : i32
        %sign3A_813 = arith.constant 0 : i32
        %sign3A_814 = arith.cmpi sgt, %jit3A_804, %sign3A_813 : i32
        %sign3A_815 = arith.extui %sign3A_814 : i1 to i32
        %sign3A_816 = arith.constant 0 : i32
        %sign3A_817 = arith.cmpi slt, %jit3A_804, %sign3A_816 : i32
        %sign3A_818 = arith.extui %sign3A_817 : i1 to i32
        %sign3A_819 = arith.subi %sign3A_815, %sign3A_818 : i32
        %ne3A_820 = arith.cmpi ne, %sign3A_812, %sign3A_819 : i32
        %rem3A_821 = arith.remsi %add3A_779, %jit3A_804 : i32
        %ne3A_822 = arith.constant 0 : i32
        %ne3A_823 = arith.cmpi ne, %rem3A_821, %ne3A_822 : i32
        %and3A_824 = arith.andi %ne3A_820, %ne3A_823 : i1
        %sub3A_825 = arith.constant 1 : i32
        %sub3A_826 = arith.subi %div3A_805, %sub3A_825 : i32
        %select_n3A_827 = arith.select %and3A_824, %sub3A_826, %div3A_805 : i32
        %jit3A_828 = arith.constant 8 : i32
        %eq3A_829 = arith.constant 0 : i32
        %eq3A_830 = arith.cmpi eq, %jit3A_828, %eq3A_829 : i32
        %jit3A_831 = arith.constant 1 : i32
        %select_n3A_832 = arith.select %eq3A_830, %jit3A_831, %jit3A_828 : i32
        %rem3A_833 = arith.remsi %add3A_779, %select_n3A_832 : i32
        %ne3A_834 = arith.constant 0 : i32
        %ne3A_835 = arith.cmpi ne, %rem3A_833, %ne3A_834 : i32
        %lt3A_836 = arith.constant 0 : i32
        %lt3A_837 = arith.cmpi slt, %rem3A_833, %lt3A_836 : i32
        %lt3A_838 = arith.constant 0 : i32
        %lt3A_839 = arith.cmpi slt, %select_n3A_832, %lt3A_838 : i32
        %ne3A_840 = arith.xori %lt3A_837, %lt3A_839 : i1
        %and3A_841 = arith.andi %ne3A_840, %ne3A_835 : i1
        %add3A_842 = arith.addi %rem3A_833, %select_n3A_832 : i32
        %select_n3A_843 = arith.select %and3A_841, %add3A_842, %rem3A_833 : i32
        %mul3A_844 = arith.constant 16 : i32
        %mul3A_845 = arith.muli %select_n3A_843, %mul3A_844 : i32
        %mul3A_846 = arith.constant 4 : i32
        %mul3A_847 = vector.broadcast %mul3A_846 : i32 to vector<16xi32>
        %mul3A_848 = arith.muli %add3A_794, %mul3A_847 : vector<16xi32>
        %add3A_849 = vector.broadcast %add3A_2 : i32 to vector<16xi32>
        %add3A_850 = arith.addi %mul3A_848, %add3A_849 : vector<16xi32>
        %swap3A_851 = arith.index_cast %mul3A_781 : i32 to index
        %swap3A_852 = tpu.vector_load %arg17[%swap3A_851] {strides = array<i32>} : memref<256xi32, #tpu.memory_space<vmem>>, vector<16xi32>,
        %swap3A_853 = vector.shape_cast %swap3A_852 : vector<16xi32> to vector<16xi32>
        %swap3A_854 = vector.shape_cast %add3A_850 : vector<16xi32> to vector<16xi32>
        tpu.vector_store %arg17[%swap3A_851], %swap3A_854 {strides = array<i32>} : memref<256xi32, #tpu.memory_space<vmem>>, vector<16xi32>,
        %mul3A_855 = arith.constant 4 : i32
        %mul3A_856 = vector.broadcast %mul3A_855 : i32 to vector<16xi32>
        %mul3A_857 = arith.muli %add3A_798, %mul3A_856 : vector<16xi32>
        %add3A_858 = vector.broadcast %add3A_2 : i32 to vector<16xi32>
        %add3A_859 = arith.addi %mul3A_857, %add3A_858 : vector<16xi32>
        %swap3A_860 = arith.index_cast %mul3A_781 : i32 to index
        %swap3A_861 = tpu.vector_load %arg18[%swap3A_860] {strides = array<i32>} : memref<256xi32, #tpu.memory_space<vmem>>, vector<16xi32>,
        %swap3A_862 = vector.shape_cast %swap3A_861 : vector<16xi32> to vector<16xi32>
        %swap3A_863 = vector.shape_cast %add3A_859 : vector<16xi32> to vector<16xi32>
        tpu.vector_store %arg18[%swap3A_860], %swap3A_863 {strides = array<i32>} : memref<256xi32, #tpu.memory_space<vmem>>, vector<16xi32>,
        %jit3A_864 = arith.constant 40000 : i32
        %broadcast_in_dim3A_865 = vector.broadcast %jit3A_864 : i32 to vector<16xi32>
        %select_n3A_866 = arith.select %ge3A_803, %add3A_798, %broadcast_in_dim3A_865 : vector<16xi1>, vector<16xi32>
        %swap3A_867 = arith.index_cast %select_n3A_827 : i32 to index
        %swap3A_868 = arith.index_cast %mul3A_845 : i32 to index
        %swap3A_869 = tpu.vector_load %arg19[%swap3A_867, %swap3A_868] {strides = array<i32>} : memref<2x128xi32, #tpu.memory_space<vmem>>, vector<1x16xi32>,
        %swap3A_870 = vector.shape_cast %swap3A_869 : vector<1x16xi32> to vector<16xi32>
        %swap3A_871 = vector.shape_cast %select_n3A_866 : vector<16xi32> to vector<1x16xi32>
        tpu.vector_store %arg19[%swap3A_867, %swap3A_868], %swap3A_871 {strides = array<i32>} : memref<2x128xi32, #tpu.memory_space<vmem>>, vector<1x16xi32>,
        %jit3A_872 = arith.constant 40000 : i32
        %broadcast_in_dim3A_873 = vector.broadcast %jit3A_872 : i32 to vector<16xi32>
        %select_n3A_874 = arith.select %ge3A_803, %add3A_794, %broadcast_in_dim3A_873 : vector<16xi1>, vector<16xi32>
        %swap3A_875 = arith.index_cast %select_n3A_827 : i32 to index
        %swap3A_876 = arith.index_cast %mul3A_845 : i32 to index
        %swap3A_877 = tpu.vector_load %arg20[%swap3A_875, %swap3A_876] {strides = array<i32>} : memref<2x128xi32, #tpu.memory_space<vmem>>, vector<1x16xi32>,
        %swap3A_878 = vector.shape_cast %swap3A_877 : vector<1x16xi32> to vector<16xi32>
        %swap3A_879 = vector.shape_cast %select_n3A_874 : vector<16xi32> to vector<1x16xi32>
        tpu.vector_store %arg20[%swap3A_875, %swap3A_876], %swap3A_879 {strides = array<i32>} : memref<2x128xi32, #tpu.memory_space<vmem>>, vector<1x16xi32>,
      }
      %scan3A_415 = arith.constant 16 : i32
      %dma_start3A_416 = arith.constant 0 : i32
      %dma_start3A_417 = arith.constant 0 : i32
      %dma_start3A_418 = tpu.memref_slice %arg2[%dma_start3A_416, %dma_start3A_417] : memref<160000x32xf32, #tpu.memory_space<hbm>> -> memref<160000x32xf32, #tpu.memory_space<hbm>>
      tpu.enqueue_indirect_dma source(%dma_start3A_418 : memref<160000x32xf32, #tpu.memory_space<hbm>>) target(%arg23 : memref<256x32xf32, #tpu.memory_space<vmem>>) offsets(%arg17 : memref<256xi32, #tpu.memory_space<vmem>>) semaphore(%arg30 : memref<!tpu.dma_semaphore, #tpu.memory_space<semaphore_mem>>)
      %dma_start3A_419 = arith.constant 0 : i32
      %dma_start3A_420 = arith.constant 0 : i32
      %dma_start3A_421 = tpu.memref_slice %arg2[%dma_start3A_419, %dma_start3A_420] : memref<160000x32xf32, #tpu.memory_space<hbm>> -> memref<160000x32xf32, #tpu.memory_space<hbm>>
      tpu.enqueue_indirect_dma source(%dma_start3A_421 : memref<160000x32xf32, #tpu.memory_space<hbm>>) target(%arg24 : memref<256x32xf32, #tpu.memory_space<vmem>>) offsets(%arg18 : memref<256xi32, #tpu.memory_space<vmem>>) semaphore(%arg30 : memref<!tpu.dma_semaphore, #tpu.memory_space<semaphore_mem>>)
      %dma_wait3A_422 = arith.constant 0 : i32
      %dma_wait3A_423 = arith.constant 0 : i32
      %dma_wait3A_424 = tpu.memref_slice %arg2[%dma_wait3A_422, %dma_wait3A_423] : memref<160000x32xf32, #tpu.memory_space<hbm>> -> memref<160000x32xf32, #tpu.memory_space<hbm>>
      tpu.wait_indirect_dma semaphore(%arg29 : memref<!tpu.dma_semaphore, #tpu.memory_space<semaphore_mem>>) src(%dma_wait3A_424 : memref<160000x32xf32, #tpu.memory_space<hbm>>) dst(%arg21 : memref<256x32xf32, #tpu.memory_space<vmem>>)
      %dma_wait3A_425 = arith.constant 0 : i32
      %dma_wait3A_426 = arith.constant 0 : i32
      %dma_wait3A_427 = tpu.memref_slice %arg2[%dma_wait3A_425, %dma_wait3A_426] : memref<160000x32xf32, #tpu.memory_space<hbm>> -> memref<160000x32xf32, #tpu.memory_space<hbm>>
      tpu.wait_indirect_dma semaphore(%arg29 : memref<!tpu.dma_semaphore, #tpu.memory_space<semaphore_mem>>) src(%dma_wait3A_427 : memref<160000x32xf32, #tpu.memory_space<hbm>>) dst(%arg22 : memref<256x32xf32, #tpu.memory_space<vmem>>)
      %dma_start3A_428 = arith.constant 0 : i32
      %dma_start3A_429 = arith.constant 0 : i32
      %dma_start3A_430 = arith.constant 0 : i32
      %dma_start3A_431 = tpu.memref_slice %arg21[%dma_start3A_429, %dma_start3A_430] : memref<256x32xf32, #tpu.memory_space<vmem>> -> memref<128x32xf32, #tpu.memory_space<vmem>>
      %dma_start3A_432 = arith.constant 0 : i32
      %dma_start3A_433 = tpu.memref_slice %arg15[%dma_start3A_428, %dma_start3A_432] : memref<2x128xi32, #tpu.memory_space<vmem>> -> memref<1x128xi32, #tpu.memory_space<vmem>>
      %dma_start3A_434 = tpu.memref_squeeze %dma_start3A_433 : memref<1x128xi32, #tpu.memory_space<vmem>> -> memref<128xi32, #tpu.memory_space<vmem>>
      %dma_start3A_435 = arith.constant 0 : i32
      %dma_start3A_436 = arith.constant 0 : i32
      %dma_start3A_437 = tpu.memref_slice %arg26[%dma_start3A_435, %dma_start3A_436] : memref<40960x32xf32, #tpu.memory_space<vmem_shared>> -> memref<40960x32xf32, #tpu.memory_space<vmem_shared>>
      tpu.enqueue_indirect_dma source(%dma_start3A_431 : memref<128x32xf32, #tpu.memory_space<vmem>>) target(%dma_start3A_437 : memref<40960x32xf32, #tpu.memory_space<vmem_shared>>) offsets(%dma_start3A_434 : memref<128xi32, #tpu.memory_space<vmem>>) semaphore(%arg31 : memref<!tpu.dma_semaphore, #tpu.memory_space<semaphore_mem>>) {add = true}
      %dma_start3A_438 = arith.constant 1 : i32
      %dma_start3A_439 = arith.constant 128 : i32
      %dma_start3A_440 = arith.constant 0 : i32
      %dma_start3A_441 = tpu.memref_slice %arg21[%dma_start3A_439, %dma_start3A_440] : memref<256x32xf32, #tpu.memory_space<vmem>> -> memref<128x32xf32, #tpu.memory_space<vmem>>
      %dma_start3A_442 = arith.constant 0 : i32
      %dma_start3A_443 = tpu.memref_slice %arg15[%dma_start3A_438, %dma_start3A_442] : memref<2x128xi32, #tpu.memory_space<vmem>> -> memref<1x128xi32, #tpu.memory_space<vmem>>
      %dma_start3A_444 = tpu.memref_squeeze %dma_start3A_443 : memref<1x128xi32, #tpu.memory_space<vmem>> -> memref<128xi32, #tpu.memory_space<vmem>>
      %dma_start3A_445 = arith.constant 0 : i32
      %dma_start3A_446 = arith.constant 0 : i32
      %dma_start3A_447 = tpu.memref_slice %arg26[%dma_start3A_445, %dma_start3A_446] : memref<40960x32xf32, #tpu.memory_space<vmem_shared>> -> memref<40960x32xf32, #tpu.memory_space<vmem_shared>>
      tpu.enqueue_indirect_dma source(%dma_start3A_441 : memref<128x32xf32, #tpu.memory_space<vmem>>) target(%dma_start3A_447 : memref<40960x32xf32, #tpu.memory_space<vmem_shared>>) offsets(%dma_start3A_444 : memref<128xi32, #tpu.memory_space<vmem>>) semaphore(%arg31 : memref<!tpu.dma_semaphore, #tpu.memory_space<semaphore_mem>>) {add = true}
      %dma_start3A_448 = arith.constant 0 : i32
      %dma_start3A_449 = arith.constant 0 : i32
      %dma_start3A_450 = arith.constant 0 : i32
      %dma_start3A_451 = tpu.memref_slice %arg22[%dma_start3A_449, %dma_start3A_450] : memref<256x32xf32, #tpu.memory_space<vmem>> -> memref<128x32xf32, #tpu.memory_space<vmem>>
      %dma_start3A_452 = arith.constant 0 : i32
      %dma_start3A_453 = tpu.memref_slice %arg16[%dma_start3A_448, %dma_start3A_452] : memref<2x128xi32, #tpu.memory_space<vmem>> -> memref<1x128xi32, #tpu.memory_space<vmem>>
      %dma_start3A_454 = tpu.memref_squeeze %dma_start3A_453 : memref<1x128xi32, #tpu.memory_space<vmem>> -> memref<128xi32, #tpu.memory_space<vmem>>
      %dma_start3A_455 = arith.constant 0 : i32
      %dma_start3A_456 = arith.constant 0 : i32
      %dma_start3A_457 = tpu.memref_slice %arg26[%dma_start3A_455, %dma_start3A_456] : memref<40960x32xf32, #tpu.memory_space<vmem_shared>> -> memref<40960x32xf32, #tpu.memory_space<vmem_shared>>
      tpu.enqueue_indirect_dma source(%dma_start3A_451 : memref<128x32xf32, #tpu.memory_space<vmem>>) target(%dma_start3A_457 : memref<40960x32xf32, #tpu.memory_space<vmem_shared>>) offsets(%dma_start3A_454 : memref<128xi32, #tpu.memory_space<vmem>>) semaphore(%arg31 : memref<!tpu.dma_semaphore, #tpu.memory_space<semaphore_mem>>) {add = true}
      %dma_start3A_458 = arith.constant 1 : i32
      %dma_start3A_459 = arith.constant 128 : i32
      %dma_start3A_460 = arith.constant 0 : i32
      %dma_start3A_461 = tpu.memref_slice %arg22[%dma_start3A_459, %dma_start3A_460] : memref<256x32xf32, #tpu.memory_space<vmem>> -> memref<128x32xf32, #tpu.memory_space<vmem>>
      %dma_start3A_462 = arith.constant 0 : i32
      %dma_start3A_463 = tpu.memref_slice %arg16[%dma_start3A_458, %dma_start3A_462] : memref<2x128xi32, #tpu.memory_space<vmem>> -> memref<1x128xi32, #tpu.memory_space<vmem>>
      %dma_start3A_464 = tpu.memref_squeeze %dma_start3A_463 : memref<1x128xi32, #tpu.memory_space<vmem>> -> memref<128xi32, #tpu.memory_space<vmem>>
      %dma_start3A_465 = arith.constant 0 : i32
      %dma_start3A_466 = arith.constant 0 : i32
      %dma_start3A_467 = tpu.memref_slice %arg26[%dma_start3A_465, %dma_start3A_466] : memref<40960x32xf32, #tpu.memory_space<vmem_shared>> -> memref<40960x32xf32, #tpu.memory_space<vmem_shared>>
      tpu.enqueue_indirect_dma source(%dma_start3A_461 : memref<128x32xf32, #tpu.memory_space<vmem>>) target(%dma_start3A_467 : memref<40960x32xf32, #tpu.memory_space<vmem_shared>>) offsets(%dma_start3A_464 : memref<128xi32, #tpu.memory_space<vmem>>) semaphore(%arg31 : memref<!tpu.dma_semaphore, #tpu.memory_space<semaphore_mem>>) {add = true}
    }
    %scan3A_26 = arith.constant 62 : i32
    %dma_wait3A = arith.constant 0 : i32
    %dma_wait3A_27 = arith.constant 0 : i32
    %dma_wait3A_28 = arith.constant 0 : i32
    %dma_wait3A_29 = tpu.memref_slice %arg21[%dma_wait3A_27, %dma_wait3A_28] : memref<256x32xf32, #tpu.memory_space<vmem>> -> memref<128x32xf32, #tpu.memory_space<vmem>>
    %dma_wait3A_30 = arith.constant 0 : i32
    %dma_wait3A_31 = tpu.memref_slice %arg15[%dma_wait3A, %dma_wait3A_30] : memref<2x128xi32, #tpu.memory_space<vmem>> -> memref<1x128xi32, #tpu.memory_space<vmem>>
    %dma_wait3A_32 = tpu.memref_squeeze %dma_wait3A_31 : memref<1x128xi32, #tpu.memory_space<vmem>> -> memref<128xi32, #tpu.memory_space<vmem>>
    %dma_wait3A_33 = arith.constant 0 : i32
    %dma_wait3A_34 = arith.constant 0 : i32
    %dma_wait3A_35 = tpu.memref_slice %arg26[%dma_wait3A_33, %dma_wait3A_34] : memref<40960x32xf32, #tpu.memory_space<vmem_shared>> -> memref<40960x32xf32, #tpu.memory_space<vmem_shared>>
    tpu.wait_indirect_dma semaphore(%arg31 : memref<!tpu.dma_semaphore, #tpu.memory_space<semaphore_mem>>) src(%dma_wait3A_29 : memref<128x32xf32, #tpu.memory_space<vmem>>) dst(%dma_wait3A_35 : memref<40960x32xf32, #tpu.memory_space<vmem_shared>>)
    %dma_wait3A_36 = arith.constant 1 : i32
    %dma_wait3A_37 = arith.constant 128 : i32
    %dma_wait3A_38 = arith.constant 0 : i32
    %dma_wait3A_39 = tpu.memref_slice %arg21[%dma_wait3A_37, %dma_wait3A_38] : memref<256x32xf32, #tpu.memory_space<vmem>> -> memref<128x32xf32, #tpu.memory_space<vmem>>
    %dma_wait3A_40 = arith.constant 0 : i32
    %dma_wait3A_41 = tpu.memref_slice %arg15[%dma_wait3A_36, %dma_wait3A_40] : memref<2x128xi32, #tpu.memory_space<vmem>> -> memref<1x128xi32, #tpu.memory_space<vmem>>
    %dma_wait3A_42 = tpu.memref_squeeze %dma_wait3A_41 : memref<1x128xi32, #tpu.memory_space<vmem>> -> memref<128xi32, #tpu.memory_space<vmem>>
    %dma_wait3A_43 = arith.constant 0 : i32
    %dma_wait3A_44 = arith.constant 0 : i32
    %dma_wait3A_45 = tpu.memref_slice %arg26[%dma_wait3A_43, %dma_wait3A_44] : memref<40960x32xf32, #tpu.memory_space<vmem_shared>> -> memref<40960x32xf32, #tpu.memory_space<vmem_shared>>
    tpu.wait_indirect_dma semaphore(%arg31 : memref<!tpu.dma_semaphore, #tpu.memory_space<semaphore_mem>>) src(%dma_wait3A_39 : memref<128x32xf32, #tpu.memory_space<vmem>>) dst(%dma_wait3A_45 : memref<40960x32xf32, #tpu.memory_space<vmem_shared>>)
    %dma_wait3A_46 = arith.constant 0 : i32
    %dma_wait3A_47 = arith.constant 0 : i32
    %dma_wait3A_48 = arith.constant 0 : i32
    %dma_wait3A_49 = tpu.memref_slice %arg22[%dma_wait3A_47, %dma_wait3A_48] : memref<256x32xf32, #tpu.memory_space<vmem>> -> memref<128x32xf32, #tpu.memory_space<vmem>>
    %dma_wait3A_50 = arith.constant 0 : i32
    %dma_wait3A_51 = tpu.memref_slice %arg16[%dma_wait3A_46, %dma_wait3A_50] : memref<2x128xi32, #tpu.memory_space<vmem>> -> memref<1x128xi32, #tpu.memory_space<vmem>>
    %dma_wait3A_52 = tpu.memref_squeeze %dma_wait3A_51 : memref<1x128xi32, #tpu.memory_space<vmem>> -> memref<128xi32, #tpu.memory_space<vmem>>
    %dma_wait3A_53 = arith.constant 0 : i32
    %dma_wait3A_54 = arith.constant 0 : i32
    %dma_wait3A_55 = tpu.memref_slice %arg26[%dma_wait3A_53, %dma_wait3A_54] : memref<40960x32xf32, #tpu.memory_space<vmem_shared>> -> memref<40960x32xf32, #tpu.memory_space<vmem_shared>>
    tpu.wait_indirect_dma semaphore(%arg31 : memref<!tpu.dma_semaphore, #tpu.memory_space<semaphore_mem>>) src(%dma_wait3A_49 : memref<128x32xf32, #tpu.memory_space<vmem>>) dst(%dma_wait3A_55 : memref<40960x32xf32, #tpu.memory_space<vmem_shared>>)
    %dma_wait3A_56 = arith.constant 1 : i32
    %dma_wait3A_57 = arith.constant 128 : i32
    %dma_wait3A_58 = arith.constant 0 : i32
    %dma_wait3A_59 = tpu.memref_slice %arg22[%dma_wait3A_57, %dma_wait3A_58] : memref<256x32xf32, #tpu.memory_space<vmem>> -> memref<128x32xf32, #tpu.memory_space<vmem>>
    %dma_wait3A_60 = arith.constant 0 : i32
    %dma_wait3A_61 = tpu.memref_slice %arg16[%dma_wait3A_56, %dma_wait3A_60] : memref<2x128xi32, #tpu.memory_space<vmem>> -> memref<1x128xi32, #tpu.memory_space<vmem>>
    %dma_wait3A_62 = tpu.memref_squeeze %dma_wait3A_61 : memref<1x128xi32, #tpu.memory_space<vmem>> -> memref<128xi32, #tpu.memory_space<vmem>>
    %dma_wait3A_63 = arith.constant 0 : i32
    %dma_wait3A_64 = arith.constant 0 : i32
    %dma_wait3A_65 = tpu.memref_slice %arg26[%dma_wait3A_63, %dma_wait3A_64] : memref<40960x32xf32, #tpu.memory_space<vmem_shared>> -> memref<40960x32xf32, #tpu.memory_space<vmem_shared>>
    tpu.wait_indirect_dma semaphore(%arg31 : memref<!tpu.dma_semaphore, #tpu.memory_space<semaphore_mem>>) src(%dma_wait3A_59 : memref<128x32xf32, #tpu.memory_space<vmem>>) dst(%dma_wait3A_65 : memref<40960x32xf32, #tpu.memory_space<vmem_shared>>)
    %dma_wait3A_66 = arith.constant 0 : i32
    %dma_wait3A_67 = arith.constant 0 : i32
    %dma_wait3A_68 = tpu.memref_slice %arg2[%dma_wait3A_66, %dma_wait3A_67] : memref<160000x32xf32, #tpu.memory_space<hbm>> -> memref<160000x32xf32, #tpu.memory_space<hbm>>
    tpu.wait_indirect_dma semaphore(%arg30 : memref<!tpu.dma_semaphore, #tpu.memory_space<semaphore_mem>>) src(%dma_wait3A_68 : memref<160000x32xf32, #tpu.memory_space<hbm>>) dst(%arg23 : memref<256x32xf32, #tpu.memory_space<vmem>>)
    %dma_wait3A_69 = arith.constant 0 : i32
    %dma_wait3A_70 = arith.constant 0 : i32
    %dma_wait3A_71 = tpu.memref_slice %arg2[%dma_wait3A_69, %dma_wait3A_70] : memref<160000x32xf32, #tpu.memory_space<hbm>> -> memref<160000x32xf32, #tpu.memory_space<hbm>>
    tpu.wait_indirect_dma semaphore(%arg30 : memref<!tpu.dma_semaphore, #tpu.memory_space<semaphore_mem>>) src(%dma_wait3A_71 : memref<160000x32xf32, #tpu.memory_space<hbm>>) dst(%arg24 : memref<256x32xf32, #tpu.memory_space<vmem>>)
    %dma_start3A_72 = arith.constant 0 : i32
    %dma_start3A_73 = arith.constant 0 : i32
    %dma_start3A_74 = arith.constant 0 : i32
    %dma_start3A_75 = tpu.memref_slice %arg23[%dma_start3A_73, %dma_start3A_74] : memref<256x32xf32, #tpu.memory_space<vmem>> -> memref<128x32xf32, #tpu.memory_space<vmem>>
    %dma_start3A_76 = arith.constant 0 : i32
    %dma_start3A_77 = tpu.memref_slice %arg19[%dma_start3A_72, %dma_start3A_76] : memref<2x128xi32, #tpu.memory_space<vmem>> -> memref<1x128xi32, #tpu.memory_space<vmem>>
    %dma_start3A_78 = tpu.memref_squeeze %dma_start3A_77 : memref<1x128xi32, #tpu.memory_space<vmem>> -> memref<128xi32, #tpu.memory_space<vmem>>
    %dma_start3A_79 = arith.constant 0 : i32
    %dma_start3A_80 = arith.constant 0 : i32
    %dma_start3A_81 = tpu.memref_slice %arg26[%dma_start3A_79, %dma_start3A_80] : memref<40960x32xf32, #tpu.memory_space<vmem_shared>> -> memref<40960x32xf32, #tpu.memory_space<vmem_shared>>
    tpu.enqueue_indirect_dma source(%dma_start3A_75 : memref<128x32xf32, #tpu.memory_space<vmem>>) target(%dma_start3A_81 : memref<40960x32xf32, #tpu.memory_space<vmem_shared>>) offsets(%dma_start3A_78 : memref<128xi32, #tpu.memory_space<vmem>>) semaphore(%arg32 : memref<!tpu.dma_semaphore, #tpu.memory_space<semaphore_mem>>) {add = true}
    %dma_start3A_82 = arith.constant 1 : i32
    %dma_start3A_83 = arith.constant 128 : i32
    %dma_start3A_84 = arith.constant 0 : i32
    %dma_start3A_85 = tpu.memref_slice %arg23[%dma_start3A_83, %dma_start3A_84] : memref<256x32xf32, #tpu.memory_space<vmem>> -> memref<128x32xf32, #tpu.memory_space<vmem>>
    %dma_start3A_86 = arith.constant 0 : i32
    %dma_start3A_87 = tpu.memref_slice %arg19[%dma_start3A_82, %dma_start3A_86] : memref<2x128xi32, #tpu.memory_space<vmem>> -> memref<1x128xi32, #tpu.memory_space<vmem>>
    %dma_start3A_88 = tpu.memref_squeeze %dma_start3A_87 : memref<1x128xi32, #tpu.memory_space<vmem>> -> memref<128xi32, #tpu.memory_space<vmem>>
    %dma_start3A_89 = arith.constant 0 : i32
    %dma_start3A_90 = arith.constant 0 : i32
    %dma_start3A_91 = tpu.memref_slice %arg26[%dma_start3A_89, %dma_start3A_90] : memref<40960x32xf32, #tpu.memory_space<vmem_shared>> -> memref<40960x32xf32, #tpu.memory_space<vmem_shared>>
    tpu.enqueue_indirect_dma source(%dma_start3A_85 : memref<128x32xf32, #tpu.memory_space<vmem>>) target(%dma_start3A_91 : memref<40960x32xf32, #tpu.memory_space<vmem_shared>>) offsets(%dma_start3A_88 : memref<128xi32, #tpu.memory_space<vmem>>) semaphore(%arg32 : memref<!tpu.dma_semaphore, #tpu.memory_space<semaphore_mem>>) {add = true}
    %dma_start3A_92 = arith.constant 0 : i32
    %dma_start3A_93 = arith.constant 0 : i32
    %dma_start3A_94 = arith.constant 0 : i32
    %dma_start3A_95 = tpu.memref_slice %arg24[%dma_start3A_93, %dma_start3A_94] : memref<256x32xf32, #tpu.memory_space<vmem>> -> memref<128x32xf32, #tpu.memory_space<vmem>>
    %dma_start3A_96 = arith.constant 0 : i32
    %dma_start3A_97 = tpu.memref_slice %arg20[%dma_start3A_92, %dma_start3A_96] : memref<2x128xi32, #tpu.memory_space<vmem>> -> memref<1x128xi32, #tpu.memory_space<vmem>>
    %dma_start3A_98 = tpu.memref_squeeze %dma_start3A_97 : memref<1x128xi32, #tpu.memory_space<vmem>> -> memref<128xi32, #tpu.memory_space<vmem>>
    %dma_start3A_99 = arith.constant 0 : i32
    %dma_start3A_100 = arith.constant 0 : i32
    %dma_start3A_101 = tpu.memref_slice %arg26[%dma_start3A_99, %dma_start3A_100] : memref<40960x32xf32, #tpu.memory_space<vmem_shared>> -> memref<40960x32xf32, #tpu.memory_space<vmem_shared>>
    tpu.enqueue_indirect_dma source(%dma_start3A_95 : memref<128x32xf32, #tpu.memory_space<vmem>>) target(%dma_start3A_101 : memref<40960x32xf32, #tpu.memory_space<vmem_shared>>) offsets(%dma_start3A_98 : memref<128xi32, #tpu.memory_space<vmem>>) semaphore(%arg32 : memref<!tpu.dma_semaphore, #tpu.memory_space<semaphore_mem>>) {add = true}
    %dma_start3A_102 = arith.constant 1 : i32
    %dma_start3A_103 = arith.constant 128 : i32
    %dma_start3A_104 = arith.constant 0 : i32
    %dma_start3A_105 = tpu.memref_slice %arg24[%dma_start3A_103, %dma_start3A_104] : memref<256x32xf32, #tpu.memory_space<vmem>> -> memref<128x32xf32, #tpu.memory_space<vmem>>
    %dma_start3A_106 = arith.constant 0 : i32
    %dma_start3A_107 = tpu.memref_slice %arg20[%dma_start3A_102, %dma_start3A_106] : memref<2x128xi32, #tpu.memory_space<vmem>> -> memref<1x128xi32, #tpu.memory_space<vmem>>
    %dma_start3A_108 = tpu.memref_squeeze %dma_start3A_107 : memref<1x128xi32, #tpu.memory_space<vmem>> -> memref<128xi32, #tpu.memory_space<vmem>>
    %dma_start3A_109 = arith.constant 0 : i32
    %dma_start3A_110 = arith.constant 0 : i32
    %dma_start3A_111 = tpu.memref_slice %arg26[%dma_start3A_109, %dma_start3A_110] : memref<40960x32xf32, #tpu.memory_space<vmem_shared>> -> memref<40960x32xf32, #tpu.memory_space<vmem_shared>>
    tpu.enqueue_indirect_dma source(%dma_start3A_105 : memref<128x32xf32, #tpu.memory_space<vmem>>) target(%dma_start3A_111 : memref<40960x32xf32, #tpu.memory_space<vmem_shared>>) offsets(%dma_start3A_108 : memref<128xi32, #tpu.memory_space<vmem>>) semaphore(%arg32 : memref<!tpu.dma_semaphore, #tpu.memory_space<semaphore_mem>>) {add = true}
    %dma_wait3A_112 = arith.constant 0 : i32
    %dma_wait3A_113 = arith.constant 0 : i32
    %dma_wait3A_114 = arith.constant 0 : i32
    %dma_wait3A_115 = tpu.memref_slice %arg23[%dma_wait3A_113, %dma_wait3A_114] : memref<256x32xf32, #tpu.memory_space<vmem>> -> memref<128x32xf32, #tpu.memory_space<vmem>>
    %dma_wait3A_116 = arith.constant 0 : i32
    %dma_wait3A_117 = tpu.memref_slice %arg19[%dma_wait3A_112, %dma_wait3A_116] : memref<2x128xi32, #tpu.memory_space<vmem>> -> memref<1x128xi32, #tpu.memory_space<vmem>>
    %dma_wait3A_118 = tpu.memref_squeeze %dma_wait3A_117 : memref<1x128xi32, #tpu.memory_space<vmem>> -> memref<128xi32, #tpu.memory_space<vmem>>
    %dma_wait3A_119 = arith.constant 0 : i32
    %dma_wait3A_120 = arith.constant 0 : i32
    %dma_wait3A_121 = tpu.memref_slice %arg26[%dma_wait3A_119, %dma_wait3A_120] : memref<40960x32xf32, #tpu.memory_space<vmem_shared>> -> memref<40960x32xf32, #tpu.memory_space<vmem_shared>>
    tpu.wait_indirect_dma semaphore(%arg32 : memref<!tpu.dma_semaphore, #tpu.memory_space<semaphore_mem>>) src(%dma_wait3A_115 : memref<128x32xf32, #tpu.memory_space<vmem>>) dst(%dma_wait3A_121 : memref<40960x32xf32, #tpu.memory_space<vmem_shared>>)
    %dma_wait3A_122 = arith.constant 1 : i32
    %dma_wait3A_123 = arith.constant 128 : i32
    %dma_wait3A_124 = arith.constant 0 : i32
    %dma_wait3A_125 = tpu.memref_slice %arg23[%dma_wait3A_123, %dma_wait3A_124] : memref<256x32xf32, #tpu.memory_space<vmem>> -> memref<128x32xf32, #tpu.memory_space<vmem>>
    %dma_wait3A_126 = arith.constant 0 : i32
    %dma_wait3A_127 = tpu.memref_slice %arg19[%dma_wait3A_122, %dma_wait3A_126] : memref<2x128xi32, #tpu.memory_space<vmem>> -> memref<1x128xi32, #tpu.memory_space<vmem>>
    %dma_wait3A_128 = tpu.memref_squeeze %dma_wait3A_127 : memref<1x128xi32, #tpu.memory_space<vmem>> -> memref<128xi32, #tpu.memory_space<vmem>>
    %dma_wait3A_129 = arith.constant 0 : i32
    %dma_wait3A_130 = arith.constant 0 : i32
    %dma_wait3A_131 = tpu.memref_slice %arg26[%dma_wait3A_129, %dma_wait3A_130] : memref<40960x32xf32, #tpu.memory_space<vmem_shared>> -> memref<40960x32xf32, #tpu.memory_space<vmem_shared>>
    tpu.wait_indirect_dma semaphore(%arg32 : memref<!tpu.dma_semaphore, #tpu.memory_space<semaphore_mem>>) src(%dma_wait3A_125 : memref<128x32xf32, #tpu.memory_space<vmem>>) dst(%dma_wait3A_131 : memref<40960x32xf32, #tpu.memory_space<vmem_shared>>)
    %dma_wait3A_132 = arith.constant 0 : i32
    %dma_wait3A_133 = arith.constant 0 : i32
    %dma_wait3A_134 = arith.constant 0 : i32
    %dma_wait3A_135 = tpu.memref_slice %arg24[%dma_wait3A_133, %dma_wait3A_134] : memref<256x32xf32, #tpu.memory_space<vmem>> -> memref<128x32xf32, #tpu.memory_space<vmem>>
    %dma_wait3A_136 = arith.constant 0 : i32
    %dma_wait3A_137 = tpu.memref_slice %arg20[%dma_wait3A_132, %dma_wait3A_136] : memref<2x128xi32, #tpu.memory_space<vmem>> -> memref<1x128xi32, #tpu.memory_space<vmem>>
    %dma_wait3A_138 = tpu.memref_squeeze %dma_wait3A_137 : memref<1x128xi32, #tpu.memory_space<vmem>> -> memref<128xi32, #tpu.memory_space<vmem>>
    %dma_wait3A_139 = arith.constant 0 : i32
    %dma_wait3A_140 = arith.constant 0 : i32
    %dma_wait3A_141 = tpu.memref_slice %arg26[%dma_wait3A_139, %dma_wait3A_140] : memref<40960x32xf32, #tpu.memory_space<vmem_shared>> -> memref<40960x32xf32, #tpu.memory_space<vmem_shared>>
    tpu.wait_indirect_dma semaphore(%arg32 : memref<!tpu.dma_semaphore, #tpu.memory_space<semaphore_mem>>) src(%dma_wait3A_135 : memref<128x32xf32, #tpu.memory_space<vmem>>) dst(%dma_wait3A_141 : memref<40960x32xf32, #tpu.memory_space<vmem_shared>>)
    %dma_wait3A_142 = arith.constant 1 : i32
    %dma_wait3A_143 = arith.constant 128 : i32
    %dma_wait3A_144 = arith.constant 0 : i32
    %dma_wait3A_145 = tpu.memref_slice %arg24[%dma_wait3A_143, %dma_wait3A_144] : memref<256x32xf32, #tpu.memory_space<vmem>> -> memref<128x32xf32, #tpu.memory_space<vmem>>
    %dma_wait3A_146 = arith.constant 0 : i32
    %dma_wait3A_147 = tpu.memref_slice %arg20[%dma_wait3A_142, %dma_wait3A_146] : memref<2x128xi32, #tpu.memory_space<vmem>> -> memref<1x128xi32, #tpu.memory_space<vmem>>
    %dma_wait3A_148 = tpu.memref_squeeze %dma_wait3A_147 : memref<1x128xi32, #tpu.memory_space<vmem>> -> memref<128xi32, #tpu.memory_space<vmem>>
    %dma_wait3A_149 = arith.constant 0 : i32
    %dma_wait3A_150 = arith.constant 0 : i32
    %dma_wait3A_151 = tpu.memref_slice %arg26[%dma_wait3A_149, %dma_wait3A_150] : memref<40960x32xf32, #tpu.memory_space<vmem_shared>> -> memref<40960x32xf32, #tpu.memory_space<vmem_shared>>
    tpu.wait_indirect_dma semaphore(%arg32 : memref<!tpu.dma_semaphore, #tpu.memory_space<semaphore_mem>>) src(%dma_wait3A_145 : memref<128x32xf32, #tpu.memory_space<vmem>>) dst(%dma_wait3A_151 : memref<40960x32xf32, #tpu.memory_space<vmem_shared>>)
    %barrier3A_152 = arith.constant 0 : index
    tpu.barrier barrier_id(%barrier3A_152)
    %scan3A_153 = arith.constant 0 : i32
    %scan3A_154 = arith.constant 20 : i32
    %scan3A_155 = arith.addi %scan3A_153, %scan3A_154 : i32
    %scan3A_156 = arith.constant 1 : i32
    scf.for %scan3A_324 = %scan3A_153 to %scan3A_155 step %scan3A_156  : i32 {
      %mul3A_325 = arith.constant 1 : i32
      %mul3A_326 = arith.muli %scan3A_324, %mul3A_325 : i32
      %add3A_327 = arith.constant 0 : i32
      %add3A_328 = arith.addi %add3A_327, %mul3A_326 : i32
      %mul3A_329 = arith.constant 2500 : i32
      %mul3A_330 = arith.muli %arg1, %mul3A_329 : i32
      %mul3A_331 = arith.constant 128 : i32
      %mul3A_332 = arith.muli %add3A_328, %mul3A_331 : i32
      %min3A_333 = arith.constant 2372 : i32
      %min3A_334 = arith.minsi %mul3A_332, %min3A_333 : i32
      %add3A_335 = arith.addi %mul3A_330, %min3A_334 : i32
      %scan3A_336 = arith.constant 0 : i32
      %scan3A_337 = arith.constant 8 : i32
      %scan3A_338 = arith.addi %scan3A_336, %scan3A_337 : i32
      %scan3A_339 = arith.constant 1 : i32
      scf.for %scan3A_343 = %scan3A_336 to %scan3A_338 step %scan3A_339  : i32 {
        %mul3A_344 = arith.constant 1 : i32
        %mul3A_345 = arith.muli %scan3A_343, %mul3A_344 : i32
        %add3A_346 = arith.constant 0 : i32
        %add3A_347 = arith.addi %add3A_346, %mul3A_345 : i32
        %mul3A_348 = arith.constant 16 : i32
        %mul3A_349 = arith.muli %add3A_347, %mul3A_348 : i32
        %add3A_350 = arith.addi %add3A_335, %mul3A_349 : i32
        %add3A_351 = vector.broadcast %add3A_350 : i32 to vector<16xi32>
        %add3A_352 = arith.addi %add3A_351, %iota3A : vector<16xi32>
        %mul3A_353 = arith.constant 4 : i32
        %mul3A_354 = vector.broadcast %mul3A_353 : i32 to vector<16xi32>
        %mul3A_355 = arith.muli %add3A_352, %mul3A_354 : vector<16xi32>
        %add3A_356 = vector.broadcast %add3A_2 : i32 to vector<16xi32>
        %add3A_357 = arith.addi %mul3A_355, %add3A_356 : vector<16xi32>
        %mul3A_358 = arith.constant 16 : i32
        %mul3A_359 = arith.muli %add3A_347, %mul3A_358 : i32
        %swap3A = arith.index_cast %mul3A_359 : i32 to index
        %swap3A_360 = tpu.vector_load %arg25[%swap3A] {strides = array<i32>} : memref<128xi32, #tpu.memory_space<vmem>>, vector<16xi32>,
        %swap3A_361 = vector.shape_cast %swap3A_360 : vector<16xi32> to vector<16xi32>
        %swap3A_362 = vector.shape_cast %add3A_357 : vector<16xi32> to vector<16xi32>
        tpu.vector_store %arg25[%swap3A], %swap3A_362 {strides = array<i32>} : memref<128xi32, #tpu.memory_space<vmem>>, vector<16xi32>,
      }
      %scan3A_340 = arith.constant 8 : i32
      "tpu.region"() ({
        %run_scoped3A = tpu.sem_alloc : memref<!tpu.dma_semaphore, #tpu.memory_space<semaphore_mem>>
        %dma_start3A_343 = arith.constant 0 : i32
        %dma_start3A_344 = arith.constant 0 : i32
        %dma_start3A_345 = tpu.memref_slice %arg21[%dma_start3A_343, %dma_start3A_344] : memref<256x32xf32, #tpu.memory_space<vmem>> -> memref<128x32xf32, #tpu.memory_space<vmem>>
        %dma_start3A_346 = arith.constant 0 : i32
        %dma_start3A_347 = tpu.memref_slice %arg26[%add3A_335, %dma_start3A_346] : memref<40960x32xf32, #tpu.memory_space<vmem_shared>> -> memref<128x32xf32, #tpu.memory_space<vmem_shared>>
        %dma_start3A_348 = arith.constant 0 : i32
        %dma_start3A_349 = arith.constant 0 : i32
        %dma_start3A_350 = tpu.memref_slice %arg21[%dma_start3A_348, %dma_start3A_349] : memref<256x32xf32, #tpu.memory_space<vmem>> -> memref<128x32xf32, #tpu.memory_space<vmem>>
        %dma_start3A_351 = arith.constant 0 : i32
        %dma_start3A_352 = tpu.memref_slice %arg26[%add3A_335, %dma_start3A_351] : memref<40960x32xf32, #tpu.memory_space<vmem_shared>> -> memref<128x32xf32, #tpu.memory_space<vmem_shared>>
        tpu.enqueue_dma source(%dma_start3A_352 : memref<128x32xf32, #tpu.memory_space<vmem_shared>>) target(%dma_start3A_350 : memref<128x32xf32, #tpu.memory_space<vmem>>) target_semaphore(%run_scoped3A : memref<!tpu.dma_semaphore, #tpu.memory_space<semaphore_mem>>)
        %dma_wait3A_353 = arith.constant 0 : i32
        %dma_wait3A_354 = arith.constant 0 : i32
        %dma_wait3A_355 = tpu.memref_slice %arg21[%dma_wait3A_353, %dma_wait3A_354] : memref<256x32xf32, #tpu.memory_space<vmem>> -> memref<128x32xf32, #tpu.memory_space<vmem>>
        %dma_wait3A_356 = arith.constant 0 : i32
        %dma_wait3A_357 = tpu.memref_slice %arg26[%add3A_335, %dma_wait3A_356] : memref<40960x32xf32, #tpu.memory_space<vmem_shared>> -> memref<128x32xf32, #tpu.memory_space<vmem_shared>>
        %dma_wait3A_358 = arith.constant 0 : i32
        %dma_wait3A_359 = arith.constant 0 : i32
        %dma_wait3A_360 = tpu.memref_slice %arg21[%dma_wait3A_358, %dma_wait3A_359] : memref<256x32xf32, #tpu.memory_space<vmem>> -> memref<128x32xf32, #tpu.memory_space<vmem>>
        %dma_wait3A_361 = arith.constant 0 : i32
        %dma_wait3A_362 = tpu.memref_slice %arg26[%add3A_335, %dma_wait3A_361] : memref<40960x32xf32, #tpu.memory_space<vmem_shared>> -> memref<128x32xf32, #tpu.memory_space<vmem_shared>>
        tpu.wait_dma2 semaphore(%run_scoped3A : memref<!tpu.dma_semaphore, #tpu.memory_space<semaphore_mem>>) src(%dma_wait3A_362 : memref<128x32xf32, #tpu.memory_space<vmem_shared>>) dst(%dma_wait3A_360 : memref<128x32xf32, #tpu.memory_space<vmem>>)
        tpu.yield
      }) : () -> ()
      "tpu.region"() ({
        %run_scoped3A = tpu.sem_alloc : memref<!tpu.dma_semaphore, #tpu.memory_space<semaphore_mem>>
        %dma_start3A_343 = arith.constant 0 : i32
        %dma_start3A_344 = arith.constant 0 : i32
        %dma_start3A_345 = tpu.memref_slice %arg21[%dma_start3A_343, %dma_start3A_344] : memref<256x32xf32, #tpu.memory_space<vmem>> -> memref<128x32xf32, #tpu.memory_space<vmem>>
        %dma_start3A_346 = arith.constant 0 : i32
        %dma_start3A_347 = tpu.memref_slice %arg6[%add3A_335, %add3A_2, %dma_start3A_346] : memref<40000x8x32xf32, #tpu.memory_space<hbm>> -> memref<128x1x32xf32, #tpu.memory_space<hbm>>
        %dma_start3A_348 = tpu.memref_squeeze %dma_start3A_347 : memref<128x1x32xf32, #tpu.memory_space<hbm>> -> memref<128x32xf32, #tpu.memory_space<hbm>>
        %dma_start3A_349 = arith.constant 0 : i32
        %dma_start3A_350 = tpu.memref_slice %arg6[%add3A_335, %add3A_2, %dma_start3A_349] : memref<40000x8x32xf32, #tpu.memory_space<hbm>> -> memref<128x1x32xf32, #tpu.memory_space<hbm>>
        %dma_start3A_351 = tpu.memref_squeeze %dma_start3A_350 : memref<128x1x32xf32, #tpu.memory_space<hbm>> -> memref<128x32xf32, #tpu.memory_space<hbm>>
        %dma_start3A_352 = arith.constant 0 : i32
        %dma_start3A_353 = arith.constant 0 : i32
        %dma_start3A_354 = tpu.memref_slice %arg21[%dma_start3A_352, %dma_start3A_353] : memref<256x32xf32, #tpu.memory_space<vmem>> -> memref<128x32xf32, #tpu.memory_space<vmem>>
        tpu.enqueue_dma source(%dma_start3A_354 : memref<128x32xf32, #tpu.memory_space<vmem>>) target(%dma_start3A_351 : memref<128x32xf32, #tpu.memory_space<hbm>>) target_semaphore(%run_scoped3A : memref<!tpu.dma_semaphore, #tpu.memory_space<semaphore_mem>>)
        %dma_wait3A_355 = arith.constant 0 : i32
        %dma_wait3A_356 = arith.constant 0 : i32
        %dma_wait3A_357 = tpu.memref_slice %arg21[%dma_wait3A_355, %dma_wait3A_356] : memref<256x32xf32, #tpu.memory_space<vmem>> -> memref<128x32xf32, #tpu.memory_space<vmem>>
        %dma_wait3A_358 = arith.constant 0 : i32
        %dma_wait3A_359 = tpu.memref_slice %arg6[%add3A_335, %add3A_2, %dma_wait3A_358] : memref<40000x8x32xf32, #tpu.memory_space<hbm>> -> memref<128x1x32xf32, #tpu.memory_space<hbm>>
        %dma_wait3A_360 = tpu.memref_squeeze %dma_wait3A_359 : memref<128x1x32xf32, #tpu.memory_space<hbm>> -> memref<128x32xf32, #tpu.memory_space<hbm>>
        %dma_wait3A_361 = arith.constant 0 : i32
        %dma_wait3A_362 = tpu.memref_slice %arg6[%add3A_335, %add3A_2, %dma_wait3A_361] : memref<40000x8x32xf32, #tpu.memory_space<hbm>> -> memref<128x1x32xf32, #tpu.memory_space<hbm>>
        %dma_wait3A_363 = tpu.memref_squeeze %dma_wait3A_362 : memref<128x1x32xf32, #tpu.memory_space<hbm>> -> memref<128x32xf32, #tpu.memory_space<hbm>>
        %dma_wait3A_364 = arith.constant 0 : i32
        %dma_wait3A_365 = arith.constant 0 : i32
        %dma_wait3A_366 = tpu.memref_slice %arg21[%dma_wait3A_364, %dma_wait3A_365] : memref<256x32xf32, #tpu.memory_space<vmem>> -> memref<128x32xf32, #tpu.memory_space<vmem>>
        tpu.wait_dma2 semaphore(%run_scoped3A : memref<!tpu.dma_semaphore, #tpu.memory_space<semaphore_mem>>) src(%dma_wait3A_366 : memref<128x32xf32, #tpu.memory_space<vmem>>) dst(%dma_wait3A_363 : memref<128x32xf32, #tpu.memory_space<hbm>>)
        tpu.yield
      }) : () -> ()
      "tpu.region"() ({
        %run_scoped3A = tpu.sem_alloc : memref<!tpu.dma_semaphore, #tpu.memory_space<semaphore_mem>>
        %dma_start3A_343 = arith.constant 0 : i32
        %dma_start3A_344 = arith.constant 0 : i32
        %dma_start3A_345 = tpu.memref_slice %arg23[%dma_start3A_343, %dma_start3A_344] : memref<256x32xf32, #tpu.memory_space<vmem>> -> memref<128x32xf32, #tpu.memory_space<vmem>>
        %dma_start3A_346 = arith.constant 0 : i32
        %dma_start3A_347 = arith.constant 0 : i32
        %dma_start3A_348 = tpu.memref_slice %arg2[%dma_start3A_346, %dma_start3A_347] : memref<160000x32xf32, #tpu.memory_space<hbm>> -> memref<160000x32xf32, #tpu.memory_space<hbm>>
        tpu.enqueue_indirect_dma source(%dma_start3A_348 : memref<160000x32xf32, #tpu.memory_space<hbm>>) target(%dma_start3A_345 : memref<128x32xf32, #tpu.memory_space<vmem>>) offsets(%arg25 : memref<128xi32, #tpu.memory_space<vmem>>) semaphore(%run_scoped3A : memref<!tpu.dma_semaphore, #tpu.memory_space<semaphore_mem>>)
        %dma_wait3A_349 = arith.constant 0 : i32
        %dma_wait3A_350 = arith.constant 0 : i32
        %dma_wait3A_351 = tpu.memref_slice %arg23[%dma_wait3A_349, %dma_wait3A_350] : memref<256x32xf32, #tpu.memory_space<vmem>> -> memref<128x32xf32, #tpu.memory_space<vmem>>
        %dma_wait3A_352 = arith.constant 0 : i32
        %dma_wait3A_353 = arith.constant 0 : i32
        %dma_wait3A_354 = tpu.memref_slice %arg2[%dma_wait3A_352, %dma_wait3A_353] : memref<160000x32xf32, #tpu.memory_space<hbm>> -> memref<160000x32xf32, #tpu.memory_space<hbm>>
        tpu.wait_indirect_dma semaphore(%run_scoped3A : memref<!tpu.dma_semaphore, #tpu.memory_space<semaphore_mem>>) src(%dma_wait3A_354 : memref<160000x32xf32, #tpu.memory_space<hbm>>) dst(%dma_wait3A_351 : memref<128x32xf32, #tpu.memory_space<vmem>>)
        tpu.yield
      }) : () -> ()
      %add3A_341 = arith.constant 4 : i32
      %add3A_342 = arith.addi %add3A_341, %add3A_2 : i32
      "tpu.region"() ({
        %run_scoped3A = tpu.sem_alloc : memref<!tpu.dma_semaphore, #tpu.memory_space<semaphore_mem>>
        %dma_start3A_343 = arith.constant 0 : i32
        %dma_start3A_344 = arith.constant 0 : i32
        %dma_start3A_345 = tpu.memref_slice %arg23[%dma_start3A_343, %dma_start3A_344] : memref<256x32xf32, #tpu.memory_space<vmem>> -> memref<128x32xf32, #tpu.memory_space<vmem>>
        %dma_start3A_346 = arith.constant 0 : i32
        %dma_start3A_347 = tpu.memref_slice %arg6[%add3A_335, %add3A_342, %dma_start3A_346] : memref<40000x8x32xf32, #tpu.memory_space<hbm>> -> memref<128x1x32xf32, #tpu.memory_space<hbm>>
        %dma_start3A_348 = tpu.memref_squeeze %dma_start3A_347 : memref<128x1x32xf32, #tpu.memory_space<hbm>> -> memref<128x32xf32, #tpu.memory_space<hbm>>
        %dma_start3A_349 = arith.constant 0 : i32
        %dma_start3A_350 = tpu.memref_slice %arg6[%add3A_335, %add3A_342, %dma_start3A_349] : memref<40000x8x32xf32, #tpu.memory_space<hbm>> -> memref<128x1x32xf32, #tpu.memory_space<hbm>>
        %dma_start3A_351 = tpu.memref_squeeze %dma_start3A_350 : memref<128x1x32xf32, #tpu.memory_space<hbm>> -> memref<128x32xf32, #tpu.memory_space<hbm>>
        %dma_start3A_352 = arith.constant 0 : i32
        %dma_start3A_353 = arith.constant 0 : i32
        %dma_start3A_354 = tpu.memref_slice %arg23[%dma_start3A_352, %dma_start3A_353] : memref<256x32xf32, #tpu.memory_space<vmem>> -> memref<128x32xf32, #tpu.memory_space<vmem>>
        tpu.enqueue_dma source(%dma_start3A_354 : memref<128x32xf32, #tpu.memory_space<vmem>>) target(%dma_start3A_351 : memref<128x32xf32, #tpu.memory_space<hbm>>) target_semaphore(%run_scoped3A : memref<!tpu.dma_semaphore, #tpu.memory_space<semaphore_mem>>)
        %dma_wait3A_355 = arith.constant 0 : i32
        %dma_wait3A_356 = arith.constant 0 : i32
        %dma_wait3A_357 = tpu.memref_slice %arg23[%dma_wait3A_355, %dma_wait3A_356] : memref<256x32xf32, #tpu.memory_space<vmem>> -> memref<128x32xf32, #tpu.memory_space<vmem>>
        %dma_wait3A_358 = arith.constant 0 : i32
        %dma_wait3A_359 = tpu.memref_slice %arg6[%add3A_335, %add3A_342, %dma_wait3A_358] : memref<40000x8x32xf32, #tpu.memory_space<hbm>> -> memref<128x1x32xf32, #tpu.memory_space<hbm>>
        %dma_wait3A_360 = tpu.memref_squeeze %dma_wait3A_359 : memref<128x1x32xf32, #tpu.memory_space<hbm>> -> memref<128x32xf32, #tpu.memory_space<hbm>>
        %dma_wait3A_361 = arith.constant 0 : i32
        %dma_wait3A_362 = tpu.memref_slice %arg6[%add3A_335, %add3A_342, %dma_wait3A_361] : memref<40000x8x32xf32, #tpu.memory_space<hbm>> -> memref<128x1x32xf32, #tpu.memory_space<hbm>>
        %dma_wait3A_363 = tpu.memref_squeeze %dma_wait3A_362 : memref<128x1x32xf32, #tpu.memory_space<hbm>> -> memref<128x32xf32, #tpu.memory_space<hbm>>
        %dma_wait3A_364 = arith.constant 0 : i32
        %dma_wait3A_365 = arith.constant 0 : i32
        %dma_wait3A_366 = tpu.memref_slice %arg23[%dma_wait3A_364, %dma_wait3A_365] : memref<256x32xf32, #tpu.memory_space<vmem>> -> memref<128x32xf32, #tpu.memory_space<vmem>>
        tpu.wait_dma2 semaphore(%run_scoped3A : memref<!tpu.dma_semaphore, #tpu.memory_space<semaphore_mem>>) src(%dma_wait3A_366 : memref<128x32xf32, #tpu.memory_space<vmem>>) dst(%dma_wait3A_363 : memref<128x32xf32, #tpu.memory_space<hbm>>)
        tpu.yield
      }) : () -> ()
    }
    %scan3A_157 = arith.constant 20 : i32
    %barrier3A_158 = arith.constant 0 : index
    tpu.barrier barrier_id(%barrier3A_158)
    %mul3A_159 = arith.constant 2 : i32
    %mul3A_160 = arith.muli %arg0, %mul3A_159 : i32
    %add3A_161 = arith.constant 1 : i32
    %add3A_162 = arith.addi %mul3A_160, %add3A_161 : i32
    %scan3A_163 = arith.constant 0 : i32
    %scan3A_164 = arith.constant 256 : i32
    %scan3A_165 = arith.addi %scan3A_163, %scan3A_164 : i32
    %scan3A_166 = arith.constant 1 : i32
    scf.for %scan3A_324 = %scan3A_163 to %scan3A_165 step %scan3A_166  : i32 {
      %mul3A_325 = arith.constant 1 : i32
      %mul3A_326 = arith.muli %scan3A_324, %mul3A_325 : i32
      %add3A_327 = arith.constant 0 : i32
      %add3A_328 = arith.addi %add3A_327, %mul3A_326 : i32
      %swap3A = arith.index_cast %add3A_328 : i32 to index
      %swap3A_329 = arith.constant 0 : index
      %swap3A_330 = tpu.vector_load %arg21[%swap3A, %swap3A_329] {strides = array<i32>} : memref<256x32xf32, #tpu.memory_space<vmem>>, vector<1x16xf32>,
      %swap3A_331 = vector.shape_cast %swap3A_330 : vector<1x16xf32> to vector<16xf32>
      %swap3A_332 = vector.shape_cast %broadcast_in_dim3A_0 : vector<16xf32> to vector<1x16xf32>
      tpu.vector_store %arg21[%swap3A, %swap3A_329], %swap3A_332 {strides = array<i32>} : memref<256x32xf32, #tpu.memory_space<vmem>>, vector<1x16xf32>,
      %swap3A_333 = arith.index_cast %add3A_328 : i32 to index
      %swap3A_334 = arith.constant 16 : index
      %swap3A_335 = tpu.vector_load %arg21[%swap3A_333, %swap3A_334] {strides = array<i32>} : memref<256x32xf32, #tpu.memory_space<vmem>>, vector<1x16xf32>,
      %swap3A_336 = vector.shape_cast %swap3A_335 : vector<1x16xf32> to vector<16xf32>
      %swap3A_337 = vector.shape_cast %broadcast_in_dim3A_0 : vector<16xf32> to vector<1x16xf32>
      tpu.vector_store %arg21[%swap3A_333, %swap3A_334], %swap3A_337 {strides = array<i32>} : memref<256x32xf32, #tpu.memory_space<vmem>>, vector<1x16xf32>,
      %swap3A_338 = arith.index_cast %add3A_328 : i32 to index
      %swap3A_339 = arith.constant 0 : index
      %swap3A_340 = tpu.vector_load %arg23[%swap3A_338, %swap3A_339] {strides = array<i32>} : memref<256x32xf32, #tpu.memory_space<vmem>>, vector<1x16xf32>,
      %swap3A_341 = vector.shape_cast %swap3A_340 : vector<1x16xf32> to vector<16xf32>
      %swap3A_342 = vector.shape_cast %broadcast_in_dim3A_0 : vector<16xf32> to vector<1x16xf32>
      tpu.vector_store %arg23[%swap3A_338, %swap3A_339], %swap3A_342 {strides = array<i32>} : memref<256x32xf32, #tpu.memory_space<vmem>>, vector<1x16xf32>,
      %swap3A_343 = arith.index_cast %add3A_328 : i32 to index
      %swap3A_344 = arith.constant 16 : index
      %swap3A_345 = tpu.vector_load %arg23[%swap3A_343, %swap3A_344] {strides = array<i32>} : memref<256x32xf32, #tpu.memory_space<vmem>>, vector<1x16xf32>,
      %swap3A_346 = vector.shape_cast %swap3A_345 : vector<1x16xf32> to vector<16xf32>
      %swap3A_347 = vector.shape_cast %broadcast_in_dim3A_0 : vector<16xf32> to vector<1x16xf32>
      tpu.vector_store %arg23[%swap3A_343, %swap3A_344], %swap3A_347 {strides = array<i32>} : memref<256x32xf32, #tpu.memory_space<vmem>>, vector<1x16xf32>,
    }
    %scan3A_167 = arith.constant 256 : i32
    %scan3A_168 = arith.constant 0 : i32
    %scan3A_169 = arith.constant 5 : i32
    %scan3A_170 = arith.addi %scan3A_168, %scan3A_169 : i32
    %scan3A_171 = arith.constant 1 : i32
    scf.for %scan3A_324 = %scan3A_168 to %scan3A_170 step %scan3A_171  : i32 {
      %mul3A_325 = arith.constant 1 : i32
      %mul3A_326 = arith.muli %scan3A_324, %mul3A_325 : i32
      %add3A_327 = arith.constant 0 : i32
      %add3A_328 = arith.addi %add3A_327, %mul3A_326 : i32
      %mul3A_329 = arith.constant 2560 : i32
      %mul3A_330 = arith.muli %arg1, %mul3A_329 : i32
      %mul3A_331 = arith.constant 512 : i32
      %mul3A_332 = arith.muli %add3A_328, %mul3A_331 : i32
      %add3A_333 = arith.addi %mul3A_330, %mul3A_332 : i32
      "tpu.region"() ({
        %run_scoped3A = tpu.sem_alloc : memref<!tpu.dma_semaphore, #tpu.memory_space<semaphore_mem>>
        %dma_start3A_341 = arith.constant 0 : i32
        %dma_start3A_342 = tpu.memref_slice %arg26[%add3A_333, %dma_start3A_341] : memref<40960x32xf32, #tpu.memory_space<vmem_shared>> -> memref<256x32xf32, #tpu.memory_space<vmem_shared>>
        %dma_start3A_343 = arith.constant 0 : i32
        %dma_start3A_344 = tpu.memref_slice %arg26[%add3A_333, %dma_start3A_343] : memref<40960x32xf32, #tpu.memory_space<vmem_shared>> -> memref<256x32xf32, #tpu.memory_space<vmem_shared>>
        tpu.enqueue_dma source(%arg21 : memref<256x32xf32, #tpu.memory_space<vmem>>) target(%dma_start3A_344 : memref<256x32xf32, #tpu.memory_space<vmem_shared>>) target_semaphore(%run_scoped3A : memref<!tpu.dma_semaphore, #tpu.memory_space<semaphore_mem>>)
        %dma_wait3A_345 = arith.constant 0 : i32
        %dma_wait3A_346 = tpu.memref_slice %arg26[%add3A_333, %dma_wait3A_345] : memref<40960x32xf32, #tpu.memory_space<vmem_shared>> -> memref<256x32xf32, #tpu.memory_space<vmem_shared>>
        %dma_wait3A_347 = arith.constant 0 : i32
        %dma_wait3A_348 = tpu.memref_slice %arg26[%add3A_333, %dma_wait3A_347] : memref<40960x32xf32, #tpu.memory_space<vmem_shared>> -> memref<256x32xf32, #tpu.memory_space<vmem_shared>>
        tpu.wait_dma2 semaphore(%run_scoped3A : memref<!tpu.dma_semaphore, #tpu.memory_space<semaphore_mem>>) src(%arg21 : memref<256x32xf32, #tpu.memory_space<vmem>>) dst(%dma_wait3A_348 : memref<256x32xf32, #tpu.memory_space<vmem_shared>>)
        tpu.yield
      }) : () -> ()
      %mul3A_334 = arith.constant 2560 : i32
      %mul3A_335 = arith.muli %arg1, %mul3A_334 : i32
      %mul3A_336 = arith.constant 512 : i32
      %mul3A_337 = arith.muli %add3A_328, %mul3A_336 : i32
      %add3A_338 = arith.addi %mul3A_335, %mul3A_337 : i32
      %add3A_339 = arith.constant 256 : i32
      %add3A_340 = arith.addi %add3A_338, %add3A_339 : i32
      "tpu.region"() ({
        %run_scoped3A = tpu.sem_alloc : memref<!tpu.dma_semaphore, #tpu.memory_space<semaphore_mem>>
        %dma_start3A_341 = arith.constant 0 : i32
        %dma_start3A_342 = tpu.memref_slice %arg26[%add3A_340, %dma_start3A_341] : memref<40960x32xf32, #tpu.memory_space<vmem_shared>> -> memref<256x32xf32, #tpu.memory_space<vmem_shared>>
        %dma_start3A_343 = arith.constant 0 : i32
        %dma_start3A_344 = tpu.memref_slice %arg26[%add3A_340, %dma_start3A_343] : memref<40960x32xf32, #tpu.memory_space<vmem_shared>> -> memref<256x32xf32, #tpu.memory_space<vmem_shared>>
        tpu.enqueue_dma source(%arg23 : memref<256x32xf32, #tpu.memory_space<vmem>>) target(%dma_start3A_344 : memref<256x32xf32, #tpu.memory_space<vmem_shared>>) target_semaphore(%run_scoped3A : memref<!tpu.dma_semaphore, #tpu.memory_space<semaphore_mem>>)
        %dma_wait3A_345 = arith.constant 0 : i32
        %dma_wait3A_346 = tpu.memref_slice %arg26[%add3A_340, %dma_wait3A_345] : memref<40960x32xf32, #tpu.memory_space<vmem_shared>> -> memref<256x32xf32, #tpu.memory_space<vmem_shared>>
        %dma_wait3A_347 = arith.constant 0 : i32
        %dma_wait3A_348 = tpu.memref_slice %arg26[%add3A_340, %dma_wait3A_347] : memref<40960x32xf32, #tpu.memory_space<vmem_shared>> -> memref<256x32xf32, #tpu.memory_space<vmem_shared>>
        tpu.wait_dma2 semaphore(%run_scoped3A : memref<!tpu.dma_semaphore, #tpu.memory_space<semaphore_mem>>) src(%arg23 : memref<256x32xf32, #tpu.memory_space<vmem>>) dst(%dma_wait3A_348 : memref<256x32xf32, #tpu.memory_space<vmem_shared>>)
        tpu.yield
      }) : () -> ()
    }
    %scan3A_172 = arith.constant 5 : i32
    %barrier3A_173 = arith.constant 0 : index
    tpu.barrier barrier_id(%barrier3A_173)
    %add3A_174 = arith.constant 0 : i32
    %add3A_175 = arith.addi %add3A_174, %arg1 : i32
    %mul3A_176 = arith.constant 256 : i32
    %mul3A_177 = arith.muli %add3A_175, %mul3A_176 : i32
    %min3A_178 = arith.constant 499744 : i32
    %min3A_179 = arith.minsi %mul3A_177, %min3A_178 : i32
    %dma_start3A_180 = tpu.memref_slice %arg3[%min3A_179] : memref<500000xi32, #tpu.memory_space<hbm>> -> memref<256xi32, #tpu.memory_space<hbm>>
    %dma_start3A_181 = tpu.memref_slice %arg3[%min3A_179] : memref<500000xi32, #tpu.memory_space<hbm>> -> memref<256xi32, #tpu.memory_space<hbm>>
    tpu.enqueue_dma source(%dma_start3A_181 : memref<256xi32, #tpu.memory_space<hbm>>) target(%arg7 : memref<256xi32, #tpu.memory_space<vmem>>) target_semaphore(%arg27 : memref<!tpu.dma_semaphore, #tpu.memory_space<semaphore_mem>>)
    %dma_start3A_182 = tpu.memref_slice %arg4[%min3A_179] : memref<500000xi32, #tpu.memory_space<hbm>> -> memref<256xi32, #tpu.memory_space<hbm>>
    %dma_start3A_183 = tpu.memref_slice %arg4[%min3A_179] : memref<500000xi32, #tpu.memory_space<hbm>> -> memref<256xi32, #tpu.memory_space<hbm>>
    tpu.enqueue_dma source(%dma_start3A_183 : memref<256xi32, #tpu.memory_space<hbm>>) target(%arg8 : memref<256xi32, #tpu.memory_space<vmem>>) target_semaphore(%arg27 : memref<!tpu.dma_semaphore, #tpu.memory_space<semaphore_mem>>)
    %dma_start3A_184 = tpu.memref_slice %arg5[%min3A_179] : memref<500000xi32, #tpu.memory_space<hbm>> -> memref<256xi32, #tpu.memory_space<hbm>>
    %dma_start3A_185 = tpu.memref_slice %arg5[%min3A_179] : memref<500000xi32, #tpu.memory_space<hbm>> -> memref<256xi32, #tpu.memory_space<hbm>>
    tpu.enqueue_dma source(%dma_start3A_185 : memref<256xi32, #tpu.memory_space<hbm>>) target(%arg9 : memref<256xi32, #tpu.memory_space<vmem>>) target_semaphore(%arg27 : memref<!tpu.dma_semaphore, #tpu.memory_space<semaphore_mem>>)
    %scan3A_186 = arith.constant 0 : i32
    %scan3A_187 = arith.constant 62 : i32
    %scan3A_188 = arith.addi %scan3A_186, %scan3A_187 : i32
    %scan3A_189 = arith.constant 1 : i32
    scf.for %scan3A_324 = %scan3A_186 to %scan3A_188 step %scan3A_189  : i32 {
      %mul3A_325 = arith.constant 1 : i32
      %mul3A_326 = arith.muli %scan3A_324, %mul3A_325 : i32
      %add3A_327 = arith.constant 0 : i32
      %add3A_328 = arith.addi %add3A_327, %mul3A_326 : i32
      %mul3A_329 = arith.constant 2 : i32
      %mul3A_330 = arith.muli %add3A_328, %mul3A_329 : i32
      %add3A_331 = arith.constant 0 : i32
      %add3A_332 = arith.addi %mul3A_330, %add3A_331 : i32
      %add3A_333 = arith.constant 1 : i32
      %add3A_334 = arith.addi %add3A_332, %add3A_333 : i32
      %lt3A = arith.constant 124 : i32
      %lt3A_335 = arith.cmpi slt, %add3A_334, %lt3A : i32
      %convert_element_type3A = arith.extui %lt3A_335 : i1 to i32
      %cond3A = arith.constant 0 : i32
      %cond3A_336 = arith.cmpi ne, %convert_element_type3A, %cond3A : i32
      scf.if %cond3A_336 {
        %add3A_468 = arith.constant 1 : i32
        %add3A_469 = arith.addi %add3A_332, %add3A_468 : i32
        %mul3A_470 = arith.constant 16 : i32
        %mul3A_471 = arith.muli %add3A_469, %mul3A_470 : i32
        %add3A_472 = arith.addi %mul3A_471, %arg1 : i32
        %mul3A_473 = arith.constant 256 : i32
        %mul3A_474 = arith.muli %add3A_472, %mul3A_473 : i32
        %min3A_475 = arith.constant 499744 : i32
        %min3A_476 = arith.minsi %mul3A_474, %min3A_475 : i32
        %dma_start3A_477 = tpu.memref_slice %arg3[%min3A_476] : memref<500000xi32, #tpu.memory_space<hbm>> -> memref<256xi32, #tpu.memory_space<hbm>>
        %dma_start3A_478 = tpu.memref_slice %arg3[%min3A_476] : memref<500000xi32, #tpu.memory_space<hbm>> -> memref<256xi32, #tpu.memory_space<hbm>>
        tpu.enqueue_dma source(%dma_start3A_478 : memref<256xi32, #tpu.memory_space<hbm>>) target(%arg10 : memref<256xi32, #tpu.memory_space<vmem>>) target_semaphore(%arg28 : memref<!tpu.dma_semaphore, #tpu.memory_space<semaphore_mem>>)
        %dma_start3A_479 = tpu.memref_slice %arg4[%min3A_476] : memref<500000xi32, #tpu.memory_space<hbm>> -> memref<256xi32, #tpu.memory_space<hbm>>
        %dma_start3A_480 = tpu.memref_slice %arg4[%min3A_476] : memref<500000xi32, #tpu.memory_space<hbm>> -> memref<256xi32, #tpu.memory_space<hbm>>
        tpu.enqueue_dma source(%dma_start3A_480 : memref<256xi32, #tpu.memory_space<hbm>>) target(%arg11 : memref<256xi32, #tpu.memory_space<vmem>>) target_semaphore(%arg28 : memref<!tpu.dma_semaphore, #tpu.memory_space<semaphore_mem>>)
        %dma_start3A_481 = tpu.memref_slice %arg5[%min3A_476] : memref<500000xi32, #tpu.memory_space<hbm>> -> memref<256xi32, #tpu.memory_space<hbm>>
        %dma_start3A_482 = tpu.memref_slice %arg5[%min3A_476] : memref<500000xi32, #tpu.memory_space<hbm>> -> memref<256xi32, #tpu.memory_space<hbm>>
        tpu.enqueue_dma source(%dma_start3A_482 : memref<256xi32, #tpu.memory_space<hbm>>) target(%arg12 : memref<256xi32, #tpu.memory_space<vmem>>) target_semaphore(%arg28 : memref<!tpu.dma_semaphore, #tpu.memory_space<semaphore_mem>>)
      } else {
      }
      %ge3A = arith.constant 2 : i32
      %ge3A_337 = arith.cmpi sge, %add3A_332, %ge3A : i32
      %convert_element_type3A_338 = arith.extui %ge3A_337 : i1 to i32
      %cond3A_339 = arith.constant 0 : i32
      %cond3A_340 = arith.cmpi ne, %convert_element_type3A_338, %cond3A_339 : i32
      scf.if %cond3A_340 {
        %dma_wait3A_468 = arith.constant 0 : i32
        %dma_wait3A_469 = arith.constant 0 : i32
        %dma_wait3A_470 = arith.constant 0 : i32
        %dma_wait3A_471 = tpu.memref_slice %arg21[%dma_wait3A_469, %dma_wait3A_470] : memref<256x32xf32, #tpu.memory_space<vmem>> -> memref<128x32xf32, #tpu.memory_space<vmem>>
        %dma_wait3A_472 = arith.constant 0 : i32
        %dma_wait3A_473 = tpu.memref_slice %arg15[%dma_wait3A_468, %dma_wait3A_472] : memref<2x128xi32, #tpu.memory_space<vmem>> -> memref<1x128xi32, #tpu.memory_space<vmem>>
        %dma_wait3A_474 = tpu.memref_squeeze %dma_wait3A_473 : memref<1x128xi32, #tpu.memory_space<vmem>> -> memref<128xi32, #tpu.memory_space<vmem>>
        %dma_wait3A_475 = arith.constant 0 : i32
        %dma_wait3A_476 = arith.constant 0 : i32
        %dma_wait3A_477 = tpu.memref_slice %arg26[%dma_wait3A_475, %dma_wait3A_476] : memref<40960x32xf32, #tpu.memory_space<vmem_shared>> -> memref<40960x32xf32, #tpu.memory_space<vmem_shared>>
        tpu.wait_indirect_dma semaphore(%arg31 : memref<!tpu.dma_semaphore, #tpu.memory_space<semaphore_mem>>) src(%dma_wait3A_471 : memref<128x32xf32, #tpu.memory_space<vmem>>) dst(%dma_wait3A_477 : memref<40960x32xf32, #tpu.memory_space<vmem_shared>>)
        %dma_wait3A_478 = arith.constant 1 : i32
        %dma_wait3A_479 = arith.constant 128 : i32
        %dma_wait3A_480 = arith.constant 0 : i32
        %dma_wait3A_481 = tpu.memref_slice %arg21[%dma_wait3A_479, %dma_wait3A_480] : memref<256x32xf32, #tpu.memory_space<vmem>> -> memref<128x32xf32, #tpu.memory_space<vmem>>
        %dma_wait3A_482 = arith.constant 0 : i32
        %dma_wait3A_483 = tpu.memref_slice %arg15[%dma_wait3A_478, %dma_wait3A_482] : memref<2x128xi32, #tpu.memory_space<vmem>> -> memref<1x128xi32, #tpu.memory_space<vmem>>
        %dma_wait3A_484 = tpu.memref_squeeze %dma_wait3A_483 : memref<1x128xi32, #tpu.memory_space<vmem>> -> memref<128xi32, #tpu.memory_space<vmem>>
        %dma_wait3A_485 = arith.constant 0 : i32
        %dma_wait3A_486 = arith.constant 0 : i32
        %dma_wait3A_487 = tpu.memref_slice %arg26[%dma_wait3A_485, %dma_wait3A_486] : memref<40960x32xf32, #tpu.memory_space<vmem_shared>> -> memref<40960x32xf32, #tpu.memory_space<vmem_shared>>
        tpu.wait_indirect_dma semaphore(%arg31 : memref<!tpu.dma_semaphore, #tpu.memory_space<semaphore_mem>>) src(%dma_wait3A_481 : memref<128x32xf32, #tpu.memory_space<vmem>>) dst(%dma_wait3A_487 : memref<40960x32xf32, #tpu.memory_space<vmem_shared>>)
        %dma_wait3A_488 = arith.constant 0 : i32
        %dma_wait3A_489 = arith.constant 0 : i32
        %dma_wait3A_490 = arith.constant 0 : i32
        %dma_wait3A_491 = tpu.memref_slice %arg22[%dma_wait3A_489, %dma_wait3A_490] : memref<256x32xf32, #tpu.memory_space<vmem>> -> memref<128x32xf32, #tpu.memory_space<vmem>>
        %dma_wait3A_492 = arith.constant 0 : i32
        %dma_wait3A_493 = tpu.memref_slice %arg16[%dma_wait3A_488, %dma_wait3A_492] : memref<2x128xi32, #tpu.memory_space<vmem>> -> memref<1x128xi32, #tpu.memory_space<vmem>>
        %dma_wait3A_494 = tpu.memref_squeeze %dma_wait3A_493 : memref<1x128xi32, #tpu.memory_space<vmem>> -> memref<128xi32, #tpu.memory_space<vmem>>
        %dma_wait3A_495 = arith.constant 0 : i32
        %dma_wait3A_496 = arith.constant 0 : i32
        %dma_wait3A_497 = tpu.memref_slice %arg26[%dma_wait3A_495, %dma_wait3A_496] : memref<40960x32xf32, #tpu.memory_space<vmem_shared>> -> memref<40960x32xf32, #tpu.memory_space<vmem_shared>>
        tpu.wait_indirect_dma semaphore(%arg31 : memref<!tpu.dma_semaphore, #tpu.memory_space<semaphore_mem>>) src(%dma_wait3A_491 : memref<128x32xf32, #tpu.memory_space<vmem>>) dst(%dma_wait3A_497 : memref<40960x32xf32, #tpu.memory_space<vmem_shared>>)
        %dma_wait3A_498 = arith.constant 1 : i32
        %dma_wait3A_499 = arith.constant 128 : i32
        %dma_wait3A_500 = arith.constant 0 : i32
        %dma_wait3A_501 = tpu.memref_slice %arg22[%dma_wait3A_499, %dma_wait3A_500] : memref<256x32xf32, #tpu.memory_space<vmem>> -> memref<128x32xf32, #tpu.memory_space<vmem>>
        %dma_wait3A_502 = arith.constant 0 : i32
        %dma_wait3A_503 = tpu.memref_slice %arg16[%dma_wait3A_498, %dma_wait3A_502] : memref<2x128xi32, #tpu.memory_space<vmem>> -> memref<1x128xi32, #tpu.memory_space<vmem>>
        %dma_wait3A_504 = tpu.memref_squeeze %dma_wait3A_503 : memref<1x128xi32, #tpu.memory_space<vmem>> -> memref<128xi32, #tpu.memory_space<vmem>>
        %dma_wait3A_505 = arith.constant 0 : i32
        %dma_wait3A_506 = arith.constant 0 : i32
        %dma_wait3A_507 = tpu.memref_slice %arg26[%dma_wait3A_505, %dma_wait3A_506] : memref<40960x32xf32, #tpu.memory_space<vmem_shared>> -> memref<40960x32xf32, #tpu.memory_space<vmem_shared>>
        tpu.wait_indirect_dma semaphore(%arg31 : memref<!tpu.dma_semaphore, #tpu.memory_space<semaphore_mem>>) src(%dma_wait3A_501 : memref<128x32xf32, #tpu.memory_space<vmem>>) dst(%dma_wait3A_507 : memref<40960x32xf32, #tpu.memory_space<vmem_shared>>)
      } else {
      }
      %dma_wait3A_341 = arith.constant 0 : i32
      %dma_wait3A_342 = tpu.memref_slice %arg3[%dma_wait3A_341] : memref<500000xi32, #tpu.memory_space<hbm>> -> memref<256xi32, #tpu.memory_space<hbm>>
      %dma_wait3A_343 = arith.constant 0 : i32
      %dma_wait3A_344 = tpu.memref_slice %arg3[%dma_wait3A_343] : memref<500000xi32, #tpu.memory_space<hbm>> -> memref<256xi32, #tpu.memory_space<hbm>>
      tpu.wait_dma2 semaphore(%arg27 : memref<!tpu.dma_semaphore, #tpu.memory_space<semaphore_mem>>) src(%dma_wait3A_344 : memref<256xi32, #tpu.memory_space<hbm>>) dst(%arg7 : memref<256xi32, #tpu.memory_space<vmem>>)
      %dma_wait3A_345 = arith.constant 0 : i32
      %dma_wait3A_346 = tpu.memref_slice %arg4[%dma_wait3A_345] : memref<500000xi32, #tpu.memory_space<hbm>> -> memref<256xi32, #tpu.memory_space<hbm>>
      %dma_wait3A_347 = arith.constant 0 : i32
      %dma_wait3A_348 = tpu.memref_slice %arg4[%dma_wait3A_347] : memref<500000xi32, #tpu.memory_space<hbm>> -> memref<256xi32, #tpu.memory_space<hbm>>
      tpu.wait_dma2 semaphore(%arg27 : memref<!tpu.dma_semaphore, #tpu.memory_space<semaphore_mem>>) src(%dma_wait3A_348 : memref<256xi32, #tpu.memory_space<hbm>>) dst(%arg8 : memref<256xi32, #tpu.memory_space<vmem>>)
      %dma_wait3A_349 = arith.constant 0 : i32
      %dma_wait3A_350 = tpu.memref_slice %arg5[%dma_wait3A_349] : memref<500000xi32, #tpu.memory_space<hbm>> -> memref<256xi32, #tpu.memory_space<hbm>>
      %dma_wait3A_351 = arith.constant 0 : i32
      %dma_wait3A_352 = tpu.memref_slice %arg5[%dma_wait3A_351] : memref<500000xi32, #tpu.memory_space<hbm>> -> memref<256xi32, #tpu.memory_space<hbm>>
      tpu.wait_dma2 semaphore(%arg27 : memref<!tpu.dma_semaphore, #tpu.memory_space<semaphore_mem>>) src(%dma_wait3A_352 : memref<256xi32, #tpu.memory_space<hbm>>) dst(%arg9 : memref<256xi32, #tpu.memory_space<vmem>>)
      %mul3A_353 = arith.constant 16 : i32
      %mul3A_354 = arith.muli %add3A_332, %mul3A_353 : i32
      %add3A_355 = arith.addi %mul3A_354, %arg1 : i32
      %mul3A_356 = arith.constant 256 : i32
      %mul3A_357 = arith.muli %add3A_355, %mul3A_356 : i32
      %min3A_358 = arith.constant 499744 : i32
      %min3A_359 = arith.minsi %mul3A_357, %min3A_358 : i32
      %scan3A_360 = arith.constant 0 : i32
      %scan3A_361 = arith.constant 16 : i32
      %scan3A_362 = arith.addi %scan3A_360, %scan3A_361 : i32
      %scan3A_363 = arith.constant 4 : i32
      scf.for %scan3A_468 = %scan3A_360 to %scan3A_362 step %scan3A_363  : i32 {
        %mul3A_469 = arith.constant 1 : i32
        %mul3A_470 = arith.muli %scan3A_468, %mul3A_469 : i32
        %add3A_471 = arith.constant 0 : i32
        %add3A_472 = arith.addi %add3A_471, %mul3A_470 : i32
        %mul3A_473 = arith.constant 16 : i32
        %mul3A_474 = arith.muli %add3A_472, %mul3A_473 : i32
        %get3A = arith.index_cast %mul3A_474 : i32 to index
        %get3A_475 = tpu.vector_load %arg7[%get3A] {strides = array<i32>} : memref<256xi32, #tpu.memory_space<vmem>>, vector<16xi32>,
        %get3A_476 = vector.shape_cast %get3A_475 : vector<16xi32> to vector<16xi32>
        %get3A_477 = arith.index_cast %mul3A_474 : i32 to index
        %get3A_478 = tpu.vector_load %arg8[%get3A_477] {strides = array<i32>} : memref<256xi32, #tpu.memory_space<vmem>>, vector<16xi32>,
        %get3A_479 = vector.shape_cast %get3A_478 : vector<16xi32> to vector<16xi32>
        %get3A_480 = arith.index_cast %mul3A_474 : i32 to index
        %get3A_481 = tpu.vector_load %arg9[%get3A_480] {strides = array<i32>} : memref<256xi32, #tpu.memory_space<vmem>>, vector<16xi32>,
        %get3A_482 = vector.shape_cast %get3A_481 : vector<16xi32> to vector<16xi32>
        %mul3A_483 = arith.constant 10000 : i32
        %mul3A_484 = vector.broadcast %mul3A_483 : i32 to vector<16xi32>
        %mul3A_485 = arith.muli %get3A_476, %mul3A_484 : vector<16xi32>
        %add3A_486 = arith.addi %mul3A_485, %get3A_479 : vector<16xi32>
        %mul3A_487 = arith.constant 10000 : i32
        %mul3A_488 = vector.broadcast %mul3A_487 : i32 to vector<16xi32>
        %mul3A_489 = arith.muli %get3A_476, %mul3A_488 : vector<16xi32>
        %add3A_490 = arith.addi %mul3A_489, %get3A_482 : vector<16xi32>
        %add3A_491 = arith.addi %min3A_359, %mul3A_474 : i32
        %add3A_492 = vector.broadcast %add3A_491 : i32 to vector<16xi32>
        %add3A_493 = arith.addi %add3A_492, %iota3A : vector<16xi32>
        %ge3A_494 = vector.broadcast %mul3A_357 : i32 to vector<16xi32>
        %ge3A_495 = arith.cmpi sge, %add3A_493, %ge3A_494 : vector<16xi32>
        %jit3A = arith.constant 8 : i32
        %div3A = arith.divsi %add3A_472, %jit3A : i32
        %sign3A = arith.constant 0 : i32
        %sign3A_496 = arith.cmpi sgt, %add3A_472, %sign3A : i32
        %sign3A_497 = arith.extui %sign3A_496 : i1 to i32
        %sign3A_498 = arith.constant 0 : i32
        %sign3A_499 = arith.cmpi slt, %add3A_472, %sign3A_498 : i32
        %sign3A_500 = arith.extui %sign3A_499 : i1 to i32
        %sign3A_501 = arith.subi %sign3A_497, %sign3A_500 : i32
        %sign3A_502 = arith.constant 0 : i32
        %sign3A_503 = arith.cmpi sgt, %jit3A, %sign3A_502 : i32
        %sign3A_504 = arith.extui %sign3A_503 : i1 to i32
        %sign3A_505 = arith.constant 0 : i32
        %sign3A_506 = arith.cmpi slt, %jit3A, %sign3A_505 : i32
        %sign3A_507 = arith.extui %sign3A_506 : i1 to i32
        %sign3A_508 = arith.subi %sign3A_504, %sign3A_507 : i32
        %ne3A = arith.cmpi ne, %sign3A_501, %sign3A_508 : i32
        %rem3A = arith.remsi %add3A_472, %jit3A : i32
        %ne3A_509 = arith.constant 0 : i32
        %ne3A_510 = arith.cmpi ne, %rem3A, %ne3A_509 : i32
        %and3A = arith.andi %ne3A, %ne3A_510 : i1
        %sub3A = arith.constant 1 : i32
        %sub3A_511 = arith.subi %div3A, %sub3A : i32
        %select_n3A = arith.select %and3A, %sub3A_511, %div3A : i32
        %jit3A_512 = arith.constant 8 : i32
        %eq3A = arith.constant 0 : i32
        %eq3A_513 = arith.cmpi eq, %jit3A_512, %eq3A : i32
        %jit3A_514 = arith.constant 1 : i32
        %select_n3A_515 = arith.select %eq3A_513, %jit3A_514, %jit3A_512 : i32
        %rem3A_516 = arith.remsi %add3A_472, %select_n3A_515 : i32
        %ne3A_517 = arith.constant 0 : i32
        %ne3A_518 = arith.cmpi ne, %rem3A_516, %ne3A_517 : i32
        %lt3A_519 = arith.constant 0 : i32
        %lt3A_520 = arith.cmpi slt, %rem3A_516, %lt3A_519 : i32
        %lt3A_521 = arith.constant 0 : i32
        %lt3A_522 = arith.cmpi slt, %select_n3A_515, %lt3A_521 : i32
        %ne3A_523 = arith.xori %lt3A_520, %lt3A_522 : i1
        %and3A_524 = arith.andi %ne3A_523, %ne3A_518 : i1
        %add3A_525 = arith.addi %rem3A_516, %select_n3A_515 : i32
        %select_n3A_526 = arith.select %and3A_524, %add3A_525, %rem3A_516 : i32
        %mul3A_527 = arith.constant 16 : i32
        %mul3A_528 = arith.muli %select_n3A_526, %mul3A_527 : i32
        %mul3A_529 = arith.constant 4 : i32
        %mul3A_530 = vector.broadcast %mul3A_529 : i32 to vector<16xi32>
        %mul3A_531 = arith.muli %add3A_486, %mul3A_530 : vector<16xi32>
        %add3A_532 = vector.broadcast %add3A_162 : i32 to vector<16xi32>
        %add3A_533 = arith.addi %mul3A_531, %add3A_532 : vector<16xi32>
        %swap3A = arith.index_cast %mul3A_474 : i32 to index
        %swap3A_534 = tpu.vector_load %arg13[%swap3A] {strides = array<i32>} : memref<256xi32, #tpu.memory_space<vmem>>, vector<16xi32>,
        %swap3A_535 = vector.shape_cast %swap3A_534 : vector<16xi32> to vector<16xi32>
        %swap3A_536 = vector.shape_cast %add3A_533 : vector<16xi32> to vector<16xi32>
        tpu.vector_store %arg13[%swap3A], %swap3A_536 {strides = array<i32>} : memref<256xi32, #tpu.memory_space<vmem>>, vector<16xi32>,
        %mul3A_537 = arith.constant 4 : i32
        %mul3A_538 = vector.broadcast %mul3A_537 : i32 to vector<16xi32>
        %mul3A_539 = arith.muli %add3A_490, %mul3A_538 : vector<16xi32>
        %add3A_540 = vector.broadcast %add3A_162 : i32 to vector<16xi32>
        %add3A_541 = arith.addi %mul3A_539, %add3A_540 : vector<16xi32>
        %swap3A_542 = arith.index_cast %mul3A_474 : i32 to index
        %swap3A_543 = tpu.vector_load %arg14[%swap3A_542] {strides = array<i32>} : memref<256xi32, #tpu.memory_space<vmem>>, vector<16xi32>,
        %swap3A_544 = vector.shape_cast %swap3A_543 : vector<16xi32> to vector<16xi32>
        %swap3A_545 = vector.shape_cast %add3A_541 : vector<16xi32> to vector<16xi32>
        tpu.vector_store %arg14[%swap3A_542], %swap3A_545 {strides = array<i32>} : memref<256xi32, #tpu.memory_space<vmem>>, vector<16xi32>,
        %jit3A_546 = arith.constant 40000 : i32
        %broadcast_in_dim3A_547 = vector.broadcast %jit3A_546 : i32 to vector<16xi32>
        %select_n3A_548 = arith.select %ge3A_495, %add3A_490, %broadcast_in_dim3A_547 : vector<16xi1>, vector<16xi32>
        %swap3A_549 = arith.index_cast %select_n3A : i32 to index
        %swap3A_550 = arith.index_cast %mul3A_528 : i32 to index
        %swap3A_551 = tpu.vector_load %arg15[%swap3A_549, %swap3A_550] {strides = array<i32>} : memref<2x128xi32, #tpu.memory_space<vmem>>, vector<1x16xi32>,
        %swap3A_552 = vector.shape_cast %swap3A_551 : vector<1x16xi32> to vector<16xi32>
        %swap3A_553 = vector.shape_cast %select_n3A_548 : vector<16xi32> to vector<1x16xi32>
        tpu.vector_store %arg15[%swap3A_549, %swap3A_550], %swap3A_553 {strides = array<i32>} : memref<2x128xi32, #tpu.memory_space<vmem>>, vector<1x16xi32>,
        %jit3A_554 = arith.constant 40000 : i32
        %broadcast_in_dim3A_555 = vector.broadcast %jit3A_554 : i32 to vector<16xi32>
        %select_n3A_556 = arith.select %ge3A_495, %add3A_486, %broadcast_in_dim3A_555 : vector<16xi1>, vector<16xi32>
        %swap3A_557 = arith.index_cast %select_n3A : i32 to index
        %swap3A_558 = arith.index_cast %mul3A_528 : i32 to index
        %swap3A_559 = tpu.vector_load %arg16[%swap3A_557, %swap3A_558] {strides = array<i32>} : memref<2x128xi32, #tpu.memory_space<vmem>>, vector<1x16xi32>,
        %swap3A_560 = vector.shape_cast %swap3A_559 : vector<1x16xi32> to vector<16xi32>
        %swap3A_561 = vector.shape_cast %select_n3A_556 : vector<16xi32> to vector<1x16xi32>
        tpu.vector_store %arg16[%swap3A_557, %swap3A_558], %swap3A_561 {strides = array<i32>} : memref<2x128xi32, #tpu.memory_space<vmem>>, vector<1x16xi32>,
        %scan3A_562 = arith.constant 1 : i32
        %scan3A_563 = arith.addi %scan3A_468, %scan3A_562 : i32
        %mul3A_564 = arith.constant 1 : i32
        %mul3A_565 = arith.muli %scan3A_563, %mul3A_564 : i32
        %add3A_566 = arith.constant 0 : i32
        %add3A_567 = arith.addi %add3A_566, %mul3A_565 : i32
        %mul3A_568 = arith.constant 16 : i32
        %mul3A_569 = arith.muli %add3A_567, %mul3A_568 : i32
        %get3A_570 = arith.index_cast %mul3A_569 : i32 to index
        %get3A_571 = tpu.vector_load %arg7[%get3A_570] {strides = array<i32>} : memref<256xi32, #tpu.memory_space<vmem>>, vector<16xi32>,
        %get3A_572 = vector.shape_cast %get3A_571 : vector<16xi32> to vector<16xi32>
        %get3A_573 = arith.index_cast %mul3A_569 : i32 to index
        %get3A_574 = tpu.vector_load %arg8[%get3A_573] {strides = array<i32>} : memref<256xi32, #tpu.memory_space<vmem>>, vector<16xi32>,
        %get3A_575 = vector.shape_cast %get3A_574 : vector<16xi32> to vector<16xi32>
        %get3A_576 = arith.index_cast %mul3A_569 : i32 to index
        %get3A_577 = tpu.vector_load %arg9[%get3A_576] {strides = array<i32>} : memref<256xi32, #tpu.memory_space<vmem>>, vector<16xi32>,
        %get3A_578 = vector.shape_cast %get3A_577 : vector<16xi32> to vector<16xi32>
        %mul3A_579 = arith.constant 10000 : i32
        %mul3A_580 = vector.broadcast %mul3A_579 : i32 to vector<16xi32>
        %mul3A_581 = arith.muli %get3A_572, %mul3A_580 : vector<16xi32>
        %add3A_582 = arith.addi %mul3A_581, %get3A_575 : vector<16xi32>
        %mul3A_583 = arith.constant 10000 : i32
        %mul3A_584 = vector.broadcast %mul3A_583 : i32 to vector<16xi32>
        %mul3A_585 = arith.muli %get3A_572, %mul3A_584 : vector<16xi32>
        %add3A_586 = arith.addi %mul3A_585, %get3A_578 : vector<16xi32>
        %add3A_587 = arith.addi %min3A_359, %mul3A_569 : i32
        %add3A_588 = vector.broadcast %add3A_587 : i32 to vector<16xi32>
        %add3A_589 = arith.addi %add3A_588, %iota3A : vector<16xi32>
        %ge3A_590 = vector.broadcast %mul3A_357 : i32 to vector<16xi32>
        %ge3A_591 = arith.cmpi sge, %add3A_589, %ge3A_590 : vector<16xi32>
        %jit3A_592 = arith.constant 8 : i32
        %div3A_593 = arith.divsi %add3A_567, %jit3A_592 : i32
        %sign3A_594 = arith.constant 0 : i32
        %sign3A_595 = arith.cmpi sgt, %add3A_567, %sign3A_594 : i32
        %sign3A_596 = arith.extui %sign3A_595 : i1 to i32
        %sign3A_597 = arith.constant 0 : i32
        %sign3A_598 = arith.cmpi slt, %add3A_567, %sign3A_597 : i32
        %sign3A_599 = arith.extui %sign3A_598 : i1 to i32
        %sign3A_600 = arith.subi %sign3A_596, %sign3A_599 : i32
        %sign3A_601 = arith.constant 0 : i32
        %sign3A_602 = arith.cmpi sgt, %jit3A_592, %sign3A_601 : i32
        %sign3A_603 = arith.extui %sign3A_602 : i1 to i32
        %sign3A_604 = arith.constant 0 : i32
        %sign3A_605 = arith.cmpi slt, %jit3A_592, %sign3A_604 : i32
        %sign3A_606 = arith.extui %sign3A_605 : i1 to i32
        %sign3A_607 = arith.subi %sign3A_603, %sign3A_606 : i32
        %ne3A_608 = arith.cmpi ne, %sign3A_600, %sign3A_607 : i32
        %rem3A_609 = arith.remsi %add3A_567, %jit3A_592 : i32
        %ne3A_610 = arith.constant 0 : i32
        %ne3A_611 = arith.cmpi ne, %rem3A_609, %ne3A_610 : i32
        %and3A_612 = arith.andi %ne3A_608, %ne3A_611 : i1
        %sub3A_613 = arith.constant 1 : i32
        %sub3A_614 = arith.subi %div3A_593, %sub3A_613 : i32
        %select_n3A_615 = arith.select %and3A_612, %sub3A_614, %div3A_593 : i32
        %jit3A_616 = arith.constant 8 : i32
        %eq3A_617 = arith.constant 0 : i32
        %eq3A_618 = arith.cmpi eq, %jit3A_616, %eq3A_617 : i32
        %jit3A_619 = arith.constant 1 : i32
        %select_n3A_620 = arith.select %eq3A_618, %jit3A_619, %jit3A_616 : i32
        %rem3A_621 = arith.remsi %add3A_567, %select_n3A_620 : i32
        %ne3A_622 = arith.constant 0 : i32
        %ne3A_623 = arith.cmpi ne, %rem3A_621, %ne3A_622 : i32
        %lt3A_624 = arith.constant 0 : i32
        %lt3A_625 = arith.cmpi slt, %rem3A_621, %lt3A_624 : i32
        %lt3A_626 = arith.constant 0 : i32
        %lt3A_627 = arith.cmpi slt, %select_n3A_620, %lt3A_626 : i32
        %ne3A_628 = arith.xori %lt3A_625, %lt3A_627 : i1
        %and3A_629 = arith.andi %ne3A_628, %ne3A_623 : i1
        %add3A_630 = arith.addi %rem3A_621, %select_n3A_620 : i32
        %select_n3A_631 = arith.select %and3A_629, %add3A_630, %rem3A_621 : i32
        %mul3A_632 = arith.constant 16 : i32
        %mul3A_633 = arith.muli %select_n3A_631, %mul3A_632 : i32
        %mul3A_634 = arith.constant 4 : i32
        %mul3A_635 = vector.broadcast %mul3A_634 : i32 to vector<16xi32>
        %mul3A_636 = arith.muli %add3A_582, %mul3A_635 : vector<16xi32>
        %add3A_637 = vector.broadcast %add3A_162 : i32 to vector<16xi32>
        %add3A_638 = arith.addi %mul3A_636, %add3A_637 : vector<16xi32>
        %swap3A_639 = arith.index_cast %mul3A_569 : i32 to index
        %swap3A_640 = tpu.vector_load %arg13[%swap3A_639] {strides = array<i32>} : memref<256xi32, #tpu.memory_space<vmem>>, vector<16xi32>,
        %swap3A_641 = vector.shape_cast %swap3A_640 : vector<16xi32> to vector<16xi32>
        %swap3A_642 = vector.shape_cast %add3A_638 : vector<16xi32> to vector<16xi32>
        tpu.vector_store %arg13[%swap3A_639], %swap3A_642 {strides = array<i32>} : memref<256xi32, #tpu.memory_space<vmem>>, vector<16xi32>,
        %mul3A_643 = arith.constant 4 : i32
        %mul3A_644 = vector.broadcast %mul3A_643 : i32 to vector<16xi32>
        %mul3A_645 = arith.muli %add3A_586, %mul3A_644 : vector<16xi32>
        %add3A_646 = vector.broadcast %add3A_162 : i32 to vector<16xi32>
        %add3A_647 = arith.addi %mul3A_645, %add3A_646 : vector<16xi32>
        %swap3A_648 = arith.index_cast %mul3A_569 : i32 to index
        %swap3A_649 = tpu.vector_load %arg14[%swap3A_648] {strides = array<i32>} : memref<256xi32, #tpu.memory_space<vmem>>, vector<16xi32>,
        %swap3A_650 = vector.shape_cast %swap3A_649 : vector<16xi32> to vector<16xi32>
        %swap3A_651 = vector.shape_cast %add3A_647 : vector<16xi32> to vector<16xi32>
        tpu.vector_store %arg14[%swap3A_648], %swap3A_651 {strides = array<i32>} : memref<256xi32, #tpu.memory_space<vmem>>, vector<16xi32>,
        %jit3A_652 = arith.constant 40000 : i32
        %broadcast_in_dim3A_653 = vector.broadcast %jit3A_652 : i32 to vector<16xi32>
        %select_n3A_654 = arith.select %ge3A_591, %add3A_586, %broadcast_in_dim3A_653 : vector<16xi1>, vector<16xi32>
        %swap3A_655 = arith.index_cast %select_n3A_615 : i32 to index
        %swap3A_656 = arith.index_cast %mul3A_633 : i32 to index
        %swap3A_657 = tpu.vector_load %arg15[%swap3A_655, %swap3A_656] {strides = array<i32>} : memref<2x128xi32, #tpu.memory_space<vmem>>, vector<1x16xi32>,
        %swap3A_658 = vector.shape_cast %swap3A_657 : vector<1x16xi32> to vector<16xi32>
        %swap3A_659 = vector.shape_cast %select_n3A_654 : vector<16xi32> to vector<1x16xi32>
        tpu.vector_store %arg15[%swap3A_655, %swap3A_656], %swap3A_659 {strides = array<i32>} : memref<2x128xi32, #tpu.memory_space<vmem>>, vector<1x16xi32>,
        %jit3A_660 = arith.constant 40000 : i32
        %broadcast_in_dim3A_661 = vector.broadcast %jit3A_660 : i32 to vector<16xi32>
        %select_n3A_662 = arith.select %ge3A_591, %add3A_582, %broadcast_in_dim3A_661 : vector<16xi1>, vector<16xi32>
        %swap3A_663 = arith.index_cast %select_n3A_615 : i32 to index
        %swap3A_664 = arith.index_cast %mul3A_633 : i32 to index
        %swap3A_665 = tpu.vector_load %arg16[%swap3A_663, %swap3A_664] {strides = array<i32>} : memref<2x128xi32, #tpu.memory_space<vmem>>, vector<1x16xi32>,
        %swap3A_666 = vector.shape_cast %swap3A_665 : vector<1x16xi32> to vector<16xi32>
        %swap3A_667 = vector.shape_cast %select_n3A_662 : vector<16xi32> to vector<1x16xi32>
        tpu.vector_store %arg16[%swap3A_663, %swap3A_664], %swap3A_667 {strides = array<i32>} : memref<2x128xi32, #tpu.memory_space<vmem>>, vector<1x16xi32>,
        %scan3A_668 = arith.constant 2 : i32
        %scan3A_669 = arith.addi %scan3A_468, %scan3A_668 : i32
        %mul3A_670 = arith.constant 1 : i32
        %mul3A_671 = arith.muli %scan3A_669, %mul3A_670 : i32
        %add3A_672 = arith.constant 0 : i32
        %add3A_673 = arith.addi %add3A_672, %mul3A_671 : i32
        %mul3A_674 = arith.constant 16 : i32
        %mul3A_675 = arith.muli %add3A_673, %mul3A_674 : i32
        %get3A_676 = arith.index_cast %mul3A_675 : i32 to index
        %get3A_677 = tpu.vector_load %arg7[%get3A_676] {strides = array<i32>} : memref<256xi32, #tpu.memory_space<vmem>>, vector<16xi32>,
        %get3A_678 = vector.shape_cast %get3A_677 : vector<16xi32> to vector<16xi32>
        %get3A_679 = arith.index_cast %mul3A_675 : i32 to index
        %get3A_680 = tpu.vector_load %arg8[%get3A_679] {strides = array<i32>} : memref<256xi32, #tpu.memory_space<vmem>>, vector<16xi32>,
        %get3A_681 = vector.shape_cast %get3A_680 : vector<16xi32> to vector<16xi32>
        %get3A_682 = arith.index_cast %mul3A_675 : i32 to index
        %get3A_683 = tpu.vector_load %arg9[%get3A_682] {strides = array<i32>} : memref<256xi32, #tpu.memory_space<vmem>>, vector<16xi32>,
        %get3A_684 = vector.shape_cast %get3A_683 : vector<16xi32> to vector<16xi32>
        %mul3A_685 = arith.constant 10000 : i32
        %mul3A_686 = vector.broadcast %mul3A_685 : i32 to vector<16xi32>
        %mul3A_687 = arith.muli %get3A_678, %mul3A_686 : vector<16xi32>
        %add3A_688 = arith.addi %mul3A_687, %get3A_681 : vector<16xi32>
        %mul3A_689 = arith.constant 10000 : i32
        %mul3A_690 = vector.broadcast %mul3A_689 : i32 to vector<16xi32>
        %mul3A_691 = arith.muli %get3A_678, %mul3A_690 : vector<16xi32>
        %add3A_692 = arith.addi %mul3A_691, %get3A_684 : vector<16xi32>
        %add3A_693 = arith.addi %min3A_359, %mul3A_675 : i32
        %add3A_694 = vector.broadcast %add3A_693 : i32 to vector<16xi32>
        %add3A_695 = arith.addi %add3A_694, %iota3A : vector<16xi32>
        %ge3A_696 = vector.broadcast %mul3A_357 : i32 to vector<16xi32>
        %ge3A_697 = arith.cmpi sge, %add3A_695, %ge3A_696 : vector<16xi32>
        %jit3A_698 = arith.constant 8 : i32
        %div3A_699 = arith.divsi %add3A_673, %jit3A_698 : i32
        %sign3A_700 = arith.constant 0 : i32
        %sign3A_701 = arith.cmpi sgt, %add3A_673, %sign3A_700 : i32
        %sign3A_702 = arith.extui %sign3A_701 : i1 to i32
        %sign3A_703 = arith.constant 0 : i32
        %sign3A_704 = arith.cmpi slt, %add3A_673, %sign3A_703 : i32
        %sign3A_705 = arith.extui %sign3A_704 : i1 to i32
        %sign3A_706 = arith.subi %sign3A_702, %sign3A_705 : i32
        %sign3A_707 = arith.constant 0 : i32
        %sign3A_708 = arith.cmpi sgt, %jit3A_698, %sign3A_707 : i32
        %sign3A_709 = arith.extui %sign3A_708 : i1 to i32
        %sign3A_710 = arith.constant 0 : i32
        %sign3A_711 = arith.cmpi slt, %jit3A_698, %sign3A_710 : i32
        %sign3A_712 = arith.extui %sign3A_711 : i1 to i32
        %sign3A_713 = arith.subi %sign3A_709, %sign3A_712 : i32
        %ne3A_714 = arith.cmpi ne, %sign3A_706, %sign3A_713 : i32
        %rem3A_715 = arith.remsi %add3A_673, %jit3A_698 : i32
        %ne3A_716 = arith.constant 0 : i32
        %ne3A_717 = arith.cmpi ne, %rem3A_715, %ne3A_716 : i32
        %and3A_718 = arith.andi %ne3A_714, %ne3A_717 : i1
        %sub3A_719 = arith.constant 1 : i32
        %sub3A_720 = arith.subi %div3A_699, %sub3A_719 : i32
        %select_n3A_721 = arith.select %and3A_718, %sub3A_720, %div3A_699 : i32
        %jit3A_722 = arith.constant 8 : i32
        %eq3A_723 = arith.constant 0 : i32
        %eq3A_724 = arith.cmpi eq, %jit3A_722, %eq3A_723 : i32
        %jit3A_725 = arith.constant 1 : i32
        %select_n3A_726 = arith.select %eq3A_724, %jit3A_725, %jit3A_722 : i32
        %rem3A_727 = arith.remsi %add3A_673, %select_n3A_726 : i32
        %ne3A_728 = arith.constant 0 : i32
        %ne3A_729 = arith.cmpi ne, %rem3A_727, %ne3A_728 : i32
        %lt3A_730 = arith.constant 0 : i32
        %lt3A_731 = arith.cmpi slt, %rem3A_727, %lt3A_730 : i32
        %lt3A_732 = arith.constant 0 : i32
        %lt3A_733 = arith.cmpi slt, %select_n3A_726, %lt3A_732 : i32
        %ne3A_734 = arith.xori %lt3A_731, %lt3A_733 : i1
        %and3A_735 = arith.andi %ne3A_734, %ne3A_729 : i1
        %add3A_736 = arith.addi %rem3A_727, %select_n3A_726 : i32
        %select_n3A_737 = arith.select %and3A_735, %add3A_736, %rem3A_727 : i32
        %mul3A_738 = arith.constant 16 : i32
        %mul3A_739 = arith.muli %select_n3A_737, %mul3A_738 : i32
        %mul3A_740 = arith.constant 4 : i32
        %mul3A_741 = vector.broadcast %mul3A_740 : i32 to vector<16xi32>
        %mul3A_742 = arith.muli %add3A_688, %mul3A_741 : vector<16xi32>
        %add3A_743 = vector.broadcast %add3A_162 : i32 to vector<16xi32>
        %add3A_744 = arith.addi %mul3A_742, %add3A_743 : vector<16xi32>
        %swap3A_745 = arith.index_cast %mul3A_675 : i32 to index
        %swap3A_746 = tpu.vector_load %arg13[%swap3A_745] {strides = array<i32>} : memref<256xi32, #tpu.memory_space<vmem>>, vector<16xi32>,
        %swap3A_747 = vector.shape_cast %swap3A_746 : vector<16xi32> to vector<16xi32>
        %swap3A_748 = vector.shape_cast %add3A_744 : vector<16xi32> to vector<16xi32>
        tpu.vector_store %arg13[%swap3A_745], %swap3A_748 {strides = array<i32>} : memref<256xi32, #tpu.memory_space<vmem>>, vector<16xi32>,
        %mul3A_749 = arith.constant 4 : i32
        %mul3A_750 = vector.broadcast %mul3A_749 : i32 to vector<16xi32>
        %mul3A_751 = arith.muli %add3A_692, %mul3A_750 : vector<16xi32>
        %add3A_752 = vector.broadcast %add3A_162 : i32 to vector<16xi32>
        %add3A_753 = arith.addi %mul3A_751, %add3A_752 : vector<16xi32>
        %swap3A_754 = arith.index_cast %mul3A_675 : i32 to index
        %swap3A_755 = tpu.vector_load %arg14[%swap3A_754] {strides = array<i32>} : memref<256xi32, #tpu.memory_space<vmem>>, vector<16xi32>,
        %swap3A_756 = vector.shape_cast %swap3A_755 : vector<16xi32> to vector<16xi32>
        %swap3A_757 = vector.shape_cast %add3A_753 : vector<16xi32> to vector<16xi32>
        tpu.vector_store %arg14[%swap3A_754], %swap3A_757 {strides = array<i32>} : memref<256xi32, #tpu.memory_space<vmem>>, vector<16xi32>,
        %jit3A_758 = arith.constant 40000 : i32
        %broadcast_in_dim3A_759 = vector.broadcast %jit3A_758 : i32 to vector<16xi32>
        %select_n3A_760 = arith.select %ge3A_697, %add3A_692, %broadcast_in_dim3A_759 : vector<16xi1>, vector<16xi32>
        %swap3A_761 = arith.index_cast %select_n3A_721 : i32 to index
        %swap3A_762 = arith.index_cast %mul3A_739 : i32 to index
        %swap3A_763 = tpu.vector_load %arg15[%swap3A_761, %swap3A_762] {strides = array<i32>} : memref<2x128xi32, #tpu.memory_space<vmem>>, vector<1x16xi32>,
        %swap3A_764 = vector.shape_cast %swap3A_763 : vector<1x16xi32> to vector<16xi32>
        %swap3A_765 = vector.shape_cast %select_n3A_760 : vector<16xi32> to vector<1x16xi32>
        tpu.vector_store %arg15[%swap3A_761, %swap3A_762], %swap3A_765 {strides = array<i32>} : memref<2x128xi32, #tpu.memory_space<vmem>>, vector<1x16xi32>,
        %jit3A_766 = arith.constant 40000 : i32
        %broadcast_in_dim3A_767 = vector.broadcast %jit3A_766 : i32 to vector<16xi32>
        %select_n3A_768 = arith.select %ge3A_697, %add3A_688, %broadcast_in_dim3A_767 : vector<16xi1>, vector<16xi32>
        %swap3A_769 = arith.index_cast %select_n3A_721 : i32 to index
        %swap3A_770 = arith.index_cast %mul3A_739 : i32 to index
        %swap3A_771 = tpu.vector_load %arg16[%swap3A_769, %swap3A_770] {strides = array<i32>} : memref<2x128xi32, #tpu.memory_space<vmem>>, vector<1x16xi32>,
        %swap3A_772 = vector.shape_cast %swap3A_771 : vector<1x16xi32> to vector<16xi32>
        %swap3A_773 = vector.shape_cast %select_n3A_768 : vector<16xi32> to vector<1x16xi32>
        tpu.vector_store %arg16[%swap3A_769, %swap3A_770], %swap3A_773 {strides = array<i32>} : memref<2x128xi32, #tpu.memory_space<vmem>>, vector<1x16xi32>,
        %scan3A_774 = arith.constant 3 : i32
        %scan3A_775 = arith.addi %scan3A_468, %scan3A_774 : i32
        %mul3A_776 = arith.constant 1 : i32
        %mul3A_777 = arith.muli %scan3A_775, %mul3A_776 : i32
        %add3A_778 = arith.constant 0 : i32
        %add3A_779 = arith.addi %add3A_778, %mul3A_777 : i32
        %mul3A_780 = arith.constant 16 : i32
        %mul3A_781 = arith.muli %add3A_779, %mul3A_780 : i32
        %get3A_782 = arith.index_cast %mul3A_781 : i32 to index
        %get3A_783 = tpu.vector_load %arg7[%get3A_782] {strides = array<i32>} : memref<256xi32, #tpu.memory_space<vmem>>, vector<16xi32>,
        %get3A_784 = vector.shape_cast %get3A_783 : vector<16xi32> to vector<16xi32>
        %get3A_785 = arith.index_cast %mul3A_781 : i32 to index
        %get3A_786 = tpu.vector_load %arg8[%get3A_785] {strides = array<i32>} : memref<256xi32, #tpu.memory_space<vmem>>, vector<16xi32>,
        %get3A_787 = vector.shape_cast %get3A_786 : vector<16xi32> to vector<16xi32>
        %get3A_788 = arith.index_cast %mul3A_781 : i32 to index
        %get3A_789 = tpu.vector_load %arg9[%get3A_788] {strides = array<i32>} : memref<256xi32, #tpu.memory_space<vmem>>, vector<16xi32>,
        %get3A_790 = vector.shape_cast %get3A_789 : vector<16xi32> to vector<16xi32>
        %mul3A_791 = arith.constant 10000 : i32
        %mul3A_792 = vector.broadcast %mul3A_791 : i32 to vector<16xi32>
        %mul3A_793 = arith.muli %get3A_784, %mul3A_792 : vector<16xi32>
        %add3A_794 = arith.addi %mul3A_793, %get3A_787 : vector<16xi32>
        %mul3A_795 = arith.constant 10000 : i32
        %mul3A_796 = vector.broadcast %mul3A_795 : i32 to vector<16xi32>
        %mul3A_797 = arith.muli %get3A_784, %mul3A_796 : vector<16xi32>
        %add3A_798 = arith.addi %mul3A_797, %get3A_790 : vector<16xi32>
        %add3A_799 = arith.addi %min3A_359, %mul3A_781 : i32
        %add3A_800 = vector.broadcast %add3A_799 : i32 to vector<16xi32>
        %add3A_801 = arith.addi %add3A_800, %iota3A : vector<16xi32>
        %ge3A_802 = vector.broadcast %mul3A_357 : i32 to vector<16xi32>
        %ge3A_803 = arith.cmpi sge, %add3A_801, %ge3A_802 : vector<16xi32>
        %jit3A_804 = arith.constant 8 : i32
        %div3A_805 = arith.divsi %add3A_779, %jit3A_804 : i32
        %sign3A_806 = arith.constant 0 : i32
        %sign3A_807 = arith.cmpi sgt, %add3A_779, %sign3A_806 : i32
        %sign3A_808 = arith.extui %sign3A_807 : i1 to i32
        %sign3A_809 = arith.constant 0 : i32
        %sign3A_810 = arith.cmpi slt, %add3A_779, %sign3A_809 : i32
        %sign3A_811 = arith.extui %sign3A_810 : i1 to i32
        %sign3A_812 = arith.subi %sign3A_808, %sign3A_811 : i32
        %sign3A_813 = arith.constant 0 : i32
        %sign3A_814 = arith.cmpi sgt, %jit3A_804, %sign3A_813 : i32
        %sign3A_815 = arith.extui %sign3A_814 : i1 to i32
        %sign3A_816 = arith.constant 0 : i32
        %sign3A_817 = arith.cmpi slt, %jit3A_804, %sign3A_816 : i32
        %sign3A_818 = arith.extui %sign3A_817 : i1 to i32
        %sign3A_819 = arith.subi %sign3A_815, %sign3A_818 : i32
        %ne3A_820 = arith.cmpi ne, %sign3A_812, %sign3A_819 : i32
        %rem3A_821 = arith.remsi %add3A_779, %jit3A_804 : i32
        %ne3A_822 = arith.constant 0 : i32
        %ne3A_823 = arith.cmpi ne, %rem3A_821, %ne3A_822 : i32
        %and3A_824 = arith.andi %ne3A_820, %ne3A_823 : i1
        %sub3A_825 = arith.constant 1 : i32
        %sub3A_826 = arith.subi %div3A_805, %sub3A_825 : i32
        %select_n3A_827 = arith.select %and3A_824, %sub3A_826, %div3A_805 : i32
        %jit3A_828 = arith.constant 8 : i32
        %eq3A_829 = arith.constant 0 : i32
        %eq3A_830 = arith.cmpi eq, %jit3A_828, %eq3A_829 : i32
        %jit3A_831 = arith.constant 1 : i32
        %select_n3A_832 = arith.select %eq3A_830, %jit3A_831, %jit3A_828 : i32
        %rem3A_833 = arith.remsi %add3A_779, %select_n3A_832 : i32
        %ne3A_834 = arith.constant 0 : i32
        %ne3A_835 = arith.cmpi ne, %rem3A_833, %ne3A_834 : i32
        %lt3A_836 = arith.constant 0 : i32
        %lt3A_837 = arith.cmpi slt, %rem3A_833, %lt3A_836 : i32
        %lt3A_838 = arith.constant 0 : i32
        %lt3A_839 = arith.cmpi slt, %select_n3A_832, %lt3A_838 : i32
        %ne3A_840 = arith.xori %lt3A_837, %lt3A_839 : i1
        %and3A_841 = arith.andi %ne3A_840, %ne3A_835 : i1
        %add3A_842 = arith.addi %rem3A_833, %select_n3A_832 : i32
        %select_n3A_843 = arith.select %and3A_841, %add3A_842, %rem3A_833 : i32
        %mul3A_844 = arith.constant 16 : i32
        %mul3A_845 = arith.muli %select_n3A_843, %mul3A_844 : i32
        %mul3A_846 = arith.constant 4 : i32
        %mul3A_847 = vector.broadcast %mul3A_846 : i32 to vector<16xi32>
        %mul3A_848 = arith.muli %add3A_794, %mul3A_847 : vector<16xi32>
        %add3A_849 = vector.broadcast %add3A_162 : i32 to vector<16xi32>
        %add3A_850 = arith.addi %mul3A_848, %add3A_849 : vector<16xi32>
        %swap3A_851 = arith.index_cast %mul3A_781 : i32 to index
        %swap3A_852 = tpu.vector_load %arg13[%swap3A_851] {strides = array<i32>} : memref<256xi32, #tpu.memory_space<vmem>>, vector<16xi32>,
        %swap3A_853 = vector.shape_cast %swap3A_852 : vector<16xi32> to vector<16xi32>
        %swap3A_854 = vector.shape_cast %add3A_850 : vector<16xi32> to vector<16xi32>
        tpu.vector_store %arg13[%swap3A_851], %swap3A_854 {strides = array<i32>} : memref<256xi32, #tpu.memory_space<vmem>>, vector<16xi32>,
        %mul3A_855 = arith.constant 4 : i32
        %mul3A_856 = vector.broadcast %mul3A_855 : i32 to vector<16xi32>
        %mul3A_857 = arith.muli %add3A_798, %mul3A_856 : vector<16xi32>
        %add3A_858 = vector.broadcast %add3A_162 : i32 to vector<16xi32>
        %add3A_859 = arith.addi %mul3A_857, %add3A_858 : vector<16xi32>
        %swap3A_860 = arith.index_cast %mul3A_781 : i32 to index
        %swap3A_861 = tpu.vector_load %arg14[%swap3A_860] {strides = array<i32>} : memref<256xi32, #tpu.memory_space<vmem>>, vector<16xi32>,
        %swap3A_862 = vector.shape_cast %swap3A_861 : vector<16xi32> to vector<16xi32>
        %swap3A_863 = vector.shape_cast %add3A_859 : vector<16xi32> to vector<16xi32>
        tpu.vector_store %arg14[%swap3A_860], %swap3A_863 {strides = array<i32>} : memref<256xi32, #tpu.memory_space<vmem>>, vector<16xi32>,
        %jit3A_864 = arith.constant 40000 : i32
        %broadcast_in_dim3A_865 = vector.broadcast %jit3A_864 : i32 to vector<16xi32>
        %select_n3A_866 = arith.select %ge3A_803, %add3A_798, %broadcast_in_dim3A_865 : vector<16xi1>, vector<16xi32>
        %swap3A_867 = arith.index_cast %select_n3A_827 : i32 to index
        %swap3A_868 = arith.index_cast %mul3A_845 : i32 to index
        %swap3A_869 = tpu.vector_load %arg15[%swap3A_867, %swap3A_868] {strides = array<i32>} : memref<2x128xi32, #tpu.memory_space<vmem>>, vector<1x16xi32>,
        %swap3A_870 = vector.shape_cast %swap3A_869 : vector<1x16xi32> to vector<16xi32>
        %swap3A_871 = vector.shape_cast %select_n3A_866 : vector<16xi32> to vector<1x16xi32>
        tpu.vector_store %arg15[%swap3A_867, %swap3A_868], %swap3A_871 {strides = array<i32>} : memref<2x128xi32, #tpu.memory_space<vmem>>, vector<1x16xi32>,
        %jit3A_872 = arith.constant 40000 : i32
        %broadcast_in_dim3A_873 = vector.broadcast %jit3A_872 : i32 to vector<16xi32>
        %select_n3A_874 = arith.select %ge3A_803, %add3A_794, %broadcast_in_dim3A_873 : vector<16xi1>, vector<16xi32>
        %swap3A_875 = arith.index_cast %select_n3A_827 : i32 to index
        %swap3A_876 = arith.index_cast %mul3A_845 : i32 to index
        %swap3A_877 = tpu.vector_load %arg16[%swap3A_875, %swap3A_876] {strides = array<i32>} : memref<2x128xi32, #tpu.memory_space<vmem>>, vector<1x16xi32>,
        %swap3A_878 = vector.shape_cast %swap3A_877 : vector<1x16xi32> to vector<16xi32>
        %swap3A_879 = vector.shape_cast %select_n3A_874 : vector<16xi32> to vector<1x16xi32>
        tpu.vector_store %arg16[%swap3A_875, %swap3A_876], %swap3A_879 {strides = array<i32>} : memref<2x128xi32, #tpu.memory_space<vmem>>, vector<1x16xi32>,
      }
      %scan3A_364 = arith.constant 16 : i32
      %dma_start3A_365 = arith.constant 0 : i32
      %dma_start3A_366 = arith.constant 0 : i32
      %dma_start3A_367 = tpu.memref_slice %arg2[%dma_start3A_365, %dma_start3A_366] : memref<160000x32xf32, #tpu.memory_space<hbm>> -> memref<160000x32xf32, #tpu.memory_space<hbm>>
      tpu.enqueue_indirect_dma source(%dma_start3A_367 : memref<160000x32xf32, #tpu.memory_space<hbm>>) target(%arg21 : memref<256x32xf32, #tpu.memory_space<vmem>>) offsets(%arg13 : memref<256xi32, #tpu.memory_space<vmem>>) semaphore(%arg29 : memref<!tpu.dma_semaphore, #tpu.memory_space<semaphore_mem>>)
      %dma_start3A_368 = arith.constant 0 : i32
      %dma_start3A_369 = arith.constant 0 : i32
      %dma_start3A_370 = tpu.memref_slice %arg2[%dma_start3A_368, %dma_start3A_369] : memref<160000x32xf32, #tpu.memory_space<hbm>> -> memref<160000x32xf32, #tpu.memory_space<hbm>>
      tpu.enqueue_indirect_dma source(%dma_start3A_370 : memref<160000x32xf32, #tpu.memory_space<hbm>>) target(%arg22 : memref<256x32xf32, #tpu.memory_space<vmem>>) offsets(%arg14 : memref<256xi32, #tpu.memory_space<vmem>>) semaphore(%arg29 : memref<!tpu.dma_semaphore, #tpu.memory_space<semaphore_mem>>)
      %ge3A_371 = arith.constant 1 : i32
      %ge3A_372 = arith.cmpi sge, %add3A_328, %ge3A_371 : i32
      %convert_element_type3A_373 = arith.extui %ge3A_372 : i1 to i32
      %cond3A_374 = arith.constant 0 : i32
      %cond3A_375 = arith.cmpi ne, %convert_element_type3A_373, %cond3A_374 : i32
      scf.if %cond3A_375 {
        %dma_wait3A_468 = arith.constant 0 : i32
        %dma_wait3A_469 = arith.constant 0 : i32
        %dma_wait3A_470 = tpu.memref_slice %arg2[%dma_wait3A_468, %dma_wait3A_469] : memref<160000x32xf32, #tpu.memory_space<hbm>> -> memref<160000x32xf32, #tpu.memory_space<hbm>>
        tpu.wait_indirect_dma semaphore(%arg30 : memref<!tpu.dma_semaphore, #tpu.memory_space<semaphore_mem>>) src(%dma_wait3A_470 : memref<160000x32xf32, #tpu.memory_space<hbm>>) dst(%arg23 : memref<256x32xf32, #tpu.memory_space<vmem>>)
        %dma_wait3A_471 = arith.constant 0 : i32
        %dma_wait3A_472 = arith.constant 0 : i32
        %dma_wait3A_473 = tpu.memref_slice %arg2[%dma_wait3A_471, %dma_wait3A_472] : memref<160000x32xf32, #tpu.memory_space<hbm>> -> memref<160000x32xf32, #tpu.memory_space<hbm>>
        tpu.wait_indirect_dma semaphore(%arg30 : memref<!tpu.dma_semaphore, #tpu.memory_space<semaphore_mem>>) src(%dma_wait3A_473 : memref<160000x32xf32, #tpu.memory_space<hbm>>) dst(%arg24 : memref<256x32xf32, #tpu.memory_space<vmem>>)
        %dma_start3A_474 = arith.constant 0 : i32
        %dma_start3A_475 = arith.constant 0 : i32
        %dma_start3A_476 = arith.constant 0 : i32
        %dma_start3A_477 = tpu.memref_slice %arg23[%dma_start3A_475, %dma_start3A_476] : memref<256x32xf32, #tpu.memory_space<vmem>> -> memref<128x32xf32, #tpu.memory_space<vmem>>
        %dma_start3A_478 = arith.constant 0 : i32
        %dma_start3A_479 = tpu.memref_slice %arg19[%dma_start3A_474, %dma_start3A_478] : memref<2x128xi32, #tpu.memory_space<vmem>> -> memref<1x128xi32, #tpu.memory_space<vmem>>
        %dma_start3A_480 = tpu.memref_squeeze %dma_start3A_479 : memref<1x128xi32, #tpu.memory_space<vmem>> -> memref<128xi32, #tpu.memory_space<vmem>>
        %dma_start3A_481 = arith.constant 0 : i32
        %dma_start3A_482 = arith.constant 0 : i32
        %dma_start3A_483 = tpu.memref_slice %arg26[%dma_start3A_481, %dma_start3A_482] : memref<40960x32xf32, #tpu.memory_space<vmem_shared>> -> memref<40960x32xf32, #tpu.memory_space<vmem_shared>>
        tpu.enqueue_indirect_dma source(%dma_start3A_477 : memref<128x32xf32, #tpu.memory_space<vmem>>) target(%dma_start3A_483 : memref<40960x32xf32, #tpu.memory_space<vmem_shared>>) offsets(%dma_start3A_480 : memref<128xi32, #tpu.memory_space<vmem>>) semaphore(%arg32 : memref<!tpu.dma_semaphore, #tpu.memory_space<semaphore_mem>>) {add = true}
        %dma_start3A_484 = arith.constant 1 : i32
        %dma_start3A_485 = arith.constant 128 : i32
        %dma_start3A_486 = arith.constant 0 : i32
        %dma_start3A_487 = tpu.memref_slice %arg23[%dma_start3A_485, %dma_start3A_486] : memref<256x32xf32, #tpu.memory_space<vmem>> -> memref<128x32xf32, #tpu.memory_space<vmem>>
        %dma_start3A_488 = arith.constant 0 : i32
        %dma_start3A_489 = tpu.memref_slice %arg19[%dma_start3A_484, %dma_start3A_488] : memref<2x128xi32, #tpu.memory_space<vmem>> -> memref<1x128xi32, #tpu.memory_space<vmem>>
        %dma_start3A_490 = tpu.memref_squeeze %dma_start3A_489 : memref<1x128xi32, #tpu.memory_space<vmem>> -> memref<128xi32, #tpu.memory_space<vmem>>
        %dma_start3A_491 = arith.constant 0 : i32
        %dma_start3A_492 = arith.constant 0 : i32
        %dma_start3A_493 = tpu.memref_slice %arg26[%dma_start3A_491, %dma_start3A_492] : memref<40960x32xf32, #tpu.memory_space<vmem_shared>> -> memref<40960x32xf32, #tpu.memory_space<vmem_shared>>
        tpu.enqueue_indirect_dma source(%dma_start3A_487 : memref<128x32xf32, #tpu.memory_space<vmem>>) target(%dma_start3A_493 : memref<40960x32xf32, #tpu.memory_space<vmem_shared>>) offsets(%dma_start3A_490 : memref<128xi32, #tpu.memory_space<vmem>>) semaphore(%arg32 : memref<!tpu.dma_semaphore, #tpu.memory_space<semaphore_mem>>) {add = true}
        %dma_start3A_494 = arith.constant 0 : i32
        %dma_start3A_495 = arith.constant 0 : i32
        %dma_start3A_496 = arith.constant 0 : i32
        %dma_start3A_497 = tpu.memref_slice %arg24[%dma_start3A_495, %dma_start3A_496] : memref<256x32xf32, #tpu.memory_space<vmem>> -> memref<128x32xf32, #tpu.memory_space<vmem>>
        %dma_start3A_498 = arith.constant 0 : i32
        %dma_start3A_499 = tpu.memref_slice %arg20[%dma_start3A_494, %dma_start3A_498] : memref<2x128xi32, #tpu.memory_space<vmem>> -> memref<1x128xi32, #tpu.memory_space<vmem>>
        %dma_start3A_500 = tpu.memref_squeeze %dma_start3A_499 : memref<1x128xi32, #tpu.memory_space<vmem>> -> memref<128xi32, #tpu.memory_space<vmem>>
        %dma_start3A_501 = arith.constant 0 : i32
        %dma_start3A_502 = arith.constant 0 : i32
        %dma_start3A_503 = tpu.memref_slice %arg26[%dma_start3A_501, %dma_start3A_502] : memref<40960x32xf32, #tpu.memory_space<vmem_shared>> -> memref<40960x32xf32, #tpu.memory_space<vmem_shared>>
        tpu.enqueue_indirect_dma source(%dma_start3A_497 : memref<128x32xf32, #tpu.memory_space<vmem>>) target(%dma_start3A_503 : memref<40960x32xf32, #tpu.memory_space<vmem_shared>>) offsets(%dma_start3A_500 : memref<128xi32, #tpu.memory_space<vmem>>) semaphore(%arg32 : memref<!tpu.dma_semaphore, #tpu.memory_space<semaphore_mem>>) {add = true}
        %dma_start3A_504 = arith.constant 1 : i32
        %dma_start3A_505 = arith.constant 128 : i32
        %dma_start3A_506 = arith.constant 0 : i32
        %dma_start3A_507 = tpu.memref_slice %arg24[%dma_start3A_505, %dma_start3A_506] : memref<256x32xf32, #tpu.memory_space<vmem>> -> memref<128x32xf32, #tpu.memory_space<vmem>>
        %dma_start3A_508 = arith.constant 0 : i32
        %dma_start3A_509 = tpu.memref_slice %arg20[%dma_start3A_504, %dma_start3A_508] : memref<2x128xi32, #tpu.memory_space<vmem>> -> memref<1x128xi32, #tpu.memory_space<vmem>>
        %dma_start3A_510 = tpu.memref_squeeze %dma_start3A_509 : memref<1x128xi32, #tpu.memory_space<vmem>> -> memref<128xi32, #tpu.memory_space<vmem>>
        %dma_start3A_511 = arith.constant 0 : i32
        %dma_start3A_512 = arith.constant 0 : i32
        %dma_start3A_513 = tpu.memref_slice %arg26[%dma_start3A_511, %dma_start3A_512] : memref<40960x32xf32, #tpu.memory_space<vmem_shared>> -> memref<40960x32xf32, #tpu.memory_space<vmem_shared>>
        tpu.enqueue_indirect_dma source(%dma_start3A_507 : memref<128x32xf32, #tpu.memory_space<vmem>>) target(%dma_start3A_513 : memref<40960x32xf32, #tpu.memory_space<vmem_shared>>) offsets(%dma_start3A_510 : memref<128xi32, #tpu.memory_space<vmem>>) semaphore(%arg32 : memref<!tpu.dma_semaphore, #tpu.memory_space<semaphore_mem>>) {add = true}
      } else {
      }
      %mul3A_376 = arith.constant 2 : i32
      %mul3A_377 = arith.muli %add3A_328, %mul3A_376 : i32
      %add3A_378 = arith.constant 1 : i32
      %add3A_379 = arith.addi %mul3A_377, %add3A_378 : i32
      %add3A_380 = arith.constant 1 : i32
      %add3A_381 = arith.addi %add3A_379, %add3A_380 : i32
      %lt3A_382 = arith.constant 124 : i32
      %lt3A_383 = arith.cmpi slt, %add3A_381, %lt3A_382 : i32
      %convert_element_type3A_384 = arith.extui %lt3A_383 : i1 to i32
      %cond3A_385 = arith.constant 0 : i32
      %cond3A_386 = arith.cmpi ne, %convert_element_type3A_384, %cond3A_385 : i32
      scf.if %cond3A_386 {
        %add3A_468 = arith.constant 1 : i32
        %add3A_469 = arith.addi %add3A_379, %add3A_468 : i32
        %mul3A_470 = arith.constant 16 : i32
        %mul3A_471 = arith.muli %add3A_469, %mul3A_470 : i32
        %add3A_472 = arith.addi %mul3A_471, %arg1 : i32
        %mul3A_473 = arith.constant 256 : i32
        %mul3A_474 = arith.muli %add3A_472, %mul3A_473 : i32
        %min3A_475 = arith.constant 499744 : i32
        %min3A_476 = arith.minsi %mul3A_474, %min3A_475 : i32
        %dma_start3A_477 = tpu.memref_slice %arg3[%min3A_476] : memref<500000xi32, #tpu.memory_space<hbm>> -> memref<256xi32, #tpu.memory_space<hbm>>
        %dma_start3A_478 = tpu.memref_slice %arg3[%min3A_476] : memref<500000xi32, #tpu.memory_space<hbm>> -> memref<256xi32, #tpu.memory_space<hbm>>
        tpu.enqueue_dma source(%dma_start3A_478 : memref<256xi32, #tpu.memory_space<hbm>>) target(%arg7 : memref<256xi32, #tpu.memory_space<vmem>>) target_semaphore(%arg27 : memref<!tpu.dma_semaphore, #tpu.memory_space<semaphore_mem>>)
        %dma_start3A_479 = tpu.memref_slice %arg4[%min3A_476] : memref<500000xi32, #tpu.memory_space<hbm>> -> memref<256xi32, #tpu.memory_space<hbm>>
        %dma_start3A_480 = tpu.memref_slice %arg4[%min3A_476] : memref<500000xi32, #tpu.memory_space<hbm>> -> memref<256xi32, #tpu.memory_space<hbm>>
        tpu.enqueue_dma source(%dma_start3A_480 : memref<256xi32, #tpu.memory_space<hbm>>) target(%arg8 : memref<256xi32, #tpu.memory_space<vmem>>) target_semaphore(%arg27 : memref<!tpu.dma_semaphore, #tpu.memory_space<semaphore_mem>>)
        %dma_start3A_481 = tpu.memref_slice %arg5[%min3A_476] : memref<500000xi32, #tpu.memory_space<hbm>> -> memref<256xi32, #tpu.memory_space<hbm>>
        %dma_start3A_482 = tpu.memref_slice %arg5[%min3A_476] : memref<500000xi32, #tpu.memory_space<hbm>> -> memref<256xi32, #tpu.memory_space<hbm>>
        tpu.enqueue_dma source(%dma_start3A_482 : memref<256xi32, #tpu.memory_space<hbm>>) target(%arg9 : memref<256xi32, #tpu.memory_space<vmem>>) target_semaphore(%arg27 : memref<!tpu.dma_semaphore, #tpu.memory_space<semaphore_mem>>)
      } else {
      }
      %ge3A_387 = arith.constant 2 : i32
      %ge3A_388 = arith.cmpi sge, %add3A_379, %ge3A_387 : i32
      %convert_element_type3A_389 = arith.extui %ge3A_388 : i1 to i32
      %cond3A_390 = arith.constant 0 : i32
      %cond3A_391 = arith.cmpi ne, %convert_element_type3A_389, %cond3A_390 : i32
      scf.if %cond3A_391 {
        %dma_wait3A_468 = arith.constant 0 : i32
        %dma_wait3A_469 = arith.constant 0 : i32
        %dma_wait3A_470 = arith.constant 0 : i32
        %dma_wait3A_471 = tpu.memref_slice %arg23[%dma_wait3A_469, %dma_wait3A_470] : memref<256x32xf32, #tpu.memory_space<vmem>> -> memref<128x32xf32, #tpu.memory_space<vmem>>
        %dma_wait3A_472 = arith.constant 0 : i32
        %dma_wait3A_473 = tpu.memref_slice %arg19[%dma_wait3A_468, %dma_wait3A_472] : memref<2x128xi32, #tpu.memory_space<vmem>> -> memref<1x128xi32, #tpu.memory_space<vmem>>
        %dma_wait3A_474 = tpu.memref_squeeze %dma_wait3A_473 : memref<1x128xi32, #tpu.memory_space<vmem>> -> memref<128xi32, #tpu.memory_space<vmem>>
        %dma_wait3A_475 = arith.constant 0 : i32
        %dma_wait3A_476 = arith.constant 0 : i32
        %dma_wait3A_477 = tpu.memref_slice %arg26[%dma_wait3A_475, %dma_wait3A_476] : memref<40960x32xf32, #tpu.memory_space<vmem_shared>> -> memref<40960x32xf32, #tpu.memory_space<vmem_shared>>
        tpu.wait_indirect_dma semaphore(%arg32 : memref<!tpu.dma_semaphore, #tpu.memory_space<semaphore_mem>>) src(%dma_wait3A_471 : memref<128x32xf32, #tpu.memory_space<vmem>>) dst(%dma_wait3A_477 : memref<40960x32xf32, #tpu.memory_space<vmem_shared>>)
        %dma_wait3A_478 = arith.constant 1 : i32
        %dma_wait3A_479 = arith.constant 128 : i32
        %dma_wait3A_480 = arith.constant 0 : i32
        %dma_wait3A_481 = tpu.memref_slice %arg23[%dma_wait3A_479, %dma_wait3A_480] : memref<256x32xf32, #tpu.memory_space<vmem>> -> memref<128x32xf32, #tpu.memory_space<vmem>>
        %dma_wait3A_482 = arith.constant 0 : i32
        %dma_wait3A_483 = tpu.memref_slice %arg19[%dma_wait3A_478, %dma_wait3A_482] : memref<2x128xi32, #tpu.memory_space<vmem>> -> memref<1x128xi32, #tpu.memory_space<vmem>>
        %dma_wait3A_484 = tpu.memref_squeeze %dma_wait3A_483 : memref<1x128xi32, #tpu.memory_space<vmem>> -> memref<128xi32, #tpu.memory_space<vmem>>
        %dma_wait3A_485 = arith.constant 0 : i32
        %dma_wait3A_486 = arith.constant 0 : i32
        %dma_wait3A_487 = tpu.memref_slice %arg26[%dma_wait3A_485, %dma_wait3A_486] : memref<40960x32xf32, #tpu.memory_space<vmem_shared>> -> memref<40960x32xf32, #tpu.memory_space<vmem_shared>>
        tpu.wait_indirect_dma semaphore(%arg32 : memref<!tpu.dma_semaphore, #tpu.memory_space<semaphore_mem>>) src(%dma_wait3A_481 : memref<128x32xf32, #tpu.memory_space<vmem>>) dst(%dma_wait3A_487 : memref<40960x32xf32, #tpu.memory_space<vmem_shared>>)
        %dma_wait3A_488 = arith.constant 0 : i32
        %dma_wait3A_489 = arith.constant 0 : i32
        %dma_wait3A_490 = arith.constant 0 : i32
        %dma_wait3A_491 = tpu.memref_slice %arg24[%dma_wait3A_489, %dma_wait3A_490] : memref<256x32xf32, #tpu.memory_space<vmem>> -> memref<128x32xf32, #tpu.memory_space<vmem>>
        %dma_wait3A_492 = arith.constant 0 : i32
        %dma_wait3A_493 = tpu.memref_slice %arg20[%dma_wait3A_488, %dma_wait3A_492] : memref<2x128xi32, #tpu.memory_space<vmem>> -> memref<1x128xi32, #tpu.memory_space<vmem>>
        %dma_wait3A_494 = tpu.memref_squeeze %dma_wait3A_493 : memref<1x128xi32, #tpu.memory_space<vmem>> -> memref<128xi32, #tpu.memory_space<vmem>>
        %dma_wait3A_495 = arith.constant 0 : i32
        %dma_wait3A_496 = arith.constant 0 : i32
        %dma_wait3A_497 = tpu.memref_slice %arg26[%dma_wait3A_495, %dma_wait3A_496] : memref<40960x32xf32, #tpu.memory_space<vmem_shared>> -> memref<40960x32xf32, #tpu.memory_space<vmem_shared>>
        tpu.wait_indirect_dma semaphore(%arg32 : memref<!tpu.dma_semaphore, #tpu.memory_space<semaphore_mem>>) src(%dma_wait3A_491 : memref<128x32xf32, #tpu.memory_space<vmem>>) dst(%dma_wait3A_497 : memref<40960x32xf32, #tpu.memory_space<vmem_shared>>)
        %dma_wait3A_498 = arith.constant 1 : i32
        %dma_wait3A_499 = arith.constant 128 : i32
        %dma_wait3A_500 = arith.constant 0 : i32
        %dma_wait3A_501 = tpu.memref_slice %arg24[%dma_wait3A_499, %dma_wait3A_500] : memref<256x32xf32, #tpu.memory_space<vmem>> -> memref<128x32xf32, #tpu.memory_space<vmem>>
        %dma_wait3A_502 = arith.constant 0 : i32
        %dma_wait3A_503 = tpu.memref_slice %arg20[%dma_wait3A_498, %dma_wait3A_502] : memref<2x128xi32, #tpu.memory_space<vmem>> -> memref<1x128xi32, #tpu.memory_space<vmem>>
        %dma_wait3A_504 = tpu.memref_squeeze %dma_wait3A_503 : memref<1x128xi32, #tpu.memory_space<vmem>> -> memref<128xi32, #tpu.memory_space<vmem>>
        %dma_wait3A_505 = arith.constant 0 : i32
        %dma_wait3A_506 = arith.constant 0 : i32
        %dma_wait3A_507 = tpu.memref_slice %arg26[%dma_wait3A_505, %dma_wait3A_506] : memref<40960x32xf32, #tpu.memory_space<vmem_shared>> -> memref<40960x32xf32, #tpu.memory_space<vmem_shared>>
        tpu.wait_indirect_dma semaphore(%arg32 : memref<!tpu.dma_semaphore, #tpu.memory_space<semaphore_mem>>) src(%dma_wait3A_501 : memref<128x32xf32, #tpu.memory_space<vmem>>) dst(%dma_wait3A_507 : memref<40960x32xf32, #tpu.memory_space<vmem_shared>>)
      } else {
      }
      %dma_wait3A_392 = arith.constant 0 : i32
      %dma_wait3A_393 = tpu.memref_slice %arg3[%dma_wait3A_392] : memref<500000xi32, #tpu.memory_space<hbm>> -> memref<256xi32, #tpu.memory_space<hbm>>
      %dma_wait3A_394 = arith.constant 0 : i32
      %dma_wait3A_395 = tpu.memref_slice %arg3[%dma_wait3A_394] : memref<500000xi32, #tpu.memory_space<hbm>> -> memref<256xi32, #tpu.memory_space<hbm>>
      tpu.wait_dma2 semaphore(%arg28 : memref<!tpu.dma_semaphore, #tpu.memory_space<semaphore_mem>>) src(%dma_wait3A_395 : memref<256xi32, #tpu.memory_space<hbm>>) dst(%arg10 : memref<256xi32, #tpu.memory_space<vmem>>)
      %dma_wait3A_396 = arith.constant 0 : i32
      %dma_wait3A_397 = tpu.memref_slice %arg4[%dma_wait3A_396] : memref<500000xi32, #tpu.memory_space<hbm>> -> memref<256xi32, #tpu.memory_space<hbm>>
      %dma_wait3A_398 = arith.constant 0 : i32
      %dma_wait3A_399 = tpu.memref_slice %arg4[%dma_wait3A_398] : memref<500000xi32, #tpu.memory_space<hbm>> -> memref<256xi32, #tpu.memory_space<hbm>>
      tpu.wait_dma2 semaphore(%arg28 : memref<!tpu.dma_semaphore, #tpu.memory_space<semaphore_mem>>) src(%dma_wait3A_399 : memref<256xi32, #tpu.memory_space<hbm>>) dst(%arg11 : memref<256xi32, #tpu.memory_space<vmem>>)
      %dma_wait3A_400 = arith.constant 0 : i32
      %dma_wait3A_401 = tpu.memref_slice %arg5[%dma_wait3A_400] : memref<500000xi32, #tpu.memory_space<hbm>> -> memref<256xi32, #tpu.memory_space<hbm>>
      %dma_wait3A_402 = arith.constant 0 : i32
      %dma_wait3A_403 = tpu.memref_slice %arg5[%dma_wait3A_402] : memref<500000xi32, #tpu.memory_space<hbm>> -> memref<256xi32, #tpu.memory_space<hbm>>
      tpu.wait_dma2 semaphore(%arg28 : memref<!tpu.dma_semaphore, #tpu.memory_space<semaphore_mem>>) src(%dma_wait3A_403 : memref<256xi32, #tpu.memory_space<hbm>>) dst(%arg12 : memref<256xi32, #tpu.memory_space<vmem>>)
      %mul3A_404 = arith.constant 16 : i32
      %mul3A_405 = arith.muli %add3A_379, %mul3A_404 : i32
      %add3A_406 = arith.addi %mul3A_405, %arg1 : i32
      %mul3A_407 = arith.constant 256 : i32
      %mul3A_408 = arith.muli %add3A_406, %mul3A_407 : i32
      %min3A_409 = arith.constant 499744 : i32
      %min3A_410 = arith.minsi %mul3A_408, %min3A_409 : i32
      %scan3A_411 = arith.constant 0 : i32
      %scan3A_412 = arith.constant 16 : i32
      %scan3A_413 = arith.addi %scan3A_411, %scan3A_412 : i32
      %scan3A_414 = arith.constant 4 : i32
      scf.for %scan3A_468 = %scan3A_411 to %scan3A_413 step %scan3A_414  : i32 {
        %mul3A_469 = arith.constant 1 : i32
        %mul3A_470 = arith.muli %scan3A_468, %mul3A_469 : i32
        %add3A_471 = arith.constant 0 : i32
        %add3A_472 = arith.addi %add3A_471, %mul3A_470 : i32
        %mul3A_473 = arith.constant 16 : i32
        %mul3A_474 = arith.muli %add3A_472, %mul3A_473 : i32
        %get3A = arith.index_cast %mul3A_474 : i32 to index
        %get3A_475 = tpu.vector_load %arg10[%get3A] {strides = array<i32>} : memref<256xi32, #tpu.memory_space<vmem>>, vector<16xi32>,
        %get3A_476 = vector.shape_cast %get3A_475 : vector<16xi32> to vector<16xi32>
        %get3A_477 = arith.index_cast %mul3A_474 : i32 to index
        %get3A_478 = tpu.vector_load %arg11[%get3A_477] {strides = array<i32>} : memref<256xi32, #tpu.memory_space<vmem>>, vector<16xi32>,
        %get3A_479 = vector.shape_cast %get3A_478 : vector<16xi32> to vector<16xi32>
        %get3A_480 = arith.index_cast %mul3A_474 : i32 to index
        %get3A_481 = tpu.vector_load %arg12[%get3A_480] {strides = array<i32>} : memref<256xi32, #tpu.memory_space<vmem>>, vector<16xi32>,
        %get3A_482 = vector.shape_cast %get3A_481 : vector<16xi32> to vector<16xi32>
        %mul3A_483 = arith.constant 10000 : i32
        %mul3A_484 = vector.broadcast %mul3A_483 : i32 to vector<16xi32>
        %mul3A_485 = arith.muli %get3A_476, %mul3A_484 : vector<16xi32>
        %add3A_486 = arith.addi %mul3A_485, %get3A_479 : vector<16xi32>
        %mul3A_487 = arith.constant 10000 : i32
        %mul3A_488 = vector.broadcast %mul3A_487 : i32 to vector<16xi32>
        %mul3A_489 = arith.muli %get3A_476, %mul3A_488 : vector<16xi32>
        %add3A_490 = arith.addi %mul3A_489, %get3A_482 : vector<16xi32>
        %add3A_491 = arith.addi %min3A_410, %mul3A_474 : i32
        %add3A_492 = vector.broadcast %add3A_491 : i32 to vector<16xi32>
        %add3A_493 = arith.addi %add3A_492, %iota3A : vector<16xi32>
        %ge3A_494 = vector.broadcast %mul3A_408 : i32 to vector<16xi32>
        %ge3A_495 = arith.cmpi sge, %add3A_493, %ge3A_494 : vector<16xi32>
        %jit3A = arith.constant 8 : i32
        %div3A = arith.divsi %add3A_472, %jit3A : i32
        %sign3A = arith.constant 0 : i32
        %sign3A_496 = arith.cmpi sgt, %add3A_472, %sign3A : i32
        %sign3A_497 = arith.extui %sign3A_496 : i1 to i32
        %sign3A_498 = arith.constant 0 : i32
        %sign3A_499 = arith.cmpi slt, %add3A_472, %sign3A_498 : i32
        %sign3A_500 = arith.extui %sign3A_499 : i1 to i32
        %sign3A_501 = arith.subi %sign3A_497, %sign3A_500 : i32
        %sign3A_502 = arith.constant 0 : i32
        %sign3A_503 = arith.cmpi sgt, %jit3A, %sign3A_502 : i32
        %sign3A_504 = arith.extui %sign3A_503 : i1 to i32
        %sign3A_505 = arith.constant 0 : i32
        %sign3A_506 = arith.cmpi slt, %jit3A, %sign3A_505 : i32
        %sign3A_507 = arith.extui %sign3A_506 : i1 to i32
        %sign3A_508 = arith.subi %sign3A_504, %sign3A_507 : i32
        %ne3A = arith.cmpi ne, %sign3A_501, %sign3A_508 : i32
        %rem3A = arith.remsi %add3A_472, %jit3A : i32
        %ne3A_509 = arith.constant 0 : i32
        %ne3A_510 = arith.cmpi ne, %rem3A, %ne3A_509 : i32
        %and3A = arith.andi %ne3A, %ne3A_510 : i1
        %sub3A = arith.constant 1 : i32
        %sub3A_511 = arith.subi %div3A, %sub3A : i32
        %select_n3A = arith.select %and3A, %sub3A_511, %div3A : i32
        %jit3A_512 = arith.constant 8 : i32
        %eq3A = arith.constant 0 : i32
        %eq3A_513 = arith.cmpi eq, %jit3A_512, %eq3A : i32
        %jit3A_514 = arith.constant 1 : i32
        %select_n3A_515 = arith.select %eq3A_513, %jit3A_514, %jit3A_512 : i32
        %rem3A_516 = arith.remsi %add3A_472, %select_n3A_515 : i32
        %ne3A_517 = arith.constant 0 : i32
        %ne3A_518 = arith.cmpi ne, %rem3A_516, %ne3A_517 : i32
        %lt3A_519 = arith.constant 0 : i32
        %lt3A_520 = arith.cmpi slt, %rem3A_516, %lt3A_519 : i32
        %lt3A_521 = arith.constant 0 : i32
        %lt3A_522 = arith.cmpi slt, %select_n3A_515, %lt3A_521 : i32
        %ne3A_523 = arith.xori %lt3A_520, %lt3A_522 : i1
        %and3A_524 = arith.andi %ne3A_523, %ne3A_518 : i1
        %add3A_525 = arith.addi %rem3A_516, %select_n3A_515 : i32
        %select_n3A_526 = arith.select %and3A_524, %add3A_525, %rem3A_516 : i32
        %mul3A_527 = arith.constant 16 : i32
        %mul3A_528 = arith.muli %select_n3A_526, %mul3A_527 : i32
        %mul3A_529 = arith.constant 4 : i32
        %mul3A_530 = vector.broadcast %mul3A_529 : i32 to vector<16xi32>
        %mul3A_531 = arith.muli %add3A_486, %mul3A_530 : vector<16xi32>
        %add3A_532 = vector.broadcast %add3A_162 : i32 to vector<16xi32>
        %add3A_533 = arith.addi %mul3A_531, %add3A_532 : vector<16xi32>
        %swap3A = arith.index_cast %mul3A_474 : i32 to index
        %swap3A_534 = tpu.vector_load %arg17[%swap3A] {strides = array<i32>} : memref<256xi32, #tpu.memory_space<vmem>>, vector<16xi32>,
        %swap3A_535 = vector.shape_cast %swap3A_534 : vector<16xi32> to vector<16xi32>
        %swap3A_536 = vector.shape_cast %add3A_533 : vector<16xi32> to vector<16xi32>
        tpu.vector_store %arg17[%swap3A], %swap3A_536 {strides = array<i32>} : memref<256xi32, #tpu.memory_space<vmem>>, vector<16xi32>,
        %mul3A_537 = arith.constant 4 : i32
        %mul3A_538 = vector.broadcast %mul3A_537 : i32 to vector<16xi32>
        %mul3A_539 = arith.muli %add3A_490, %mul3A_538 : vector<16xi32>
        %add3A_540 = vector.broadcast %add3A_162 : i32 to vector<16xi32>
        %add3A_541 = arith.addi %mul3A_539, %add3A_540 : vector<16xi32>
        %swap3A_542 = arith.index_cast %mul3A_474 : i32 to index
        %swap3A_543 = tpu.vector_load %arg18[%swap3A_542] {strides = array<i32>} : memref<256xi32, #tpu.memory_space<vmem>>, vector<16xi32>,
        %swap3A_544 = vector.shape_cast %swap3A_543 : vector<16xi32> to vector<16xi32>
        %swap3A_545 = vector.shape_cast %add3A_541 : vector<16xi32> to vector<16xi32>
        tpu.vector_store %arg18[%swap3A_542], %swap3A_545 {strides = array<i32>} : memref<256xi32, #tpu.memory_space<vmem>>, vector<16xi32>,
        %jit3A_546 = arith.constant 40000 : i32
        %broadcast_in_dim3A_547 = vector.broadcast %jit3A_546 : i32 to vector<16xi32>
        %select_n3A_548 = arith.select %ge3A_495, %add3A_490, %broadcast_in_dim3A_547 : vector<16xi1>, vector<16xi32>
        %swap3A_549 = arith.index_cast %select_n3A : i32 to index
        %swap3A_550 = arith.index_cast %mul3A_528 : i32 to index
        %swap3A_551 = tpu.vector_load %arg19[%swap3A_549, %swap3A_550] {strides = array<i32>} : memref<2x128xi32, #tpu.memory_space<vmem>>, vector<1x16xi32>,
        %swap3A_552 = vector.shape_cast %swap3A_551 : vector<1x16xi32> to vector<16xi32>
        %swap3A_553 = vector.shape_cast %select_n3A_548 : vector<16xi32> to vector<1x16xi32>
        tpu.vector_store %arg19[%swap3A_549, %swap3A_550], %swap3A_553 {strides = array<i32>} : memref<2x128xi32, #tpu.memory_space<vmem>>, vector<1x16xi32>,
        %jit3A_554 = arith.constant 40000 : i32
        %broadcast_in_dim3A_555 = vector.broadcast %jit3A_554 : i32 to vector<16xi32>
        %select_n3A_556 = arith.select %ge3A_495, %add3A_486, %broadcast_in_dim3A_555 : vector<16xi1>, vector<16xi32>
        %swap3A_557 = arith.index_cast %select_n3A : i32 to index
        %swap3A_558 = arith.index_cast %mul3A_528 : i32 to index
        %swap3A_559 = tpu.vector_load %arg20[%swap3A_557, %swap3A_558] {strides = array<i32>} : memref<2x128xi32, #tpu.memory_space<vmem>>, vector<1x16xi32>,
        %swap3A_560 = vector.shape_cast %swap3A_559 : vector<1x16xi32> to vector<16xi32>
        %swap3A_561 = vector.shape_cast %select_n3A_556 : vector<16xi32> to vector<1x16xi32>
        tpu.vector_store %arg20[%swap3A_557, %swap3A_558], %swap3A_561 {strides = array<i32>} : memref<2x128xi32, #tpu.memory_space<vmem>>, vector<1x16xi32>,
        %scan3A_562 = arith.constant 1 : i32
        %scan3A_563 = arith.addi %scan3A_468, %scan3A_562 : i32
        %mul3A_564 = arith.constant 1 : i32
        %mul3A_565 = arith.muli %scan3A_563, %mul3A_564 : i32
        %add3A_566 = arith.constant 0 : i32
        %add3A_567 = arith.addi %add3A_566, %mul3A_565 : i32
        %mul3A_568 = arith.constant 16 : i32
        %mul3A_569 = arith.muli %add3A_567, %mul3A_568 : i32
        %get3A_570 = arith.index_cast %mul3A_569 : i32 to index
        %get3A_571 = tpu.vector_load %arg10[%get3A_570] {strides = array<i32>} : memref<256xi32, #tpu.memory_space<vmem>>, vector<16xi32>,
        %get3A_572 = vector.shape_cast %get3A_571 : vector<16xi32> to vector<16xi32>
        %get3A_573 = arith.index_cast %mul3A_569 : i32 to index
        %get3A_574 = tpu.vector_load %arg11[%get3A_573] {strides = array<i32>} : memref<256xi32, #tpu.memory_space<vmem>>, vector<16xi32>,
        %get3A_575 = vector.shape_cast %get3A_574 : vector<16xi32> to vector<16xi32>
        %get3A_576 = arith.index_cast %mul3A_569 : i32 to index
        %get3A_577 = tpu.vector_load %arg12[%get3A_576] {strides = array<i32>} : memref<256xi32, #tpu.memory_space<vmem>>, vector<16xi32>,
        %get3A_578 = vector.shape_cast %get3A_577 : vector<16xi32> to vector<16xi32>
        %mul3A_579 = arith.constant 10000 : i32
        %mul3A_580 = vector.broadcast %mul3A_579 : i32 to vector<16xi32>
        %mul3A_581 = arith.muli %get3A_572, %mul3A_580 : vector<16xi32>
        %add3A_582 = arith.addi %mul3A_581, %get3A_575 : vector<16xi32>
        %mul3A_583 = arith.constant 10000 : i32
        %mul3A_584 = vector.broadcast %mul3A_583 : i32 to vector<16xi32>
        %mul3A_585 = arith.muli %get3A_572, %mul3A_584 : vector<16xi32>
        %add3A_586 = arith.addi %mul3A_585, %get3A_578 : vector<16xi32>
        %add3A_587 = arith.addi %min3A_410, %mul3A_569 : i32
        %add3A_588 = vector.broadcast %add3A_587 : i32 to vector<16xi32>
        %add3A_589 = arith.addi %add3A_588, %iota3A : vector<16xi32>
        %ge3A_590 = vector.broadcast %mul3A_408 : i32 to vector<16xi32>
        %ge3A_591 = arith.cmpi sge, %add3A_589, %ge3A_590 : vector<16xi32>
        %jit3A_592 = arith.constant 8 : i32
        %div3A_593 = arith.divsi %add3A_567, %jit3A_592 : i32
        %sign3A_594 = arith.constant 0 : i32
        %sign3A_595 = arith.cmpi sgt, %add3A_567, %sign3A_594 : i32
        %sign3A_596 = arith.extui %sign3A_595 : i1 to i32
        %sign3A_597 = arith.constant 0 : i32
        %sign3A_598 = arith.cmpi slt, %add3A_567, %sign3A_597 : i32
        %sign3A_599 = arith.extui %sign3A_598 : i1 to i32
        %sign3A_600 = arith.subi %sign3A_596, %sign3A_599 : i32
        %sign3A_601 = arith.constant 0 : i32
        %sign3A_602 = arith.cmpi sgt, %jit3A_592, %sign3A_601 : i32
        %sign3A_603 = arith.extui %sign3A_602 : i1 to i32
        %sign3A_604 = arith.constant 0 : i32
        %sign3A_605 = arith.cmpi slt, %jit3A_592, %sign3A_604 : i32
        %sign3A_606 = arith.extui %sign3A_605 : i1 to i32
        %sign3A_607 = arith.subi %sign3A_603, %sign3A_606 : i32
        %ne3A_608 = arith.cmpi ne, %sign3A_600, %sign3A_607 : i32
        %rem3A_609 = arith.remsi %add3A_567, %jit3A_592 : i32
        %ne3A_610 = arith.constant 0 : i32
        %ne3A_611 = arith.cmpi ne, %rem3A_609, %ne3A_610 : i32
        %and3A_612 = arith.andi %ne3A_608, %ne3A_611 : i1
        %sub3A_613 = arith.constant 1 : i32
        %sub3A_614 = arith.subi %div3A_593, %sub3A_613 : i32
        %select_n3A_615 = arith.select %and3A_612, %sub3A_614, %div3A_593 : i32
        %jit3A_616 = arith.constant 8 : i32
        %eq3A_617 = arith.constant 0 : i32
        %eq3A_618 = arith.cmpi eq, %jit3A_616, %eq3A_617 : i32
        %jit3A_619 = arith.constant 1 : i32
        %select_n3A_620 = arith.select %eq3A_618, %jit3A_619, %jit3A_616 : i32
        %rem3A_621 = arith.remsi %add3A_567, %select_n3A_620 : i32
        %ne3A_622 = arith.constant 0 : i32
        %ne3A_623 = arith.cmpi ne, %rem3A_621, %ne3A_622 : i32
        %lt3A_624 = arith.constant 0 : i32
        %lt3A_625 = arith.cmpi slt, %rem3A_621, %lt3A_624 : i32
        %lt3A_626 = arith.constant 0 : i32
        %lt3A_627 = arith.cmpi slt, %select_n3A_620, %lt3A_626 : i32
        %ne3A_628 = arith.xori %lt3A_625, %lt3A_627 : i1
        %and3A_629 = arith.andi %ne3A_628, %ne3A_623 : i1
        %add3A_630 = arith.addi %rem3A_621, %select_n3A_620 : i32
        %select_n3A_631 = arith.select %and3A_629, %add3A_630, %rem3A_621 : i32
        %mul3A_632 = arith.constant 16 : i32
        %mul3A_633 = arith.muli %select_n3A_631, %mul3A_632 : i32
        %mul3A_634 = arith.constant 4 : i32
        %mul3A_635 = vector.broadcast %mul3A_634 : i32 to vector<16xi32>
        %mul3A_636 = arith.muli %add3A_582, %mul3A_635 : vector<16xi32>
        %add3A_637 = vector.broadcast %add3A_162 : i32 to vector<16xi32>
        %add3A_638 = arith.addi %mul3A_636, %add3A_637 : vector<16xi32>
        %swap3A_639 = arith.index_cast %mul3A_569 : i32 to index
        %swap3A_640 = tpu.vector_load %arg17[%swap3A_639] {strides = array<i32>} : memref<256xi32, #tpu.memory_space<vmem>>, vector<16xi32>,
        %swap3A_641 = vector.shape_cast %swap3A_640 : vector<16xi32> to vector<16xi32>
        %swap3A_642 = vector.shape_cast %add3A_638 : vector<16xi32> to vector<16xi32>
        tpu.vector_store %arg17[%swap3A_639], %swap3A_642 {strides = array<i32>} : memref<256xi32, #tpu.memory_space<vmem>>, vector<16xi32>,
        %mul3A_643 = arith.constant 4 : i32
        %mul3A_644 = vector.broadcast %mul3A_643 : i32 to vector<16xi32>
        %mul3A_645 = arith.muli %add3A_586, %mul3A_644 : vector<16xi32>
        %add3A_646 = vector.broadcast %add3A_162 : i32 to vector<16xi32>
        %add3A_647 = arith.addi %mul3A_645, %add3A_646 : vector<16xi32>
        %swap3A_648 = arith.index_cast %mul3A_569 : i32 to index
        %swap3A_649 = tpu.vector_load %arg18[%swap3A_648] {strides = array<i32>} : memref<256xi32, #tpu.memory_space<vmem>>, vector<16xi32>,
        %swap3A_650 = vector.shape_cast %swap3A_649 : vector<16xi32> to vector<16xi32>
        %swap3A_651 = vector.shape_cast %add3A_647 : vector<16xi32> to vector<16xi32>
        tpu.vector_store %arg18[%swap3A_648], %swap3A_651 {strides = array<i32>} : memref<256xi32, #tpu.memory_space<vmem>>, vector<16xi32>,
        %jit3A_652 = arith.constant 40000 : i32
        %broadcast_in_dim3A_653 = vector.broadcast %jit3A_652 : i32 to vector<16xi32>
        %select_n3A_654 = arith.select %ge3A_591, %add3A_586, %broadcast_in_dim3A_653 : vector<16xi1>, vector<16xi32>
        %swap3A_655 = arith.index_cast %select_n3A_615 : i32 to index
        %swap3A_656 = arith.index_cast %mul3A_633 : i32 to index
        %swap3A_657 = tpu.vector_load %arg19[%swap3A_655, %swap3A_656] {strides = array<i32>} : memref<2x128xi32, #tpu.memory_space<vmem>>, vector<1x16xi32>,
        %swap3A_658 = vector.shape_cast %swap3A_657 : vector<1x16xi32> to vector<16xi32>
        %swap3A_659 = vector.shape_cast %select_n3A_654 : vector<16xi32> to vector<1x16xi32>
        tpu.vector_store %arg19[%swap3A_655, %swap3A_656], %swap3A_659 {strides = array<i32>} : memref<2x128xi32, #tpu.memory_space<vmem>>, vector<1x16xi32>,
        %jit3A_660 = arith.constant 40000 : i32
        %broadcast_in_dim3A_661 = vector.broadcast %jit3A_660 : i32 to vector<16xi32>
        %select_n3A_662 = arith.select %ge3A_591, %add3A_582, %broadcast_in_dim3A_661 : vector<16xi1>, vector<16xi32>
        %swap3A_663 = arith.index_cast %select_n3A_615 : i32 to index
        %swap3A_664 = arith.index_cast %mul3A_633 : i32 to index
        %swap3A_665 = tpu.vector_load %arg20[%swap3A_663, %swap3A_664] {strides = array<i32>} : memref<2x128xi32, #tpu.memory_space<vmem>>, vector<1x16xi32>,
        %swap3A_666 = vector.shape_cast %swap3A_665 : vector<1x16xi32> to vector<16xi32>
        %swap3A_667 = vector.shape_cast %select_n3A_662 : vector<16xi32> to vector<1x16xi32>
        tpu.vector_store %arg20[%swap3A_663, %swap3A_664], %swap3A_667 {strides = array<i32>} : memref<2x128xi32, #tpu.memory_space<vmem>>, vector<1x16xi32>,
        %scan3A_668 = arith.constant 2 : i32
        %scan3A_669 = arith.addi %scan3A_468, %scan3A_668 : i32
        %mul3A_670 = arith.constant 1 : i32
        %mul3A_671 = arith.muli %scan3A_669, %mul3A_670 : i32
        %add3A_672 = arith.constant 0 : i32
        %add3A_673 = arith.addi %add3A_672, %mul3A_671 : i32
        %mul3A_674 = arith.constant 16 : i32
        %mul3A_675 = arith.muli %add3A_673, %mul3A_674 : i32
        %get3A_676 = arith.index_cast %mul3A_675 : i32 to index
        %get3A_677 = tpu.vector_load %arg10[%get3A_676] {strides = array<i32>} : memref<256xi32, #tpu.memory_space<vmem>>, vector<16xi32>,
        %get3A_678 = vector.shape_cast %get3A_677 : vector<16xi32> to vector<16xi32>
        %get3A_679 = arith.index_cast %mul3A_675 : i32 to index
        %get3A_680 = tpu.vector_load %arg11[%get3A_679] {strides = array<i32>} : memref<256xi32, #tpu.memory_space<vmem>>, vector<16xi32>,
        %get3A_681 = vector.shape_cast %get3A_680 : vector<16xi32> to vector<16xi32>
        %get3A_682 = arith.index_cast %mul3A_675 : i32 to index
        %get3A_683 = tpu.vector_load %arg12[%get3A_682] {strides = array<i32>} : memref<256xi32, #tpu.memory_space<vmem>>, vector<16xi32>,
        %get3A_684 = vector.shape_cast %get3A_683 : vector<16xi32> to vector<16xi32>
        %mul3A_685 = arith.constant 10000 : i32
        %mul3A_686 = vector.broadcast %mul3A_685 : i32 to vector<16xi32>
        %mul3A_687 = arith.muli %get3A_678, %mul3A_686 : vector<16xi32>
        %add3A_688 = arith.addi %mul3A_687, %get3A_681 : vector<16xi32>
        %mul3A_689 = arith.constant 10000 : i32
        %mul3A_690 = vector.broadcast %mul3A_689 : i32 to vector<16xi32>
        %mul3A_691 = arith.muli %get3A_678, %mul3A_690 : vector<16xi32>
        %add3A_692 = arith.addi %mul3A_691, %get3A_684 : vector<16xi32>
        %add3A_693 = arith.addi %min3A_410, %mul3A_675 : i32
        %add3A_694 = vector.broadcast %add3A_693 : i32 to vector<16xi32>
        %add3A_695 = arith.addi %add3A_694, %iota3A : vector<16xi32>
        %ge3A_696 = vector.broadcast %mul3A_408 : i32 to vector<16xi32>
        %ge3A_697 = arith.cmpi sge, %add3A_695, %ge3A_696 : vector<16xi32>
        %jit3A_698 = arith.constant 8 : i32
        %div3A_699 = arith.divsi %add3A_673, %jit3A_698 : i32
        %sign3A_700 = arith.constant 0 : i32
        %sign3A_701 = arith.cmpi sgt, %add3A_673, %sign3A_700 : i32
        %sign3A_702 = arith.extui %sign3A_701 : i1 to i32
        %sign3A_703 = arith.constant 0 : i32
        %sign3A_704 = arith.cmpi slt, %add3A_673, %sign3A_703 : i32
        %sign3A_705 = arith.extui %sign3A_704 : i1 to i32
        %sign3A_706 = arith.subi %sign3A_702, %sign3A_705 : i32
        %sign3A_707 = arith.constant 0 : i32
        %sign3A_708 = arith.cmpi sgt, %jit3A_698, %sign3A_707 : i32
        %sign3A_709 = arith.extui %sign3A_708 : i1 to i32
        %sign3A_710 = arith.constant 0 : i32
        %sign3A_711 = arith.cmpi slt, %jit3A_698, %sign3A_710 : i32
        %sign3A_712 = arith.extui %sign3A_711 : i1 to i32
        %sign3A_713 = arith.subi %sign3A_709, %sign3A_712 : i32
        %ne3A_714 = arith.cmpi ne, %sign3A_706, %sign3A_713 : i32
        %rem3A_715 = arith.remsi %add3A_673, %jit3A_698 : i32
        %ne3A_716 = arith.constant 0 : i32
        %ne3A_717 = arith.cmpi ne, %rem3A_715, %ne3A_716 : i32
        %and3A_718 = arith.andi %ne3A_714, %ne3A_717 : i1
        %sub3A_719 = arith.constant 1 : i32
        %sub3A_720 = arith.subi %div3A_699, %sub3A_719 : i32
        %select_n3A_721 = arith.select %and3A_718, %sub3A_720, %div3A_699 : i32
        %jit3A_722 = arith.constant 8 : i32
        %eq3A_723 = arith.constant 0 : i32
        %eq3A_724 = arith.cmpi eq, %jit3A_722, %eq3A_723 : i32
        %jit3A_725 = arith.constant 1 : i32
        %select_n3A_726 = arith.select %eq3A_724, %jit3A_725, %jit3A_722 : i32
        %rem3A_727 = arith.remsi %add3A_673, %select_n3A_726 : i32
        %ne3A_728 = arith.constant 0 : i32
        %ne3A_729 = arith.cmpi ne, %rem3A_727, %ne3A_728 : i32
        %lt3A_730 = arith.constant 0 : i32
        %lt3A_731 = arith.cmpi slt, %rem3A_727, %lt3A_730 : i32
        %lt3A_732 = arith.constant 0 : i32
        %lt3A_733 = arith.cmpi slt, %select_n3A_726, %lt3A_732 : i32
        %ne3A_734 = arith.xori %lt3A_731, %lt3A_733 : i1
        %and3A_735 = arith.andi %ne3A_734, %ne3A_729 : i1
        %add3A_736 = arith.addi %rem3A_727, %select_n3A_726 : i32
        %select_n3A_737 = arith.select %and3A_735, %add3A_736, %rem3A_727 : i32
        %mul3A_738 = arith.constant 16 : i32
        %mul3A_739 = arith.muli %select_n3A_737, %mul3A_738 : i32
        %mul3A_740 = arith.constant 4 : i32
        %mul3A_741 = vector.broadcast %mul3A_740 : i32 to vector<16xi32>
        %mul3A_742 = arith.muli %add3A_688, %mul3A_741 : vector<16xi32>
        %add3A_743 = vector.broadcast %add3A_162 : i32 to vector<16xi32>
        %add3A_744 = arith.addi %mul3A_742, %add3A_743 : vector<16xi32>
        %swap3A_745 = arith.index_cast %mul3A_675 : i32 to index
        %swap3A_746 = tpu.vector_load %arg17[%swap3A_745] {strides = array<i32>} : memref<256xi32, #tpu.memory_space<vmem>>, vector<16xi32>,
        %swap3A_747 = vector.shape_cast %swap3A_746 : vector<16xi32> to vector<16xi32>
        %swap3A_748 = vector.shape_cast %add3A_744 : vector<16xi32> to vector<16xi32>
        tpu.vector_store %arg17[%swap3A_745], %swap3A_748 {strides = array<i32>} : memref<256xi32, #tpu.memory_space<vmem>>, vector<16xi32>,
        %mul3A_749 = arith.constant 4 : i32
        %mul3A_750 = vector.broadcast %mul3A_749 : i32 to vector<16xi32>
        %mul3A_751 = arith.muli %add3A_692, %mul3A_750 : vector<16xi32>
        %add3A_752 = vector.broadcast %add3A_162 : i32 to vector<16xi32>
        %add3A_753 = arith.addi %mul3A_751, %add3A_752 : vector<16xi32>
        %swap3A_754 = arith.index_cast %mul3A_675 : i32 to index
        %swap3A_755 = tpu.vector_load %arg18[%swap3A_754] {strides = array<i32>} : memref<256xi32, #tpu.memory_space<vmem>>, vector<16xi32>,
        %swap3A_756 = vector.shape_cast %swap3A_755 : vector<16xi32> to vector<16xi32>
        %swap3A_757 = vector.shape_cast %add3A_753 : vector<16xi32> to vector<16xi32>
        tpu.vector_store %arg18[%swap3A_754], %swap3A_757 {strides = array<i32>} : memref<256xi32, #tpu.memory_space<vmem>>, vector<16xi32>,
        %jit3A_758 = arith.constant 40000 : i32
        %broadcast_in_dim3A_759 = vector.broadcast %jit3A_758 : i32 to vector<16xi32>
        %select_n3A_760 = arith.select %ge3A_697, %add3A_692, %broadcast_in_dim3A_759 : vector<16xi1>, vector<16xi32>
        %swap3A_761 = arith.index_cast %select_n3A_721 : i32 to index
        %swap3A_762 = arith.index_cast %mul3A_739 : i32 to index
        %swap3A_763 = tpu.vector_load %arg19[%swap3A_761, %swap3A_762] {strides = array<i32>} : memref<2x128xi32, #tpu.memory_space<vmem>>, vector<1x16xi32>,
        %swap3A_764 = vector.shape_cast %swap3A_763 : vector<1x16xi32> to vector<16xi32>
        %swap3A_765 = vector.shape_cast %select_n3A_760 : vector<16xi32> to vector<1x16xi32>
        tpu.vector_store %arg19[%swap3A_761, %swap3A_762], %swap3A_765 {strides = array<i32>} : memref<2x128xi32, #tpu.memory_space<vmem>>, vector<1x16xi32>,
        %jit3A_766 = arith.constant 40000 : i32
        %broadcast_in_dim3A_767 = vector.broadcast %jit3A_766 : i32 to vector<16xi32>
        %select_n3A_768 = arith.select %ge3A_697, %add3A_688, %broadcast_in_dim3A_767 : vector<16xi1>, vector<16xi32>
        %swap3A_769 = arith.index_cast %select_n3A_721 : i32 to index
        %swap3A_770 = arith.index_cast %mul3A_739 : i32 to index
        %swap3A_771 = tpu.vector_load %arg20[%swap3A_769, %swap3A_770] {strides = array<i32>} : memref<2x128xi32, #tpu.memory_space<vmem>>, vector<1x16xi32>,
        %swap3A_772 = vector.shape_cast %swap3A_771 : vector<1x16xi32> to vector<16xi32>
        %swap3A_773 = vector.shape_cast %select_n3A_768 : vector<16xi32> to vector<1x16xi32>
        tpu.vector_store %arg20[%swap3A_769, %swap3A_770], %swap3A_773 {strides = array<i32>} : memref<2x128xi32, #tpu.memory_space<vmem>>, vector<1x16xi32>,
        %scan3A_774 = arith.constant 3 : i32
        %scan3A_775 = arith.addi %scan3A_468, %scan3A_774 : i32
        %mul3A_776 = arith.constant 1 : i32
        %mul3A_777 = arith.muli %scan3A_775, %mul3A_776 : i32
        %add3A_778 = arith.constant 0 : i32
        %add3A_779 = arith.addi %add3A_778, %mul3A_777 : i32
        %mul3A_780 = arith.constant 16 : i32
        %mul3A_781 = arith.muli %add3A_779, %mul3A_780 : i32
        %get3A_782 = arith.index_cast %mul3A_781 : i32 to index
        %get3A_783 = tpu.vector_load %arg10[%get3A_782] {strides = array<i32>} : memref<256xi32, #tpu.memory_space<vmem>>, vector<16xi32>,
        %get3A_784 = vector.shape_cast %get3A_783 : vector<16xi32> to vector<16xi32>
        %get3A_785 = arith.index_cast %mul3A_781 : i32 to index
        %get3A_786 = tpu.vector_load %arg11[%get3A_785] {strides = array<i32>} : memref<256xi32, #tpu.memory_space<vmem>>, vector<16xi32>,
        %get3A_787 = vector.shape_cast %get3A_786 : vector<16xi32> to vector<16xi32>
        %get3A_788 = arith.index_cast %mul3A_781 : i32 to index
        %get3A_789 = tpu.vector_load %arg12[%get3A_788] {strides = array<i32>} : memref<256xi32, #tpu.memory_space<vmem>>, vector<16xi32>,
        %get3A_790 = vector.shape_cast %get3A_789 : vector<16xi32> to vector<16xi32>
        %mul3A_791 = arith.constant 10000 : i32
        %mul3A_792 = vector.broadcast %mul3A_791 : i32 to vector<16xi32>
        %mul3A_793 = arith.muli %get3A_784, %mul3A_792 : vector<16xi32>
        %add3A_794 = arith.addi %mul3A_793, %get3A_787 : vector<16xi32>
        %mul3A_795 = arith.constant 10000 : i32
        %mul3A_796 = vector.broadcast %mul3A_795 : i32 to vector<16xi32>
        %mul3A_797 = arith.muli %get3A_784, %mul3A_796 : vector<16xi32>
        %add3A_798 = arith.addi %mul3A_797, %get3A_790 : vector<16xi32>
        %add3A_799 = arith.addi %min3A_410, %mul3A_781 : i32
        %add3A_800 = vector.broadcast %add3A_799 : i32 to vector<16xi32>
        %add3A_801 = arith.addi %add3A_800, %iota3A : vector<16xi32>
        %ge3A_802 = vector.broadcast %mul3A_408 : i32 to vector<16xi32>
        %ge3A_803 = arith.cmpi sge, %add3A_801, %ge3A_802 : vector<16xi32>
        %jit3A_804 = arith.constant 8 : i32
        %div3A_805 = arith.divsi %add3A_779, %jit3A_804 : i32
        %sign3A_806 = arith.constant 0 : i32
        %sign3A_807 = arith.cmpi sgt, %add3A_779, %sign3A_806 : i32
        %sign3A_808 = arith.extui %sign3A_807 : i1 to i32
        %sign3A_809 = arith.constant 0 : i32
        %sign3A_810 = arith.cmpi slt, %add3A_779, %sign3A_809 : i32
        %sign3A_811 = arith.extui %sign3A_810 : i1 to i32
        %sign3A_812 = arith.subi %sign3A_808, %sign3A_811 : i32
        %sign3A_813 = arith.constant 0 : i32
        %sign3A_814 = arith.cmpi sgt, %jit3A_804, %sign3A_813 : i32
        %sign3A_815 = arith.extui %sign3A_814 : i1 to i32
        %sign3A_816 = arith.constant 0 : i32
        %sign3A_817 = arith.cmpi slt, %jit3A_804, %sign3A_816 : i32
        %sign3A_818 = arith.extui %sign3A_817 : i1 to i32
        %sign3A_819 = arith.subi %sign3A_815, %sign3A_818 : i32
        %ne3A_820 = arith.cmpi ne, %sign3A_812, %sign3A_819 : i32
        %rem3A_821 = arith.remsi %add3A_779, %jit3A_804 : i32
        %ne3A_822 = arith.constant 0 : i32
        %ne3A_823 = arith.cmpi ne, %rem3A_821, %ne3A_822 : i32
        %and3A_824 = arith.andi %ne3A_820, %ne3A_823 : i1
        %sub3A_825 = arith.constant 1 : i32
        %sub3A_826 = arith.subi %div3A_805, %sub3A_825 : i32
        %select_n3A_827 = arith.select %and3A_824, %sub3A_826, %div3A_805 : i32
        %jit3A_828 = arith.constant 8 : i32
        %eq3A_829 = arith.constant 0 : i32
        %eq3A_830 = arith.cmpi eq, %jit3A_828, %eq3A_829 : i32
        %jit3A_831 = arith.constant 1 : i32
        %select_n3A_832 = arith.select %eq3A_830, %jit3A_831, %jit3A_828 : i32
        %rem3A_833 = arith.remsi %add3A_779, %select_n3A_832 : i32
        %ne3A_834 = arith.constant 0 : i32
        %ne3A_835 = arith.cmpi ne, %rem3A_833, %ne3A_834 : i32
        %lt3A_836 = arith.constant 0 : i32
        %lt3A_837 = arith.cmpi slt, %rem3A_833, %lt3A_836 : i32
        %lt3A_838 = arith.constant 0 : i32
        %lt3A_839 = arith.cmpi slt, %select_n3A_832, %lt3A_838 : i32
        %ne3A_840 = arith.xori %lt3A_837, %lt3A_839 : i1
        %and3A_841 = arith.andi %ne3A_840, %ne3A_835 : i1
        %add3A_842 = arith.addi %rem3A_833, %select_n3A_832 : i32
        %select_n3A_843 = arith.select %and3A_841, %add3A_842, %rem3A_833 : i32
        %mul3A_844 = arith.constant 16 : i32
        %mul3A_845 = arith.muli %select_n3A_843, %mul3A_844 : i32
        %mul3A_846 = arith.constant 4 : i32
        %mul3A_847 = vector.broadcast %mul3A_846 : i32 to vector<16xi32>
        %mul3A_848 = arith.muli %add3A_794, %mul3A_847 : vector<16xi32>
        %add3A_849 = vector.broadcast %add3A_162 : i32 to vector<16xi32>
        %add3A_850 = arith.addi %mul3A_848, %add3A_849 : vector<16xi32>
        %swap3A_851 = arith.index_cast %mul3A_781 : i32 to index
        %swap3A_852 = tpu.vector_load %arg17[%swap3A_851] {strides = array<i32>} : memref<256xi32, #tpu.memory_space<vmem>>, vector<16xi32>,
        %swap3A_853 = vector.shape_cast %swap3A_852 : vector<16xi32> to vector<16xi32>
        %swap3A_854 = vector.shape_cast %add3A_850 : vector<16xi32> to vector<16xi32>
        tpu.vector_store %arg17[%swap3A_851], %swap3A_854 {strides = array<i32>} : memref<256xi32, #tpu.memory_space<vmem>>, vector<16xi32>,
        %mul3A_855 = arith.constant 4 : i32
        %mul3A_856 = vector.broadcast %mul3A_855 : i32 to vector<16xi32>
        %mul3A_857 = arith.muli %add3A_798, %mul3A_856 : vector<16xi32>
        %add3A_858 = vector.broadcast %add3A_162 : i32 to vector<16xi32>
        %add3A_859 = arith.addi %mul3A_857, %add3A_858 : vector<16xi32>
        %swap3A_860 = arith.index_cast %mul3A_781 : i32 to index
        %swap3A_861 = tpu.vector_load %arg18[%swap3A_860] {strides = array<i32>} : memref<256xi32, #tpu.memory_space<vmem>>, vector<16xi32>,
        %swap3A_862 = vector.shape_cast %swap3A_861 : vector<16xi32> to vector<16xi32>
        %swap3A_863 = vector.shape_cast %add3A_859 : vector<16xi32> to vector<16xi32>
        tpu.vector_store %arg18[%swap3A_860], %swap3A_863 {strides = array<i32>} : memref<256xi32, #tpu.memory_space<vmem>>, vector<16xi32>,
        %jit3A_864 = arith.constant 40000 : i32
        %broadcast_in_dim3A_865 = vector.broadcast %jit3A_864 : i32 to vector<16xi32>
        %select_n3A_866 = arith.select %ge3A_803, %add3A_798, %broadcast_in_dim3A_865 : vector<16xi1>, vector<16xi32>
        %swap3A_867 = arith.index_cast %select_n3A_827 : i32 to index
        %swap3A_868 = arith.index_cast %mul3A_845 : i32 to index
        %swap3A_869 = tpu.vector_load %arg19[%swap3A_867, %swap3A_868] {strides = array<i32>} : memref<2x128xi32, #tpu.memory_space<vmem>>, vector<1x16xi32>,
        %swap3A_870 = vector.shape_cast %swap3A_869 : vector<1x16xi32> to vector<16xi32>
        %swap3A_871 = vector.shape_cast %select_n3A_866 : vector<16xi32> to vector<1x16xi32>
        tpu.vector_store %arg19[%swap3A_867, %swap3A_868], %swap3A_871 {strides = array<i32>} : memref<2x128xi32, #tpu.memory_space<vmem>>, vector<1x16xi32>,
        %jit3A_872 = arith.constant 40000 : i32
        %broadcast_in_dim3A_873 = vector.broadcast %jit3A_872 : i32 to vector<16xi32>
        %select_n3A_874 = arith.select %ge3A_803, %add3A_794, %broadcast_in_dim3A_873 : vector<16xi1>, vector<16xi32>
        %swap3A_875 = arith.index_cast %select_n3A_827 : i32 to index
        %swap3A_876 = arith.index_cast %mul3A_845 : i32 to index
        %swap3A_877 = tpu.vector_load %arg20[%swap3A_875, %swap3A_876] {strides = array<i32>} : memref<2x128xi32, #tpu.memory_space<vmem>>, vector<1x16xi32>,
        %swap3A_878 = vector.shape_cast %swap3A_877 : vector<1x16xi32> to vector<16xi32>
        %swap3A_879 = vector.shape_cast %select_n3A_874 : vector<16xi32> to vector<1x16xi32>
        tpu.vector_store %arg20[%swap3A_875, %swap3A_876], %swap3A_879 {strides = array<i32>} : memref<2x128xi32, #tpu.memory_space<vmem>>, vector<1x16xi32>,
      }
      %scan3A_415 = arith.constant 16 : i32
      %dma_start3A_416 = arith.constant 0 : i32
      %dma_start3A_417 = arith.constant 0 : i32
      %dma_start3A_418 = tpu.memref_slice %arg2[%dma_start3A_416, %dma_start3A_417] : memref<160000x32xf32, #tpu.memory_space<hbm>> -> memref<160000x32xf32, #tpu.memory_space<hbm>>
      tpu.enqueue_indirect_dma source(%dma_start3A_418 : memref<160000x32xf32, #tpu.memory_space<hbm>>) target(%arg23 : memref<256x32xf32, #tpu.memory_space<vmem>>) offsets(%arg17 : memref<256xi32, #tpu.memory_space<vmem>>) semaphore(%arg30 : memref<!tpu.dma_semaphore, #tpu.memory_space<semaphore_mem>>)
      %dma_start3A_419 = arith.constant 0 : i32
      %dma_start3A_420 = arith.constant 0 : i32
      %dma_start3A_421 = tpu.memref_slice %arg2[%dma_start3A_419, %dma_start3A_420] : memref<160000x32xf32, #tpu.memory_space<hbm>> -> memref<160000x32xf32, #tpu.memory_space<hbm>>
      tpu.enqueue_indirect_dma source(%dma_start3A_421 : memref<160000x32xf32, #tpu.memory_space<hbm>>) target(%arg24 : memref<256x32xf32, #tpu.memory_space<vmem>>) offsets(%arg18 : memref<256xi32, #tpu.memory_space<vmem>>) semaphore(%arg30 : memref<!tpu.dma_semaphore, #tpu.memory_space<semaphore_mem>>)
      %dma_wait3A_422 = arith.constant 0 : i32
      %dma_wait3A_423 = arith.constant 0 : i32
      %dma_wait3A_424 = tpu.memref_slice %arg2[%dma_wait3A_422, %dma_wait3A_423] : memref<160000x32xf32, #tpu.memory_space<hbm>> -> memref<160000x32xf32, #tpu.memory_space<hbm>>
      tpu.wait_indirect_dma semaphore(%arg29 : memref<!tpu.dma_semaphore, #tpu.memory_space<semaphore_mem>>) src(%dma_wait3A_424 : memref<160000x32xf32, #tpu.memory_space<hbm>>) dst(%arg21 : memref<256x32xf32, #tpu.memory_space<vmem>>)
      %dma_wait3A_425 = arith.constant 0 : i32
      %dma_wait3A_426 = arith.constant 0 : i32
      %dma_wait3A_427 = tpu.memref_slice %arg2[%dma_wait3A_425, %dma_wait3A_426] : memref<160000x32xf32, #tpu.memory_space<hbm>> -> memref<160000x32xf32, #tpu.memory_space<hbm>>
      tpu.wait_indirect_dma semaphore(%arg29 : memref<!tpu.dma_semaphore, #tpu.memory_space<semaphore_mem>>) src(%dma_wait3A_427 : memref<160000x32xf32, #tpu.memory_space<hbm>>) dst(%arg22 : memref<256x32xf32, #tpu.memory_space<vmem>>)
      %dma_start3A_428 = arith.constant 0 : i32
      %dma_start3A_429 = arith.constant 0 : i32
      %dma_start3A_430 = arith.constant 0 : i32
      %dma_start3A_431 = tpu.memref_slice %arg21[%dma_start3A_429, %dma_start3A_430] : memref<256x32xf32, #tpu.memory_space<vmem>> -> memref<128x32xf32, #tpu.memory_space<vmem>>
      %dma_start3A_432 = arith.constant 0 : i32
      %dma_start3A_433 = tpu.memref_slice %arg15[%dma_start3A_428, %dma_start3A_432] : memref<2x128xi32, #tpu.memory_space<vmem>> -> memref<1x128xi32, #tpu.memory_space<vmem>>
      %dma_start3A_434 = tpu.memref_squeeze %dma_start3A_433 : memref<1x128xi32, #tpu.memory_space<vmem>> -> memref<128xi32, #tpu.memory_space<vmem>>
      %dma_start3A_435 = arith.constant 0 : i32
      %dma_start3A_436 = arith.constant 0 : i32
      %dma_start3A_437 = tpu.memref_slice %arg26[%dma_start3A_435, %dma_start3A_436] : memref<40960x32xf32, #tpu.memory_space<vmem_shared>> -> memref<40960x32xf32, #tpu.memory_space<vmem_shared>>
      tpu.enqueue_indirect_dma source(%dma_start3A_431 : memref<128x32xf32, #tpu.memory_space<vmem>>) target(%dma_start3A_437 : memref<40960x32xf32, #tpu.memory_space<vmem_shared>>) offsets(%dma_start3A_434 : memref<128xi32, #tpu.memory_space<vmem>>) semaphore(%arg31 : memref<!tpu.dma_semaphore, #tpu.memory_space<semaphore_mem>>) {add = true}
      %dma_start3A_438 = arith.constant 1 : i32
      %dma_start3A_439 = arith.constant 128 : i32
      %dma_start3A_440 = arith.constant 0 : i32
      %dma_start3A_441 = tpu.memref_slice %arg21[%dma_start3A_439, %dma_start3A_440] : memref<256x32xf32, #tpu.memory_space<vmem>> -> memref<128x32xf32, #tpu.memory_space<vmem>>
      %dma_start3A_442 = arith.constant 0 : i32
      %dma_start3A_443 = tpu.memref_slice %arg15[%dma_start3A_438, %dma_start3A_442] : memref<2x128xi32, #tpu.memory_space<vmem>> -> memref<1x128xi32, #tpu.memory_space<vmem>>
      %dma_start3A_444 = tpu.memref_squeeze %dma_start3A_443 : memref<1x128xi32, #tpu.memory_space<vmem>> -> memref<128xi32, #tpu.memory_space<vmem>>
      %dma_start3A_445 = arith.constant 0 : i32
      %dma_start3A_446 = arith.constant 0 : i32
      %dma_start3A_447 = tpu.memref_slice %arg26[%dma_start3A_445, %dma_start3A_446] : memref<40960x32xf32, #tpu.memory_space<vmem_shared>> -> memref<40960x32xf32, #tpu.memory_space<vmem_shared>>
      tpu.enqueue_indirect_dma source(%dma_start3A_441 : memref<128x32xf32, #tpu.memory_space<vmem>>) target(%dma_start3A_447 : memref<40960x32xf32, #tpu.memory_space<vmem_shared>>) offsets(%dma_start3A_444 : memref<128xi32, #tpu.memory_space<vmem>>) semaphore(%arg31 : memref<!tpu.dma_semaphore, #tpu.memory_space<semaphore_mem>>) {add = true}
      %dma_start3A_448 = arith.constant 0 : i32
      %dma_start3A_449 = arith.constant 0 : i32
      %dma_start3A_450 = arith.constant 0 : i32
      %dma_start3A_451 = tpu.memref_slice %arg22[%dma_start3A_449, %dma_start3A_450] : memref<256x32xf32, #tpu.memory_space<vmem>> -> memref<128x32xf32, #tpu.memory_space<vmem>>
      %dma_start3A_452 = arith.constant 0 : i32
      %dma_start3A_453 = tpu.memref_slice %arg16[%dma_start3A_448, %dma_start3A_452] : memref<2x128xi32, #tpu.memory_space<vmem>> -> memref<1x128xi32, #tpu.memory_space<vmem>>
      %dma_start3A_454 = tpu.memref_squeeze %dma_start3A_453 : memref<1x128xi32, #tpu.memory_space<vmem>> -> memref<128xi32, #tpu.memory_space<vmem>>
      %dma_start3A_455 = arith.constant 0 : i32
      %dma_start3A_456 = arith.constant 0 : i32
      %dma_start3A_457 = tpu.memref_slice %arg26[%dma_start3A_455, %dma_start3A_456] : memref<40960x32xf32, #tpu.memory_space<vmem_shared>> -> memref<40960x32xf32, #tpu.memory_space<vmem_shared>>
      tpu.enqueue_indirect_dma source(%dma_start3A_451 : memref<128x32xf32, #tpu.memory_space<vmem>>) target(%dma_start3A_457 : memref<40960x32xf32, #tpu.memory_space<vmem_shared>>) offsets(%dma_start3A_454 : memref<128xi32, #tpu.memory_space<vmem>>) semaphore(%arg31 : memref<!tpu.dma_semaphore, #tpu.memory_space<semaphore_mem>>) {add = true}
      %dma_start3A_458 = arith.constant 1 : i32
      %dma_start3A_459 = arith.constant 128 : i32
      %dma_start3A_460 = arith.constant 0 : i32
      %dma_start3A_461 = tpu.memref_slice %arg22[%dma_start3A_459, %dma_start3A_460] : memref<256x32xf32, #tpu.memory_space<vmem>> -> memref<128x32xf32, #tpu.memory_space<vmem>>
      %dma_start3A_462 = arith.constant 0 : i32
      %dma_start3A_463 = tpu.memref_slice %arg16[%dma_start3A_458, %dma_start3A_462] : memref<2x128xi32, #tpu.memory_space<vmem>> -> memref<1x128xi32, #tpu.memory_space<vmem>>
      %dma_start3A_464 = tpu.memref_squeeze %dma_start3A_463 : memref<1x128xi32, #tpu.memory_space<vmem>> -> memref<128xi32, #tpu.memory_space<vmem>>
      %dma_start3A_465 = arith.constant 0 : i32
      %dma_start3A_466 = arith.constant 0 : i32
      %dma_start3A_467 = tpu.memref_slice %arg26[%dma_start3A_465, %dma_start3A_466] : memref<40960x32xf32, #tpu.memory_space<vmem_shared>> -> memref<40960x32xf32, #tpu.memory_space<vmem_shared>>
      tpu.enqueue_indirect_dma source(%dma_start3A_461 : memref<128x32xf32, #tpu.memory_space<vmem>>) target(%dma_start3A_467 : memref<40960x32xf32, #tpu.memory_space<vmem_shared>>) offsets(%dma_start3A_464 : memref<128xi32, #tpu.memory_space<vmem>>) semaphore(%arg31 : memref<!tpu.dma_semaphore, #tpu.memory_space<semaphore_mem>>) {add = true}
    }
    %scan3A_190 = arith.constant 62 : i32
    %dma_wait3A_191 = arith.constant 0 : i32
    %dma_wait3A_192 = arith.constant 0 : i32
    %dma_wait3A_193 = arith.constant 0 : i32
    %dma_wait3A_194 = tpu.memref_slice %arg21[%dma_wait3A_192, %dma_wait3A_193] : memref<256x32xf32, #tpu.memory_space<vmem>> -> memref<128x32xf32, #tpu.memory_space<vmem>>
    %dma_wait3A_195 = arith.constant 0 : i32
    %dma_wait3A_196 = tpu.memref_slice %arg15[%dma_wait3A_191, %dma_wait3A_195] : memref<2x128xi32, #tpu.memory_space<vmem>> -> memref<1x128xi32, #tpu.memory_space<vmem>>
    %dma_wait3A_197 = tpu.memref_squeeze %dma_wait3A_196 : memref<1x128xi32, #tpu.memory_space<vmem>> -> memref<128xi32, #tpu.memory_space<vmem>>
    %dma_wait3A_198 = arith.constant 0 : i32
    %dma_wait3A_199 = arith.constant 0 : i32
    %dma_wait3A_200 = tpu.memref_slice %arg26[%dma_wait3A_198, %dma_wait3A_199] : memref<40960x32xf32, #tpu.memory_space<vmem_shared>> -> memref<40960x32xf32, #tpu.memory_space<vmem_shared>>
    tpu.wait_indirect_dma semaphore(%arg31 : memref<!tpu.dma_semaphore, #tpu.memory_space<semaphore_mem>>) src(%dma_wait3A_194 : memref<128x32xf32, #tpu.memory_space<vmem>>) dst(%dma_wait3A_200 : memref<40960x32xf32, #tpu.memory_space<vmem_shared>>)
    %dma_wait3A_201 = arith.constant 1 : i32
    %dma_wait3A_202 = arith.constant 128 : i32
    %dma_wait3A_203 = arith.constant 0 : i32
    %dma_wait3A_204 = tpu.memref_slice %arg21[%dma_wait3A_202, %dma_wait3A_203] : memref<256x32xf32, #tpu.memory_space<vmem>> -> memref<128x32xf32, #tpu.memory_space<vmem>>
    %dma_wait3A_205 = arith.constant 0 : i32
    %dma_wait3A_206 = tpu.memref_slice %arg15[%dma_wait3A_201, %dma_wait3A_205] : memref<2x128xi32, #tpu.memory_space<vmem>> -> memref<1x128xi32, #tpu.memory_space<vmem>>
    %dma_wait3A_207 = tpu.memref_squeeze %dma_wait3A_206 : memref<1x128xi32, #tpu.memory_space<vmem>> -> memref<128xi32, #tpu.memory_space<vmem>>
    %dma_wait3A_208 = arith.constant 0 : i32
    %dma_wait3A_209 = arith.constant 0 : i32
    %dma_wait3A_210 = tpu.memref_slice %arg26[%dma_wait3A_208, %dma_wait3A_209] : memref<40960x32xf32, #tpu.memory_space<vmem_shared>> -> memref<40960x32xf32, #tpu.memory_space<vmem_shared>>
    tpu.wait_indirect_dma semaphore(%arg31 : memref<!tpu.dma_semaphore, #tpu.memory_space<semaphore_mem>>) src(%dma_wait3A_204 : memref<128x32xf32, #tpu.memory_space<vmem>>) dst(%dma_wait3A_210 : memref<40960x32xf32, #tpu.memory_space<vmem_shared>>)
    %dma_wait3A_211 = arith.constant 0 : i32
    %dma_wait3A_212 = arith.constant 0 : i32
    %dma_wait3A_213 = arith.constant 0 : i32
    %dma_wait3A_214 = tpu.memref_slice %arg22[%dma_wait3A_212, %dma_wait3A_213] : memref<256x32xf32, #tpu.memory_space<vmem>> -> memref<128x32xf32, #tpu.memory_space<vmem>>
    %dma_wait3A_215 = arith.constant 0 : i32
    %dma_wait3A_216 = tpu.memref_slice %arg16[%dma_wait3A_211, %dma_wait3A_215] : memref<2x128xi32, #tpu.memory_space<vmem>> -> memref<1x128xi32, #tpu.memory_space<vmem>>
    %dma_wait3A_217 = tpu.memref_squeeze %dma_wait3A_216 : memref<1x128xi32, #tpu.memory_space<vmem>> -> memref<128xi32, #tpu.memory_space<vmem>>
    %dma_wait3A_218 = arith.constant 0 : i32
    %dma_wait3A_219 = arith.constant 0 : i32
    %dma_wait3A_220 = tpu.memref_slice %arg26[%dma_wait3A_218, %dma_wait3A_219] : memref<40960x32xf32, #tpu.memory_space<vmem_shared>> -> memref<40960x32xf32, #tpu.memory_space<vmem_shared>>
    tpu.wait_indirect_dma semaphore(%arg31 : memref<!tpu.dma_semaphore, #tpu.memory_space<semaphore_mem>>) src(%dma_wait3A_214 : memref<128x32xf32, #tpu.memory_space<vmem>>) dst(%dma_wait3A_220 : memref<40960x32xf32, #tpu.memory_space<vmem_shared>>)
    %dma_wait3A_221 = arith.constant 1 : i32
    %dma_wait3A_222 = arith.constant 128 : i32
    %dma_wait3A_223 = arith.constant 0 : i32
    %dma_wait3A_224 = tpu.memref_slice %arg22[%dma_wait3A_222, %dma_wait3A_223] : memref<256x32xf32, #tpu.memory_space<vmem>> -> memref<128x32xf32, #tpu.memory_space<vmem>>
    %dma_wait3A_225 = arith.constant 0 : i32
    %dma_wait3A_226 = tpu.memref_slice %arg16[%dma_wait3A_221, %dma_wait3A_225] : memref<2x128xi32, #tpu.memory_space<vmem>> -> memref<1x128xi32, #tpu.memory_space<vmem>>
    %dma_wait3A_227 = tpu.memref_squeeze %dma_wait3A_226 : memref<1x128xi32, #tpu.memory_space<vmem>> -> memref<128xi32, #tpu.memory_space<vmem>>
    %dma_wait3A_228 = arith.constant 0 : i32
    %dma_wait3A_229 = arith.constant 0 : i32
    %dma_wait3A_230 = tpu.memref_slice %arg26[%dma_wait3A_228, %dma_wait3A_229] : memref<40960x32xf32, #tpu.memory_space<vmem_shared>> -> memref<40960x32xf32, #tpu.memory_space<vmem_shared>>
    tpu.wait_indirect_dma semaphore(%arg31 : memref<!tpu.dma_semaphore, #tpu.memory_space<semaphore_mem>>) src(%dma_wait3A_224 : memref<128x32xf32, #tpu.memory_space<vmem>>) dst(%dma_wait3A_230 : memref<40960x32xf32, #tpu.memory_space<vmem_shared>>)
    %dma_wait3A_231 = arith.constant 0 : i32
    %dma_wait3A_232 = arith.constant 0 : i32
    %dma_wait3A_233 = tpu.memref_slice %arg2[%dma_wait3A_231, %dma_wait3A_232] : memref<160000x32xf32, #tpu.memory_space<hbm>> -> memref<160000x32xf32, #tpu.memory_space<hbm>>
    tpu.wait_indirect_dma semaphore(%arg30 : memref<!tpu.dma_semaphore, #tpu.memory_space<semaphore_mem>>) src(%dma_wait3A_233 : memref<160000x32xf32, #tpu.memory_space<hbm>>) dst(%arg23 : memref<256x32xf32, #tpu.memory_space<vmem>>)
    %dma_wait3A_234 = arith.constant 0 : i32
    %dma_wait3A_235 = arith.constant 0 : i32
    %dma_wait3A_236 = tpu.memref_slice %arg2[%dma_wait3A_234, %dma_wait3A_235] : memref<160000x32xf32, #tpu.memory_space<hbm>> -> memref<160000x32xf32, #tpu.memory_space<hbm>>
    tpu.wait_indirect_dma semaphore(%arg30 : memref<!tpu.dma_semaphore, #tpu.memory_space<semaphore_mem>>) src(%dma_wait3A_236 : memref<160000x32xf32, #tpu.memory_space<hbm>>) dst(%arg24 : memref<256x32xf32, #tpu.memory_space<vmem>>)
    %dma_start3A_237 = arith.constant 0 : i32
    %dma_start3A_238 = arith.constant 0 : i32
    %dma_start3A_239 = arith.constant 0 : i32
    %dma_start3A_240 = tpu.memref_slice %arg23[%dma_start3A_238, %dma_start3A_239] : memref<256x32xf32, #tpu.memory_space<vmem>> -> memref<128x32xf32, #tpu.memory_space<vmem>>
    %dma_start3A_241 = arith.constant 0 : i32
    %dma_start3A_242 = tpu.memref_slice %arg19[%dma_start3A_237, %dma_start3A_241] : memref<2x128xi32, #tpu.memory_space<vmem>> -> memref<1x128xi32, #tpu.memory_space<vmem>>
    %dma_start3A_243 = tpu.memref_squeeze %dma_start3A_242 : memref<1x128xi32, #tpu.memory_space<vmem>> -> memref<128xi32, #tpu.memory_space<vmem>>
    %dma_start3A_244 = arith.constant 0 : i32
    %dma_start3A_245 = arith.constant 0 : i32
    %dma_start3A_246 = tpu.memref_slice %arg26[%dma_start3A_244, %dma_start3A_245] : memref<40960x32xf32, #tpu.memory_space<vmem_shared>> -> memref<40960x32xf32, #tpu.memory_space<vmem_shared>>
    tpu.enqueue_indirect_dma source(%dma_start3A_240 : memref<128x32xf32, #tpu.memory_space<vmem>>) target(%dma_start3A_246 : memref<40960x32xf32, #tpu.memory_space<vmem_shared>>) offsets(%dma_start3A_243 : memref<128xi32, #tpu.memory_space<vmem>>) semaphore(%arg32 : memref<!tpu.dma_semaphore, #tpu.memory_space<semaphore_mem>>) {add = true}
    %dma_start3A_247 = arith.constant 1 : i32
    %dma_start3A_248 = arith.constant 128 : i32
    %dma_start3A_249 = arith.constant 0 : i32
    %dma_start3A_250 = tpu.memref_slice %arg23[%dma_start3A_248, %dma_start3A_249] : memref<256x32xf32, #tpu.memory_space<vmem>> -> memref<128x32xf32, #tpu.memory_space<vmem>>
    %dma_start3A_251 = arith.constant 0 : i32
    %dma_start3A_252 = tpu.memref_slice %arg19[%dma_start3A_247, %dma_start3A_251] : memref<2x128xi32, #tpu.memory_space<vmem>> -> memref<1x128xi32, #tpu.memory_space<vmem>>
    %dma_start3A_253 = tpu.memref_squeeze %dma_start3A_252 : memref<1x128xi32, #tpu.memory_space<vmem>> -> memref<128xi32, #tpu.memory_space<vmem>>
    %dma_start3A_254 = arith.constant 0 : i32
    %dma_start3A_255 = arith.constant 0 : i32
    %dma_start3A_256 = tpu.memref_slice %arg26[%dma_start3A_254, %dma_start3A_255] : memref<40960x32xf32, #tpu.memory_space<vmem_shared>> -> memref<40960x32xf32, #tpu.memory_space<vmem_shared>>
    tpu.enqueue_indirect_dma source(%dma_start3A_250 : memref<128x32xf32, #tpu.memory_space<vmem>>) target(%dma_start3A_256 : memref<40960x32xf32, #tpu.memory_space<vmem_shared>>) offsets(%dma_start3A_253 : memref<128xi32, #tpu.memory_space<vmem>>) semaphore(%arg32 : memref<!tpu.dma_semaphore, #tpu.memory_space<semaphore_mem>>) {add = true}
    %dma_start3A_257 = arith.constant 0 : i32
    %dma_start3A_258 = arith.constant 0 : i32
    %dma_start3A_259 = arith.constant 0 : i32
    %dma_start3A_260 = tpu.memref_slice %arg24[%dma_start3A_258, %dma_start3A_259] : memref<256x32xf32, #tpu.memory_space<vmem>> -> memref<128x32xf32, #tpu.memory_space<vmem>>
    %dma_start3A_261 = arith.constant 0 : i32
    %dma_start3A_262 = tpu.memref_slice %arg20[%dma_start3A_257, %dma_start3A_261] : memref<2x128xi32, #tpu.memory_space<vmem>> -> memref<1x128xi32, #tpu.memory_space<vmem>>
    %dma_start3A_263 = tpu.memref_squeeze %dma_start3A_262 : memref<1x128xi32, #tpu.memory_space<vmem>> -> memref<128xi32, #tpu.memory_space<vmem>>
    %dma_start3A_264 = arith.constant 0 : i32
    %dma_start3A_265 = arith.constant 0 : i32
    %dma_start3A_266 = tpu.memref_slice %arg26[%dma_start3A_264, %dma_start3A_265] : memref<40960x32xf32, #tpu.memory_space<vmem_shared>> -> memref<40960x32xf32, #tpu.memory_space<vmem_shared>>
    tpu.enqueue_indirect_dma source(%dma_start3A_260 : memref<128x32xf32, #tpu.memory_space<vmem>>) target(%dma_start3A_266 : memref<40960x32xf32, #tpu.memory_space<vmem_shared>>) offsets(%dma_start3A_263 : memref<128xi32, #tpu.memory_space<vmem>>) semaphore(%arg32 : memref<!tpu.dma_semaphore, #tpu.memory_space<semaphore_mem>>) {add = true}
    %dma_start3A_267 = arith.constant 1 : i32
    %dma_start3A_268 = arith.constant 128 : i32
    %dma_start3A_269 = arith.constant 0 : i32
    %dma_start3A_270 = tpu.memref_slice %arg24[%dma_start3A_268, %dma_start3A_269] : memref<256x32xf32, #tpu.memory_space<vmem>> -> memref<128x32xf32, #tpu.memory_space<vmem>>
    %dma_start3A_271 = arith.constant 0 : i32
    %dma_start3A_272 = tpu.memref_slice %arg20[%dma_start3A_267, %dma_start3A_271] : memref<2x128xi32, #tpu.memory_space<vmem>> -> memref<1x128xi32, #tpu.memory_space<vmem>>
    %dma_start3A_273 = tpu.memref_squeeze %dma_start3A_272 : memref<1x128xi32, #tpu.memory_space<vmem>> -> memref<128xi32, #tpu.memory_space<vmem>>
    %dma_start3A_274 = arith.constant 0 : i32
    %dma_start3A_275 = arith.constant 0 : i32
    %dma_start3A_276 = tpu.memref_slice %arg26[%dma_start3A_274, %dma_start3A_275] : memref<40960x32xf32, #tpu.memory_space<vmem_shared>> -> memref<40960x32xf32, #tpu.memory_space<vmem_shared>>
    tpu.enqueue_indirect_dma source(%dma_start3A_270 : memref<128x32xf32, #tpu.memory_space<vmem>>) target(%dma_start3A_276 : memref<40960x32xf32, #tpu.memory_space<vmem_shared>>) offsets(%dma_start3A_273 : memref<128xi32, #tpu.memory_space<vmem>>) semaphore(%arg32 : memref<!tpu.dma_semaphore, #tpu.memory_space<semaphore_mem>>) {add = true}
    %dma_wait3A_277 = arith.constant 0 : i32
    %dma_wait3A_278 = arith.constant 0 : i32
    %dma_wait3A_279 = arith.constant 0 : i32
    %dma_wait3A_280 = tpu.memref_slice %arg23[%dma_wait3A_278, %dma_wait3A_279] : memref<256x32xf32, #tpu.memory_space<vmem>> -> memref<128x32xf32, #tpu.memory_space<vmem>>
    %dma_wait3A_281 = arith.constant 0 : i32
    %dma_wait3A_282 = tpu.memref_slice %arg19[%dma_wait3A_277, %dma_wait3A_281] : memref<2x128xi32, #tpu.memory_space<vmem>> -> memref<1x128xi32, #tpu.memory_space<vmem>>
    %dma_wait3A_283 = tpu.memref_squeeze %dma_wait3A_282 : memref<1x128xi32, #tpu.memory_space<vmem>> -> memref<128xi32, #tpu.memory_space<vmem>>
    %dma_wait3A_284 = arith.constant 0 : i32
    %dma_wait3A_285 = arith.constant 0 : i32
    %dma_wait3A_286 = tpu.memref_slice %arg26[%dma_wait3A_284, %dma_wait3A_285] : memref<40960x32xf32, #tpu.memory_space<vmem_shared>> -> memref<40960x32xf32, #tpu.memory_space<vmem_shared>>
    tpu.wait_indirect_dma semaphore(%arg32 : memref<!tpu.dma_semaphore, #tpu.memory_space<semaphore_mem>>) src(%dma_wait3A_280 : memref<128x32xf32, #tpu.memory_space<vmem>>) dst(%dma_wait3A_286 : memref<40960x32xf32, #tpu.memory_space<vmem_shared>>)
    %dma_wait3A_287 = arith.constant 1 : i32
    %dma_wait3A_288 = arith.constant 128 : i32
    %dma_wait3A_289 = arith.constant 0 : i32
    %dma_wait3A_290 = tpu.memref_slice %arg23[%dma_wait3A_288, %dma_wait3A_289] : memref<256x32xf32, #tpu.memory_space<vmem>> -> memref<128x32xf32, #tpu.memory_space<vmem>>
    %dma_wait3A_291 = arith.constant 0 : i32
    %dma_wait3A_292 = tpu.memref_slice %arg19[%dma_wait3A_287, %dma_wait3A_291] : memref<2x128xi32, #tpu.memory_space<vmem>> -> memref<1x128xi32, #tpu.memory_space<vmem>>
    %dma_wait3A_293 = tpu.memref_squeeze %dma_wait3A_292 : memref<1x128xi32, #tpu.memory_space<vmem>> -> memref<128xi32, #tpu.memory_space<vmem>>
    %dma_wait3A_294 = arith.constant 0 : i32
    %dma_wait3A_295 = arith.constant 0 : i32
    %dma_wait3A_296 = tpu.memref_slice %arg26[%dma_wait3A_294, %dma_wait3A_295] : memref<40960x32xf32, #tpu.memory_space<vmem_shared>> -> memref<40960x32xf32, #tpu.memory_space<vmem_shared>>
    tpu.wait_indirect_dma semaphore(%arg32 : memref<!tpu.dma_semaphore, #tpu.memory_space<semaphore_mem>>) src(%dma_wait3A_290 : memref<128x32xf32, #tpu.memory_space<vmem>>) dst(%dma_wait3A_296 : memref<40960x32xf32, #tpu.memory_space<vmem_shared>>)
    %dma_wait3A_297 = arith.constant 0 : i32
    %dma_wait3A_298 = arith.constant 0 : i32
    %dma_wait3A_299 = arith.constant 0 : i32
    %dma_wait3A_300 = tpu.memref_slice %arg24[%dma_wait3A_298, %dma_wait3A_299] : memref<256x32xf32, #tpu.memory_space<vmem>> -> memref<128x32xf32, #tpu.memory_space<vmem>>
    %dma_wait3A_301 = arith.constant 0 : i32
    %dma_wait3A_302 = tpu.memref_slice %arg20[%dma_wait3A_297, %dma_wait3A_301] : memref<2x128xi32, #tpu.memory_space<vmem>> -> memref<1x128xi32, #tpu.memory_space<vmem>>
    %dma_wait3A_303 = tpu.memref_squeeze %dma_wait3A_302 : memref<1x128xi32, #tpu.memory_space<vmem>> -> memref<128xi32, #tpu.memory_space<vmem>>
    %dma_wait3A_304 = arith.constant 0 : i32
    %dma_wait3A_305 = arith.constant 0 : i32
    %dma_wait3A_306 = tpu.memref_slice %arg26[%dma_wait3A_304, %dma_wait3A_305] : memref<40960x32xf32, #tpu.memory_space<vmem_shared>> -> memref<40960x32xf32, #tpu.memory_space<vmem_shared>>
    tpu.wait_indirect_dma semaphore(%arg32 : memref<!tpu.dma_semaphore, #tpu.memory_space<semaphore_mem>>) src(%dma_wait3A_300 : memref<128x32xf32, #tpu.memory_space<vmem>>) dst(%dma_wait3A_306 : memref<40960x32xf32, #tpu.memory_space<vmem_shared>>)
    %dma_wait3A_307 = arith.constant 1 : i32
    %dma_wait3A_308 = arith.constant 128 : i32
    %dma_wait3A_309 = arith.constant 0 : i32
    %dma_wait3A_310 = tpu.memref_slice %arg24[%dma_wait3A_308, %dma_wait3A_309] : memref<256x32xf32, #tpu.memory_space<vmem>> -> memref<128x32xf32, #tpu.memory_space<vmem>>
    %dma_wait3A_311 = arith.constant 0 : i32
    %dma_wait3A_312 = tpu.memref_slice %arg20[%dma_wait3A_307, %dma_wait3A_311] : memref<2x128xi32, #tpu.memory_space<vmem>> -> memref<1x128xi32, #tpu.memory_space<vmem>>
    %dma_wait3A_313 = tpu.memref_squeeze %dma_wait3A_312 : memref<1x128xi32, #tpu.memory_space<vmem>> -> memref<128xi32, #tpu.memory_space<vmem>>
    %dma_wait3A_314 = arith.constant 0 : i32
    %dma_wait3A_315 = arith.constant 0 : i32
    %dma_wait3A_316 = tpu.memref_slice %arg26[%dma_wait3A_314, %dma_wait3A_315] : memref<40960x32xf32, #tpu.memory_space<vmem_shared>> -> memref<40960x32xf32, #tpu.memory_space<vmem_shared>>
    tpu.wait_indirect_dma semaphore(%arg32 : memref<!tpu.dma_semaphore, #tpu.memory_space<semaphore_mem>>) src(%dma_wait3A_310 : memref<128x32xf32, #tpu.memory_space<vmem>>) dst(%dma_wait3A_316 : memref<40960x32xf32, #tpu.memory_space<vmem_shared>>)
    %barrier3A_317 = arith.constant 0 : index
    tpu.barrier barrier_id(%barrier3A_317)
    %scan3A_318 = arith.constant 0 : i32
    %scan3A_319 = arith.constant 20 : i32
    %scan3A_320 = arith.addi %scan3A_318, %scan3A_319 : i32
    %scan3A_321 = arith.constant 1 : i32
    scf.for %scan3A_324 = %scan3A_318 to %scan3A_320 step %scan3A_321  : i32 {
      %mul3A_325 = arith.constant 1 : i32
      %mul3A_326 = arith.muli %scan3A_324, %mul3A_325 : i32
      %add3A_327 = arith.constant 0 : i32
      %add3A_328 = arith.addi %add3A_327, %mul3A_326 : i32
      %mul3A_329 = arith.constant 2500 : i32
      %mul3A_330 = arith.muli %arg1, %mul3A_329 : i32
      %mul3A_331 = arith.constant 128 : i32
      %mul3A_332 = arith.muli %add3A_328, %mul3A_331 : i32
      %min3A_333 = arith.constant 2372 : i32
      %min3A_334 = arith.minsi %mul3A_332, %min3A_333 : i32
      %add3A_335 = arith.addi %mul3A_330, %min3A_334 : i32
      %scan3A_336 = arith.constant 0 : i32
      %scan3A_337 = arith.constant 8 : i32
      %scan3A_338 = arith.addi %scan3A_336, %scan3A_337 : i32
      %scan3A_339 = arith.constant 1 : i32
      scf.for %scan3A_343 = %scan3A_336 to %scan3A_338 step %scan3A_339  : i32 {
        %mul3A_344 = arith.constant 1 : i32
        %mul3A_345 = arith.muli %scan3A_343, %mul3A_344 : i32
        %add3A_346 = arith.constant 0 : i32
        %add3A_347 = arith.addi %add3A_346, %mul3A_345 : i32
        %mul3A_348 = arith.constant 16 : i32
        %mul3A_349 = arith.muli %add3A_347, %mul3A_348 : i32
        %add3A_350 = arith.addi %add3A_335, %mul3A_349 : i32
        %add3A_351 = vector.broadcast %add3A_350 : i32 to vector<16xi32>
        %add3A_352 = arith.addi %add3A_351, %iota3A : vector<16xi32>
        %mul3A_353 = arith.constant 4 : i32
        %mul3A_354 = vector.broadcast %mul3A_353 : i32 to vector<16xi32>
        %mul3A_355 = arith.muli %add3A_352, %mul3A_354 : vector<16xi32>
        %add3A_356 = vector.broadcast %add3A_162 : i32 to vector<16xi32>
        %add3A_357 = arith.addi %mul3A_355, %add3A_356 : vector<16xi32>
        %mul3A_358 = arith.constant 16 : i32
        %mul3A_359 = arith.muli %add3A_347, %mul3A_358 : i32
        %swap3A = arith.index_cast %mul3A_359 : i32 to index
        %swap3A_360 = tpu.vector_load %arg25[%swap3A] {strides = array<i32>} : memref<128xi32, #tpu.memory_space<vmem>>, vector<16xi32>,
        %swap3A_361 = vector.shape_cast %swap3A_360 : vector<16xi32> to vector<16xi32>
        %swap3A_362 = vector.shape_cast %add3A_357 : vector<16xi32> to vector<16xi32>
        tpu.vector_store %arg25[%swap3A], %swap3A_362 {strides = array<i32>} : memref<128xi32, #tpu.memory_space<vmem>>, vector<16xi32>,
      }
      %scan3A_340 = arith.constant 8 : i32
      "tpu.region"() ({
        %run_scoped3A = tpu.sem_alloc : memref<!tpu.dma_semaphore, #tpu.memory_space<semaphore_mem>>
        %dma_start3A_343 = arith.constant 0 : i32
        %dma_start3A_344 = arith.constant 0 : i32
        %dma_start3A_345 = tpu.memref_slice %arg21[%dma_start3A_343, %dma_start3A_344] : memref<256x32xf32, #tpu.memory_space<vmem>> -> memref<128x32xf32, #tpu.memory_space<vmem>>
        %dma_start3A_346 = arith.constant 0 : i32
        %dma_start3A_347 = tpu.memref_slice %arg26[%add3A_335, %dma_start3A_346] : memref<40960x32xf32, #tpu.memory_space<vmem_shared>> -> memref<128x32xf32, #tpu.memory_space<vmem_shared>>
        %dma_start3A_348 = arith.constant 0 : i32
        %dma_start3A_349 = arith.constant 0 : i32
        %dma_start3A_350 = tpu.memref_slice %arg21[%dma_start3A_348, %dma_start3A_349] : memref<256x32xf32, #tpu.memory_space<vmem>> -> memref<128x32xf32, #tpu.memory_space<vmem>>
        %dma_start3A_351 = arith.constant 0 : i32
        %dma_start3A_352 = tpu.memref_slice %arg26[%add3A_335, %dma_start3A_351] : memref<40960x32xf32, #tpu.memory_space<vmem_shared>> -> memref<128x32xf32, #tpu.memory_space<vmem_shared>>
        tpu.enqueue_dma source(%dma_start3A_352 : memref<128x32xf32, #tpu.memory_space<vmem_shared>>) target(%dma_start3A_350 : memref<128x32xf32, #tpu.memory_space<vmem>>) target_semaphore(%run_scoped3A : memref<!tpu.dma_semaphore, #tpu.memory_space<semaphore_mem>>)
        %dma_wait3A_353 = arith.constant 0 : i32
        %dma_wait3A_354 = arith.constant 0 : i32
        %dma_wait3A_355 = tpu.memref_slice %arg21[%dma_wait3A_353, %dma_wait3A_354] : memref<256x32xf32, #tpu.memory_space<vmem>> -> memref<128x32xf32, #tpu.memory_space<vmem>>
        %dma_wait3A_356 = arith.constant 0 : i32
        %dma_wait3A_357 = tpu.memref_slice %arg26[%add3A_335, %dma_wait3A_356] : memref<40960x32xf32, #tpu.memory_space<vmem_shared>> -> memref<128x32xf32, #tpu.memory_space<vmem_shared>>
        %dma_wait3A_358 = arith.constant 0 : i32
        %dma_wait3A_359 = arith.constant 0 : i32
        %dma_wait3A_360 = tpu.memref_slice %arg21[%dma_wait3A_358, %dma_wait3A_359] : memref<256x32xf32, #tpu.memory_space<vmem>> -> memref<128x32xf32, #tpu.memory_space<vmem>>
        %dma_wait3A_361 = arith.constant 0 : i32
        %dma_wait3A_362 = tpu.memref_slice %arg26[%add3A_335, %dma_wait3A_361] : memref<40960x32xf32, #tpu.memory_space<vmem_shared>> -> memref<128x32xf32, #tpu.memory_space<vmem_shared>>
        tpu.wait_dma2 semaphore(%run_scoped3A : memref<!tpu.dma_semaphore, #tpu.memory_space<semaphore_mem>>) src(%dma_wait3A_362 : memref<128x32xf32, #tpu.memory_space<vmem_shared>>) dst(%dma_wait3A_360 : memref<128x32xf32, #tpu.memory_space<vmem>>)
        tpu.yield
      }) : () -> ()
      "tpu.region"() ({
        %run_scoped3A = tpu.sem_alloc : memref<!tpu.dma_semaphore, #tpu.memory_space<semaphore_mem>>
        %dma_start3A_343 = arith.constant 0 : i32
        %dma_start3A_344 = arith.constant 0 : i32
        %dma_start3A_345 = tpu.memref_slice %arg21[%dma_start3A_343, %dma_start3A_344] : memref<256x32xf32, #tpu.memory_space<vmem>> -> memref<128x32xf32, #tpu.memory_space<vmem>>
        %dma_start3A_346 = arith.constant 0 : i32
        %dma_start3A_347 = tpu.memref_slice %arg6[%add3A_335, %add3A_162, %dma_start3A_346] : memref<40000x8x32xf32, #tpu.memory_space<hbm>> -> memref<128x1x32xf32, #tpu.memory_space<hbm>>
        %dma_start3A_348 = tpu.memref_squeeze %dma_start3A_347 : memref<128x1x32xf32, #tpu.memory_space<hbm>> -> memref<128x32xf32, #tpu.memory_space<hbm>>
        %dma_start3A_349 = arith.constant 0 : i32
        %dma_start3A_350 = tpu.memref_slice %arg6[%add3A_335, %add3A_162, %dma_start3A_349] : memref<40000x8x32xf32, #tpu.memory_space<hbm>> -> memref<128x1x32xf32, #tpu.memory_space<hbm>>
        %dma_start3A_351 = tpu.memref_squeeze %dma_start3A_350 : memref<128x1x32xf32, #tpu.memory_space<hbm>> -> memref<128x32xf32, #tpu.memory_space<hbm>>
        %dma_start3A_352 = arith.constant 0 : i32
        %dma_start3A_353 = arith.constant 0 : i32
        %dma_start3A_354 = tpu.memref_slice %arg21[%dma_start3A_352, %dma_start3A_353] : memref<256x32xf32, #tpu.memory_space<vmem>> -> memref<128x32xf32, #tpu.memory_space<vmem>>
        tpu.enqueue_dma source(%dma_start3A_354 : memref<128x32xf32, #tpu.memory_space<vmem>>) target(%dma_start3A_351 : memref<128x32xf32, #tpu.memory_space<hbm>>) target_semaphore(%run_scoped3A : memref<!tpu.dma_semaphore, #tpu.memory_space<semaphore_mem>>)
        %dma_wait3A_355 = arith.constant 0 : i32
        %dma_wait3A_356 = arith.constant 0 : i32
        %dma_wait3A_357 = tpu.memref_slice %arg21[%dma_wait3A_355, %dma_wait3A_356] : memref<256x32xf32, #tpu.memory_space<vmem>> -> memref<128x32xf32, #tpu.memory_space<vmem>>
        %dma_wait3A_358 = arith.constant 0 : i32
        %dma_wait3A_359 = tpu.memref_slice %arg6[%add3A_335, %add3A_162, %dma_wait3A_358] : memref<40000x8x32xf32, #tpu.memory_space<hbm>> -> memref<128x1x32xf32, #tpu.memory_space<hbm>>
        %dma_wait3A_360 = tpu.memref_squeeze %dma_wait3A_359 : memref<128x1x32xf32, #tpu.memory_space<hbm>> -> memref<128x32xf32, #tpu.memory_space<hbm>>
        %dma_wait3A_361 = arith.constant 0 : i32
        %dma_wait3A_362 = tpu.memref_slice %arg6[%add3A_335, %add3A_162, %dma_wait3A_361] : memref<40000x8x32xf32, #tpu.memory_space<hbm>> -> memref<128x1x32xf32, #tpu.memory_space<hbm>>
        %dma_wait3A_363 = tpu.memref_squeeze %dma_wait3A_362 : memref<128x1x32xf32, #tpu.memory_space<hbm>> -> memref<128x32xf32, #tpu.memory_space<hbm>>
        %dma_wait3A_364 = arith.constant 0 : i32
        %dma_wait3A_365 = arith.constant 0 : i32
        %dma_wait3A_366 = tpu.memref_slice %arg21[%dma_wait3A_364, %dma_wait3A_365] : memref<256x32xf32, #tpu.memory_space<vmem>> -> memref<128x32xf32, #tpu.memory_space<vmem>>
        tpu.wait_dma2 semaphore(%run_scoped3A : memref<!tpu.dma_semaphore, #tpu.memory_space<semaphore_mem>>) src(%dma_wait3A_366 : memref<128x32xf32, #tpu.memory_space<vmem>>) dst(%dma_wait3A_363 : memref<128x32xf32, #tpu.memory_space<hbm>>)
        tpu.yield
      }) : () -> ()
      "tpu.region"() ({
        %run_scoped3A = tpu.sem_alloc : memref<!tpu.dma_semaphore, #tpu.memory_space<semaphore_mem>>
        %dma_start3A_343 = arith.constant 0 : i32
        %dma_start3A_344 = arith.constant 0 : i32
        %dma_start3A_345 = tpu.memref_slice %arg23[%dma_start3A_343, %dma_start3A_344] : memref<256x32xf32, #tpu.memory_space<vmem>> -> memref<128x32xf32, #tpu.memory_space<vmem>>
        %dma_start3A_346 = arith.constant 0 : i32
        %dma_start3A_347 = arith.constant 0 : i32
        %dma_start3A_348 = tpu.memref_slice %arg2[%dma_start3A_346, %dma_start3A_347] : memref<160000x32xf32, #tpu.memory_space<hbm>> -> memref<160000x32xf32, #tpu.memory_space<hbm>>
        tpu.enqueue_indirect_dma source(%dma_start3A_348 : memref<160000x32xf32, #tpu.memory_space<hbm>>) target(%dma_start3A_345 : memref<128x32xf32, #tpu.memory_space<vmem>>) offsets(%arg25 : memref<128xi32, #tpu.memory_space<vmem>>) semaphore(%run_scoped3A : memref<!tpu.dma_semaphore, #tpu.memory_space<semaphore_mem>>)
        %dma_wait3A_349 = arith.constant 0 : i32
        %dma_wait3A_350 = arith.constant 0 : i32
        %dma_wait3A_351 = tpu.memref_slice %arg23[%dma_wait3A_349, %dma_wait3A_350] : memref<256x32xf32, #tpu.memory_space<vmem>> -> memref<128x32xf32, #tpu.memory_space<vmem>>
        %dma_wait3A_352 = arith.constant 0 : i32
        %dma_wait3A_353 = arith.constant 0 : i32
        %dma_wait3A_354 = tpu.memref_slice %arg2[%dma_wait3A_352, %dma_wait3A_353] : memref<160000x32xf32, #tpu.memory_space<hbm>> -> memref<160000x32xf32, #tpu.memory_space<hbm>>
        tpu.wait_indirect_dma semaphore(%run_scoped3A : memref<!tpu.dma_semaphore, #tpu.memory_space<semaphore_mem>>) src(%dma_wait3A_354 : memref<160000x32xf32, #tpu.memory_space<hbm>>) dst(%dma_wait3A_351 : memref<128x32xf32, #tpu.memory_space<vmem>>)
        tpu.yield
      }) : () -> ()
      %add3A_341 = arith.constant 4 : i32
      %add3A_342 = arith.addi %add3A_341, %add3A_162 : i32
      "tpu.region"() ({
        %run_scoped3A = tpu.sem_alloc : memref<!tpu.dma_semaphore, #tpu.memory_space<semaphore_mem>>
        %dma_start3A_343 = arith.constant 0 : i32
        %dma_start3A_344 = arith.constant 0 : i32
        %dma_start3A_345 = tpu.memref_slice %arg23[%dma_start3A_343, %dma_start3A_344] : memref<256x32xf32, #tpu.memory_space<vmem>> -> memref<128x32xf32, #tpu.memory_space<vmem>>
        %dma_start3A_346 = arith.constant 0 : i32
        %dma_start3A_347 = tpu.memref_slice %arg6[%add3A_335, %add3A_342, %dma_start3A_346] : memref<40000x8x32xf32, #tpu.memory_space<hbm>> -> memref<128x1x32xf32, #tpu.memory_space<hbm>>
        %dma_start3A_348 = tpu.memref_squeeze %dma_start3A_347 : memref<128x1x32xf32, #tpu.memory_space<hbm>> -> memref<128x32xf32, #tpu.memory_space<hbm>>
        %dma_start3A_349 = arith.constant 0 : i32
        %dma_start3A_350 = tpu.memref_slice %arg6[%add3A_335, %add3A_342, %dma_start3A_349] : memref<40000x8x32xf32, #tpu.memory_space<hbm>> -> memref<128x1x32xf32, #tpu.memory_space<hbm>>
        %dma_start3A_351 = tpu.memref_squeeze %dma_start3A_350 : memref<128x1x32xf32, #tpu.memory_space<hbm>> -> memref<128x32xf32, #tpu.memory_space<hbm>>
        %dma_start3A_352 = arith.constant 0 : i32
        %dma_start3A_353 = arith.constant 0 : i32
        %dma_start3A_354 = tpu.memref_slice %arg23[%dma_start3A_352, %dma_start3A_353] : memref<256x32xf32, #tpu.memory_space<vmem>> -> memref<128x32xf32, #tpu.memory_space<vmem>>
        tpu.enqueue_dma source(%dma_start3A_354 : memref<128x32xf32, #tpu.memory_space<vmem>>) target(%dma_start3A_351 : memref<128x32xf32, #tpu.memory_space<hbm>>) target_semaphore(%run_scoped3A : memref<!tpu.dma_semaphore, #tpu.memory_space<semaphore_mem>>)
        %dma_wait3A_355 = arith.constant 0 : i32
        %dma_wait3A_356 = arith.constant 0 : i32
        %dma_wait3A_357 = tpu.memref_slice %arg23[%dma_wait3A_355, %dma_wait3A_356] : memref<256x32xf32, #tpu.memory_space<vmem>> -> memref<128x32xf32, #tpu.memory_space<vmem>>
        %dma_wait3A_358 = arith.constant 0 : i32
        %dma_wait3A_359 = tpu.memref_slice %arg6[%add3A_335, %add3A_342, %dma_wait3A_358] : memref<40000x8x32xf32, #tpu.memory_space<hbm>> -> memref<128x1x32xf32, #tpu.memory_space<hbm>>
        %dma_wait3A_360 = tpu.memref_squeeze %dma_wait3A_359 : memref<128x1x32xf32, #tpu.memory_space<hbm>> -> memref<128x32xf32, #tpu.memory_space<hbm>>
        %dma_wait3A_361 = arith.constant 0 : i32
        %dma_wait3A_362 = tpu.memref_slice %arg6[%add3A_335, %add3A_342, %dma_wait3A_361] : memref<40000x8x32xf32, #tpu.memory_space<hbm>> -> memref<128x1x32xf32, #tpu.memory_space<hbm>>
        %dma_wait3A_363 = tpu.memref_squeeze %dma_wait3A_362 : memref<128x1x32xf32, #tpu.memory_space<hbm>> -> memref<128x32xf32, #tpu.memory_space<hbm>>
        %dma_wait3A_364 = arith.constant 0 : i32
        %dma_wait3A_365 = arith.constant 0 : i32
        %dma_wait3A_366 = tpu.memref_slice %arg23[%dma_wait3A_364, %dma_wait3A_365] : memref<256x32xf32, #tpu.memory_space<vmem>> -> memref<128x32xf32, #tpu.memory_space<vmem>>
        tpu.wait_dma2 semaphore(%run_scoped3A : memref<!tpu.dma_semaphore, #tpu.memory_space<semaphore_mem>>) src(%dma_wait3A_366 : memref<128x32xf32, #tpu.memory_space<vmem>>) dst(%dma_wait3A_363 : memref<128x32xf32, #tpu.memory_space<hbm>>)
        tpu.yield
      }) : () -> ()
    }
    %scan3A_322 = arith.constant 20 : i32
    %barrier3A_323 = arith.constant 0 : index
    tpu.barrier barrier_id(%barrier3A_323)
    return
  }
}

</mosaic_0001>

<sc_bundles>
// kernel: kernel.3.cloned.1.call-start
scs
__scs_entry_jumppad:
0x0: {  	(pc) =	sbr.rel $0x88, $3  }
0x1: {  	(tag) =	ssettag $0x0;
	lr =	simm.s32 $0x1  }
0x2: {  	[smem:$0x3F9D] =	sst lr;
	_ =	strace $0xD0000000  }
0x3: {  	_ = 	snop  }
0x4: {  	_ = 	snop  }
0x5: {  	_ = 	snop  }
0x6: {  	_ = 	snop  }
0x7: {  	_ = 	snop  }
__scs_overlays_trampoline_lowered:
0x8: {  	[smem:$0x3FAC] =	sst s0  }
0x9: {  	[smem:$0x3FAD] =	sst s1  }
0xa: {  	[smem:$0x3FAE] =	sst s2  }
0xb: {  	[smem:$0x3FAF] =	sst s3  }
0xc: {  	[smem:$0x3FB0] =	sst s4  }
0xd: {  	[smem:$0x3FB1] =	sst s5  }
0xe: {  	[smem:$0x3FB2] =	sst s6  }
0xf: {  	[smem:$0x3FB3] =	sst s7  }
0x10: {  	[smem:$0x3FB4] =	sst s8  }
0x11: {  	[smem:$0x3FB5] =	sst s9;
	s0 =	simm.s32 @!p0 $0x0  }
0x12: {  	s1 =	sld [smem:$0x3F9B];
	s0 =	simm.s32 @p0 $0x1  }
0x13: {  	[smem:$0x3FB6] =	sst s0;
	s0 =	simm.s32 @!p1 $0x0  }
0x14: {  	s2 =	sld [smem:$0x3F9A];
	s0 =	simm.s32 @p1 $0x1  }
0x15: {  	[smem:$0x3FB7] =	sst s0;
	s0 =	simm.s32 @!p2 $0x0  }
0x16: {  	s3 =	sld [smem:$0x3FDB];
	s0 =	simm.s32 @p2 $0x1  }
0x17: {  	s4 =	simm.s32 $0x1BF5;
	[smem:$0x3FB9] =	sst s0  }
0x18: {  	s0 =	sld [smem:$0x3F9C];
	_ =	swait.ge [sflag:s4], $0x0  }
0x19: {  	s7 =	sld [smem:$0x3F9D]  }
0x1a: {  	s8 =	sadd.s32 $0xFFFFE003, lr  }
0x1b: {  	s9 =	sadd.s32 $0xFFFFFEF7, lr;
	s5 =	simm.s32 $0xFFFFFFFF;
	p2 =	slt.u32 s8, $0xFFFFF086  }
0x1c: {  	p1 =	slt.u32 s9, $0xF7A;
	s5 =	simm.s32 @!p2 $0x0  }
0x1d: {  	s5 =	simm.s32 @p1 $0x1;
	p0 =	seq.s32 s7, s2  }
0x1e: {  	s7 =	smul.u32 @!p0 $0xF7A, s2;
	p2 =	seq.s32 @!p0 s5, $0x0  }
0x1f: {  	s9 =	smul.u32 $0xF7A, s1;
	s8 =	simm.s32 @!p0 $0x1BF5;
	p2 =	por !p2, p0  }
0x20: {  	[sflag:s8] =	ssyncset.s32 @!p0 $0xFFFFF086;
	s6 =	sadd.s32 @!p0 s3, s7;
	s7 =	simm.s32 @!p0 $0x108  }
0x21: {  	s3 =	sadd.s32 s3, s9;
	s6 =	sadd.s32 @!p0 $0x88, s6;
	s7 =	simm.s32 @p2 $0x1082  }
0x22: {  	[simem:s7], [sflag:s8] =	dma.local @!p0 [hbm:s6], $0xF7A  }
0x23: {  	s9 =	sor.u32 $0xD0000000, s2;
	s6 =	simm.s32 $0x108;
	_ =	swait.ge @!p0 [sflag:s8], $0x0  }
0x24: {  	s3 =	sadd.s32 $0x88, s3;
	s6 =	simm.s32 @!p1 $0x1082;
	[sflag:s4] =	ssyncset.s32 $0xFFFFF086  }
0x25: {  	[simem:s6], [sflag:s4] =	dma.local [hbm:s3], $0xF7A  }
0x26: {  	[smem:$0x3F9D] =	sst s1;
	(tag) =	ssettag s2;
	_ =	strace s9  }
0x27: {  	s1 =	sld [smem:$0x3FAD]  }
0x28: {  	s2 =	sld [smem:$0x3FAE]  }
0x29: {  	s4 =	sld [smem:$0x3FB0]  }
0x2a: {  	p0 =	seq.s32 s5, $0x0;
	s5 =	sld [smem:$0x3FB1]  }
0x2b: {  	s6 =	sld [smem:$0x3FB2]  }
0x2c: {  	s7 =	sld [smem:$0x3FB3]  }
0x2d: {  	s3 =	simm.s32 $0x108;
	s8 =	sld [smem:$0x3FB4]  }
0x2e: {  	s3 =	simm.s32 @!p0 $0x1082;
	s9 =	sld [smem:$0x3FB5]  }
0x2f: {  	lr =	sadd.s32 s0, s3;
	s0 =	sld [smem:$0x3FAC]  }
0x30: {  	s3 =	sld [smem:$0x3FAF]  }
0x31: {  	[smem:$0x3FB8] =	sst s10  }
0x32: {  	s10 =	sld [smem:$0x3FB6];
	_ =	sdelay $0x3  }
0x33: {  	p0 =	seq.s32 s10, $0x1;
	s10 =	sld [smem:$0x3FB8];
	_ =	sdelay $0x3  }
0x34: {  	[smem:$0x3FB8] =	sst s10  }
0x35: {  	s10 =	sld [smem:$0x3FB7];
	_ =	sdelay $0x3  }
0x36: {  	p1 =	seq.s32 s10, $0x1;
	s10 =	sld [smem:$0x3FB8];
	_ =	sdelay $0x3  }
0x37: {  	[smem:$0x3FB8] =	sst s10  }
0x38: {  	s10 =	sld [smem:$0x3FB9]  }
0x39: {  	_ = 	snop;
	(pc) =	sbr.ind lr, $3  }
0x3a: {  	_ = 	snop  }
0x3b: {  	_ = 	snop  }
0x3c: {  	p2 =	seq.s32 s10, $0x1;
	s10 =	sld [smem:$0x3FB8]  }
0x3d: {  	_ =	shalt  }
0x3e: {  	_ =	shalt  }
0x3f: {  	_ =	shalt  }
0x40: {  	_ =	shalt  }
0x41: {  	_ =	shalt  }
0x42: {  	_ =	shalt  }
0x43: {  	_ =	shalt  }
0x44: {  	_ =	shalt  }
0x45: {  	_ =	shalt  }
0x46: {  	_ =	shalt  }
0x47: {  	_ =	shalt  }
0x48: {  	_ =	shalt  }
0x49: {  	_ =	shalt  }
0x4a: {  	_ =	shalt  }
0x4b: {  	_ =	shalt  }
0x4c: {  	_ =	shalt  }
0x4d: {  	_ =	shalt  }
0x4e: {  	_ =	shalt  }
0x4f: {  	_ =	shalt  }
0x50: {  	_ =	shalt  }
0x51: {  	_ =	shalt  }
0x52: {  	_ =	shalt  }
0x53: {  	_ =	shalt  }
0x54: {  	_ =	shalt  }
0x55: {  	_ =	shalt  }
0x56: {  	_ =	shalt  }
0x57: {  	_ =	shalt  }
0x58: {  	_ =	shalt  }
0x59: {  	_ =	shalt  }
0x5a: {  	_ =	shalt  }
0x5b: {  	_ =	shalt  }
0x5c: {  	_ =	shalt  }
0x5d: {  	_ =	shalt  }
0x5e: {  	_ =	shalt  }
0x5f: {  	_ =	shalt  }
0x60: {  	_ =	shalt  }
0x61: {  	_ =	shalt  }
0x62: {  	_ =	shalt  }
0x63: {  	_ =	shalt  }
0x64: {  	_ =	shalt  }
0x65: {  	_ =	shalt  }
0x66: {  	_ =	shalt  }
0x67: {  	_ =	shalt  }
0x68: {  	_ =	shalt  }
0x69: {  	_ =	shalt  }
0x6a: {  	_ =	shalt  }
0x6b: {  	_ =	shalt  }
0x6c: {  	_ =	shalt  }
0x6d: {  	_ =	shalt  }
0x6e: {  	_ =	shalt  }
0x6f: {  	_ =	shalt  }
0x70: {  	_ =	shalt  }
0x71: {  	_ =	shalt  }
0x72: {  	_ =	shalt  }
0x73: {  	_ =	shalt  }
0x74: {  	_ =	shalt  }
0x75: {  	_ =	shalt  }
0x76: {  	_ =	shalt  }
0x77: {  	_ =	shalt  }
0x78: {  	_ =	shalt  }
0x79: {  	_ =	shalt  }
0x7a: {  	_ =	shalt  }
0x7b: {  	_ =	shalt  }
0x7c: {  	_ =	shalt  }
0x7d: {  	_ =	shalt  }
0x7e: {  	_ =	shalt  }
0x7f: {  	_ =	shalt  }
0x80: {  	_ =	shalt  }
0x81: {  	_ =	shalt  }
0x82: {  	_ =	shalt  }
0x83: {  	_ =	shalt  }
0x84: {  	_ =	shalt  }
0x85: {  	_ =	shalt  }
0x86: {  	_ =	shalt  }
0x87: {  	_ =	shalt  }
.Lfunc_end0:
.L_simem_size_0:
called_computation_lowered:
.L_overlay_start_0:
0x88: {  	s2 =	sld [smem:$0x3FD9]  }
0x89: {  	s3 =	sld [smem:$0x3FFE];
	_ =	sdelay $0x1  }
0x8a: {  	s1 =	srdreg.scid  }
0x8b: {  	s0 =	sand.u32 $0x1, s1  }
0x8c: {  	s17 =	sshll.u32 s0, $0xA;
	s2 =	sadd.s32 s3, s2  }
0x8d: {  	s2 =	sadd.s32 s2, s17  }
0x8e: {  	[smem:$0x3FC4] =	sst s2  }
0x8f: {  	_ = 	snop  }
0x90: {  	s2 =	sld [smem:$0x3FC9]  }
0x91: {  	s18 =	sld [smem:$0x3FC8]  }
0x92: {  	s4 =	sld [smem:$0x3FC7]  }
0x93: {  	s5 =	sld [smem:$0x3FC6];
	(tm) =	ssettm $0x1  }
0x94: {  	s6 =	sld [smem:$0x3FFB];
	_ =	sdelay $0x3  }
0x95: {  	_ =	strace s6  }
0x96: {  	s6 =	sld [smem:$0x3FFC];
	_ =	sdelay $0x3  }
0x97: {  	_ =	strace s6  }
0x98: {  	s6 =	sld [smem:$0x3FFD];
	_ =	sdelay $0x3  }
0x99: {  	_ =	strace s6  }
0x9a: {  	_ =	strace $0x8FFFFFFF  }
0x9b: {  	s19 =	sld [smem:$0x3FDB];
	_ =	sdelay $0x1  }
0x9c: {  	s7 =	simm.s32 $_scs_section_size  }
0x9d: {  	s8 =	simm.s32 $_size__tile_overlayer_lowered;
	s9 =	simm.s32 $_tile_overlayer_lowered  }
0x9e: {  	s22 =	simm.s32 $0x1BFF;
	s21 =	sshll.u32 s9, $0x1;
	s6 =	sadd.s32 s7, s19  }
0x9f: {  	s10 =	simm.s32 $0x0;
	s20 =	sshll.u32 s8, $0x1;
	s8 =	sadd.s32 s21, s6  }
0xa0: {  	[timem:s10], [sflag:s22] =	dma.local [hbm:s8], s20  }
0xa1: {  	_ =	swait.ge [sflag:s22], s20  }
0xa2: {  	s7 =	ssub.s32 $0x0, s20;
	[sflag:s22] =	ssyncset.done $0x0  }
0xa3: {  	[sflag:s22] =	ssyncadd.s32 s7;
	_ =	sdelay $0x1  }
0xa4: {  	s23 =	simm.s32 $0x1B8B  }
0xa5: {  	_ =	swait.ge [sflag:s23], $0x1  }
0xa6: {  	[sflag:s23] =	ssyncset.done $0x0  }
0xa7: {  	s25 =	simm.s32 $0x1B8E;
	s24 =	sld [smem:$0x3FFE];
	[sflag:s23] =	ssyncadd.s32 $0xFFFFFFFF  }
0xa8: {  	s26 =	simm.s32 $execute0_lowered;
	[smem:$0x3FD2] =	sst s25  }
0xa9: {  	s8 =	sshll.u32 s26, $0x1;
	_ =	strace $0x80000046;
	[dreg:$0x1] =	wrdreg $0xFFFFFFFF  }
0xaa: {  	s28 =	simm.s32 $_size_execute0_lowered;
	s6 =	sadd.s32 s6, s8;
	[dreg:$0x0] =	wrdreg $0x0  }
0xab: {  	s8 =	sshll.u32 s28, $0x1;
	[dreg:$0x2] =	wrdreg s6  }
0xac: {  	[dreg:$0x3] =	wrdreg s8  }
0xad: {  	[dreg:$0x4] =	wrdreg $0xC0  }
0xae: {  	_ =	task [dreg:s10], $0x5FFFF  }
0xaf: {  	[dreg:$0x1] =	wrdreg $0xFFFFFFFF  }
0xb0: {  	[dreg:$0x0] =	wrdreg $0x60  }
0xb1: {  	[dreg:$0x2] =	wrdreg s2  }
0xb2: {  	[dreg:$0x3] =	wrdreg s18  }
0xb3: {  	[dreg:$0x4] =	wrdreg s4  }
0xb4: {  	[dreg:$0x5] =	wrdreg s5  }
0xb5: {  	[dreg:$0x6] =	wrdreg s24  }
0xb6: {  	[dreg:$0x7] =	wrdreg $0x8E800  }
0xb7: {  	[dreg:$0x8] =	wrdreg $0x9  }
0xb8: {  	_ =	task.clear_ibuf [dreg:s10], $0x9FFFF;
	_ =	strace $0x90000046  }
0xb9: {  	s29 =	simm.s32 $0x9;
	_ =	strace $0x80000048  }
0xba: {  	_ =	swait.ge [sflag:s29], $0x1  }
0xbb: {  	[sflag:s29] =	ssyncadd.s32 $0xFFFFFFFF  }
0xbc: {  	_ =	strace $0x90000048  }
0xbd: {  	_ =	sfence  }
0xbe: {  	s30 =	sld [smem:$0x0];
	_ =	sdelay $0x2  }
0xbf: {  	s31 =	sshll.u32 s1, $0xD;
	s1 =	sshrl.u32 s1, $0x2  }
0xc0: {  	s3 =	sand.u32 $0x4000, s31;
	s1 =	sadd.s32 s1, s30  }
0xc1: {  	s0 =	sor.u32 s3, s0;
	s1 =	sshll.u32 s1, $0x11  }
0xc2: {  	s0 =	sor.u32 s1, s0  }
0xc3: {  	s0 =	sadd.s32 $0x8F2B, s0  }
0xc4: {  	[sflag:s0] =	ssyncadd.remote.s32 $0x1  }
0xc5: {  	_ =	sfence.sel $0xFFFF  }
0xc6: {  	[dreg:$0x0] =	wrdreg $0xFFFFFFFF;
	(pc) =	sbr.abs _section_cstart, $3  }
0xc7: {  	[dreg:$0x1] =	wrdreg $0xFFFFFFFF  }
0xc8: {  	_ =	task.clear_ibuf [dreg:s10], $0x2FFFF;
	_ =	strace $0x9FFFFFFF  }
0xc9: {  	(tm) =	ssettm $0x7FFFFFFF  }
tec
execute0_lowered:
.L_overlay_start_1:
0x0: {  	(tag) =	ssettag $0x1  }
0x1: {  	s1 =	rddreg [dreg:$0x0]  }
0x2: {  	s22 =	rddreg [dreg:$0x1]  }
0x3: {  	s31 =	rddreg [dreg:$0x2]  }
0x4: {  	s4 =	rddreg [dreg:$0x3]  }
0x5: {  	s0 =	rddreg [dreg:$0x4]  }
0x6: {  	s6 =	rddreg [dreg:$0x5];
	s9 =	stileid.u32  }
0x7: {  	s2 =	srdreg.scid;
	s7 =	simm.s32 $0x0;
	s29 =	sshll.u32 s9, $0x5  }
0x8: {  	s2 =	sand.u32 $0x1, s2;
	[smem:$0x7FF] =	sst s7;
	s12 =	sadd.s32 s22, s29  }
0x9: {  	_ =	strace $0x80000047;
	s30 =	sadd.s32 s31, s29;
	[dreg:$0x8] =	wrdreg s12  }
0xa: {  	s5 =	smul.u32 $0x50000, s9;
	s4 =	sadd.s32 s4, s29;
	[dreg:$0x9] =	wrdreg s30  }
0xb: {  	s11 =	sshll.u32 s9, $0x8;
	s15 =	sshll.u32 s2, $0x6;
	[dreg:$0xa] =	wrdreg s4  }
0xc: {  	s3 =	ssub.s32 $0x2, s2;
	s12 =	sor.u32 $0x2000, s11;
	[dreg:$0xd] =	wrdreg s15  }
0xd: {  	s5 =	sshrl.u32 s5, $0x2;
	s16 =	sor.u32 $0x80, s15;
	[dreg:$0xc] =	wrdreg s12  }
0xe: {  	s10 =	sadd.s32 s5, s6;
	s5 =	sor.u32 $0x1000, s11;
	[dreg:$0xe] =	wrdreg s16  }
0xf: {  	s8 =	sadd.s32 $0x400, s0;
	s26 =	sshrl.u32 s3, $0x1;
	[dreg:$0xb] =	wrdreg s5  }
0x10: {  	s0 =	ssub.s32 s3, s26;
	s26 =	sor.u32 $0xA0, s15;
	[dreg:$0x7] =	wrdreg s10  }
0x11: {  	s0 =	smax.u32 s0, $0x1;
	[dreg:$0x10] =	wrdreg s26  }
0x12: {  	s28 =	simm.s32 $0x2;
	s13 =	sadd.s32 $0x2000, s10;
	[dreg:$0x11] =	wrdreg s0  }
0x13: {  	s17 =	smul.u32 $0x9C4, s9;
	s14 =	sadd.s32 $0x4000, s10;
	[dreg:$0x12] =	wrdreg s13  }
0x14: {  	s9 =	simm.s32 $0x3;
	s18 =	sadd.s32 $0x6000, s10;
	[dreg:$0x13] =	wrdreg s14  }
0x15: {  	s20 =	smov.u32 s11;
	s21 =	sadd.s32 $0x8000, s10;
	[dreg:$0x14] =	wrdreg s18  }
0x16: {  	s3 =	sshll.u32 s2, $0x1;
	s23 =	sadd.s32 $0xA000, s10;
	[dreg:$0x15] =	wrdreg s21  }
0x17: {  	s2 =	sshllo.u32 s2, $0x1;
	s24 =	sadd.s32 $0xC000, s10;
	[dreg:$0x16] =	wrdreg s23  }
0x18: {  	s11 =	simm.s32 $0x100;
	s25 =	sadd.s32 $0xE000, s10;
	[dreg:$0x17] =	wrdreg s24  }
0x19: {  	s19 =	sshll.u32 s2, $0x5;
	s29 =	sadd.s32 $0x10000, s10;
	[dreg:$0x18] =	wrdreg s25  }
0x1a: {  	s30 =	sadd.s32 $0x12000, s10;
	s5 =	simm.s32 $0x7;
	[dreg:$0x19] =	wrdreg s29  }
0x1b: {  	v0 =	vmov s3;
	s3 =	simm.s32 $0x0;
	[dreg:$0x1a] =	wrdreg s30;
	s0 =	simm.s32 $0xE00  }
0x1c: {  	v2 =	vlaneseq.u32;
	v3 =	vimm.f32 $0.0e+00;
	s21 =	simm.s32 $0x4E00;
	s23 =	simm.s32 $0x1;
	s18 =	simm.s32 $0x80  }
0x1d: {  	v4 =	vmul.u32 $0xFFFFFFFF, v2;
	v5 =	vmul.u32 $0x4, v2;
	v1 =	vmov s2;
	s24 =	simm.s32 $0x6;
	s25 =	simm.s32 $0x20;
	[dreg:$0xf] =	wrdreg s19  }
.LBB2_1:
0x1e: {  	[dreg:$0x1b] =	wrdreg s3;
	s3 =	simm.s32 $0x80;
	s2 =	simm.s32 $0x0  }
.LBB2_2:
0x1f: {  	p0 =	sne.s32 s3, $0x7F80;
	[tilespmem:s2+$0x4E10] =	vst v3;
	s10 =	smov.u32 s3;
	s3 =	sadd.s32 $0x80, s3  }
.Ltmp0:
0x20: {  	[tilespmem:s2+$0x4E00] =	vst v3;
	(pc) =	sbr.rel @p0 .LBB2_2-.Ltmp0, $3  }
0x21: {  	[tilespmem:s2+$0xE00] =	vst v3  }
0x22: {  	[tilespmem:s2+$0xE10] =	vst v3;
	_ =	sdelay $0x1  }
0x23: {  	s2 =	sshra.s32 s10, $0x2  }
0x24: {  	[tilespmem:s2+$0x4E10] =	vst v3  }
0x25: {  	[tilespmem:s2+$0x4E00] =	vst v3  }
0x26: {  	[tilespmem:s2+$0xE00] =	vst v3  }
0x27: {  	[tilespmem:s2+$0xE10] =	vst v3;
	s26 =	rddreg [dreg:$0x7]  }
0x28: {  	[spmem:s26] =	stream.linear.scatter [tilespmem:s0], [sflag:$0x7], $0x2000, $0x38;
	[tilespmem:$0x1CE80] =	vst v63  }
0x29: {  	_ =	swait.ge [sflag:s5], $0x2000  }
0x2a: {  	[sflag:s5] =	ssyncset.done $0x0  }
0x2b: {  	s29 =	rddreg [dreg:$0x12];
	[sflag:s5] =	ssyncadd.s32 $0xFFFFE000  }
0x2c: {  	[spmem:s29] =	stream.linear.scatter [tilespmem:s21], [sflag:$0x7], $0x2000, $0x38;
	[tilespmem:$0x1CE80] =	vst v63  }
0x2d: {  	_ =	swait.ge [sflag:s5], $0x2000  }
0x2e: {  	[sflag:s5] =	ssyncset.done $0x0  }
0x2f: {  	s3 =	rddreg [dreg:$0x13];
	[sflag:s5] =	ssyncadd.s32 $0xFFFFE000  }
0x30: {  	[spmem:s3] =	stream.linear.scatter [tilespmem:s0], [sflag:$0x7], $0x2000, $0x38;
	[tilespmem:$0x1CE80] =	vst v63  }
0x31: {  	_ =	swait.ge [sflag:s5], $0x2000  }
0x32: {  	[sflag:s5] =	ssyncset.done $0x0  }
0x33: {  	s4 =	rddreg [dreg:$0x14];
	[sflag:s5] =	ssyncadd.s32 $0xFFFFE000  }
0x34: {  	[spmem:s4] =	stream.linear.scatter [tilespmem:s21], [sflag:$0x7], $0x2000, $0x38;
	[tilespmem:$0x1CE80] =	vst v63  }
0x35: {  	_ =	swait.ge [sflag:s5], $0x2000  }
0x36: {  	[sflag:s5] =	ssyncset.done $0x0  }
0x37: {  	s10 =	rddreg [dreg:$0x15];
	[sflag:s5] =	ssyncadd.s32 $0xFFFFE000  }
0x38: {  	[spmem:s10] =	stream.linear.scatter [tilespmem:s0], [sflag:$0x7], $0x2000, $0x38;
	[tilespmem:$0x1CE80] =	vst v63  }
0x39: {  	_ =	swait.ge [sflag:s5], $0x2000  }
0x3a: {  	[sflag:s5] =	ssyncset.done $0x0  }
0x3b: {  	s12 =	rddreg [dreg:$0x16];
	[sflag:s5] =	ssyncadd.s32 $0xFFFFE000  }
0x3c: {  	[spmem:s12] =	stream.linear.scatter [tilespmem:s21], [sflag:$0x7], $0x2000, $0x38;
	[tilespmem:$0x1CE80] =	vst v63  }
0x3d: {  	_ =	swait.ge [sflag:s5], $0x2000  }
0x3e: {  	[sflag:s5] =	ssyncset.done $0x0  }
0x3f: {  	s13 =	rddreg [dreg:$0x17];
	[sflag:s5] =	ssyncadd.s32 $0xFFFFE000  }
0x40: {  	[spmem:s13] =	stream.linear.scatter [tilespmem:s0], [sflag:$0x7], $0x2000, $0x38;
	[tilespmem:$0x1CE80] =	vst v63  }
0x41: {  	_ =	swait.ge [sflag:s5], $0x2000  }
0x42: {  	[sflag:s5] =	ssyncset.done $0x0  }
0x43: {  	s14 =	rddreg [dreg:$0x18];
	[sflag:s5] =	ssyncadd.s32 $0xFFFFE000  }
0x44: {  	[spmem:s14] =	stream.linear.scatter [tilespmem:s21], [sflag:$0x7], $0x2000, $0x38;
	[tilespmem:$0x1CE80] =	vst v63  }
0x45: {  	_ =	swait.ge [sflag:s5], $0x2000  }
0x46: {  	[sflag:s5] =	ssyncset.done $0x0  }
0x47: {  	s15 =	rddreg [dreg:$0x19];
	[sflag:s5] =	ssyncadd.s32 $0xFFFFE000  }
0x48: {  	[spmem:s15] =	stream.linear.scatter [tilespmem:s0], [sflag:$0x7], $0x2000, $0x38;
	[tilespmem:$0x1CE80] =	vst v63  }
0x49: {  	_ =	swait.ge [sflag:s5], $0x2000  }
0x4a: {  	[sflag:s5] =	ssyncset.done $0x0  }
0x4b: {  	s16 =	rddreg [dreg:$0x1a];
	[sflag:s5] =	ssyncadd.s32 $0xFFFFE000  }
0x4c: {  	[spmem:s16] =	stream.linear.scatter [tilespmem:s21], [sflag:$0x7], $0x2000, $0x38;
	[tilespmem:$0x1CE80] =	vst v63  }
0x4d: {  	_ =	swait.ge [sflag:s5], $0x2000  }
0x4e: {  	[sflag:s5] =	ssyncset.done $0x0  }
0x4f: {  	[sflag:s5] =	ssyncadd.s32 $0xFFFFE000  }
0x50: {  	[bflag:$0x0] =	sbarrier.arrive $0xFFFF  }
0x51: {  	s19 =	rddreg [dreg:$0x8]  }
0x52: {  	s30 =	simm.s32 $0x0;
	s26 =	rddreg [dreg:$0x9]  }
0x53: {  	[tilespmem:s30], [sflag:$0x1] =	stream.linear.gather [hbm4b:s19+s30], $0x100, $0x38;
	[tilespmem:$0x1CE80] =	vst v63  }
0x54: {  	s29 =	rddreg [dreg:$0xa]  }
0x55: {  	[tilespmem:s11], [sflag:$0x1] =	stream.linear.gather [hbm4b:s26+s30], $0x100, $0x38;
	[tilespmem:$0x1CE80] =	vst v63  }
0x56: {  	s3 =	simm.s32 $0x200;
	s16 =	rddreg [dreg:$0xb];
	s19 =	smov.u32 s20  }
0x57: {  	[tilespmem:s3], [sflag:$0x1] =	stream.linear.gather [hbm4b:s29+s30], $0x100, $0x38;
	[tilespmem:$0x1CE80] =	vst v63  }
.LBB2_4:
0x58: {  	s13 =	sshll.u32 s30, $0xD;
	s2 =	rddreg [dreg:$0xb]  }
0x59: {  	s12 =	sor.u32 s2, s13  }
0x5a: {  	s2 =	smin.u32 s12, $0x7A020  }
0x5b: {  	s2 =	sshrl.u32 s2, $0x3  }
0x5c: {  	s26 =	smov.u32 s22;
	s4 =	simm.s32 $0x300;
	s3 =	sadd.s32 s22, s2  }
0x5d: {  	[tilespmem:s4], [sflag:$0x2] =	stream.linear.gather [hbm4b:s3+s7], $0x100, $0x38;
	[tilespmem:$0x1CE80] =	vst v63  }
0x5e: {  	s14 =	simm.s32 $0x400;
	s15 =	rddreg [dreg:$0x3];
	s10 =	sadd.s32 s31, s2  }
0x5f: {  	[tilespmem:s14], [sflag:$0x2] =	stream.linear.gather [hbm4b:s10+s7], $0x100, $0x38;
	[tilespmem:$0x1CE80] =	vst v63  }
0x60: {  	p0 =	seq.s32 s30, $0x0;
	s2 =	sadd.s32 s15, s2;
	s22 =	simm.s32 $0x500  }
0x61: {  	[tilespmem:s22], [sflag:$0x2] =	stream.linear.gather [hbm4b:s2+s7], $0x100, $0x38;
	[tilespmem:$0x1CE80] =	vst v63  }
0x62: {  	s2 =	simm.s32 @!p0 $0x5  }
0x63: {  	_ =	swait.ge @!p0 [sflag:s2], $0x1000  }
0x64: {  	[sflag:s2] =	ssyncset.done @!p0 $0x0  }
0x65: {  	[sflag:s2] =	ssyncadd.s32 @!p0 $0xFFFFF000  }
0x66: {  	_ =	swait.ge @!p0 [sflag:s2], $0x1000  }
0x67: {  	[sflag:s2] =	ssyncset.done @!p0 $0x0  }
0x68: {  	[sflag:s2] =	ssyncadd.s32 @!p0 $0xFFFFF000  }
0x69: {  	_ =	swait.ge @!p0 [sflag:s2], $0x1000  }
0x6a: {  	[sflag:s2] =	ssyncset.done @!p0 $0x0  }
0x6b: {  	[sflag:s2] =	ssyncadd.s32 @!p0 $0xFFFFF000  }
0x6c: {  	_ =	swait.ge @!p0 [sflag:s2], $0x1000  }
0x6d: {  	[sflag:s2] =	ssyncset.done @!p0 $0x0  }
0x6e: {  	[sflag:s2] =	ssyncadd.s32 @!p0 $0xFFFFF000  }
0x6f: {  	_ =	swait.ge [sflag:s23], $0x100  }
0x70: {  	[sflag:s23] =	ssyncset.done $0x0  }
0x71: {  	[sflag:s23] =	ssyncadd.s32 $0xFFFFFF00  }
0x72: {  	_ =	swait.ge [sflag:s23], $0x100  }
0x73: {  	[sflag:s23] =	ssyncset.done $0x0  }
0x74: {  	[sflag:s23] =	ssyncadd.s32 $0xFFFFFF00  }
0x75: {  	_ =	swait.ge [sflag:s23], $0x100  }
0x76: {  	[sflag:s23] =	ssyncset.done $0x0  }
0x77: {  	s22 =	simm.s32 $0x0;
	[sflag:s23] =	ssyncadd.s32 $0xFFFFFF00  }
0x78: {  	v6 =	vld [tilespmem:s22+$0x30]  }
0x79: {  	v8 =	vld [tilespmem:s22+$0x0]  }
0x7a: {  	v10 =	vld [tilespmem:s22+$0x10]  }
0x7b: {  	p1 =	slt.s32 s19, $0x7A020;
	s10 =	smov.u32 s19;
	v9 =	vld [tilespmem:s22+$0x230]  }
0x7c: {  	s10 =	simm.s32 @!p1 $0x7A020;
	v12 =	vld [tilespmem:s22+$0x100]  }
0x7d: {  	s4 =	sadd.s32 $0x30, s10;
	v16 =	vor.u32 s10, v2;
	s14 =	sadd.s32 $0x10, s10;
	v13 =	vld [tilespmem:s22+$0x200]  }
0x7e: {  	s3 =	sor.u32 s20, s13;
	v14 =	vor.u32 s4, v2;
	v18 =	vor.u32 s14, v2;
	v11 =	vld [tilespmem:s22+$0x20];
	v7 =	vmul.u32 $0x2710, v6  }
0x7f: {  	v6 =	vmov s3;
	v8 =	vmul.u32 $0x2710, v8;
	v19 =	vmul.u32 $0x2710, v10  }
0x80: {  	v15 =	vld [tilespmem:s22+$0x110];
	vm0 =	vlt.u32 v14, v6;
	vm1 =	vlt.u32 v16, v6;
	v9 =	vadd.s32 v7, v9  }
0x81: {  	v14 =	vld [tilespmem:s22+$0x210];
	vm3 =	vlt.u32 v18, v6;
	v12 =	vadd.s32 v12, v8;
	v16 =	vsel vm0, $0x9C40, v9  }
0x82: {  	v17 =	vld [tilespmem:s22+$0x120];
	v8 =	vadd.s32 v8, v13;
	v10 =	vshll.u32 v9, $0x2;
	v13 =	vsel vm1, $0x9C40, v12;
	[tilespmem:s22+$0x830] =	vst v16  }
0x83: {  	s15 =	sadd.s32 $0x20, s10;
	v9 =	vmul.u32 $0x2710, v11;
	v11 =	vld [tilespmem:s22+$0x220];
	v18 =	vshll.u32 v8, $0x2;
	v10 =	vor.u32 v0, v10;
	[tilespmem:s22+$0x900] =	vst v13  }
0x84: {  	v16 =	vor.u32 s15, v2;
	v13 =	vor.u32 v0, v18;
	[tilespmem:s22+$0x730] =	vst v10;
	v10 =	vshll.u32 v12, $0x2;
	v12 =	vld [tilespmem:s22+$0x130]  }
0x85: {  	vm2 =	vlt.u32 v16, v6;
	v16 =	vor.u32 v0, v10;
	v10 =	vadd.s32 v15, v19  }
0x86: {  	s29 =	smov.u32 s31;
	p1 =	slt.s32 s16, $0x7A020;
	s14 =	smov.u32 s16;
	[tilespmem:s22+$0x700] =	vst v13;
	v14 =	vadd.s32 v19, v14;
	v15 =	vshll.u32 v10, $0x2  }
0x87: {  	s31 =	simm.s32 $0x0;
	s14 =	simm.s32 @!p1 $0x7A020;
	s2 =	simm.s32 $0x100;
	v13 =	vadd.s32 v17, v9;
	[tilespmem:s22+$0x600] =	vst v16;
	v16 =	vshll.u32 v14, $0x2;
	v15 =	vor.u32 v0, v15  }
.LBB2_5:
0x88: {  	s3 =	sshra.s32 s2, $0x2;
	s31 =	sadd.s32 $0x4, s31;
	[tilespmem:s22+$0x610] =	vst v15;
	v15 =	vor.u32 v0, v16;
	v9 =	vadd.s32 v9, v11;
	v11 =	vshll.u32 v13, $0x2  }
0x89: {  	v16 =	vld [tilespmem:s3+$0x30];
	p1 =	slt.u32 s31, $0xC;
	[tilespmem:s22+$0x710] =	vst v15;
	v11 =	vor.u32 v0, v11;
	v15 =	vshll.u32 v9, $0x2;
	v7 =	vadd.s32 v12, v7  }
0x8a: {  	v8 =	vsel vm1, $0x9C40, v8;
	v12 =	vld [tilespmem:s3+$0x0];
	[tilespmem:s22+$0x620] =	vst v11;
	v11 =	vor.u32 v0, v15;
	v15 =	vshll.u32 v7, $0x2  }
0x8b: {  	v14 =	vsel vm3, $0x9C40, v14;
	v10 =	vsel vm3, $0x9C40, v10;
	v17 =	vld [tilespmem:s3+$0x230];
	[tilespmem:s22+$0x720] =	vst v11;
	v11 =	vor.u32 v0, v15  }
0x8c: {  	v13 =	vsel vm2, $0x9C40, v13;
	v9 =	vsel vm2, $0x9C40, v9;
	v18 =	vsel vm0, $0x9C40, v7;
	v15 =	vld [tilespmem:s3+$0x10];
	[tilespmem:s22+$0x630] =	vst v11  }
0x8d: {  	s10 =	sadd.s32 $0x40, s10;
	v11 =	vld [tilespmem:s3+$0x20];
	[tilespmem:s22+$0x800] =	vst v8  }
0x8e: {  	v19 =	vor.u32 s10, v2;
	s4 =	sadd.s32 $0x30, s10;
	v8 =	vld [tilespmem:s3+$0x100];
	v7 =	vmul.u32 $0x2710, v16;
	[tilespmem:s22+$0x810] =	vst v14  }
0x8f: {  	s15 =	sadd.s32 $0x10, s10;
	vm1 =	vlt.u32 v19, v6;
	v16 =	vor.u32 s4, v2;
	v14 =	vld [tilespmem:s3+$0x200];
	v12 =	vmul.u32 $0x2710, v12;
	[tilespmem:s22+$0x910] =	vst v10  }
0x90: {  	v19 =	vor.u32 s15, v2;
	vm0 =	vlt.u32 v16, v6;
	v10 =	vld [tilespmem:s3+$0x110];
	v17 =	vadd.s32 v7, v17;
	[tilespmem:s22+$0x820] =	vst v9  }
0x91: {  	s4 =	sadd.s32 $0x20, s10;
	v16 =	vld [tilespmem:s3+$0x210];
	v15 =	vmul.u32 $0x2710, v15;
	v20 =	vshll.u32 v17, $0x2;
	v17 =	vsel vm0, $0x9C40, v17;
	[tilespmem:s22+$0x920] =	vst v13  }
0x92: {  	v21 =	vor.u32 s4, v2;
	v13 =	vld [tilespmem:s3+$0x120];
	v9 =	vmul.u32 $0x2710, v11;
	v20 =	vor.u32 v0, v20;
	[tilespmem:s3+$0x830] =	vst v17  }
.Ltmp1:
0x93: {  	vm3 =	vlt.u32 v19, v6;
	vm2 =	vlt.u32 v21, v6;
	v17 =	vadd.s32 v8, v12;
	v11 =	vld [tilespmem:s3+$0x220];
	[tilespmem:s3+$0x730] =	vst v20;
	(pc) =	sbr.rel @p1 .LBB2_5-.Ltmp1, $4  }
0x94: {  	v8 =	vadd.s32 v12, v14;
	v14 =	vshll.u32 v17, $0x2;
	v17 =	vsel vm1, $0x9C40, v17;
	v12 =	vld [tilespmem:s3+$0x130];
	[tilespmem:s22+$0x930] =	vst v18;
	s22 =	smov.u32 s3  }
0x95: {  	v14 =	vor.u32 v0, v14;
	v18 =	vshll.u32 v8, $0x2;
	[tilespmem:s22+$0x900] =	vst v17;
	v10 =	vadd.s32 v10, v15  }
0x96: {  	[tilespmem:s22+$0x600] =	vst v14;
	v17 =	vor.u32 v0, v18;
	v14 =	vadd.s32 v15, v16;
	v15 =	vshll.u32 v10, $0x2  }
0x97: {  	s2 =	sadd.s32 $0x100, s2;
	[tilespmem:s22+$0x700] =	vst v17;
	v15 =	vor.u32 v0, v15;
	v16 =	vshll.u32 v14, $0x2;
	v13 =	vadd.s32 v13, v9  }
0x98: {  	[tilespmem:s22+$0x610] =	vst v15;
	v6 =	vor.u32 v0, v16  }
0x99: {  	v9 =	vadd.s32 v9, v11;
	v11 =	vshll.u32 v13, $0x2;
	v8 =	vsel vm1, $0x9C40, v8;
	[tilespmem:s22+$0x710] =	vst v6  }
0x9a: {  	v6 =	vor.u32 v0, v11;
	[tilespmem:s22+$0x800] =	vst v8  }
0x9b: {  	v11 =	vshll.u32 v9, $0x2;
	v8 =	vsel vm3, $0x9C40, v10;
	[tilespmem:s22+$0x620] =	vst v6  }
0x9c: {  	v7 =	vadd.s32 v12, v7;
	v6 =	vor.u32 v0, v11;
	[tilespmem:s22+$0x910] =	vst v8  }
0x9d: {  	v11 =	vshll.u32 v7, $0x2;
	v8 =	vsel vm2, $0x9C40, v13;
	[tilespmem:s22+$0x720] =	vst v6  }
0x9e: {  	v6 =	vor.u32 v0, v11;
	[tilespmem:s22+$0x920] =	vst v8  }
0x9f: {  	[tilespmem:s22+$0x630] =	vst v6;
	v6 =	vsel vm3, $0x9C40, v14  }
0xa0: {  	[tilespmem:s22+$0x810] =	vst v6;
	v6 =	vsel vm2, $0x9C40, v9  }
0xa1: {  	[tilespmem:s22+$0x820] =	vst v6;
	v6 =	vsel vm0, $0x9C40, v7  }
0xa2: {  	s2 =	simm.s32 $0x600;
	[tilespmem:s22+$0x930] =	vst v6  }
0xa3: {  	[tilespmem:s0], [sflag:$0x3] =	stream.indirect.gather [hbm4b:s1+s11], $0x20, s2, s11, $0xb8;
	[tilespmem:$0x1CE80] =	vst v63  }
0xa4: {  	s4 =	simm.s32 $0x700;
	s3 =	simm.s32 $0x2E00;
	s2 =	simm.s32 @!p0 $0x4  }
0xa5: {  	[tilespmem:s3], [sflag:$0x3] =	stream.indirect.gather [hbm4b:s1+s11], $0x20, s4, s11, $0xb8;
	[tilespmem:$0x1CE80] =	vst v63  }
0xa6: {  	_ =	swait.ge @!p0 [sflag:s2], $0x2000  }
0xa7: {  	[sflag:s2] =	ssyncset.done @!p0 $0x0  }
0xa8: {  	[sflag:s2] =	ssyncadd.s32 @!p0 $0xFFFFE000  }
0xa9: {  	_ =	swait.ge @!p0 [sflag:s2], $0x2000  }
0xaa: {  	s3 =	simm.s32 @!p0 $0xC00;
	[sflag:s2] =	ssyncset.done @!p0 $0x0  }
0xab: {  	s4 =	simm.s32 @!p0 $0x4E00;
	[sflag:s2] =	ssyncadd.s32 @!p0 $0xFFFFE000;
	s2 =	simm.s32 @!p0 $0x80  }
0xac: {  	[spmem:s6] =	stream.indirect.scatter.add.f32 @!p0 [tilespmem:s4], [sflag:$0x6], $0x20, s3, s2, $0xb8;
	[tilespmem:$0x1CE80] =	vst v63  }
0xad: {  	s3 =	simm.s32 @!p0 $0xC80;
	s4 =	simm.s32 @!p0 $0x5E00  }
0xae: {  	[spmem:s6] =	stream.indirect.scatter.add.f32 @!p0 [tilespmem:s4], [sflag:$0x6], $0x20, s3, s2, $0xb8;
	[tilespmem:$0x1CE80] =	vst v63  }
0xaf: {  	s3 =	simm.s32 @!p0 $0xD00;
	s4 =	simm.s32 @!p0 $0x6E00  }
0xb0: {  	[spmem:s6] =	stream.indirect.scatter.add.f32 @!p0 [tilespmem:s4], [sflag:$0x6], $0x20, s3, s2, $0xb8;
	[tilespmem:$0x1CE80] =	vst v63  }
0xb1: {  	p1 =	seq.s32 @!p0 s30, $0x3D;
	s3 =	simm.s32 @!p0 $0xD80;
	s4 =	simm.s32 @!p0 $0x7E00  }
0xb2: {  	[spmem:s6] =	stream.indirect.scatter.add.f32 @!p0 [tilespmem:s4], [sflag:$0x6], $0x20, s3, s2, $0xb8;
	[tilespmem:$0x1CE80] =	vst v63  }
0xb3: {  	p0 =	por p0, !p1;
	s2 =	rddreg [dreg:$0xc]  }
0xb4: {  	s2 =	sadd.s32 @p0 s2, s13  }
0xb5: {  	s2 =	smin.u32 @p0 s2, $0x7A020  }
0xb6: {  	s2 =	sshrl.u32 @p0 s2, $0x3  }
0xb7: {  	s4 =	simm.s32 @p0 $0x0;
	s3 =	sadd.s32 @p0 s26, s2  }
0xb8: {  	[tilespmem:s4], [sflag:$0x1] =	stream.linear.gather @p0 [hbm4b:s3+s4], $0x100, $0x38;
	[tilespmem:$0x1CE80] =	vst v63  }
0xb9: {  	s10 =	simm.s32 @p0 $0x100;
	s3 =	sadd.s32 @p0 s29, s2  }
0xba: {  	[tilespmem:s10], [sflag:$0x1] =	stream.linear.gather @p0 [hbm4b:s3+s4], $0x100, $0x38;
	[tilespmem:$0x1CE80] =	vst v63  }
0xbb: {  	s3 =	rddreg [dreg:$0x3]  }
0xbc: {  	p1 =	seq.s32 @p0 s30, $0x0;
	s2 =	sadd.s32 @p0 s3, s2;
	s3 =	simm.s32 @p0 $0x200  }
0xbd: {  	[tilespmem:s3], [sflag:$0x1] =	stream.linear.gather @p0 [hbm4b:s2+s4], $0x100, $0x38;
	[tilespmem:$0x1CE80] =	vst v63  }
0xbe: {  	p0 =	por !p0, !p1  }
0xbf: {  	_ =	swait.ge @p0 [sflag:s24], $0x1000  }
0xc0: {  	[sflag:s24] =	ssyncset.done @p0 $0x0  }
0xc1: {  	[sflag:s24] =	ssyncadd.s32 @p0 $0xFFFFF000  }
0xc2: {  	_ =	swait.ge @p0 [sflag:s24], $0x1000  }
0xc3: {  	[sflag:s24] =	ssyncset.done @p0 $0x0  }
0xc4: {  	[sflag:s24] =	ssyncadd.s32 @p0 $0xFFFFF000  }
0xc5: {  	_ =	swait.ge @p0 [sflag:s24], $0x1000  }
0xc6: {  	[sflag:s24] =	ssyncset.done @p0 $0x0  }
0xc7: {  	[sflag:s24] =	ssyncadd.s32 @p0 $0xFFFFF000  }
0xc8: {  	_ =	swait.ge @p0 [sflag:s24], $0x1000  }
0xc9: {  	[sflag:s24] =	ssyncset.done @p0 $0x0  }
0xca: {  	[sflag:s24] =	ssyncadd.s32 @p0 $0xFFFFF000  }
0xcb: {  	_ =	swait.ge [sflag:s28], $0x100  }
0xcc: {  	[sflag:s28] =	ssyncset.done $0x0  }
0xcd: {  	[sflag:s28] =	ssyncadd.s32 $0xFFFFFF00  }
0xce: {  	_ =	swait.ge [sflag:s28], $0x100  }
0xcf: {  	[sflag:s28] =	ssyncset.done $0x0  }
0xd0: {  	[sflag:s28] =	ssyncadd.s32 $0xFFFFFF00  }
0xd1: {  	_ =	swait.ge [sflag:s28], $0x100  }
0xd2: {  	[sflag:s28] =	ssyncset.done $0x0  }
0xd3: {  	s13 =	simm.s32 $0x0;
	[sflag:s28] =	ssyncadd.s32 $0xFFFFFF00  }
0xd4: {  	v6 =	vld [tilespmem:s13+$0x330]  }
0xd5: {  	v8 =	vld [tilespmem:s13+$0x300]  }
0xd6: {  	v10 =	vld [tilespmem:s13+$0x310]  }
0xd7: {  	v9 =	vld [tilespmem:s13+$0x530]  }
0xd8: {  	v12 =	vld [tilespmem:s13+$0x400]  }
0xd9: {  	s10 =	sadd.s32 $0x30, s14;
	v13 =	vld [tilespmem:s13+$0x500]  }
0xda: {  	v16 =	vmov s14;
	v14 =	vmov s10;
	v11 =	vld [tilespmem:s13+$0x320];
	v7 =	vmul.u32 $0x2710, v6  }
0xdb: {  	v6 =	vadd.s32 s12, v4;
	v8 =	vmul.u32 $0x2710, v8;
	s12 =	sadd.s32 $0x10, s14;
	v19 =	vmul.u32 $0x2710, v10  }
0xdc: {  	v15 =	vld [tilespmem:s13+$0x410];
	vm0 =	vlt.u32 v14, v6;
	vm1 =	vlt.u32 v16, v6;
	v18 =	vmov s12  }
0xdd: {  	v14 =	vld [tilespmem:s13+$0x510];
	v9 =	vadd.s32 v7, v9;
	v12 =	vadd.s32 v12, v8;
	vm3 =	vlt.u32 v18, v6  }
0xde: {  	v17 =	vld [tilespmem:s13+$0x420];
	v8 =	vadd.s32 v8, v13;
	v16 =	vsel vm0, $0x9C40, v9;
	v10 =	vshll.u32 v9, $0x2  }
0xdf: {  	s15 =	sadd.s32 $0x20, s14;
	v9 =	vmul.u32 $0x2710, v11;
	v11 =	vld [tilespmem:s13+$0x520];
	v18 =	vshll.u32 v8, $0x2;
	[tilespmem:s13+$0xC30] =	vst v16;
	v10 =	vor.u32 v0, v10  }
0xe0: {  	v13 =	vld [tilespmem:s13+$0x430];
	v16 =	vmov s15;
	[tilespmem:s13+$0xB30] =	vst v10;
	v10 =	vshll.u32 v12, $0x2;
	v12 =	vsel vm1, $0x9C40, v12  }
0xe1: {  	vm2 =	vlt.u32 v16, v6;
	v16 =	vor.u32 v0, v10;
	[tilespmem:s13+$0xD00] =	vst v12;
	v10 =	vadd.s32 v15, v19  }
0xe2: {  	s31 =	smov.u32 s29;
	v12 =	vor.u32 v0, v18;
	v14 =	vadd.s32 v19, v14;
	[tilespmem:s13+$0xA00] =	vst v16;
	v15 =	vshll.u32 v10, $0x2  }
0xe3: {  	s22 =	smov.u32 s26;
	s10 =	simm.s32 $0x0;
	s2 =	simm.s32 $0x100;
	[tilespmem:s13+$0xB00] =	vst v12;
	v16 =	vshll.u32 v14, $0x2;
	v12 =	vadd.s32 v17, v9;
	v15 =	vor.u32 v0, v15  }
.LBB2_7:
0xe4: {  	s3 =	sshra.s32 s2, $0x2;
	s10 =	sadd.s32 $0x4, s10;
	[tilespmem:s13+$0xA10] =	vst v15;
	v15 =	vor.u32 v0, v16;
	v9 =	vadd.s32 v9, v11;
	v11 =	vshll.u32 v12, $0x2  }
0xe5: {  	v16 =	vld [tilespmem:s3+$0x330];
	p0 =	slt.u32 s10, $0xC;
	[tilespmem:s13+$0xB10] =	vst v15;
	v11 =	vor.u32 v0, v11;
	v15 =	vshll.u32 v9, $0x2;
	v7 =	vadd.s32 v13, v7  }
0xe6: {  	v8 =	vsel vm1, $0x9C40, v8;
	v13 =	vld [tilespmem:s3+$0x300];
	[tilespmem:s13+$0xA20] =	vst v11;
	v11 =	vor.u32 v0, v15;
	v15 =	vshll.u32 v7, $0x2  }
0xe7: {  	v14 =	vsel vm3, $0x9C40, v14;
	v10 =	vsel vm3, $0x9C40, v10;
	v17 =	vld [tilespmem:s3+$0x530];
	[tilespmem:s13+$0xB20] =	vst v11;
	v11 =	vor.u32 v0, v15  }
0xe8: {  	v12 =	vsel vm2, $0x9C40, v12;
	v9 =	vsel vm2, $0x9C40, v9;
	v18 =	vsel vm0, $0x9C40, v7;
	v15 =	vld [tilespmem:s3+$0x310];
	[tilespmem:s13+$0xA30] =	vst v11  }
0xe9: {  	s14 =	sadd.s32 $0x40, s14;
	v11 =	vld [tilespmem:s3+$0x320];
	[tilespmem:s13+$0xC00] =	vst v8  }
0xea: {  	v19 =	vmov s14;
	s4 =	sadd.s32 $0x30, s14;
	v8 =	vld [tilespmem:s3+$0x400];
	v7 =	vmul.u32 $0x2710, v16;
	[tilespmem:s13+$0xC10] =	vst v14  }
0xeb: {  	s12 =	sadd.s32 $0x10, s14;
	vm1 =	vlt.u32 v19, v6;
	v16 =	vmov s4;
	v14 =	vld [tilespmem:s3+$0x500];
	v13 =	vmul.u32 $0x2710, v13;
	[tilespmem:s13+$0xD10] =	vst v10  }
0xec: {  	v19 =	vmov s12;
	vm0 =	vlt.u32 v16, v6;
	v10 =	vld [tilespmem:s3+$0x410];
	v17 =	vadd.s32 v7, v17;
	[tilespmem:s13+$0xC20] =	vst v9  }
0xed: {  	s4 =	sadd.s32 $0x20, s14;
	v16 =	vld [tilespmem:s3+$0x510];
	v15 =	vmul.u32 $0x2710, v15;
	v20 =	vshll.u32 v17, $0x2;
	v17 =	vsel vm0, $0x9C40, v17;
	[tilespmem:s13+$0xD20] =	vst v12  }
0xee: {  	v21 =	vmov s4;
	v12 =	vld [tilespmem:s3+$0x420];
	v9 =	vmul.u32 $0x2710, v11;
	v20 =	vor.u32 v0, v20;
	[tilespmem:s3+$0xC30] =	vst v17  }
.Ltmp2:
0xef: {  	vm3 =	vlt.u32 v19, v6;
	vm2 =	vlt.u32 v21, v6;
	v17 =	vadd.s32 v8, v13;
	v11 =	vld [tilespmem:s3+$0x520];
	[tilespmem:s3+$0xB30] =	vst v20;
	(pc) =	sbr.rel @p0 .LBB2_7-.Ltmp2, $4  }
0xf0: {  	v8 =	vadd.s32 v13, v14;
	v14 =	vshll.u32 v17, $0x2;
	v17 =	vsel vm1, $0x9C40, v17;
	v13 =	vld [tilespmem:s3+$0x430];
	[tilespmem:s13+$0xD30] =	vst v18;
	s13 =	smov.u32 s3  }
0xf1: {  	v14 =	vor.u32 v0, v14;
	v18 =	vshll.u32 v8, $0x2;
	[tilespmem:s13+$0xD00] =	vst v17;
	v10 =	vadd.s32 v10, v15  }
0xf2: {  	[tilespmem:s13+$0xA00] =	vst v14;
	v17 =	vor.u32 v0, v18;
	v14 =	vadd.s32 v15, v16;
	v15 =	vshll.u32 v10, $0x2  }
0xf3: {  	s2 =	sadd.s32 $0x100, s2;
	[tilespmem:s13+$0xB00] =	vst v17;
	v15 =	vor.u32 v0, v15;
	v16 =	vshll.u32 v14, $0x2;
	v12 =	vadd.s32 v12, v9  }
0xf4: {  	[tilespmem:s13+$0xA10] =	vst v15;
	v6 =	vor.u32 v0, v16  }
0xf5: {  	v8 =	vsel vm1, $0x9C40, v8;
	[tilespmem:s13+$0xB10] =	vst v6  }
0xf6: {  	v62 =	vsel vm3, $0x9C40, v10;
	[tilespmem:s13+$0xC00] =	vst v8  }
0xf7: {  	v9 =	vadd.s32 v9, v11;
	v59 =	vshll.u32 v12, $0x2;
	v63 =	vsel vm2, $0x9C40, v12;
	[tilespmem:s13+$0xD10] =	vst v62  }
0xf8: {  	v6 =	vor.u32 v0, v59;
	v60 =	vshll.u32 v9, $0x2;
	v7 =	vadd.s32 v13, v7;
	[tilespmem:s13+$0xD20] =	vst v63  }
0xf9: {  	[tilespmem:s13+$0xA20] =	vst v6;
	v6 =	vor.u32 v0, v60;
	v61 =	vshll.u32 v7, $0x2  }
0xfa: {  	[tilespmem:s13+$0xB20] =	vst v6;
	v6 =	vor.u32 v0, v61  }
0xfb: {  	[tilespmem:s13+$0xA30] =	vst v6;
	v6 =	vsel vm3, $0x9C40, v14  }
0xfc: {  	[tilespmem:s13+$0xC10] =	vst v6;
	v6 =	vsel vm2, $0x9C40, v9  }
0xfd: {  	[tilespmem:s13+$0xC20] =	vst v6;
	v6 =	vsel vm0, $0x9C40, v7  }
0xfe: {  	s2 =	simm.s32 $0xA00;
	[tilespmem:s13+$0xD30] =	vst v6  }
0xff: {  	[tilespmem:s21], [sflag:$0x4] =	stream.indirect.gather [hbm4b:s1+s11], $0x20, s2, s11, $0xb8;
	[tilespmem:$0x1CE80] =	vst v63  }
0x100: {  	s15 =	simm.s32 $0xB00;
	s3 =	simm.s32 $0x6E00  }
0x101: {  	[tilespmem:s3], [sflag:$0x4] =	stream.indirect.gather [hbm4b:s1+s11], $0x20, s15, s11, $0xb8;
	[tilespmem:$0x1CE80] =	vst v63  }
0x102: {  	_ =	swait.ge [sflag:s9], $0x2000  }
0x103: {  	[sflag:s9] =	ssyncset.done $0x0  }
0x104: {  	[sflag:s9] =	ssyncadd.s32 $0xFFFFE000  }
0x105: {  	_ =	swait.ge [sflag:s9], $0x2000  }
0x106: {  	[sflag:s9] =	ssyncset.done $0x0  }
0x107: {  	s30 =	sadd.s32 $0x1, s30;
	s3 =	simm.s32 $0x800;
	[sflag:s9] =	ssyncadd.s32 $0xFFFFE000  }
0x108: {  	[spmem:s6] =	stream.indirect.scatter.add.f32 [tilespmem:s0], [sflag:$0x5], $0x20, s3, s18, $0xb8;
	[tilespmem:$0x1CE80] =	vst v63  }
0x109: {  	s4 =	simm.s32 $0x880;
	s10 =	simm.s32 $0x1E00;
	p0 =	sne.s32 s30, $0x3E  }
0x10a: {  	[spmem:s6] =	stream.indirect.scatter.add.f32 [tilespmem:s10], [sflag:$0x5], $0x20, s4, s18, $0xb8;
	[tilespmem:$0x1CE80] =	vst v63  }
.Ltmp3:
0x10b: {  	_ = 	snop;
	(pc) =	sbr.rel @p0 .LBB2_4-.Ltmp3, $4  }
0x10c: {  	s12 =	simm.s32 $0x2E00;
	s14 =	simm.s32 $0x980;
	s13 =	simm.s32 $0x900  }
0x10d: {  	[spmem:s6] =	stream.indirect.scatter.add.f32 [tilespmem:s12], [sflag:$0x5], $0x20, s13, s18, $0xb8;
	[tilespmem:$0x1CE80] =	vst v63  }
0x10e: {  	s19 =	sadd.s32 $0x2000, s19;
	s16 =	sadd.s32 $0x2000, s16;
	s15 =	simm.s32 $0x3E00  }
0x10f: {  	[spmem:s6] =	stream.indirect.scatter.add.f32 [tilespmem:s15], [sflag:$0x5], $0x20, s14, s18, $0xb8;
	[tilespmem:$0x1CE80] =	vst v63  }
0x110: {  	s2 =	simm.s32 $0x5  }
0x111: {  	_ =	swait.ge [sflag:s2], $0x1000  }
0x112: {  	[sflag:s2] =	ssyncset.done $0x0  }
0x113: {  	[sflag:s2] =	ssyncadd.s32 $0xFFFFF000  }
0x114: {  	_ =	swait.ge [sflag:s2], $0x1000  }
0x115: {  	[sflag:s2] =	ssyncset.done $0x0  }
0x116: {  	[sflag:s2] =	ssyncadd.s32 $0xFFFFF000  }
0x117: {  	_ =	swait.ge [sflag:s2], $0x1000  }
0x118: {  	[sflag:s2] =	ssyncset.done $0x0  }
0x119: {  	[sflag:s2] =	ssyncadd.s32 $0xFFFFF000  }
0x11a: {  	_ =	swait.ge [sflag:s2], $0x1000  }
0x11b: {  	[sflag:s2] =	ssyncset.done $0x0  }
0x11c: {  	s12 =	simm.s32 $0x4;
	[sflag:s2] =	ssyncadd.s32 $0xFFFFF000  }
0x11d: {  	_ =	swait.ge [sflag:s12], $0x2000  }
0x11e: {  	[sflag:s12] =	ssyncset.done $0x0  }
0x11f: {  	[sflag:s12] =	ssyncadd.s32 $0xFFFFE000  }
0x120: {  	_ =	swait.ge [sflag:s12], $0x2000  }
0x121: {  	[sflag:s12] =	ssyncset.done $0x0  }
0x122: {  	s13 =	simm.s32 $0xC00;
	[sflag:s12] =	ssyncadd.s32 $0xFFFFE000  }
0x123: {  	[spmem:s6] =	stream.indirect.scatter.add.f32 [tilespmem:s21], [sflag:$0x6], $0x20, s13, s18, $0xb8;
	[tilespmem:$0x1CE80] =	vst v63  }
0x124: {  	s14 =	simm.s32 $0xC80;
	s3 =	simm.s32 $0x5E00  }
0x125: {  	[spmem:s6] =	stream.indirect.scatter.add.f32 [tilespmem:s3], [sflag:$0x6], $0x20, s14, s18, $0xb8;
	[tilespmem:$0x1CE80] =	vst v63  }
0x126: {  	s15 =	simm.s32 $0x6E00;
	s16 =	simm.s32 $0xD00  }
0x127: {  	[spmem:s6] =	stream.indirect.scatter.add.f32 [tilespmem:s15], [sflag:$0x6], $0x20, s16, s18, $0xb8;
	[tilespmem:$0x1CE80] =	vst v63  }
0x128: {  	s19 =	simm.s32 $0xD80;
	s30 =	simm.s32 $0x7E00  }
0x129: {  	[spmem:s6] =	stream.indirect.scatter.add.f32 [tilespmem:s30], [sflag:$0x6], $0x20, s19, s18, $0xb8;
	[tilespmem:$0x1CE80] =	vst v63  }
0x12a: {  	_ =	swait.ge [sflag:s24], $0x1000  }
0x12b: {  	[sflag:s24] =	ssyncset.done $0x0  }
0x12c: {  	[sflag:s24] =	ssyncadd.s32 $0xFFFFF000  }
0x12d: {  	_ =	swait.ge [sflag:s24], $0x1000  }
0x12e: {  	[sflag:s24] =	ssyncset.done $0x0  }
0x12f: {  	[sflag:s24] =	ssyncadd.s32 $0xFFFFF000  }
0x130: {  	_ =	swait.ge [sflag:s24], $0x1000  }
0x131: {  	[sflag:s24] =	ssyncset.done $0x0  }
0x132: {  	[sflag:s24] =	ssyncadd.s32 $0xFFFFF000  }
0x133: {  	_ =	swait.ge [sflag:s24], $0x1000  }
0x134: {  	[sflag:s24] =	ssyncset.done $0x0  }
0x135: {  	[sflag:s24] =	ssyncadd.s32 $0xFFFFF000  }
0x136: {  	[bflag:$0x0] =	sbarrier.arrive $0xFFFF  }
0x137: {  	s2 =	simm.s32 $0x0;
	s15 =	rddreg [dreg:$0xd]  }
0x138: {  	s3 =	simm.s32 $0x0;
	s19 =	simm.s32 $0x8E00;
	s16 =	rddreg [dreg:$0xe]  }
.LBB2_10:
0x139: {  	s4 =	smin.u32 s2, $0x944  }
0x13a: {  	s10 =	sadd.s32 s4, s17  }
0x13b: {  	v6 =	vmov s10  }
0x13c: {  	s30 =	sshll.u32 s3, $0x7;
	v6 =	vshll.u32 v6, $0x2  }
0x13d: {  	s4 =	smin.u32 s30, $0x944;
	v6 =	vadd.s32 v5, v6  }
0x13e: {  	s13 =	simm.s32 $0x40;
	s14 =	simm.s32 $0x0;
	s12 =	sadd.s32 s17, s4;
	v6 =	vor.u32 v0, v6  }
.LBB2_11:
0x13f: {  	p0 =	sne.s32 s13, $0x1C0  }
0x140: {  	[tilespmem:s14+$0x8E00] =	vst v6;
	s10 =	sadd.s32 $0x10, s10;
	s4 =	smov.u32 s13;
	s13 =	sadd.s32 $0x40, s13  }
.Ltmp4:
0x141: {  	(pc) =	sbr.rel @p0 .LBB2_11-.Ltmp4, $4  }
0x142: {  	v6 =	vmov s10  }
0x143: {  	v6 =	vshll.u32 v6, $0x2  }
0x144: {  	v6 =	vadd.s32 v5, v6  }
0x145: {  	s14 =	sshra.s32 s4, $0x2;
	v6 =	vor.u32 v0, v6  }
0x146: {  	s4 =	sshll.u32 s12, $0x5  }
0x147: {  	[tilespmem:s14+$0x8E00] =	vst v6;
	s30 =	sshll.u32 s12, $0x8;
	s4 =	sadd.s32 s4, s6  }
0x148: {  	[tilespmem:s0], [sflag:$0x7] =	stream.linear.gather [spmem:s4], $0x1000, $0x38;
	[tilespmem:$0x1CE80] =	vst v63  }
0x149: {  	s10 =	sor.u32 s15, s30;
	_ =	swait.ge [sflag:s5], $0x1000  }
0x14a: {  	s10 =	sshrl.u32 s10, $0x3;
	[sflag:s5] =	ssyncset.done $0x0  }
0x14b: {  	s10 =	sadd.s32 s8, s10;
	[sflag:s5] =	ssyncadd.s32 $0xFFFFF000  }
0x14c: {  	[hbm4b:s10+s25] =	stream.strided.scatter [tilespmem:s0], [sflag:$0x7], $0x1000, s11, s25, $0x38;
	[tilespmem:$0x1CE80] =	vst v63  }
0x14d: {  	_ =	swait.ge [sflag:s5], $0x1000  }
0x14e: {  	[sflag:s5] =	ssyncset.done $0x0  }
0x14f: {  	[sflag:s5] =	ssyncadd.s32 $0xFFFFF000  }
0x150: {  	[tilespmem:s21], [sflag:$0x7] =	stream.indirect.gather [hbm4b:s1+s18], $0x20, s19, s18, $0xb8;
	[tilespmem:$0x1CE80] =	vst v63  }
0x151: {  	s3 =	sadd.s32 $0x1, s3;
	s4 =	sor.u32 s16, s30;
	_ =	swait.ge [sflag:s5], $0x1000  }
0x152: {  	p0 =	sne.s32 s3, $0x14;
	s4 =	sshrl.u32 s4, $0x3;
	[sflag:s5] =	ssyncset.done $0x0  }
.Ltmp5:
0x153: {  	s4 =	sadd.s32 s8, s4;
	[sflag:s5] =	ssyncadd.s32 $0xFFFFF000;
	(pc) =	sbr.rel @p0 .LBB2_10-.Ltmp5, $4  }
0x154: {  	[hbm4b:s4+s25] =	stream.strided.scatter [tilespmem:s21], [sflag:$0x7], $0x1000, s11, s25, $0x38;
	[tilespmem:$0x1CE80] =	vst v63  }
0x155: {  	_ =	swait.ge [sflag:s5], $0x1000  }
0x156: {  	[sflag:s5] =	ssyncset.done $0x0  }
0x157: {  	s2 =	sadd.s32 $0x80, s2;
	[sflag:s5] =	ssyncadd.s32 $0xFFFFF000  }
0x158: {  	[bflag:$0x0] =	sbarrier.arrive $0xFFFF;
	s3 =	simm.s32 $0x80;
	s2 =	simm.s32 $0x0  }
.LBB2_14:
0x159: {  	p0 =	seq.s32 s3, $0x7F80;
	[tilespmem:s2+$0x4E10] =	vst v3;
	s4 =	smov.u32 s3;
	s3 =	sadd.s32 $0x80, s3  }
.Ltmp6:
0x15a: {  	[tilespmem:s2+$0x4E00] =	vst v3;
	(pc) =	sbr.rel @!p0 .LBB2_14-.Ltmp6, $3  }
0x15b: {  	[tilespmem:s2+$0xE00] =	vst v3  }
0x15c: {  	[tilespmem:s2+$0xE10] =	vst v3;
	_ =	sdelay $0x1  }
0x15d: {  	s2 =	sshra.s32 s4, $0x2  }
0x15e: {  	[tilespmem:s2+$0x4E10] =	vst v3  }
0x15f: {  	[tilespmem:s2+$0x4E00] =	vst v3  }
0x160: {  	[tilespmem:s2+$0xE00] =	vst v3  }
0x161: {  	[tilespmem:s2+$0xE10] =	vst v3;
	s14 =	rddreg [dreg:$0x7]  }
0x162: {  	[spmem:s14] =	stream.linear.scatter [tilespmem:s0], [sflag:$0x7], $0x2000, $0x38;
	[tilespmem:$0x1CE80] =	vst v63  }
0x163: {  	_ =	swait.ge [sflag:s5], $0x2000  }
0x164: {  	[sflag:s5] =	ssyncset.done $0x0  }
0x165: {  	s15 =	rddreg [dreg:$0x12];
	[sflag:s5] =	ssyncadd.s32 $0xFFFFE000  }
0x166: {  	[spmem:s15] =	stream.linear.scatter [tilespmem:s21], [sflag:$0x7], $0x2000, $0x38;
	[tilespmem:$0x1CE80] =	vst v63  }
0x167: {  	_ =	swait.ge [sflag:s5], $0x2000  }
0x168: {  	[sflag:s5] =	ssyncset.done $0x0  }
0x169: {  	s16 =	rddreg [dreg:$0x13];
	[sflag:s5] =	ssyncadd.s32 $0xFFFFE000  }
0x16a: {  	[spmem:s16] =	stream.linear.scatter [tilespmem:s0], [sflag:$0x7], $0x2000, $0x38;
	[tilespmem:$0x1CE80] =	vst v63  }
0x16b: {  	_ =	swait.ge [sflag:s5], $0x2000  }
0x16c: {  	[sflag:s5] =	ssyncset.done $0x0  }
0x16d: {  	s19 =	rddreg [dreg:$0x14];
	[sflag:s5] =	ssyncadd.s32 $0xFFFFE000  }
0x16e: {  	[spmem:s19] =	stream.linear.scatter [tilespmem:s21], [sflag:$0x7], $0x2000, $0x38;
	[tilespmem:$0x1CE80] =	vst v63  }
0x16f: {  	_ =	swait.ge [sflag:s5], $0x2000  }
0x170: {  	[sflag:s5] =	ssyncset.done $0x0  }
0x171: {  	s3 =	rddreg [dreg:$0x15];
	[sflag:s5] =	ssyncadd.s32 $0xFFFFE000  }
0x172: {  	[spmem:s3] =	stream.linear.scatter [tilespmem:s0], [sflag:$0x7], $0x2000, $0x38;
	[tilespmem:$0x1CE80] =	vst v63  }
0x173: {  	_ =	swait.ge [sflag:s5], $0x2000  }
0x174: {  	[sflag:s5] =	ssyncset.done $0x0  }
0x175: {  	s4 =	rddreg [dreg:$0x16];
	[sflag:s5] =	ssyncadd.s32 $0xFFFFE000  }
0x176: {  	[spmem:s4] =	stream.linear.scatter [tilespmem:s21], [sflag:$0x7], $0x2000, $0x38;
	[tilespmem:$0x1CE80] =	vst v63  }
0x177: {  	_ =	swait.ge [sflag:s5], $0x2000  }
0x178: {  	[sflag:s5] =	ssyncset.done $0x0  }
0x179: {  	s10 =	rddreg [dreg:$0x17];
	[sflag:s5] =	ssyncadd.s32 $0xFFFFE000  }
0x17a: {  	[spmem:s10] =	stream.linear.scatter [tilespmem:s0], [sflag:$0x7], $0x2000, $0x38;
	[tilespmem:$0x1CE80] =	vst v63  }
0x17b: {  	_ =	swait.ge [sflag:s5], $0x2000  }
0x17c: {  	[sflag:s5] =	ssyncset.done $0x0  }
0x17d: {  	s12 =	rddreg [dreg:$0x18];
	[sflag:s5] =	ssyncadd.s32 $0xFFFFE000  }
0x17e: {  	[spmem:s12] =	stream.linear.scatter [tilespmem:s21], [sflag:$0x7], $0x2000, $0x38;
	[tilespmem:$0x1CE80] =	vst v63  }
0x17f: {  	_ =	swait.ge [sflag:s5], $0x2000  }
0x180: {  	[sflag:s5] =	ssyncset.done $0x0  }
0x181: {  	s13 =	rddreg [dreg:$0x19];
	[sflag:s5] =	ssyncadd.s32 $0xFFFFE000  }
0x182: {  	[spmem:s13] =	stream.linear.scatter [tilespmem:s0], [sflag:$0x7], $0x2000, $0x38;
	[tilespmem:$0x1CE80] =	vst v63  }
0x183: {  	_ =	swait.ge [sflag:s5], $0x2000  }
0x184: {  	[sflag:s5] =	ssyncset.done $0x0  }
0x185: {  	s14 =	rddreg [dreg:$0x1a];
	[sflag:s5] =	ssyncadd.s32 $0xFFFFE000  }
0x186: {  	[spmem:s14] =	stream.linear.scatter [tilespmem:s21], [sflag:$0x7], $0x2000, $0x38;
	[tilespmem:$0x1CE80] =	vst v63  }
0x187: {  	_ =	swait.ge [sflag:s5], $0x2000  }
0x188: {  	[sflag:s5] =	ssyncset.done $0x0  }
0x189: {  	[sflag:s5] =	ssyncadd.s32 $0xFFFFE000  }
0x18a: {  	[bflag:$0x0] =	sbarrier.arrive $0xFFFF  }
0x18b: {  	s15 =	rddreg [dreg:$0x8]  }
0x18c: {  	s30 =	simm.s32 $0x0;
	s16 =	rddreg [dreg:$0x9]  }
0x18d: {  	[tilespmem:s30], [sflag:$0x1] =	stream.linear.gather [hbm4b:s15+s30], $0x100, $0x38;
	[tilespmem:$0x1CE80] =	vst v63  }
0x18e: {  	s19 =	rddreg [dreg:$0xa]  }
0x18f: {  	[tilespmem:s11], [sflag:$0x1] =	stream.linear.gather [hbm4b:s16+s30], $0x100, $0x38;
	[tilespmem:$0x1CE80] =	vst v63  }
0x190: {  	s3 =	simm.s32 $0x200;
	s10 =	smov.u32 s20;
	s14 =	rddreg [dreg:$0xb]  }
0x191: {  	[tilespmem:s3], [sflag:$0x1] =	stream.linear.gather [hbm4b:s19+s30], $0x100, $0x38;
	[tilespmem:$0x1CE80] =	vst v63  }
.LBB2_16:
0x192: {  	s13 =	sshll.u32 s30, $0xD;
	s2 =	rddreg [dreg:$0xb]  }
0x193: {  	s12 =	sor.u32 s2, s13  }
0x194: {  	s2 =	smin.u32 s12, $0x7A020  }
0x195: {  	s2 =	sshrl.u32 s2, $0x3  }
0x196: {  	s4 =	simm.s32 $0x300;
	s3 =	sadd.s32 s22, s2  }
0x197: {  	[tilespmem:s4], [sflag:$0x2] =	stream.linear.gather [hbm4b:s3+s7], $0x100, $0x38;
	[tilespmem:$0x1CE80] =	vst v63  }
0x198: {  	s16 =	simm.s32 $0x400;
	s19 =	rddreg [dreg:$0x3];
	s15 =	sadd.s32 s31, s2  }
0x199: {  	[tilespmem:s16], [sflag:$0x2] =	stream.linear.gather [hbm4b:s15+s7], $0x100, $0x38;
	[tilespmem:$0x1CE80] =	vst v63  }
0x19a: {  	p0 =	seq.s32 s30, $0x0;
	s2 =	sadd.s32 s19, s2;
	s22 =	simm.s32 $0x500  }
0x19b: {  	[tilespmem:s22], [sflag:$0x2] =	stream.linear.gather [hbm4b:s2+s7], $0x100, $0x38;
	[tilespmem:$0x1CE80] =	vst v63  }
0x19c: {  	s2 =	simm.s32 @!p0 $0x5  }
0x19d: {  	_ =	swait.ge @!p0 [sflag:s2], $0x1000  }
0x19e: {  	[sflag:s2] =	ssyncset.done @!p0 $0x0  }
0x19f: {  	[sflag:s2] =	ssyncadd.s32 @!p0 $0xFFFFF000  }
0x1a0: {  	_ =	swait.ge @!p0 [sflag:s2], $0x1000  }
0x1a1: {  	[sflag:s2] =	ssyncset.done @!p0 $0x0  }
0x1a2: {  	[sflag:s2] =	ssyncadd.s32 @!p0 $0xFFFFF000  }
0x1a3: {  	_ =	swait.ge @!p0 [sflag:s2], $0x1000  }
0x1a4: {  	[sflag:s2] =	ssyncset.done @!p0 $0x0  }
0x1a5: {  	[sflag:s2] =	ssyncadd.s32 @!p0 $0xFFFFF000  }
0x1a6: {  	_ =	swait.ge @!p0 [sflag:s2], $0x1000  }
0x1a7: {  	[sflag:s2] =	ssyncset.done @!p0 $0x0  }
0x1a8: {  	[sflag:s2] =	ssyncadd.s32 @!p0 $0xFFFFF000  }
0x1a9: {  	_ =	swait.ge [sflag:s23], $0x100  }
0x1aa: {  	[sflag:s23] =	ssyncset.done $0x0  }
0x1ab: {  	[sflag:s23] =	ssyncadd.s32 $0xFFFFFF00  }
0x1ac: {  	_ =	swait.ge [sflag:s23], $0x100  }
0x1ad: {  	[sflag:s23] =	ssyncset.done $0x0  }
0x1ae: {  	[sflag:s23] =	ssyncadd.s32 $0xFFFFFF00  }
0x1af: {  	_ =	swait.ge [sflag:s23], $0x100  }
0x1b0: {  	[sflag:s23] =	ssyncset.done $0x0  }
0x1b1: {  	s22 =	simm.s32 $0x0;
	[sflag:s23] =	ssyncadd.s32 $0xFFFFFF00  }
0x1b2: {  	v6 =	vld [tilespmem:s22+$0x30]  }
0x1b3: {  	v8 =	vld [tilespmem:s22+$0x0]  }
0x1b4: {  	v10 =	vld [tilespmem:s22+$0x10]  }
0x1b5: {  	p1 =	slt.s32 s10, $0x7A020;
	s19 =	smov.u32 s10;
	v9 =	vld [tilespmem:s22+$0x230]  }
0x1b6: {  	s19 =	simm.s32 @!p1 $0x7A020;
	v12 =	vld [tilespmem:s22+$0x100]  }
0x1b7: {  	s4 =	sadd.s32 $0x30, s19;
	v16 =	vor.u32 s19, v2;
	s15 =	sadd.s32 $0x10, s19;
	v13 =	vld [tilespmem:s22+$0x200]  }
0x1b8: {  	s3 =	sor.u32 s20, s13;
	v14 =	vor.u32 s4, v2;
	v18 =	vor.u32 s15, v2;
	v11 =	vld [tilespmem:s22+$0x20];
	v7 =	vmul.u32 $0x2710, v6  }
0x1b9: {  	v6 =	vmov s3;
	v8 =	vmul.u32 $0x2710, v8;
	v19 =	vmul.u32 $0x2710, v10  }
0x1ba: {  	v15 =	vld [tilespmem:s22+$0x110];
	vm0 =	vlt.u32 v14, v6;
	vm1 =	vlt.u32 v16, v6;
	v9 =	vadd.s32 v7, v9  }
0x1bb: {  	v14 =	vld [tilespmem:s22+$0x210];
	vm3 =	vlt.u32 v18, v6;
	v12 =	vadd.s32 v12, v8;
	v16 =	vsel vm0, $0x9C40, v9  }
0x1bc: {  	v17 =	vld [tilespmem:s22+$0x120];
	v8 =	vadd.s32 v8, v13;
	v10 =	vshll.u32 v9, $0x2;
	v13 =	vsel vm1, $0x9C40, v12;
	[tilespmem:s22+$0x830] =	vst v16  }
0x1bd: {  	s16 =	sadd.s32 $0x20, s19;
	v9 =	vmul.u32 $0x2710, v11;
	v11 =	vld [tilespmem:s22+$0x220];
	v18 =	vshll.u32 v8, $0x2;
	v10 =	vor.u32 v1, v10;
	[tilespmem:s22+$0x900] =	vst v13  }
0x1be: {  	v16 =	vor.u32 s16, v2;
	v13 =	vor.u32 v1, v18;
	[tilespmem:s22+$0x730] =	vst v10;
	v10 =	vshll.u32 v12, $0x2;
	v12 =	vld [tilespmem:s22+$0x130]  }
0x1bf: {  	vm2 =	vlt.u32 v16, v6;
	v16 =	vor.u32 v1, v10;
	v10 =	vadd.s32 v15, v19  }
0x1c0: {  	p1 =	slt.s32 s14, $0x7A020;
	s16 =	smov.u32 s14;
	[tilespmem:s22+$0x700] =	vst v13;
	v14 =	vadd.s32 v19, v14;
	v15 =	vshll.u32 v10, $0x2  }
0x1c1: {  	s31 =	simm.s32 $0x0;
	s2 =	simm.s32 $0x100;
	s16 =	simm.s32 @!p1 $0x7A020;
	v13 =	vadd.s32 v17, v9;
	[tilespmem:s22+$0x600] =	vst v16;
	v16 =	vshll.u32 v14, $0x2;
	v15 =	vor.u32 v1, v15  }
.LBB2_17:
0x1c2: {  	s3 =	sshra.s32 s2, $0x2;
	s31 =	sadd.s32 $0x4, s31;
	[tilespmem:s22+$0x610] =	vst v15;
	v15 =	vor.u32 v1, v16;
	v9 =	vadd.s32 v9, v11;
	v11 =	vshll.u32 v13, $0x2  }
0x1c3: {  	v16 =	vld [tilespmem:s3+$0x30];
	p1 =	slt.u32 s31, $0xC;
	[tilespmem:s22+$0x710] =	vst v15;
	v11 =	vor.u32 v1, v11;
	v15 =	vshll.u32 v9, $0x2;
	v7 =	vadd.s32 v12, v7  }
0x1c4: {  	v8 =	vsel vm1, $0x9C40, v8;
	v12 =	vld [tilespmem:s3+$0x0];
	[tilespmem:s22+$0x620] =	vst v11;
	v11 =	vor.u32 v1, v15;
	v15 =	vshll.u32 v7, $0x2  }
0x1c5: {  	v14 =	vsel vm3, $0x9C40, v14;
	v10 =	vsel vm3, $0x9C40, v10;
	v17 =	vld [tilespmem:s3+$0x230];
	[tilespmem:s22+$0x720] =	vst v11;
	v11 =	vor.u32 v1, v15  }
0x1c6: {  	v13 =	vsel vm2, $0x9C40, v13;
	v9 =	vsel vm2, $0x9C40, v9;
	v18 =	vsel vm0, $0x9C40, v7;
	v15 =	vld [tilespmem:s3+$0x10];
	[tilespmem:s22+$0x630] =	vst v11  }
0x1c7: {  	s19 =	sadd.s32 $0x40, s19;
	v11 =	vld [tilespmem:s3+$0x20];
	[tilespmem:s22+$0x800] =	vst v8  }
0x1c8: {  	v19 =	vor.u32 s19, v2;
	s4 =	sadd.s32 $0x30, s19;
	v8 =	vld [tilespmem:s3+$0x100];
	v7 =	vmul.u32 $0x2710, v16;
	[tilespmem:s22+$0x810] =	vst v14  }
0x1c9: {  	s15 =	sadd.s32 $0x10, s19;
	vm1 =	vlt.u32 v19, v6;
	v16 =	vor.u32 s4, v2;
	v14 =	vld [tilespmem:s3+$0x200];
	v12 =	vmul.u32 $0x2710, v12;
	[tilespmem:s22+$0x910] =	vst v10  }
0x1ca: {  	v19 =	vor.u32 s15, v2;
	vm0 =	vlt.u32 v16, v6;
	v10 =	vld [tilespmem:s3+$0x110];
	v17 =	vadd.s32 v7, v17;
	[tilespmem:s22+$0x820] =	vst v9  }
0x1cb: {  	s4 =	sadd.s32 $0x20, s19;
	v16 =	vld [tilespmem:s3+$0x210];
	v15 =	vmul.u32 $0x2710, v15;
	v20 =	vshll.u32 v17, $0x2;
	v17 =	vsel vm0, $0x9C40, v17;
	[tilespmem:s22+$0x920] =	vst v13  }
0x1cc: {  	v21 =	vor.u32 s4, v2;
	v13 =	vld [tilespmem:s3+$0x120];
	v9 =	vmul.u32 $0x2710, v11;
	v20 =	vor.u32 v1, v20;
	[tilespmem:s3+$0x830] =	vst v17  }
.Ltmp7:
0x1cd: {  	vm3 =	vlt.u32 v19, v6;
	vm2 =	vlt.u32 v21, v6;
	v17 =	vadd.s32 v8, v12;
	v11 =	vld [tilespmem:s3+$0x220];
	[tilespmem:s3+$0x730] =	vst v20;
	(pc) =	sbr.rel @p1 .LBB2_17-.Ltmp7, $4  }
0x1ce: {  	v8 =	vadd.s32 v12, v14;
	v14 =	vshll.u32 v17, $0x2;
	v17 =	vsel vm1, $0x9C40, v17;
	v12 =	vld [tilespmem:s3+$0x130];
	[tilespmem:s22+$0x930] =	vst v18;
	s22 =	smov.u32 s3  }
0x1cf: {  	v14 =	vor.u32 v1, v14;
	v18 =	vshll.u32 v8, $0x2;
	[tilespmem:s22+$0x900] =	vst v17;
	v10 =	vadd.s32 v10, v15  }
0x1d0: {  	[tilespmem:s22+$0x600] =	vst v14;
	v17 =	vor.u32 v1, v18;
	v14 =	vadd.s32 v15, v16;
	v15 =	vshll.u32 v10, $0x2  }
0x1d1: {  	s2 =	sadd.s32 $0x100, s2;
	[tilespmem:s22+$0x700] =	vst v17;
	v15 =	vor.u32 v1, v15;
	v16 =	vshll.u32 v14, $0x2;
	v13 =	vadd.s32 v13, v9  }
0x1d2: {  	[tilespmem:s22+$0x610] =	vst v15;
	v6 =	vor.u32 v1, v16  }
0x1d3: {  	v9 =	vadd.s32 v9, v11;
	v11 =	vshll.u32 v13, $0x2;
	v8 =	vsel vm1, $0x9C40, v8;
	[tilespmem:s22+$0x710] =	vst v6  }
0x1d4: {  	v6 =	vor.u32 v1, v11;
	[tilespmem:s22+$0x800] =	vst v8  }
0x1d5: {  	v11 =	vshll.u32 v9, $0x2;
	v8 =	vsel vm3, $0x9C40, v10;
	[tilespmem:s22+$0x620] =	vst v6  }
0x1d6: {  	v7 =	vadd.s32 v12, v7;
	v6 =	vor.u32 v1, v11;
	[tilespmem:s22+$0x910] =	vst v8  }
0x1d7: {  	v11 =	vshll.u32 v7, $0x2;
	v8 =	vsel vm2, $0x9C40, v13;
	[tilespmem:s22+$0x720] =	vst v6  }
0x1d8: {  	v6 =	vor.u32 v1, v11;
	[tilespmem:s22+$0x920] =	vst v8  }
0x1d9: {  	[tilespmem:s22+$0x630] =	vst v6;
	v6 =	vsel vm3, $0x9C40, v14  }
0x1da: {  	[tilespmem:s22+$0x810] =	vst v6;
	v6 =	vsel vm2, $0x9C40, v9  }
0x1db: {  	[tilespmem:s22+$0x820] =	vst v6;
	v6 =	vsel vm0, $0x9C40, v7  }
0x1dc: {  	s2 =	simm.s32 $0x600;
	[tilespmem:s22+$0x930] =	vst v6  }
0x1dd: {  	[tilespmem:s0], [sflag:$0x3] =	stream.indirect.gather [hbm4b:s1+s11], $0x20, s2, s11, $0xb8;
	[tilespmem:$0x1CE80] =	vst v63  }
0x1de: {  	s3 =	simm.s32 $0x2E00;
	s22 =	simm.s32 $0x700;
	s2 =	simm.s32 @!p0 $0x4  }
0x1df: {  	[tilespmem:s3], [sflag:$0x3] =	stream.indirect.gather [hbm4b:s1+s11], $0x20, s22, s11, $0xb8;
	[tilespmem:$0x1CE80] =	vst v63  }
0x1e0: {  	_ =	swait.ge @!p0 [sflag:s2], $0x2000  }
0x1e1: {  	[sflag:s2] =	ssyncset.done @!p0 $0x0  }
0x1e2: {  	[sflag:s2] =	ssyncadd.s32 @!p0 $0xFFFFE000  }
0x1e3: {  	_ =	swait.ge @!p0 [sflag:s2], $0x2000  }
0x1e4: {  	s4 =	simm.s32 @!p0 $0x4E00;
	[sflag:s2] =	ssyncset.done @!p0 $0x0  }
0x1e5: {  	s3 =	simm.s32 @!p0 $0xC00;
	[sflag:s2] =	ssyncadd.s32 @!p0 $0xFFFFE000;
	s2 =	simm.s32 @!p0 $0x80  }
0x1e6: {  	[spmem:s6] =	stream.indirect.scatter.add.f32 @!p0 [tilespmem:s4], [sflag:$0x6], $0x20, s3, s2, $0xb8;
	[tilespmem:$0x1CE80] =	vst v63  }
0x1e7: {  	s3 =	simm.s32 @!p0 $0xC80;
	s4 =	simm.s32 @!p0 $0x5E00  }
0x1e8: {  	[spmem:s6] =	stream.indirect.scatter.add.f32 @!p0 [tilespmem:s4], [sflag:$0x6], $0x20, s3, s2, $0xb8;
	[tilespmem:$0x1CE80] =	vst v63  }
0x1e9: {  	s3 =	simm.s32 @!p0 $0xD00;
	s4 =	simm.s32 @!p0 $0x6E00  }
0x1ea: {  	[spmem:s6] =	stream.indirect.scatter.add.f32 @!p0 [tilespmem:s4], [sflag:$0x6], $0x20, s3, s2, $0xb8;
	[tilespmem:$0x1CE80] =	vst v63  }
0x1eb: {  	p1 =	seq.s32 @!p0 s30, $0x3D;
	s3 =	simm.s32 @!p0 $0xD80;
	s4 =	simm.s32 @!p0 $0x7E00  }
0x1ec: {  	[spmem:s6] =	stream.indirect.scatter.add.f32 @!p0 [tilespmem:s4], [sflag:$0x6], $0x20, s3, s2, $0xb8;
	[tilespmem:$0x1CE80] =	vst v63  }
0x1ed: {  	p0 =	por p0, !p1;
	s2 =	rddreg [dreg:$0xc]  }
0x1ee: {  	s2 =	sadd.s32 @p0 s2, s13  }
0x1ef: {  	s2 =	smin.u32 @p0 s2, $0x7A020  }
0x1f0: {  	s2 =	sshrl.u32 @p0 s2, $0x3  }
0x1f1: {  	s4 =	simm.s32 @p0 $0x0;
	s3 =	sadd.s32 @p0 s26, s2  }
0x1f2: {  	[tilespmem:s4], [sflag:$0x1] =	stream.linear.gather @p0 [hbm4b:s3+s4], $0x100, $0x38;
	[tilespmem:$0x1CE80] =	vst v63  }
0x1f3: {  	s13 =	simm.s32 @p0 $0x100;
	s3 =	sadd.s32 @p0 s29, s2  }
0x1f4: {  	[tilespmem:s13], [sflag:$0x1] =	stream.linear.gather @p0 [hbm4b:s3+s4], $0x100, $0x38;
	[tilespmem:$0x1CE80] =	vst v63  }
0x1f5: {  	s3 =	rddreg [dreg:$0x3]  }
0x1f6: {  	p1 =	seq.s32 @p0 s30, $0x0;
	s2 =	sadd.s32 @p0 s3, s2;
	s3 =	simm.s32 @p0 $0x200  }
0x1f7: {  	[tilespmem:s3], [sflag:$0x1] =	stream.linear.gather @p0 [hbm4b:s2+s4], $0x100, $0x38;
	[tilespmem:$0x1CE80] =	vst v63  }
0x1f8: {  	p0 =	por !p0, !p1  }
0x1f9: {  	_ =	swait.ge @p0 [sflag:s24], $0x1000  }
0x1fa: {  	[sflag:s24] =	ssyncset.done @p0 $0x0  }
0x1fb: {  	[sflag:s24] =	ssyncadd.s32 @p0 $0xFFFFF000  }
0x1fc: {  	_ =	swait.ge @p0 [sflag:s24], $0x1000  }
0x1fd: {  	[sflag:s24] =	ssyncset.done @p0 $0x0  }
0x1fe: {  	[sflag:s24] =	ssyncadd.s32 @p0 $0xFFFFF000  }
0x1ff: {  	_ =	swait.ge @p0 [sflag:s24], $0x1000  }
0x200: {  	[sflag:s24] =	ssyncset.done @p0 $0x0  }
0x201: {  	[sflag:s24] =	ssyncadd.s32 @p0 $0xFFFFF000  }
0x202: {  	_ =	swait.ge @p0 [sflag:s24], $0x1000  }
0x203: {  	[sflag:s24] =	ssyncset.done @p0 $0x0  }
0x204: {  	[sflag:s24] =	ssyncadd.s32 @p0 $0xFFFFF000  }
0x205: {  	_ =	swait.ge [sflag:s28], $0x100  }
0x206: {  	[sflag:s28] =	ssyncset.done $0x0  }
0x207: {  	[sflag:s28] =	ssyncadd.s32 $0xFFFFFF00  }
0x208: {  	_ =	swait.ge [sflag:s28], $0x100  }
0x209: {  	[sflag:s28] =	ssyncset.done $0x0  }
0x20a: {  	[sflag:s28] =	ssyncadd.s32 $0xFFFFFF00  }
0x20b: {  	_ =	swait.ge [sflag:s28], $0x100  }
0x20c: {  	[sflag:s28] =	ssyncset.done $0x0  }
0x20d: {  	s13 =	simm.s32 $0x0;
	[sflag:s28] =	ssyncadd.s32 $0xFFFFFF00  }
0x20e: {  	v6 =	vld [tilespmem:s13+$0x330]  }
0x20f: {  	v8 =	vld [tilespmem:s13+$0x300]  }
0x210: {  	v9 =	vld [tilespmem:s13+$0x530]  }
0x211: {  	v10 =	vld [tilespmem:s13+$0x310]  }
0x212: {  	v12 =	vld [tilespmem:s13+$0x400]  }
0x213: {  	s15 =	sadd.s32 $0x10, s16;
	s4 =	sadd.s32 $0x30, s16;
	v13 =	vld [tilespmem:s13+$0x500]  }
0x214: {  	v16 =	vmov s16;
	v18 =	vmov s15;
	v14 =	vmov s4;
	v11 =	vld [tilespmem:s13+$0x320]  }
0x215: {  	v7 =	vmul.u32 $0x2710, v6;
	v6 =	vadd.s32 s12, v4;
	v8 =	vmul.u32 $0x2710, v8  }
0x216: {  	v15 =	vld [tilespmem:s13+$0x410];
	v19 =	vmul.u32 $0x2710, v10;
	vm0 =	vlt.u32 v14, v6;
	vm1 =	vlt.u32 v16, v6  }
0x217: {  	v14 =	vld [tilespmem:s13+$0x510];
	vm3 =	vlt.u32 v18, v6;
	v9 =	vadd.s32 v7, v9;
	v12 =	vadd.s32 v12, v8  }
0x218: {  	v17 =	vld [tilespmem:s13+$0x420];
	v8 =	vadd.s32 v8, v13;
	v16 =	vsel vm0, $0x9C40, v9;
	v10 =	vshll.u32 v9, $0x2  }
0x219: {  	s19 =	sadd.s32 $0x20, s16;
	v9 =	vmul.u32 $0x2710, v11;
	v11 =	vld [tilespmem:s13+$0x520];
	v18 =	vshll.u32 v8, $0x2;
	[tilespmem:s13+$0xC30] =	vst v16;
	v10 =	vor.u32 v1, v10  }
0x21a: {  	v13 =	vld [tilespmem:s13+$0x430];
	v16 =	vmov s19;
	[tilespmem:s13+$0xB30] =	vst v10;
	v10 =	vshll.u32 v12, $0x2;
	v12 =	vsel vm1, $0x9C40, v12  }
0x21b: {  	vm2 =	vlt.u32 v16, v6;
	v16 =	vor.u32 v1, v10;
	[tilespmem:s13+$0xD00] =	vst v12;
	v10 =	vadd.s32 v15, v19  }
0x21c: {  	s31 =	smov.u32 s29;
	v12 =	vor.u32 v1, v18;
	v14 =	vadd.s32 v19, v14;
	[tilespmem:s13+$0xA00] =	vst v16;
	v15 =	vshll.u32 v10, $0x2  }
0x21d: {  	s22 =	smov.u32 s26;
	s2 =	simm.s32 $0x100;
	s12 =	simm.s32 $0x0;
	[tilespmem:s13+$0xB00] =	vst v12;
	v16 =	vshll.u32 v14, $0x2;
	v12 =	vadd.s32 v17, v9;
	v15 =	vor.u32 v1, v15  }
.LBB2_19:
0x21e: {  	s3 =	sshra.s32 s2, $0x2;
	s12 =	sadd.s32 $0x4, s12;
	[tilespmem:s13+$0xA10] =	vst v15;
	v15 =	vor.u32 v1, v16;
	v9 =	vadd.s32 v9, v11;
	v11 =	vshll.u32 v12, $0x2  }
0x21f: {  	v16 =	vld [tilespmem:s3+$0x330];
	p0 =	slt.u32 s12, $0xC;
	[tilespmem:s13+$0xB10] =	vst v15;
	v11 =	vor.u32 v1, v11;
	v15 =	vshll.u32 v9, $0x2;
	v7 =	vadd.s32 v13, v7  }
0x220: {  	v8 =	vsel vm1, $0x9C40, v8;
	v13 =	vld [tilespmem:s3+$0x300];
	[tilespmem:s13+$0xA20] =	vst v11;
	v11 =	vor.u32 v1, v15;
	v15 =	vshll.u32 v7, $0x2  }
0x221: {  	v14 =	vsel vm3, $0x9C40, v14;
	v10 =	vsel vm3, $0x9C40, v10;
	v17 =	vld [tilespmem:s3+$0x530];
	[tilespmem:s13+$0xB20] =	vst v11;
	v11 =	vor.u32 v1, v15  }
0x222: {  	v12 =	vsel vm2, $0x9C40, v12;
	v9 =	vsel vm2, $0x9C40, v9;
	v18 =	vsel vm0, $0x9C40, v7;
	v15 =	vld [tilespmem:s3+$0x310];
	[tilespmem:s13+$0xA30] =	vst v11  }
0x223: {  	s16 =	sadd.s32 $0x40, s16;
	v11 =	vld [tilespmem:s3+$0x320];
	[tilespmem:s13+$0xC00] =	vst v8  }
0x224: {  	v19 =	vmov s16;
	s4 =	sadd.s32 $0x30, s16;
	v8 =	vld [tilespmem:s3+$0x400];
	v7 =	vmul.u32 $0x2710, v16;
	[tilespmem:s13+$0xC10] =	vst v14  }
0x225: {  	s15 =	sadd.s32 $0x10, s16;
	vm1 =	vlt.u32 v19, v6;
	v16 =	vmov s4;
	v14 =	vld [tilespmem:s3+$0x500];
	v13 =	vmul.u32 $0x2710, v13;
	[tilespmem:s13+$0xD10] =	vst v10  }
0x226: {  	v19 =	vmov s15;
	vm0 =	vlt.u32 v16, v6;
	v10 =	vld [tilespmem:s3+$0x410];
	v17 =	vadd.s32 v7, v17;
	[tilespmem:s13+$0xC20] =	vst v9  }
0x227: {  	s4 =	sadd.s32 $0x20, s16;
	v16 =	vld [tilespmem:s3+$0x510];
	v15 =	vmul.u32 $0x2710, v15;
	v20 =	vshll.u32 v17, $0x2;
	v17 =	vsel vm0, $0x9C40, v17;
	[tilespmem:s13+$0xD20] =	vst v12  }
0x228: {  	v21 =	vmov s4;
	v12 =	vld [tilespmem:s3+$0x420];
	v9 =	vmul.u32 $0x2710, v11;
	v20 =	vor.u32 v1, v20;
	[tilespmem:s3+$0xC30] =	vst v17  }
.Ltmp8:
0x229: {  	vm3 =	vlt.u32 v19, v6;
	vm2 =	vlt.u32 v21, v6;
	v17 =	vadd.s32 v8, v13;
	v11 =	vld [tilespmem:s3+$0x520];
	[tilespmem:s3+$0xB30] =	vst v20;
	(pc) =	sbr.rel @p0 .LBB2_19-.Ltmp8, $4  }
0x22a: {  	v8 =	vadd.s32 v13, v14;
	v14 =	vshll.u32 v17, $0x2;
	v17 =	vsel vm1, $0x9C40, v17;
	v13 =	vld [tilespmem:s3+$0x430];
	[tilespmem:s13+$0xD30] =	vst v18;
	s13 =	smov.u32 s3  }
0x22b: {  	v14 =	vor.u32 v1, v14;
	v18 =	vshll.u32 v8, $0x2;
	[tilespmem:s13+$0xD00] =	vst v17;
	v10 =	vadd.s32 v10, v15  }
0x22c: {  	[tilespmem:s13+$0xA00] =	vst v14;
	v17 =	vor.u32 v1, v18;
	v14 =	vadd.s32 v15, v16;
	v15 =	vshll.u32 v10, $0x2  }
0x22d: {  	s2 =	sadd.s32 $0x100, s2;
	[tilespmem:s13+$0xB00] =	vst v17;
	v15 =	vor.u32 v1, v15;
	v16 =	vshll.u32 v14, $0x2;
	v12 =	vadd.s32 v12, v9  }
0x22e: {  	[tilespmem:s13+$0xA10] =	vst v15;
	v6 =	vor.u32 v1, v16  }
0x22f: {  	v8 =	vsel vm1, $0x9C40, v8;
	[tilespmem:s13+$0xB10] =	vst v6  }
0x230: {  	v62 =	vsel vm3, $0x9C40, v10;
	[tilespmem:s13+$0xC00] =	vst v8  }
0x231: {  	v9 =	vadd.s32 v9, v11;
	v59 =	vshll.u32 v12, $0x2;
	v63 =	vsel vm2, $0x9C40, v12;
	[tilespmem:s13+$0xD10] =	vst v62  }
0x232: {  	v6 =	vor.u32 v1, v59;
	v60 =	vshll.u32 v9, $0x2;
	v7 =	vadd.s32 v13, v7;
	[tilespmem:s13+$0xD20] =	vst v63  }
0x233: {  	[tilespmem:s13+$0xA20] =	vst v6;
	v6 =	vor.u32 v1, v60;
	v61 =	vshll.u32 v7, $0x2  }
0x234: {  	[tilespmem:s13+$0xB20] =	vst v6;
	v6 =	vor.u32 v1, v61  }
0x235: {  	[tilespmem:s13+$0xA30] =	vst v6;
	v6 =	vsel vm3, $0x9C40, v14  }
0x236: {  	[tilespmem:s13+$0xC10] =	vst v6;
	v6 =	vsel vm2, $0x9C40, v9  }
0x237: {  	[tilespmem:s13+$0xC20] =	vst v6;
	v6 =	vsel vm0, $0x9C40, v7  }
0x238: {  	s2 =	simm.s32 $0xA00;
	[tilespmem:s13+$0xD30] =	vst v6  }
0x239: {  	[tilespmem:s21], [sflag:$0x4] =	stream.indirect.gather [hbm4b:s1+s11], $0x20, s2, s11, $0xb8;
	[tilespmem:$0x1CE80] =	vst v63  }
0x23a: {  	s19 =	simm.s32 $0xB00;
	s3 =	simm.s32 $0x6E00  }
0x23b: {  	[tilespmem:s3], [sflag:$0x4] =	stream.indirect.gather [hbm4b:s1+s11], $0x20, s19, s11, $0xb8;
	[tilespmem:$0x1CE80] =	vst v63  }
0x23c: {  	_ =	swait.ge [sflag:s9], $0x2000  }
0x23d: {  	[sflag:s9] =	ssyncset.done $0x0  }
0x23e: {  	[sflag:s9] =	ssyncadd.s32 $0xFFFFE000  }
0x23f: {  	_ =	swait.ge [sflag:s9], $0x2000  }
0x240: {  	[sflag:s9] =	ssyncset.done $0x0  }
0x241: {  	s30 =	sadd.s32 $0x1, s30;
	s3 =	simm.s32 $0x800;
	[sflag:s9] =	ssyncadd.s32 $0xFFFFE000  }
0x242: {  	[spmem:s6] =	stream.indirect.scatter.add.f32 [tilespmem:s0], [sflag:$0x5], $0x20, s3, s18, $0xb8;
	[tilespmem:$0x1CE80] =	vst v63  }
0x243: {  	s4 =	simm.s32 $0x880;
	s12 =	simm.s32 $0x1E00;
	p0 =	sne.s32 s30, $0x3E  }
0x244: {  	[spmem:s6] =	stream.indirect.scatter.add.f32 [tilespmem:s12], [sflag:$0x5], $0x20, s4, s18, $0xb8;
	[tilespmem:$0x1CE80] =	vst v63  }
.Ltmp9:
0x245: {  	_ = 	snop;
	(pc) =	sbr.rel @p0 .LBB2_16-.Ltmp9, $4  }
0x246: {  	s15 =	simm.s32 $0x900;
	s16 =	simm.s32 $0x980;
	s13 =	simm.s32 $0x2E00  }
0x247: {  	[spmem:s6] =	stream.indirect.scatter.add.f32 [tilespmem:s13], [sflag:$0x5], $0x20, s15, s18, $0xb8;
	[tilespmem:$0x1CE80] =	vst v63  }
0x248: {  	s10 =	sadd.s32 $0x2000, s10;
	s14 =	sadd.s32 $0x2000, s14;
	s19 =	simm.s32 $0x3E00  }
0x249: {  	[spmem:s6] =	stream.indirect.scatter.add.f32 [tilespmem:s19], [sflag:$0x5], $0x20, s16, s18, $0xb8;
	[tilespmem:$0x1CE80] =	vst v63  }
0x24a: {  	s2 =	simm.s32 $0x5  }
0x24b: {  	_ =	swait.ge [sflag:s2], $0x1000  }
0x24c: {  	[sflag:s2] =	ssyncset.done $0x0  }
0x24d: {  	[sflag:s2] =	ssyncadd.s32 $0xFFFFF000  }
0x24e: {  	_ =	swait.ge [sflag:s2], $0x1000  }
0x24f: {  	[sflag:s2] =	ssyncset.done $0x0  }
0x250: {  	[sflag:s2] =	ssyncadd.s32 $0xFFFFF000  }
0x251: {  	_ =	swait.ge [sflag:s2], $0x1000  }
0x252: {  	[sflag:s2] =	ssyncset.done $0x0  }
0x253: {  	[sflag:s2] =	ssyncadd.s32 $0xFFFFF000  }
0x254: {  	_ =	swait.ge [sflag:s2], $0x1000  }
0x255: {  	[sflag:s2] =	ssyncset.done $0x0  }
0x256: {  	s13 =	simm.s32 $0x4;
	[sflag:s2] =	ssyncadd.s32 $0xFFFFF000  }
0x257: {  	_ =	swait.ge [sflag:s13], $0x2000  }
0x258: {  	[sflag:s13] =	ssyncset.done $0x0  }
0x259: {  	[sflag:s13] =	ssyncadd.s32 $0xFFFFE000  }
0x25a: {  	_ =	swait.ge [sflag:s13], $0x2000  }
0x25b: {  	[sflag:s13] =	ssyncset.done $0x0  }
0x25c: {  	s14 =	simm.s32 $0xC00;
	[sflag:s13] =	ssyncadd.s32 $0xFFFFE000  }
0x25d: {  	[spmem:s6] =	stream.indirect.scatter.add.f32 [tilespmem:s21], [sflag:$0x6], $0x20, s14, s18, $0xb8;
	[tilespmem:$0x1CE80] =	vst v63  }
0x25e: {  	s15 =	simm.s32 $0xC80;
	s3 =	simm.s32 $0x5E00  }
0x25f: {  	[spmem:s6] =	stream.indirect.scatter.add.f32 [tilespmem:s3], [sflag:$0x6], $0x20, s15, s18, $0xb8;
	[tilespmem:$0x1CE80] =	vst v63  }
0x260: {  	s16 =	simm.s32 $0x6E00;
	s19 =	simm.s32 $0xD00  }
0x261: {  	[spmem:s6] =	stream.indirect.scatter.add.f32 [tilespmem:s16], [sflag:$0x6], $0x20, s19, s18, $0xb8;
	[tilespmem:$0x1CE80] =	vst v63  }
0x262: {  	s26 =	simm.s32 $0xD80;
	s30 =	simm.s32 $0x7E00  }
0x263: {  	[spmem:s6] =	stream.indirect.scatter.add.f32 [tilespmem:s30], [sflag:$0x6], $0x20, s26, s18, $0xb8;
	[tilespmem:$0x1CE80] =	vst v63  }
0x264: {  	_ =	swait.ge [sflag:s24], $0x1000  }
0x265: {  	[sflag:s24] =	ssyncset.done $0x0  }
0x266: {  	[sflag:s24] =	ssyncadd.s32 $0xFFFFF000  }
0x267: {  	_ =	swait.ge [sflag:s24], $0x1000  }
0x268: {  	[sflag:s24] =	ssyncset.done $0x0  }
0x269: {  	[sflag:s24] =	ssyncadd.s32 $0xFFFFF000  }
0x26a: {  	_ =	swait.ge [sflag:s24], $0x1000  }
0x26b: {  	[sflag:s24] =	ssyncset.done $0x0  }
0x26c: {  	[sflag:s24] =	ssyncadd.s32 $0xFFFFF000  }
0x26d: {  	_ =	swait.ge [sflag:s24], $0x1000  }
0x26e: {  	[sflag:s24] =	ssyncset.done $0x0  }
0x26f: {  	[sflag:s24] =	ssyncadd.s32 $0xFFFFF000  }
0x270: {  	[bflag:$0x0] =	sbarrier.arrive $0xFFFF  }
0x271: {  	s29 =	simm.s32 $0x8E00;
	s19 =	rddreg [dreg:$0xf]  }
0x272: {  	s2 =	simm.s32 $0x0;
	s3 =	simm.s32 $0x0;
	s26 =	rddreg [dreg:$0x10]  }
.LBB2_22:
0x273: {  	s4 =	smin.u32 s2, $0x944  }
0x274: {  	s10 =	sadd.s32 s4, s17  }
0x275: {  	v6 =	vmov s10  }
0x276: {  	s30 =	sshll.u32 s3, $0x7;
	v6 =	vshll.u32 v6, $0x2  }
0x277: {  	s4 =	smin.u32 s30, $0x944;
	v6 =	vadd.s32 v5, v6  }
0x278: {  	s13 =	simm.s32 $0x40;
	s14 =	simm.s32 $0x0;
	s12 =	sadd.s32 s17, s4;
	v6 =	vor.u32 v1, v6  }
.LBB2_23:
0x279: {  	p0 =	sne.s32 s13, $0x1C0  }
0x27a: {  	[tilespmem:s14+$0x8E00] =	vst v6;
	s10 =	sadd.s32 $0x10, s10;
	s4 =	smov.u32 s13;
	s13 =	sadd.s32 $0x40, s13  }
.Ltmp10:
0x27b: {  	(pc) =	sbr.rel @p0 .LBB2_23-.Ltmp10, $4  }
0x27c: {  	v6 =	vmov s10  }
0x27d: {  	v6 =	vshll.u32 v6, $0x2  }
0x27e: {  	v6 =	vadd.s32 v5, v6  }
0x27f: {  	s14 =	sshra.s32 s4, $0x2;
	v6 =	vor.u32 v1, v6  }
0x280: {  	s4 =	sshll.u32 s12, $0x5  }
0x281: {  	[tilespmem:s14+$0x8E00] =	vst v6;
	s30 =	sshll.u32 s12, $0x8;
	s4 =	sadd.s32 s4, s6  }
0x282: {  	[tilespmem:s0], [sflag:$0x7] =	stream.linear.gather [spmem:s4], $0x1000, $0x38;
	[tilespmem:$0x1CE80] =	vst v63  }
0x283: {  	s10 =	sor.u32 s19, s30;
	_ =	swait.ge [sflag:s5], $0x1000  }
0x284: {  	s10 =	sshrl.u32 s10, $0x3;
	[sflag:s5] =	ssyncset.done $0x0  }
0x285: {  	s10 =	sadd.s32 s8, s10;
	[sflag:s5] =	ssyncadd.s32 $0xFFFFF000  }
0x286: {  	[hbm4b:s10+s25] =	stream.strided.scatter [tilespmem:s0], [sflag:$0x7], $0x1000, s11, s25, $0x38;
	[tilespmem:$0x1CE80] =	vst v63  }
0x287: {  	_ =	swait.ge [sflag:s5], $0x1000  }
0x288: {  	[sflag:s5] =	ssyncset.done $0x0  }
0x289: {  	[sflag:s5] =	ssyncadd.s32 $0xFFFFF000  }
0x28a: {  	[tilespmem:s21], [sflag:$0x7] =	stream.indirect.gather [hbm4b:s1+s18], $0x20, s29, s18, $0xb8;
	[tilespmem:$0x1CE80] =	vst v63  }
0x28b: {  	s3 =	sadd.s32 $0x1, s3;
	s4 =	sor.u32 s26, s30;
	_ =	swait.ge [sflag:s5], $0x1000  }
0x28c: {  	p0 =	sne.s32 s3, $0x14;
	s4 =	sshrl.u32 s4, $0x3;
	[sflag:s5] =	ssyncset.done $0x0  }
.Ltmp11:
0x28d: {  	s4 =	sadd.s32 s8, s4;
	[sflag:s5] =	ssyncadd.s32 $0xFFFFF000;
	(pc) =	sbr.rel @p0 .LBB2_22-.Ltmp11, $4  }
0x28e: {  	[hbm4b:s4+s25] =	stream.strided.scatter [tilespmem:s21], [sflag:$0x7], $0x1000, s11, s25, $0x38;
	[tilespmem:$0x1CE80] =	vst v63  }
0x28f: {  	_ =	swait.ge [sflag:s5], $0x1000  }
0x290: {  	[sflag:s5] =	ssyncset.done $0x0  }
0x291: {  	s2 =	sadd.s32 $0x80, s2;
	[sflag:s5] =	ssyncadd.s32 $0xFFFFF000  }
0x292: {  	s3 =	rddreg [dreg:$0x1b]  }
0x293: {  	s2 =	rddreg [dreg:$0x11];
	s3 =	sadd.s32 $0x1, s3  }
0x294: {  	p0 =	sne.s32 s3, s2  }
.Ltmp12:
0x295: {  	_ = 	snop;
	(pc) =	sbr.rel @p0 .LBB2_1-.Ltmp12, $2  }
0x296: {  	_ =	sdelay $0x1  }
0x297: {  	[bflag:$0x0] =	sbarrier.arrive $0xFFFF;
	_ =	sdelay $0x1  }
0x298: {  	_ =	sfence.sel $0x180000  }
0x299: {  	[bflag:$0x0] =	sbarrier.arrive $0xFFFF  }
0x29a: {  	_ =	strace $0x90000047  }
0x29b: {  	s0 =	stileid.u32;
	[bflag:$0x2] =	sbarrier.arrive $0xFFFF  }
0x29c: {  	p0 =	sne.s32 s0, $0x0;
	s0 =	rddreg [dreg:$0x6]  }
0x29d: {  	s0 =	sadd.s32 @!p0 $0x100000, s0  }
0x29e: {  	[sflag:s0] =	ssyncadd.tile.s32 @!p0 $0x1;
	_ =	shalt  }
.Lfunc_end2:
_tile_overlayer_lowered:
.L_overlay_start_2:
0x29f: {  	(tag) =	ssettag $0x2  }
0x2a0: {  	s0 =	rddreg [dreg:$0x0];
	s2 =	stileid.u32  }
0x2a1: {  	s1 =	rddreg [dreg:$0x1];
	p0 =	sne.s32 s2, $0x0  }
0x2a2: {  	s3 =	rddreg [dreg:$0x2];
	[bflag:$0x3] =	sbarrier.arrive $0xFFFF;
	s2 =	simm.s32 @!p0 $0x1C07  }
0x2a3: {  	[timem:s3], [sflag:s2] =	dma.local @!p0 [hbm:s0], s1  }
0x2a4: {  	s0 =	simm.s32 @!p0 $0x7  }
0x2a5: {  	_ =	swait.ge @!p0 [sflag:s0], s1  }
0x2a6: {  	s1 =	ssub.s32 @!p0 $0x0, s1;
	[sflag:s0] =	ssyncset.done @!p0 $0x0  }
0x2a7: {  	[sflag:s0] =	ssyncadd.s32 @!p0 s1  }
0x2a8: {  	[bflag:$0x3] =	sbarrier.arrive $0xFFFF  }
0x2a9: {  	_ =	shalt  }

</sc_bundles>
